<compile_context>
chip_gen: v7x
topology: tpu7x:2x2x1
jax: 0.10.2.dev20260603
libtpu: 0.0.44.dev20260713+nightly
codegen_flags: <defaults>
</compile_context>

<pallas_src>
import functools
import jax
import jax.numpy as jnp
from jax import lax
from jax.experimental import pallas as pl
from jax.experimental.pallas import tpu as pltpu
from jax.experimental.pallas import tpu_sc as plsc

N = 10000
D = 128
NC = 2
NS = 16
L = 16
B = 64
ND = 10240
SLAB = 8192
SLABP = SLAB + 128


def _iota16():
    return lax.iota(jnp.int32, 16)


def _vmem_scalar(ref, j):
    base = (j // L) * L
    v = ref[pl.ds(base, L)]
    m = _iota16() == (j - base)
    return jnp.max(jnp.where(m, v, jnp.int32(0)))


def _zero_rows(zbuf, dst, row0, nrows):
    h = zbuf.shape[0]
    nfull = nrows // h
    for k in range(nfull):
        pltpu.sync_copy(zbuf, dst.at[pl.ds(row0 + k * h, h)])
    rem = nrows - nfull * h
    if rem > 0:
        pltpu.sync_copy(zbuf.at[pl.ds(0, rem)], dst.at[pl.ds(row0 + nfull * h, rem)])


def _fill_zero(buf):
    rows, cols = buf.shape
    z = jnp.zeros((L,), jnp.float32)

    def row_body(i, _):
        for c in range(cols // L):
            buf[i, pl.ds(c * L, L)] = z
        return 0

    lax.fori_loop(0, rows, row_body, 0)



def _mm_body(a_ref, b_ref, o_ref):
    o_ref[...] = jnp.dot(a_ref[...], b_ref[...], preferred_element_type=jnp.float32)


def _fold_weights(whet_flat, w_mlp1):
    return pl.pallas_call(
        _mm_body,
        out_shape=jax.ShapeDtypeStruct((whet_flat.shape[0], D), jnp.float32),
    )(whet_flat, w_mlp1)


def _pass1_body(x_ref, w_ref, b_ref, c1_ref, h_ref, g1_ref):
    x = x_ref[...]
    h_ref[...] = jnp.maximum(jnp.dot(x, w_ref[...], preferred_element_type=jnp.float32)
                             + b_ref[...], 0.0)
    g1_ref[...] = jnp.dot(x, c1_ref[...], preferred_element_type=jnp.float32)


def _pass1(xp, w_lin0, b_lin0, c1, bm):
    mp = xp.shape[0]
    return pl.pallas_call(
        _pass1_body,
        grid=(mp // bm,),
        in_specs=[
            pl.BlockSpec((bm, D), lambda i: (i, 0)),
            pl.BlockSpec((D, D), lambda i: (0, 0)),
            pl.BlockSpec((1, D), lambda i: (0, 0)),
            pl.BlockSpec((D, D), lambda i: (0, 0)),
        ],
        out_specs=[
            pl.BlockSpec((bm, D), lambda i: (i, 0)),
            pl.BlockSpec((bm, D), lambda i: (i, 0)),
        ],
        out_shape=[
            jax.ShapeDtypeStruct((mp, D), jnp.float32),
            jax.ShapeDtypeStruct((mp, D), jnp.float32),
        ],
    )(xp, w_lin0, b_lin0, c1)


def _tables_body(ss_ref, sn_ref, s7_ref, dv_ref, x4d_ref, rs_ref, rn_ref,
                 c_ref, ts_ref, tn_ref, td_ref, *, bn):
    pid = pl.program_id(0)
    rid = pid * bn + lax.broadcasted_iota(jnp.int32, (bn, 1), 0)
    m = (rid < N).astype(jnp.float32)
    rcp_s = rs_ref[...] * m
    rcp_n = rn_ref[...] * m
    dv = dv_ref[...] * m
    x4d = x4d_ref[...] * m
    p5 = sn_ref[...] * rcp_n
    p6 = ss_ref[...] * rcp_s
    p7 = (s7_ref[0] + s7_ref[1]) * rcp_n
    c = c_ref[...]

    def mm(a, w):
        return jnp.dot(a, w, preferred_element_type=jnp.float32)

    ts = mm(dv, c[0, 1]) + mm(p6, c[0, 5])
    tn = mm(dv, c[0, 2]) + mm(p5, c[0, 4])
    p7t = mm(p7, c[0, 6])
    zd = (mm(dv, c[1, 0] + c[1, 1] + c[1, 2]) + mm(x4d, c[1, 3])
          + mm(p5, c[1, 4]) + mm(p6, c[1, 5]) + mm(p7, c[1, 6]))
    base_diag = mm(x4d, c[0, 3]) + mm(dv, c[0, 0]) + ts + tn + p7t
    delta = zd - base_diag
    ts_ref[...] = ts * m
    tn_ref[...] = (tn + p7t) * m
    td_ref[...] = (ts + delta) * m


def _tables(s_s, s_n, s7p, dvec, x4d, rcp_s, rcp_n, call):
    bn = 1024
    spec = pl.BlockSpec((bn, D), lambda i: (i, 0))
    out = jax.ShapeDtypeStruct((ND, D), jnp.float32)
    return pl.pallas_call(
        functools.partial(_tables_body, bn=bn),
        grid=(ND // bn,),
        in_specs=[
            spec, spec,
            pl.BlockSpec((2, bn, D), lambda i: (0, i, 0)),
            spec, spec, spec, spec,
            pl.BlockSpec((2, 7, D, D), lambda i: (0, 0, 0, 0)),
        ],
        out_specs=[spec, spec, spec],
        out_shape=[out, out, out],
    )(s_s, s_n, s7p, dvec, x4d, rcp_s, rcp_n, call)


def _final_body(x4_ref, g1_ref, ga_ref, gb_ref, c4_ref, b_ref, o_ref):
    z = (jnp.dot(x4_ref[...], c4_ref[...], preferred_element_type=jnp.float32)
         + g1_ref[...] + ga_ref[...] + gb_ref[...] + b_ref[...])
    o_ref[...] = jnp.maximum(z, 0.0)


def _final(x4, g1, ga, gb, c4, b_mlp1, bm):
    mp = x4.shape[0]
    spec = pl.BlockSpec((bm, D), lambda i: (i, 0))
    return pl.pallas_call(
        _final_body,
        grid=(mp // bm,),
        in_specs=[spec, spec, spec, spec,
                  pl.BlockSpec((D, D), lambda i: (0, 0)),
                  pl.BlockSpec((1, D), lambda i: (0, 0))],
        out_specs=spec,
        out_shape=jax.ShapeDtypeStruct((mp, D), jnp.float32),
    )(x4, g1, ga, gb, c4, b_mlp1)



_MESH = plsc.VectorSubcoreMesh(core_axis_name="c", subcore_axis_name="s",
                               num_cores=NC, num_subcores=NS)
_SC_PARAMS = pltpu.CompilerParams(needs_layout_passes=False)


def _seg1_kernel(mp):
    nb = mp // (NS * B)
    tpr = ND // NS

    @functools.partial(
        pl.kernel,
        out_type=[
            jax.ShapeDtypeStruct((ND, D), jnp.float32),
            jax.ShapeDtypeStruct((ND, D), jnp.float32),
            jax.ShapeDtypeStruct((ND, D), jnp.float32),
        ],
        mesh=_MESH,
        compiler_params=_SC_PARAMS,
        scratch_types=[
            pltpu.VMEM((B, D), jnp.float32),
            pltpu.VMEM((B,), jnp.int32),
            pltpu.VMEM_SHARED((ND, D), jnp.float32),
            pltpu.SemaphoreType.DMA,
        ],
    )
    def k(x_hbm, subg_hbm, node_hbm, dpos_hbm, ss_hbm, sn_hbm, dv_hbm,
          xbuf, ibuf, table, sem):
        cid = lax.axis_index("c")
        tid = lax.axis_index("s")
        _fill_zero(xbuf)
        _zero_rows(xbuf, table, tid * tpr, tpr)
        plsc.subcore_barrier()
        rpt = mp // NS

        @pl.when(cid == 0)
        def _():
            def body(b, _):
                base = tid * rpt + b * B
                pltpu.sync_copy(subg_hbm.at[pl.ds(base, B)], ibuf)
                pltpu.sync_copy(x_hbm.at[pl.ds(base, B), :], xbuf)
                pltpu.sync_copy(xbuf, table.at[ibuf], add=True)
                return 0
            lax.fori_loop(0, nb, body, 0)

        @pl.when(cid == 1)
        def _():
            def body(b, _):
                base = tid * rpt + b * B
                pltpu.sync_copy(node_hbm.at[pl.ds(base, B)], ibuf)
                pltpu.sync_copy(x_hbm.at[pl.ds(base, B), :], xbuf)
                pltpu.sync_copy(xbuf, table.at[ibuf], add=True)
                return 0
            lax.fori_loop(0, nb, body, 0)

        plsc.subcore_barrier()

        @pl.when(cid == 0)
        def _():
            pltpu.sync_copy(table.at[pl.ds(tid * tpr, tpr)],
                            ss_hbm.at[pl.ds(tid * tpr, tpr)])

            def dbody(b, _):
                base = tid * tpr + b * B
                pltpu.sync_copy(dpos_hbm.at[pl.ds(base, B)], ibuf)
                pltpu.async_copy(x_hbm.at[ibuf], xbuf, sem).wait()
                pltpu.sync_copy(xbuf, dv_hbm.at[pl.ds(base, B), :])
                return 0
            lax.fori_loop(0, tpr // B, dbody, 0)

        @pl.when(cid == 1)
        def _():
            pltpu.sync_copy(table.at[pl.ds(tid * tpr, tpr)],
                            sn_hbm.at[pl.ds(tid * tpr, tpr)])

    return k


def _x4_kernel(mp, n_slabs, nbounds):

    @functools.partial(
        pl.kernel,
        out_type=jax.ShapeDtypeStruct((mp, D), jnp.float32),
        mesh=_MESH,
        compiler_params=_SC_PARAMS,
        scratch_types=[
            pltpu.VMEM((B, D), jnp.float32),
            pltpu.VMEM((B,), jnp.int32),
            pltpu.VMEM((B,), jnp.int32),
            pltpu.VMEM((B,), jnp.int32),
            pltpu.VMEM((nbounds,), jnp.int32),
            pltpu.VMEM((B, D), jnp.float32),
            pltpu.VMEM_SHARED((SLABP, D), jnp.float32),
            pltpu.SemaphoreType.DMA,
        ],
    )
    def k(h_hbm, te0_hbm, te1_hbm, bounds_hbm, x4_hbm,
          rowbuf, sbuf, dbuf, lbuf, bbuf, zbuf, slab, sem):
        cid = lax.axis_index("c")
        tid = lax.axis_index("s")
        _fill_zero(zbuf)
        pltpu.sync_copy(bounds_hbm, bbuf)
        spt = SLABP // NS
        iota = _iota16()

        def do_slab(si):
            slab_base = si * SLAB
            _zero_rows(zbuf, slab, tid * spt, spt)
            plsc.subcore_barrier()

            e0 = _vmem_scalar(bbuf, si)
            e1 = _vmem_scalar(bbuf, si + 1)
            per = (e1 - e0 + NS - 1) // NS
            my0 = e0 + tid * per
            my1 = jnp.minimum(my0 + per, e1)
            my0a = (my0 // 8) * 8
            nbatch = jnp.maximum((my1 - my0a + B - 1) // B, 0)

            def batch(bi, _):
                eb = my0a + bi * B
                pltpu.sync_copy(te0_hbm.at[pl.ds(eb, B)], sbuf)
                pltpu.sync_copy(te1_hbm.at[pl.ds(eb, B)], dbuf)
                pltpu.async_copy(h_hbm.at[sbuf], rowbuf, sem).wait()
                for j in range(B // L):
                    dd = dbuf[pl.ds(j * L, L)]
                    e_ids = eb + j * L + iota
                    valid = (e_ids >= my0) & (e_ids < my1)
                    lbuf[pl.ds(j * L, L)] = jnp.where(valid, dd - slab_base,
                                                      jnp.int32(SLAB))
                pltpu.sync_copy(rowbuf, slab.at[lbuf], add=True)
                return 0

            lax.fori_loop(0, nbatch, batch, 0)
            plsc.subcore_barrier()
            fpt = SLAB // NS
            pltpu.sync_copy(slab.at[pl.ds(tid * fpt, fpt)],
                            x4_hbm.at[pl.ds(slab_base + tid * fpt, fpt)])
            plsc.subcore_barrier()

        nmine = (n_slabs + 1) // 2

        def mine(i, _):
            si = i * 2 + cid

            @pl.when(si < n_slabs)
            def _():
                do_slab(si)
            return 0

        lax.fori_loop(0, nmine, mine, 0)

    return k


def _seg7_kernel(mp):
    half = mp // 2
    nb = half // (NS * B)
    tpr = ND // NS

    @functools.partial(
        pl.kernel,
        out_type=[
            jax.ShapeDtypeStruct((2, ND, D), jnp.float32),
            jax.ShapeDtypeStruct((ND, D), jnp.float32),
        ],
        mesh=_MESH,
        compiler_params=_SC_PARAMS,
        scratch_types=[
            pltpu.VMEM((B, D), jnp.float32),
            pltpu.VMEM((B,), jnp.int32),
            pltpu.VMEM_SHARED((ND, D), jnp.float32),
            pltpu.SemaphoreType.DMA,
        ],
    )
    def k(x4_hbm, node_hbm, dpos_hbm, s7_hbm, x4d_hbm, xbuf, ibuf, table, sem):
        cid = lax.axis_index("c")
        tid = lax.axis_index("s")
        _fill_zero(xbuf)
        _zero_rows(xbuf, table, tid * tpr, tpr)
        plsc.subcore_barrier()
        rpt = half // NS

        def body(b, _):
            base = cid * half + tid * rpt + b * B
            pltpu.sync_copy(node_hbm.at[pl.ds(base, B)], ibuf)
            pltpu.sync_copy(x4_hbm.at[pl.ds(base, B), :], xbuf)
            pltpu.sync_copy(xbuf, table.at[ibuf], add=True)
            return 0

        lax.fori_loop(0, nb, body, 0)
        plsc.subcore_barrier()
        pltpu.sync_copy(table.at[pl.ds(tid * tpr, tpr)],
                        s7_hbm.at[cid, pl.ds(tid * tpr, tpr), :])

        @pl.when(cid == 0)
        def _():
            def dbody(b, _):
                base = tid * tpr + b * B
                pltpu.sync_copy(dpos_hbm.at[pl.ds(base, B)], ibuf)
                pltpu.async_copy(x4_hbm.at[ibuf], xbuf, sem).wait()
                pltpu.sync_copy(xbuf, x4d_hbm.at[pl.ds(base, B), :])
                return 0
            lax.fori_loop(0, tpr // B, dbody, 0)

    return k


BG = 256


def _gsum_kernel(mp):
    rpt = mp // NS
    nb = rpt // BG
    tpr = ND // NS
    B2 = 128

    @functools.partial(
        pl.kernel,
        out_type=[
            jax.ShapeDtypeStruct((mp, D), jnp.float32),
            jax.ShapeDtypeStruct((mp, D), jnp.float32),
        ],
        mesh=_MESH,
        compiler_params=_SC_PARAMS,
        scratch_types=[
            pltpu.VMEM((BG, D), jnp.float32),
            pltpu.VMEM((B2, D), jnp.float32),
            pltpu.VMEM((BG,), jnp.int32),
            pltpu.VMEM((B2,), jnp.int32),
            pltpu.SemaphoreType.DMA,
        ],
    )
    def k(ts_hbm, tnp_hbm, tsd_hbm, subg_hbm, node_hbm, dpos_hbm,
          ga_hbm, gb_hbm, buf, buf2, ibuf, ibuf2, sem):
        cid = lax.axis_index("c")
        tid = lax.axis_index("s")

        @pl.when(cid == 0)
        def _():
            def body(b, _):
                base = tid * rpt + b * BG
                pltpu.sync_copy(subg_hbm.at[pl.ds(base, BG)], ibuf)
                pltpu.async_copy(ts_hbm.at[ibuf], buf, sem).wait()
                pltpu.sync_copy(buf, ga_hbm.at[pl.ds(base, BG), :])
                return 0
            lax.fori_loop(0, nb, body, 0)

        @pl.when(cid == 1)
        def _():
            def body(b, _):
                base = tid * rpt + b * BG
                pltpu.sync_copy(node_hbm.at[pl.ds(base, BG)], ibuf)
                pltpu.async_copy(tnp_hbm.at[ibuf], buf, sem).wait()
                pltpu.sync_copy(buf, gb_hbm.at[pl.ds(base, BG), :])
                return 0
            lax.fori_loop(0, nb, body, 0)

        plsc.subcore_barrier()

        @pl.when(cid == 0)
        def _():
            def dbody(j, _):
                base = tid * tpr + j * B2
                pltpu.sync_copy(dpos_hbm.at[pl.ds(base, B2)], ibuf2)
                pltpu.sync_copy(tsd_hbm.at[pl.ds(base, B2), :], buf2)
                pltpu.sync_copy(buf2, ga_hbm.at[ibuf2])
                return 0
            lax.fori_loop(0, tpr // B2, dbody, 0)

    return k



def kernel(X, W_lin0, b_lin0, W_het, W_mlp1, b_mlp1, subg_idx, node_idx, tuple_edge):
    m = X.shape[0]
    k_edges = tuple_edge.shape[1]

    chunk = 2 * SLAB
    mp = ((m + chunk - 1) // chunk) * chunk

    subg = subg_idx.astype(jnp.int32)
    node = node_idx.astype(jnp.int32)
    te0 = tuple_edge[0].astype(jnp.int32)
    te1 = tuple_edge[1].astype(jnp.int32)

    xp = jnp.pad(X, ((0, mp - m), (0, 0)))
    subg_p = jnp.pad(subg, (0, mp - m), constant_values=N)
    node_p = jnp.pad(node, (0, mp - m), constant_values=N)
    dsel_p = jnp.pad(jnp.where(subg == node, subg, N), (0, mp - m), constant_values=N)
    kchunk = NC * NS * B
    kp = ((k_edges + 2 * B + kchunk - 1) // kchunk) * kchunk
    te0_p = jnp.pad(te0, (0, kp - k_edges), constant_values=0)
    te1_p = jnp.pad(te1, (0, kp - k_edges), constant_values=0)

    codes = subg * N + node
    dpos = jnp.searchsorted(codes, jnp.arange(N, dtype=jnp.int32) * (N + 1)).astype(jnp.int32)
    dpos_p = jnp.pad(dpos, (0, ND - N), constant_values=m)

    n_slabs = (mp + SLAB - 1) // SLAB
    nbounds = ((n_slabs + 1 + L - 1) // L) * L
    slab_bounds = jnp.searchsorted(te1, jnp.arange(n_slabs + 1, dtype=jnp.int32) * SLAB).astype(jnp.int32)
    slab_bounds = jnp.pad(slab_bounds, (0, nbounds - n_slabs - 1), constant_values=k_edges)

    bnd = jnp.arange(N + 1, dtype=jnp.int32)
    cnt_s1 = jnp.diff(jnp.searchsorted(subg, bnd)).astype(jnp.float32)
    cnt_n1 = jnp.diff(jnp.searchsorted(jnp.sort(node), bnd)).astype(jnp.float32)
    rcp_s = jnp.broadcast_to(jnp.pad(1.0 / jnp.maximum(cnt_s1, 1.0), (0, ND - N))[:, None], (ND, D))
    rcp_n = jnp.broadcast_to(jnp.pad(1.0 / jnp.maximum(cnt_n1, 1.0), (0, ND - N))[:, None], (ND, D))

    call = _fold_weights(W_het.reshape(2 * 7 * D, D), W_mlp1).reshape(2, 7, D, D)
    c1 = call[0, 0]
    c4 = call[0, 3]
    b0 = b_lin0.reshape(1, D)
    bm1 = b_mlp1.reshape(1, D)

    h, g1 = _pass1(xp, W_lin0, b0, c1, 512)

    s_s, s_n, dvec = _seg1_kernel(mp)(xp, subg_p, node_p, dpos_p)

    x4 = _x4_kernel(mp, n_slabs, nbounds)(h, te0_p, te1_p, slab_bounds)

    s7p, x4d = _seg7_kernel(mp)(x4, node_p, dpos_p)

    ts, tnp, tsd = _tables(s_s, s_n, s7p, dvec, x4d, rcp_s, rcp_n, call)

    ga, gb = _gsum_kernel(mp)(ts, tnp, tsd, subg_p, node_p, dpos_p)

    out = _final(x4, g1, ga, gb, c4, bm1, 512)
    return out[:m]

# --- scband reference (transcript-rebuilt; emitter-appended) ---
"""Pipeline reference for scband-sunconv-78572131713436 (READ-ONLY COPY).

The authoritative reference and input builder live on the scoring server;
editing this copy changes nothing except your own understanding.
"""

import jax, jax.numpy as jnp
import numpy as np

N_NODES = 10000
AVG_DEG = 16
D = 128


def _build_graph():
    # Deterministic construction of the sparse 2-D tuple structure that PygHO's
    # SparseTensor / datadict would carry: (subgraph, node) tuple indices for
    # 1-hop ego-net subgraphs, plus precomputed tuple-level message-passing edges.
    rng = np.random.default_rng(0)
    E = N_NODES * AVG_DEG
    src = rng.integers(0, N_NODES, E)
    dst = rng.integers(0, N_NODES, E)
    diag_codes = np.arange(N_NODES, dtype=np.int64) * (N_NODES + 1)
    codes = np.unique(np.concatenate([diag_codes, src.astype(np.int64) * N_NODES + dst.astype(np.int64)]))
    subg_idx = (codes // N_NODES).astype(np.int64)
    node_idx = (codes % N_NODES).astype(np.int64)
    M = codes.shape[0]
    # group edges by dst node: message into node j from sources k with edge k->j
    order = np.argsort(dst, kind='stable')
    d2 = dst[order]
    s2 = src[order]
    ptr = np.searchsorted(d2, np.arange(N_NODES + 1))
    degs = ptr[node_idx + 1] - ptr[node_idx]
    total = int(degs.sum())
    t_rep = np.repeat(np.arange(M), degs)
    cum = np.cumsum(degs) - degs
    offs = np.arange(total) - np.repeat(cum, degs)
    nbr = s2[np.repeat(ptr[node_idx], degs) + offs]
    cand = subg_idx[t_rep] * N_NODES + nbr
    pos = np.searchsorted(codes, cand)
    pos = np.clip(pos, 0, M - 1)
    valid = codes[pos] == cand
    tuple_edge = np.stack([pos[valid], t_rep[valid]]).astype(np.int64)
    return subg_idx, node_idx, tuple_edge, M


def setup_inputs(seed: int = 0):
    key = jax.random.key(seed)
    ks = jax.random.split(key, 8)
    subg_idx, node_idx, tuple_edge, M = _build_graph()
    X = jax.random.normal(ks[0], (M, D), jnp.float32)
    W_lin0 = jax.random.normal(ks[1], (D, D), jnp.float32) / np.sqrt(D)
    b_lin0 = jnp.zeros((D,), jnp.float32)
    W_het = jax.random.normal(ks[2], (2, 7 * D, D), jnp.float32) / np.sqrt(7 * D)
    W_mlp1 = jax.random.normal(ks[3], (D, D), jnp.float32) / np.sqrt(D)
    b_mlp1 = jnp.zeros((D,), jnp.float32)
    return {"X": X, "W_lin0": W_lin0, "b_lin0": b_lin0, "W_het": W_het,
            "W_mlp1": W_mlp1, "b_mlp1": b_mlp1,
            "subg_idx": jnp.asarray(subg_idx), "node_idx": jnp.asarray(node_idx),
            "tuple_edge": jnp.asarray(tuple_edge)}


def reference(X, W_lin0, b_lin0, W_het, W_mlp1, b_mlp1, subg_idx, node_idx, tuple_edge):
    n = N_NODES
    M = X.shape[0]
    # lin0: tuplewise MLP before message passing
    h = jax.nn.relu(X @ W_lin0 + b_lin0)
    # OpMessagePassingOnSubg2D('SS','sum'): X4[i,j] = sum_{k in N(j) within subg i} h[i,k]
    X4 = jnp.zeros_like(X).at[tuple_edge[1]].add(h[tuple_edge[0]])
    # OpDiag2D: per-subgraph root diagonal entry X[i,i]
    diag = (subg_idx == node_idx)
    dmask = diag.astype(X.dtype)[:, None]
    dvec = jax.ops.segment_sum(X * dmask, subg_idx, num_segments=n)
    X2 = dvec[subg_idx]   # unpool4subg(diag): broadcast over subgraph nodes
    X3 = dvec[node_idx]   # unpool4rootnode(diag): broadcast over root nodes
    ones = jnp.ones((M,), X.dtype)
    cnt_s = jnp.clip(jax.ops.segment_sum(ones, subg_idx, num_segments=n), 1.0)[:, None]
    cnt_n = jnp.clip(jax.ops.segment_sum(ones, node_idx, num_segments=n), 1.0)[:, None]
    # X5 = unpool4rootnode(pool2node(X)) : mean over subgraphs per node
    X5 = (jax.ops.segment_sum(X, node_idx, num_segments=n) / cnt_n)[node_idx]
    # X6 = unpool4subg(pool2subg(X)) : mean over nodes per subgraph
    X6 = (jax.ops.segment_sum(X, subg_idx, num_segments=n) / cnt_s)[subg_idx]
    # X7 = unpool4rootnode(pool2node(X4))
    X7 = (jax.ops.segment_sum(X4, node_idx, num_segments=n) / cnt_n)[node_idx]
    Xcat = jnp.concatenate([X, X2, X3, X4, X5, X6, X7], axis=-1)
    # HeteroLinear(7d, d, 2 types, no bias): type 1 = diagonal tuples, type 0 = off-diagonal
    out0 = Xcat @ W_het[0]
    out1 = Xcat @ W_het[1]
    hh = jnp.where(diag[:, None], out1, out0)
    # final MLP(d, outdim)
    out = jax.nn.relu(hh @ W_mlp1 + b_mlp1)
    return out

if __name__ == "__main__":
    import jax
    _d = setup_inputs()
    print(jax.jit(kernel)(*tuple(_d.values())))

</pallas_src>

<mosaic_0001>
#map = affine_map<(d0, d1) -> (0, 0)>
#map1 = affine_map<(d0, d1) -> (0)>
module attributes {stable_mosaic.version = 14 : i64} {
  func.func @k(%arg0: i32, %arg1: i32, %arg2: memref<180224x128xf32, #tpu.memory_space<hbm>>, %arg3: memref<180224xi32, #tpu.memory_space<hbm>>, %arg4: memref<180224xi32, #tpu.memory_space<hbm>>, %arg5: memref<10240xi32, #tpu.memory_space<hbm>>, %arg6: memref<10240x128xf32, #tpu.memory_space<hbm>>, %arg7: memref<10240x128xf32, #tpu.memory_space<hbm>>, %arg8: memref<10240x128xf32, #tpu.memory_space<hbm>>, %arg9: memref<64x128xf32, #tpu.memory_space<vmem>>, %arg10: memref<64xi32, #tpu.memory_space<vmem>>, %arg11: memref<10240x128xf32, #tpu.memory_space<vmem_shared>>, %arg12: memref<!tpu.dma_semaphore, #tpu.memory_space<semaphore_mem>>) attributes {dimension_semantics = [#tpu.dimension_semantics<core_parallel>, #tpu.dimension_semantics<subcore_parallel>], iteration_bounds = array<i64: 2, 16>, scalar_prefetch = 0 : i64, scratch_operands = 4 : i64, tpu.core_type = #tpu.core_type<sc_vector_subcore>, window_params = [{transform_indices = #map}, {transform_indices = #map1}, {transform_indices = #map1}, {transform_indices = #map1}, {transform_indices = #map}, {transform_indices = #map}, {transform_indices = #map}]} {
    %broadcast_in_dim3A = arith.constant 0.000000e+00 : f32
    %broadcast_in_dim3A_0 = vector.broadcast %broadcast_in_dim3A : f32 to vector<16xf32>
    %scan3A = arith.constant 0 : i32
    %scan3A_1 = arith.constant 0 : i32
    %scan3A_2 = arith.constant 64 : i32
    %scan3A_3 = arith.addi %scan3A_1, %scan3A_2 : i32
    %scan3A_4 = arith.constant 1 : i32
    %scan3A_5 = scf.for %scan3A_45 = %scan3A_1 to %scan3A_3 step %scan3A_4 iter_args(%scan3A_46 = %scan3A) -> (i32)  : i32 {
      %swap3A = arith.index_cast %scan3A_45 : i32 to index
      %swap3A_47 = arith.constant 0 : index
      %swap3A_48 = tpu.vector_load %arg9[%swap3A, %swap3A_47] {strides = array<i32>} : memref<64x128xf32, #tpu.memory_space<vmem>>, vector<16xf32>,
      tpu.vector_store %arg9[%swap3A, %swap3A_47], %broadcast_in_dim3A_0 {strides = array<i32>} : memref<64x128xf32, #tpu.memory_space<vmem>>, vector<16xf32>,
      %swap3A_49 = arith.index_cast %scan3A_45 : i32 to index
      %swap3A_50 = arith.constant 16 : index
      %swap3A_51 = tpu.vector_load %arg9[%swap3A_49, %swap3A_50] {strides = array<i32>} : memref<64x128xf32, #tpu.memory_space<vmem>>, vector<16xf32>,
      tpu.vector_store %arg9[%swap3A_49, %swap3A_50], %broadcast_in_dim3A_0 {strides = array<i32>} : memref<64x128xf32, #tpu.memory_space<vmem>>, vector<16xf32>,
      %swap3A_52 = arith.index_cast %scan3A_45 : i32 to index
      %swap3A_53 = arith.constant 32 : index
      %swap3A_54 = tpu.vector_load %arg9[%swap3A_52, %swap3A_53] {strides = array<i32>} : memref<64x128xf32, #tpu.memory_space<vmem>>, vector<16xf32>,
      tpu.vector_store %arg9[%swap3A_52, %swap3A_53], %broadcast_in_dim3A_0 {strides = array<i32>} : memref<64x128xf32, #tpu.memory_space<vmem>>, vector<16xf32>,
      %swap3A_55 = arith.index_cast %scan3A_45 : i32 to index
      %swap3A_56 = arith.constant 48 : index
      %swap3A_57 = tpu.vector_load %arg9[%swap3A_55, %swap3A_56] {strides = array<i32>} : memref<64x128xf32, #tpu.memory_space<vmem>>, vector<16xf32>,
      tpu.vector_store %arg9[%swap3A_55, %swap3A_56], %broadcast_in_dim3A_0 {strides = array<i32>} : memref<64x128xf32, #tpu.memory_space<vmem>>, vector<16xf32>,
      %swap3A_58 = arith.index_cast %scan3A_45 : i32 to index
      %swap3A_59 = arith.constant 64 : index
      %swap3A_60 = tpu.vector_load %arg9[%swap3A_58, %swap3A_59] {strides = array<i32>} : memref<64x128xf32, #tpu.memory_space<vmem>>, vector<16xf32>,
      tpu.vector_store %arg9[%swap3A_58, %swap3A_59], %broadcast_in_dim3A_0 {strides = array<i32>} : memref<64x128xf32, #tpu.memory_space<vmem>>, vector<16xf32>,
      %swap3A_61 = arith.index_cast %scan3A_45 : i32 to index
      %swap3A_62 = arith.constant 80 : index
      %swap3A_63 = tpu.vector_load %arg9[%swap3A_61, %swap3A_62] {strides = array<i32>} : memref<64x128xf32, #tpu.memory_space<vmem>>, vector<16xf32>,
      tpu.vector_store %arg9[%swap3A_61, %swap3A_62], %broadcast_in_dim3A_0 {strides = array<i32>} : memref<64x128xf32, #tpu.memory_space<vmem>>, vector<16xf32>,
      %swap3A_64 = arith.index_cast %scan3A_45 : i32 to index
      %swap3A_65 = arith.constant 96 : index
      %swap3A_66 = tpu.vector_load %arg9[%swap3A_64, %swap3A_65] {strides = array<i32>} : memref<64x128xf32, #tpu.memory_space<vmem>>, vector<16xf32>,
      tpu.vector_store %arg9[%swap3A_64, %swap3A_65], %broadcast_in_dim3A_0 {strides = array<i32>} : memref<64x128xf32, #tpu.memory_space<vmem>>, vector<16xf32>,
      %swap3A_67 = arith.index_cast %scan3A_45 : i32 to index
      %swap3A_68 = arith.constant 112 : index
      %swap3A_69 = tpu.vector_load %arg9[%swap3A_67, %swap3A_68] {strides = array<i32>} : memref<64x128xf32, #tpu.memory_space<vmem>>, vector<16xf32>,
      tpu.vector_store %arg9[%swap3A_67, %swap3A_68], %broadcast_in_dim3A_0 {strides = array<i32>} : memref<64x128xf32, #tpu.memory_space<vmem>>, vector<16xf32>,
      %scan3A_70 = arith.constant 0 : i32
      scf.yield %scan3A_70 : i32
    }
    %scan3A_6 = arith.constant 64 : i32
    %mul3A = arith.constant 640 : i32
    %mul3A_7 = arith.muli %arg1, %mul3A : i32
    %add3A = arith.constant 0 : i32
    %add3A_8 = arith.addi %mul3A_7, %add3A : i32
    "tpu.region"() ({
      %run_scoped3A = tpu.sem_alloc : memref<!tpu.dma_semaphore, #tpu.memory_space<semaphore_mem>>
      %dma_start3A = arith.constant 0 : i32
      %dma_start3A_45 = tpu.memref_slice %arg11[%add3A_8, %dma_start3A] : memref<10240x128xf32, #tpu.memory_space<vmem_shared>> -> memref<64x128xf32, #tpu.memory_space<vmem_shared>>
      %dma_start3A_46 = arith.constant 0 : i32
      %dma_start3A_47 = tpu.memref_slice %arg11[%add3A_8, %dma_start3A_46] : memref<10240x128xf32, #tpu.memory_space<vmem_shared>> -> memref<64x128xf32, #tpu.memory_space<vmem_shared>>
      tpu.enqueue_dma source(%arg9 : memref<64x128xf32, #tpu.memory_space<vmem>>) target(%dma_start3A_47 : memref<64x128xf32, #tpu.memory_space<vmem_shared>>) target_semaphore(%run_scoped3A : memref<!tpu.dma_semaphore, #tpu.memory_space<semaphore_mem>>)
      %dma_wait3A = arith.constant 0 : i32
      %dma_wait3A_48 = tpu.memref_slice %arg11[%add3A_8, %dma_wait3A] : memref<10240x128xf32, #tpu.memory_space<vmem_shared>> -> memref<64x128xf32, #tpu.memory_space<vmem_shared>>
      %dma_wait3A_49 = arith.constant 0 : i32
      %dma_wait3A_50 = tpu.memref_slice %arg11[%add3A_8, %dma_wait3A_49] : memref<10240x128xf32, #tpu.memory_space<vmem_shared>> -> memref<64x128xf32, #tpu.memory_space<vmem_shared>>
      tpu.wait_dma2 semaphore(%run_scoped3A : memref<!tpu.dma_semaphore, #tpu.memory_space<semaphore_mem>>) src(%arg9 : memref<64x128xf32, #tpu.memory_space<vmem>>) dst(%dma_wait3A_50 : memref<64x128xf32, #tpu.memory_space<vmem_shared>>)
      tpu.yield
    }) : () -> ()
    %add3A_9 = arith.constant 64 : i32
    %add3A_10 = arith.addi %mul3A_7, %add3A_9 : i32
    "tpu.region"() ({
      %run_scoped3A = tpu.sem_alloc : memref<!tpu.dma_semaphore, #tpu.memory_space<semaphore_mem>>
      %dma_start3A = arith.constant 0 : i32
      %dma_start3A_45 = tpu.memref_slice %arg11[%add3A_10, %dma_start3A] : memref<10240x128xf32, #tpu.memory_space<vmem_shared>> -> memref<64x128xf32, #tpu.memory_space<vmem_shared>>
      %dma_start3A_46 = arith.constant 0 : i32
      %dma_start3A_47 = tpu.memref_slice %arg11[%add3A_10, %dma_start3A_46] : memref<10240x128xf32, #tpu.memory_space<vmem_shared>> -> memref<64x128xf32, #tpu.memory_space<vmem_shared>>
      tpu.enqueue_dma source(%arg9 : memref<64x128xf32, #tpu.memory_space<vmem>>) target(%dma_start3A_47 : memref<64x128xf32, #tpu.memory_space<vmem_shared>>) target_semaphore(%run_scoped3A : memref<!tpu.dma_semaphore, #tpu.memory_space<semaphore_mem>>)
      %dma_wait3A = arith.constant 0 : i32
      %dma_wait3A_48 = tpu.memref_slice %arg11[%add3A_10, %dma_wait3A] : memref<10240x128xf32, #tpu.memory_space<vmem_shared>> -> memref<64x128xf32, #tpu.memory_space<vmem_shared>>
      %dma_wait3A_49 = arith.constant 0 : i32
      %dma_wait3A_50 = tpu.memref_slice %arg11[%add3A_10, %dma_wait3A_49] : memref<10240x128xf32, #tpu.memory_space<vmem_shared>> -> memref<64x128xf32, #tpu.memory_space<vmem_shared>>
      tpu.wait_dma2 semaphore(%run_scoped3A : memref<!tpu.dma_semaphore, #tpu.memory_space<semaphore_mem>>) src(%arg9 : memref<64x128xf32, #tpu.memory_space<vmem>>) dst(%dma_wait3A_50 : memref<64x128xf32, #tpu.memory_space<vmem_shared>>)
      tpu.yield
    }) : () -> ()
    %add3A_11 = arith.constant 128 : i32
    %add3A_12 = arith.addi %mul3A_7, %add3A_11 : i32
    "tpu.region"() ({
      %run_scoped3A = tpu.sem_alloc : memref<!tpu.dma_semaphore, #tpu.memory_space<semaphore_mem>>
      %dma_start3A = arith.constant 0 : i32
      %dma_start3A_45 = tpu.memref_slice %arg11[%add3A_12, %dma_start3A] : memref<10240x128xf32, #tpu.memory_space<vmem_shared>> -> memref<64x128xf32, #tpu.memory_space<vmem_shared>>
      %dma_start3A_46 = arith.constant 0 : i32
      %dma_start3A_47 = tpu.memref_slice %arg11[%add3A_12, %dma_start3A_46] : memref<10240x128xf32, #tpu.memory_space<vmem_shared>> -> memref<64x128xf32, #tpu.memory_space<vmem_shared>>
      tpu.enqueue_dma source(%arg9 : memref<64x128xf32, #tpu.memory_space<vmem>>) target(%dma_start3A_47 : memref<64x128xf32, #tpu.memory_space<vmem_shared>>) target_semaphore(%run_scoped3A : memref<!tpu.dma_semaphore, #tpu.memory_space<semaphore_mem>>)
      %dma_wait3A = arith.constant 0 : i32
      %dma_wait3A_48 = tpu.memref_slice %arg11[%add3A_12, %dma_wait3A] : memref<10240x128xf32, #tpu.memory_space<vmem_shared>> -> memref<64x128xf32, #tpu.memory_space<vmem_shared>>
      %dma_wait3A_49 = arith.constant 0 : i32
      %dma_wait3A_50 = tpu.memref_slice %arg11[%add3A_12, %dma_wait3A_49] : memref<10240x128xf32, #tpu.memory_space<vmem_shared>> -> memref<64x128xf32, #tpu.memory_space<vmem_shared>>
      tpu.wait_dma2 semaphore(%run_scoped3A : memref<!tpu.dma_semaphore, #tpu.memory_space<semaphore_mem>>) src(%arg9 : memref<64x128xf32, #tpu.memory_space<vmem>>) dst(%dma_wait3A_50 : memref<64x128xf32, #tpu.memory_space<vmem_shared>>)
      tpu.yield
    }) : () -> ()
    %add3A_13 = arith.constant 192 : i32
    %add3A_14 = arith.addi %mul3A_7, %add3A_13 : i32
    "tpu.region"() ({
      %run_scoped3A = tpu.sem_alloc : memref<!tpu.dma_semaphore, #tpu.memory_space<semaphore_mem>>
      %dma_start3A = arith.constant 0 : i32
      %dma_start3A_45 = tpu.memref_slice %arg11[%add3A_14, %dma_start3A] : memref<10240x128xf32, #tpu.memory_space<vmem_shared>> -> memref<64x128xf32, #tpu.memory_space<vmem_shared>>
      %dma_start3A_46 = arith.constant 0 : i32
      %dma_start3A_47 = tpu.memref_slice %arg11[%add3A_14, %dma_start3A_46] : memref<10240x128xf32, #tpu.memory_space<vmem_shared>> -> memref<64x128xf32, #tpu.memory_space<vmem_shared>>
      tpu.enqueue_dma source(%arg9 : memref<64x128xf32, #tpu.memory_space<vmem>>) target(%dma_start3A_47 : memref<64x128xf32, #tpu.memory_space<vmem_shared>>) target_semaphore(%run_scoped3A : memref<!tpu.dma_semaphore, #tpu.memory_space<semaphore_mem>>)
      %dma_wait3A = arith.constant 0 : i32
      %dma_wait3A_48 = tpu.memref_slice %arg11[%add3A_14, %dma_wait3A] : memref<10240x128xf32, #tpu.memory_space<vmem_shared>> -> memref<64x128xf32, #tpu.memory_space<vmem_shared>>
      %dma_wait3A_49 = arith.constant 0 : i32
      %dma_wait3A_50 = tpu.memref_slice %arg11[%add3A_14, %dma_wait3A_49] : memref<10240x128xf32, #tpu.memory_space<vmem_shared>> -> memref<64x128xf32, #tpu.memory_space<vmem_shared>>
      tpu.wait_dma2 semaphore(%run_scoped3A : memref<!tpu.dma_semaphore, #tpu.memory_space<semaphore_mem>>) src(%arg9 : memref<64x128xf32, #tpu.memory_space<vmem>>) dst(%dma_wait3A_50 : memref<64x128xf32, #tpu.memory_space<vmem_shared>>)
      tpu.yield
    }) : () -> ()
    %add3A_15 = arith.constant 256 : i32
    %add3A_16 = arith.addi %mul3A_7, %add3A_15 : i32
    "tpu.region"() ({
      %run_scoped3A = tpu.sem_alloc : memref<!tpu.dma_semaphore, #tpu.memory_space<semaphore_mem>>
      %dma_start3A = arith.constant 0 : i32
      %dma_start3A_45 = tpu.memref_slice %arg11[%add3A_16, %dma_start3A] : memref<10240x128xf32, #tpu.memory_space<vmem_shared>> -> memref<64x128xf32, #tpu.memory_space<vmem_shared>>
      %dma_start3A_46 = arith.constant 0 : i32
      %dma_start3A_47 = tpu.memref_slice %arg11[%add3A_16, %dma_start3A_46] : memref<10240x128xf32, #tpu.memory_space<vmem_shared>> -> memref<64x128xf32, #tpu.memory_space<vmem_shared>>
      tpu.enqueue_dma source(%arg9 : memref<64x128xf32, #tpu.memory_space<vmem>>) target(%dma_start3A_47 : memref<64x128xf32, #tpu.memory_space<vmem_shared>>) target_semaphore(%run_scoped3A : memref<!tpu.dma_semaphore, #tpu.memory_space<semaphore_mem>>)
      %dma_wait3A = arith.constant 0 : i32
      %dma_wait3A_48 = tpu.memref_slice %arg11[%add3A_16, %dma_wait3A] : memref<10240x128xf32, #tpu.memory_space<vmem_shared>> -> memref<64x128xf32, #tpu.memory_space<vmem_shared>>
      %dma_wait3A_49 = arith.constant 0 : i32
      %dma_wait3A_50 = tpu.memref_slice %arg11[%add3A_16, %dma_wait3A_49] : memref<10240x128xf32, #tpu.memory_space<vmem_shared>> -> memref<64x128xf32, #tpu.memory_space<vmem_shared>>
      tpu.wait_dma2 semaphore(%run_scoped3A : memref<!tpu.dma_semaphore, #tpu.memory_space<semaphore_mem>>) src(%arg9 : memref<64x128xf32, #tpu.memory_space<vmem>>) dst(%dma_wait3A_50 : memref<64x128xf32, #tpu.memory_space<vmem_shared>>)
      tpu.yield
    }) : () -> ()
    %add3A_17 = arith.constant 320 : i32
    %add3A_18 = arith.addi %mul3A_7, %add3A_17 : i32
    "tpu.region"() ({
      %run_scoped3A = tpu.sem_alloc : memref<!tpu.dma_semaphore, #tpu.memory_space<semaphore_mem>>
      %dma_start3A = arith.constant 0 : i32
      %dma_start3A_45 = tpu.memref_slice %arg11[%add3A_18, %dma_start3A] : memref<10240x128xf32, #tpu.memory_space<vmem_shared>> -> memref<64x128xf32, #tpu.memory_space<vmem_shared>>
      %dma_start3A_46 = arith.constant 0 : i32
      %dma_start3A_47 = tpu.memref_slice %arg11[%add3A_18, %dma_start3A_46] : memref<10240x128xf32, #tpu.memory_space<vmem_shared>> -> memref<64x128xf32, #tpu.memory_space<vmem_shared>>
      tpu.enqueue_dma source(%arg9 : memref<64x128xf32, #tpu.memory_space<vmem>>) target(%dma_start3A_47 : memref<64x128xf32, #tpu.memory_space<vmem_shared>>) target_semaphore(%run_scoped3A : memref<!tpu.dma_semaphore, #tpu.memory_space<semaphore_mem>>)
      %dma_wait3A = arith.constant 0 : i32
      %dma_wait3A_48 = tpu.memref_slice %arg11[%add3A_18, %dma_wait3A] : memref<10240x128xf32, #tpu.memory_space<vmem_shared>> -> memref<64x128xf32, #tpu.memory_space<vmem_shared>>
      %dma_wait3A_49 = arith.constant 0 : i32
      %dma_wait3A_50 = tpu.memref_slice %arg11[%add3A_18, %dma_wait3A_49] : memref<10240x128xf32, #tpu.memory_space<vmem_shared>> -> memref<64x128xf32, #tpu.memory_space<vmem_shared>>
      tpu.wait_dma2 semaphore(%run_scoped3A : memref<!tpu.dma_semaphore, #tpu.memory_space<semaphore_mem>>) src(%arg9 : memref<64x128xf32, #tpu.memory_space<vmem>>) dst(%dma_wait3A_50 : memref<64x128xf32, #tpu.memory_space<vmem_shared>>)
      tpu.yield
    }) : () -> ()
    %add3A_19 = arith.constant 384 : i32
    %add3A_20 = arith.addi %mul3A_7, %add3A_19 : i32
    "tpu.region"() ({
      %run_scoped3A = tpu.sem_alloc : memref<!tpu.dma_semaphore, #tpu.memory_space<semaphore_mem>>
      %dma_start3A = arith.constant 0 : i32
      %dma_start3A_45 = tpu.memref_slice %arg11[%add3A_20, %dma_start3A] : memref<10240x128xf32, #tpu.memory_space<vmem_shared>> -> memref<64x128xf32, #tpu.memory_space<vmem_shared>>
      %dma_start3A_46 = arith.constant 0 : i32
      %dma_start3A_47 = tpu.memref_slice %arg11[%add3A_20, %dma_start3A_46] : memref<10240x128xf32, #tpu.memory_space<vmem_shared>> -> memref<64x128xf32, #tpu.memory_space<vmem_shared>>
      tpu.enqueue_dma source(%arg9 : memref<64x128xf32, #tpu.memory_space<vmem>>) target(%dma_start3A_47 : memref<64x128xf32, #tpu.memory_space<vmem_shared>>) target_semaphore(%run_scoped3A : memref<!tpu.dma_semaphore, #tpu.memory_space<semaphore_mem>>)
      %dma_wait3A = arith.constant 0 : i32
      %dma_wait3A_48 = tpu.memref_slice %arg11[%add3A_20, %dma_wait3A] : memref<10240x128xf32, #tpu.memory_space<vmem_shared>> -> memref<64x128xf32, #tpu.memory_space<vmem_shared>>
      %dma_wait3A_49 = arith.constant 0 : i32
      %dma_wait3A_50 = tpu.memref_slice %arg11[%add3A_20, %dma_wait3A_49] : memref<10240x128xf32, #tpu.memory_space<vmem_shared>> -> memref<64x128xf32, #tpu.memory_space<vmem_shared>>
      tpu.wait_dma2 semaphore(%run_scoped3A : memref<!tpu.dma_semaphore, #tpu.memory_space<semaphore_mem>>) src(%arg9 : memref<64x128xf32, #tpu.memory_space<vmem>>) dst(%dma_wait3A_50 : memref<64x128xf32, #tpu.memory_space<vmem_shared>>)
      tpu.yield
    }) : () -> ()
    %add3A_21 = arith.constant 448 : i32
    %add3A_22 = arith.addi %mul3A_7, %add3A_21 : i32
    "tpu.region"() ({
      %run_scoped3A = tpu.sem_alloc : memref<!tpu.dma_semaphore, #tpu.memory_space<semaphore_mem>>
      %dma_start3A = arith.constant 0 : i32
      %dma_start3A_45 = tpu.memref_slice %arg11[%add3A_22, %dma_start3A] : memref<10240x128xf32, #tpu.memory_space<vmem_shared>> -> memref<64x128xf32, #tpu.memory_space<vmem_shared>>
      %dma_start3A_46 = arith.constant 0 : i32
      %dma_start3A_47 = tpu.memref_slice %arg11[%add3A_22, %dma_start3A_46] : memref<10240x128xf32, #tpu.memory_space<vmem_shared>> -> memref<64x128xf32, #tpu.memory_space<vmem_shared>>
      tpu.enqueue_dma source(%arg9 : memref<64x128xf32, #tpu.memory_space<vmem>>) target(%dma_start3A_47 : memref<64x128xf32, #tpu.memory_space<vmem_shared>>) target_semaphore(%run_scoped3A : memref<!tpu.dma_semaphore, #tpu.memory_space<semaphore_mem>>)
      %dma_wait3A = arith.constant 0 : i32
      %dma_wait3A_48 = tpu.memref_slice %arg11[%add3A_22, %dma_wait3A] : memref<10240x128xf32, #tpu.memory_space<vmem_shared>> -> memref<64x128xf32, #tpu.memory_space<vmem_shared>>
      %dma_wait3A_49 = arith.constant 0 : i32
      %dma_wait3A_50 = tpu.memref_slice %arg11[%add3A_22, %dma_wait3A_49] : memref<10240x128xf32, #tpu.memory_space<vmem_shared>> -> memref<64x128xf32, #tpu.memory_space<vmem_shared>>
      tpu.wait_dma2 semaphore(%run_scoped3A : memref<!tpu.dma_semaphore, #tpu.memory_space<semaphore_mem>>) src(%arg9 : memref<64x128xf32, #tpu.memory_space<vmem>>) dst(%dma_wait3A_50 : memref<64x128xf32, #tpu.memory_space<vmem_shared>>)
      tpu.yield
    }) : () -> ()
    %add3A_23 = arith.constant 512 : i32
    %add3A_24 = arith.addi %mul3A_7, %add3A_23 : i32
    "tpu.region"() ({
      %run_scoped3A = tpu.sem_alloc : memref<!tpu.dma_semaphore, #tpu.memory_space<semaphore_mem>>
      %dma_start3A = arith.constant 0 : i32
      %dma_start3A_45 = tpu.memref_slice %arg11[%add3A_24, %dma_start3A] : memref<10240x128xf32, #tpu.memory_space<vmem_shared>> -> memref<64x128xf32, #tpu.memory_space<vmem_shared>>
      %dma_start3A_46 = arith.constant 0 : i32
      %dma_start3A_47 = tpu.memref_slice %arg11[%add3A_24, %dma_start3A_46] : memref<10240x128xf32, #tpu.memory_space<vmem_shared>> -> memref<64x128xf32, #tpu.memory_space<vmem_shared>>
      tpu.enqueue_dma source(%arg9 : memref<64x128xf32, #tpu.memory_space<vmem>>) target(%dma_start3A_47 : memref<64x128xf32, #tpu.memory_space<vmem_shared>>) target_semaphore(%run_scoped3A : memref<!tpu.dma_semaphore, #tpu.memory_space<semaphore_mem>>)
      %dma_wait3A = arith.constant 0 : i32
      %dma_wait3A_48 = tpu.memref_slice %arg11[%add3A_24, %dma_wait3A] : memref<10240x128xf32, #tpu.memory_space<vmem_shared>> -> memref<64x128xf32, #tpu.memory_space<vmem_shared>>
      %dma_wait3A_49 = arith.constant 0 : i32
      %dma_wait3A_50 = tpu.memref_slice %arg11[%add3A_24, %dma_wait3A_49] : memref<10240x128xf32, #tpu.memory_space<vmem_shared>> -> memref<64x128xf32, #tpu.memory_space<vmem_shared>>
      tpu.wait_dma2 semaphore(%run_scoped3A : memref<!tpu.dma_semaphore, #tpu.memory_space<semaphore_mem>>) src(%arg9 : memref<64x128xf32, #tpu.memory_space<vmem>>) dst(%dma_wait3A_50 : memref<64x128xf32, #tpu.memory_space<vmem_shared>>)
      tpu.yield
    }) : () -> ()
    %add3A_25 = arith.constant 576 : i32
    %add3A_26 = arith.addi %mul3A_7, %add3A_25 : i32
    "tpu.region"() ({
      %run_scoped3A = tpu.sem_alloc : memref<!tpu.dma_semaphore, #tpu.memory_space<semaphore_mem>>
      %dma_start3A = arith.constant 0 : i32
      %dma_start3A_45 = tpu.memref_slice %arg11[%add3A_26, %dma_start3A] : memref<10240x128xf32, #tpu.memory_space<vmem_shared>> -> memref<64x128xf32, #tpu.memory_space<vmem_shared>>
      %dma_start3A_46 = arith.constant 0 : i32
      %dma_start3A_47 = tpu.memref_slice %arg11[%add3A_26, %dma_start3A_46] : memref<10240x128xf32, #tpu.memory_space<vmem_shared>> -> memref<64x128xf32, #tpu.memory_space<vmem_shared>>
      tpu.enqueue_dma source(%arg9 : memref<64x128xf32, #tpu.memory_space<vmem>>) target(%dma_start3A_47 : memref<64x128xf32, #tpu.memory_space<vmem_shared>>) target_semaphore(%run_scoped3A : memref<!tpu.dma_semaphore, #tpu.memory_space<semaphore_mem>>)
      %dma_wait3A = arith.constant 0 : i32
      %dma_wait3A_48 = tpu.memref_slice %arg11[%add3A_26, %dma_wait3A] : memref<10240x128xf32, #tpu.memory_space<vmem_shared>> -> memref<64x128xf32, #tpu.memory_space<vmem_shared>>
      %dma_wait3A_49 = arith.constant 0 : i32
      %dma_wait3A_50 = tpu.memref_slice %arg11[%add3A_26, %dma_wait3A_49] : memref<10240x128xf32, #tpu.memory_space<vmem_shared>> -> memref<64x128xf32, #tpu.memory_space<vmem_shared>>
      tpu.wait_dma2 semaphore(%run_scoped3A : memref<!tpu.dma_semaphore, #tpu.memory_space<semaphore_mem>>) src(%arg9 : memref<64x128xf32, #tpu.memory_space<vmem>>) dst(%dma_wait3A_50 : memref<64x128xf32, #tpu.memory_space<vmem_shared>>)
      tpu.yield
    }) : () -> ()
    %barrier3A = arith.constant 0 : index
    tpu.barrier barrier_id(%barrier3A)
    %eq3A = arith.constant 0 : i32
    %eq3A_27 = arith.cmpi eq, %arg0, %eq3A : i32
    %convert_element_type3A = arith.extui %eq3A_27 : i1 to i32
    %cond3A = arith.constant 0 : i32
    %cond3A_28 = arith.cmpi ne, %convert_element_type3A, %cond3A : i32
    scf.if %cond3A_28 {
      %scan3A_45 = arith.constant 0 : i32
      %scan3A_46 = arith.constant 0 : i32
      %scan3A_47 = arith.constant 176 : i32
      %scan3A_48 = arith.addi %scan3A_46, %scan3A_47 : i32
      %scan3A_49 = arith.constant 1 : i32
      %scan3A_50 = scf.for %scan3A_52 = %scan3A_46 to %scan3A_48 step %scan3A_49 iter_args(%scan3A_53 = %scan3A_45) -> (i32)  : i32 {
        %mul3A_54 = arith.constant 11264 : i32
        %mul3A_55 = arith.muli %arg1, %mul3A_54 : i32
        %mul3A_56 = arith.constant 64 : i32
        %mul3A_57 = arith.muli %scan3A_52, %mul3A_56 : i32
        %add3A_58 = arith.addi %mul3A_55, %mul3A_57 : i32
        "tpu.region"() ({
          %run_scoped3A = tpu.sem_alloc : memref<!tpu.dma_semaphore, #tpu.memory_space<semaphore_mem>>
          %dma_start3A = tpu.memref_slice %arg3[%add3A_58] : memref<180224xi32, #tpu.memory_space<hbm>> -> memref<64xi32, #tpu.memory_space<hbm>>
          %dma_start3A_60 = tpu.memref_slice %arg3[%add3A_58] : memref<180224xi32, #tpu.memory_space<hbm>> -> memref<64xi32, #tpu.memory_space<hbm>>
          tpu.enqueue_dma source(%dma_start3A_60 : memref<64xi32, #tpu.memory_space<hbm>>) target(%arg10 : memref<64xi32, #tpu.memory_space<vmem>>) target_semaphore(%run_scoped3A : memref<!tpu.dma_semaphore, #tpu.memory_space<semaphore_mem>>)
          %dma_wait3A = tpu.memref_slice %arg3[%add3A_58] : memref<180224xi32, #tpu.memory_space<hbm>> -> memref<64xi32, #tpu.memory_space<hbm>>
          %dma_wait3A_61 = tpu.memref_slice %arg3[%add3A_58] : memref<180224xi32, #tpu.memory_space<hbm>> -> memref<64xi32, #tpu.memory_space<hbm>>
          tpu.wait_dma2 semaphore(%run_scoped3A : memref<!tpu.dma_semaphore, #tpu.memory_space<semaphore_mem>>) src(%dma_wait3A_61 : memref<64xi32, #tpu.memory_space<hbm>>) dst(%arg10 : memref<64xi32, #tpu.memory_space<vmem>>)
          tpu.yield
        }) : () -> ()
        "tpu.region"() ({
          %run_scoped3A = tpu.sem_alloc : memref<!tpu.dma_semaphore, #tpu.memory_space<semaphore_mem>>
          %dma_start3A = arith.constant 0 : i32
          %dma_start3A_60 = tpu.memref_slice %arg2[%add3A_58, %dma_start3A] : memref<180224x128xf32, #tpu.memory_space<hbm>> -> memref<64x128xf32, #tpu.memory_space<hbm>>
          %dma_start3A_61 = arith.constant 0 : i32
          %dma_start3A_62 = tpu.memref_slice %arg2[%add3A_58, %dma_start3A_61] : memref<180224x128xf32, #tpu.memory_space<hbm>> -> memref<64x128xf32, #tpu.memory_space<hbm>>
          tpu.enqueue_dma source(%dma_start3A_62 : memref<64x128xf32, #tpu.memory_space<hbm>>) target(%arg9 : memref<64x128xf32, #tpu.memory_space<vmem>>) target_semaphore(%run_scoped3A : memref<!tpu.dma_semaphore, #tpu.memory_space<semaphore_mem>>)
          %dma_wait3A = arith.constant 0 : i32
          %dma_wait3A_63 = tpu.memref_slice %arg2[%add3A_58, %dma_wait3A] : memref<180224x128xf32, #tpu.memory_space<hbm>> -> memref<64x128xf32, #tpu.memory_space<hbm>>
          %dma_wait3A_64 = arith.constant 0 : i32
          %dma_wait3A_65 = tpu.memref_slice %arg2[%add3A_58, %dma_wait3A_64] : memref<180224x128xf32, #tpu.memory_space<hbm>> -> memref<64x128xf32, #tpu.memory_space<hbm>>
          tpu.wait_dma2 semaphore(%run_scoped3A : memref<!tpu.dma_semaphore, #tpu.memory_space<semaphore_mem>>) src(%dma_wait3A_65 : memref<64x128xf32, #tpu.memory_space<hbm>>) dst(%arg9 : memref<64x128xf32, #tpu.memory_space<vmem>>)
          tpu.yield
        }) : () -> ()
        "tpu.region"() ({
          %run_scoped3A = tpu.sem_alloc : memref<!tpu.dma_semaphore, #tpu.memory_space<semaphore_mem>>
          %dma_start3A = arith.constant 0 : i32
          %dma_start3A_60 = arith.constant 0 : i32
          %dma_start3A_61 = tpu.memref_slice %arg11[%dma_start3A, %dma_start3A_60] : memref<10240x128xf32, #tpu.memory_space<vmem_shared>> -> memref<10240x128xf32, #tpu.memory_space<vmem_shared>>
          tpu.enqueue_indirect_dma source(%arg9 : memref<64x128xf32, #tpu.memory_space<vmem>>) target(%dma_start3A_61 : memref<10240x128xf32, #tpu.memory_space<vmem_shared>>) offsets(%arg10 : memref<64xi32, #tpu.memory_space<vmem>>) semaphore(%run_scoped3A : memref<!tpu.dma_semaphore, #tpu.memory_space<semaphore_mem>>) {add = true}
          %dma_wait3A = arith.constant 0 : i32
          %dma_wait3A_62 = arith.constant 0 : i32
          %dma_wait3A_63 = tpu.memref_slice %arg11[%dma_wait3A, %dma_wait3A_62] : memref<10240x128xf32, #tpu.memory_space<vmem_shared>> -> memref<10240x128xf32, #tpu.memory_space<vmem_shared>>
          tpu.wait_indirect_dma semaphore(%run_scoped3A : memref<!tpu.dma_semaphore, #tpu.memory_space<semaphore_mem>>) src(%arg9 : memref<64x128xf32, #tpu.memory_space<vmem>>) dst(%dma_wait3A_63 : memref<10240x128xf32, #tpu.memory_space<vmem_shared>>)
          tpu.yield
        }) : () -> ()
        %scan3A_59 = arith.constant 0 : i32
        scf.yield %scan3A_59 : i32
      }
      %scan3A_51 = arith.constant 176 : i32
    } else {
    }
    %eq3A_29 = arith.constant 1 : i32
    %eq3A_30 = arith.cmpi eq, %arg0, %eq3A_29 : i32
    %convert_element_type3A_31 = arith.extui %eq3A_30 : i1 to i32
    %cond3A_32 = arith.constant 0 : i32
    %cond3A_33 = arith.cmpi ne, %convert_element_type3A_31, %cond3A_32 : i32
    scf.if %cond3A_33 {
      %scan3A_45 = arith.constant 0 : i32
      %scan3A_46 = arith.constant 0 : i32
      %scan3A_47 = arith.constant 176 : i32
      %scan3A_48 = arith.addi %scan3A_46, %scan3A_47 : i32
      %scan3A_49 = arith.constant 1 : i32
      %scan3A_50 = scf.for %scan3A_52 = %scan3A_46 to %scan3A_48 step %scan3A_49 iter_args(%scan3A_53 = %scan3A_45) -> (i32)  : i32 {
        %mul3A_54 = arith.constant 11264 : i32
        %mul3A_55 = arith.muli %arg1, %mul3A_54 : i32
        %mul3A_56 = arith.constant 64 : i32
        %mul3A_57 = arith.muli %scan3A_52, %mul3A_56 : i32
        %add3A_58 = arith.addi %mul3A_55, %mul3A_57 : i32
        "tpu.region"() ({
          %run_scoped3A = tpu.sem_alloc : memref<!tpu.dma_semaphore, #tpu.memory_space<semaphore_mem>>
          %dma_start3A = tpu.memref_slice %arg4[%add3A_58] : memref<180224xi32, #tpu.memory_space<hbm>> -> memref<64xi32, #tpu.memory_space<hbm>>
          %dma_start3A_60 = tpu.memref_slice %arg4[%add3A_58] : memref<180224xi32, #tpu.memory_space<hbm>> -> memref<64xi32, #tpu.memory_space<hbm>>
          tpu.enqueue_dma source(%dma_start3A_60 : memref<64xi32, #tpu.memory_space<hbm>>) target(%arg10 : memref<64xi32, #tpu.memory_space<vmem>>) target_semaphore(%run_scoped3A : memref<!tpu.dma_semaphore, #tpu.memory_space<semaphore_mem>>)
          %dma_wait3A = tpu.memref_slice %arg4[%add3A_58] : memref<180224xi32, #tpu.memory_space<hbm>> -> memref<64xi32, #tpu.memory_space<hbm>>
          %dma_wait3A_61 = tpu.memref_slice %arg4[%add3A_58] : memref<180224xi32, #tpu.memory_space<hbm>> -> memref<64xi32, #tpu.memory_space<hbm>>
          tpu.wait_dma2 semaphore(%run_scoped3A : memref<!tpu.dma_semaphore, #tpu.memory_space<semaphore_mem>>) src(%dma_wait3A_61 : memref<64xi32, #tpu.memory_space<hbm>>) dst(%arg10 : memref<64xi32, #tpu.memory_space<vmem>>)
          tpu.yield
        }) : () -> ()
        "tpu.region"() ({
          %run_scoped3A = tpu.sem_alloc : memref<!tpu.dma_semaphore, #tpu.memory_space<semaphore_mem>>
          %dma_start3A = arith.constant 0 : i32
          %dma_start3A_60 = tpu.memref_slice %arg2[%add3A_58, %dma_start3A] : memref<180224x128xf32, #tpu.memory_space<hbm>> -> memref<64x128xf32, #tpu.memory_space<hbm>>
          %dma_start3A_61 = arith.constant 0 : i32
          %dma_start3A_62 = tpu.memref_slice %arg2[%add3A_58, %dma_start3A_61] : memref<180224x128xf32, #tpu.memory_space<hbm>> -> memref<64x128xf32, #tpu.memory_space<hbm>>
          tpu.enqueue_dma source(%dma_start3A_62 : memref<64x128xf32, #tpu.memory_space<hbm>>) target(%arg9 : memref<64x128xf32, #tpu.memory_space<vmem>>) target_semaphore(%run_scoped3A : memref<!tpu.dma_semaphore, #tpu.memory_space<semaphore_mem>>)
          %dma_wait3A = arith.constant 0 : i32
          %dma_wait3A_63 = tpu.memref_slice %arg2[%add3A_58, %dma_wait3A] : memref<180224x128xf32, #tpu.memory_space<hbm>> -> memref<64x128xf32, #tpu.memory_space<hbm>>
          %dma_wait3A_64 = arith.constant 0 : i32
          %dma_wait3A_65 = tpu.memref_slice %arg2[%add3A_58, %dma_wait3A_64] : memref<180224x128xf32, #tpu.memory_space<hbm>> -> memref<64x128xf32, #tpu.memory_space<hbm>>
          tpu.wait_dma2 semaphore(%run_scoped3A : memref<!tpu.dma_semaphore, #tpu.memory_space<semaphore_mem>>) src(%dma_wait3A_65 : memref<64x128xf32, #tpu.memory_space<hbm>>) dst(%arg9 : memref<64x128xf32, #tpu.memory_space<vmem>>)
          tpu.yield
        }) : () -> ()
        "tpu.region"() ({
          %run_scoped3A = tpu.sem_alloc : memref<!tpu.dma_semaphore, #tpu.memory_space<semaphore_mem>>
          %dma_start3A = arith.constant 0 : i32
          %dma_start3A_60 = arith.constant 0 : i32
          %dma_start3A_61 = tpu.memref_slice %arg11[%dma_start3A, %dma_start3A_60] : memref<10240x128xf32, #tpu.memory_space<vmem_shared>> -> memref<10240x128xf32, #tpu.memory_space<vmem_shared>>
          tpu.enqueue_indirect_dma source(%arg9 : memref<64x128xf32, #tpu.memory_space<vmem>>) target(%dma_start3A_61 : memref<10240x128xf32, #tpu.memory_space<vmem_shared>>) offsets(%arg10 : memref<64xi32, #tpu.memory_space<vmem>>) semaphore(%run_scoped3A : memref<!tpu.dma_semaphore, #tpu.memory_space<semaphore_mem>>) {add = true}
          %dma_wait3A = arith.constant 0 : i32
          %dma_wait3A_62 = arith.constant 0 : i32
          %dma_wait3A_63 = tpu.memref_slice %arg11[%dma_wait3A, %dma_wait3A_62] : memref<10240x128xf32, #tpu.memory_space<vmem_shared>> -> memref<10240x128xf32, #tpu.memory_space<vmem_shared>>
          tpu.wait_indirect_dma semaphore(%run_scoped3A : memref<!tpu.dma_semaphore, #tpu.memory_space<semaphore_mem>>) src(%arg9 : memref<64x128xf32, #tpu.memory_space<vmem>>) dst(%dma_wait3A_63 : memref<10240x128xf32, #tpu.memory_space<vmem_shared>>)
          tpu.yield
        }) : () -> ()
        %scan3A_59 = arith.constant 0 : i32
        scf.yield %scan3A_59 : i32
      }
      %scan3A_51 = arith.constant 176 : i32
    } else {
    }
    %barrier3A_34 = arith.constant 0 : index
    tpu.barrier barrier_id(%barrier3A_34)
    %eq3A_35 = arith.constant 0 : i32
    %eq3A_36 = arith.cmpi eq, %arg0, %eq3A_35 : i32
    %convert_element_type3A_37 = arith.extui %eq3A_36 : i1 to i32
    %cond3A_38 = arith.constant 0 : i32
    %cond3A_39 = arith.cmpi ne, %convert_element_type3A_37, %cond3A_38 : i32
    scf.if %cond3A_39 {
      %mul3A_45 = arith.constant 640 : i32
      %mul3A_46 = arith.muli %arg1, %mul3A_45 : i32
      %mul3A_47 = arith.constant 640 : i32
      %mul3A_48 = arith.muli %arg1, %mul3A_47 : i32
      "tpu.region"() ({
        %run_scoped3A = tpu.sem_alloc : memref<!tpu.dma_semaphore, #tpu.memory_space<semaphore_mem>>
        %dma_start3A = arith.constant 0 : i32
        %dma_start3A_56 = tpu.memref_slice %arg6[%mul3A_48, %dma_start3A] : memref<10240x128xf32, #tpu.memory_space<hbm>> -> memref<640x128xf32, #tpu.memory_space<hbm>>
        %dma_start3A_57 = arith.constant 0 : i32
        %dma_start3A_58 = tpu.memref_slice %arg11[%mul3A_46, %dma_start3A_57] : memref<10240x128xf32, #tpu.memory_space<vmem_shared>> -> memref<640x128xf32, #tpu.memory_space<vmem_shared>>
        tpu.enqueue_dma source(%dma_start3A_58 : memref<640x128xf32, #tpu.memory_space<vmem_shared>>) target(%dma_start3A_56 : memref<640x128xf32, #tpu.memory_space<hbm>>) target_semaphore(%run_scoped3A : memref<!tpu.dma_semaphore, #tpu.memory_space<semaphore_mem>>)
        %dma_wait3A = arith.constant 0 : i32
        %dma_wait3A_59 = tpu.memref_slice %arg6[%mul3A_48, %dma_wait3A] : memref<10240x128xf32, #tpu.memory_space<hbm>> -> memref<640x128xf32, #tpu.memory_space<hbm>>
        %dma_wait3A_60 = arith.constant 0 : i32
        %dma_wait3A_61 = tpu.memref_slice %arg11[%mul3A_46, %dma_wait3A_60] : memref<10240x128xf32, #tpu.memory_space<vmem_shared>> -> memref<640x128xf32, #tpu.memory_space<vmem_shared>>
        tpu.wait_dma2 semaphore(%run_scoped3A : memref<!tpu.dma_semaphore, #tpu.memory_space<semaphore_mem>>) src(%dma_wait3A_61 : memref<640x128xf32, #tpu.memory_space<vmem_shared>>) dst(%dma_wait3A_59 : memref<640x128xf32, #tpu.memory_space<hbm>>)
        tpu.yield
      }) : () -> ()
      %scan3A_49 = arith.constant 0 : i32
      %scan3A_50 = arith.constant 0 : i32
      %scan3A_51 = arith.constant 10 : i32
      %scan3A_52 = arith.addi %scan3A_50, %scan3A_51 : i32
      %scan3A_53 = arith.constant 1 : i32
      %scan3A_54 = scf.for %scan3A_56 = %scan3A_50 to %scan3A_52 step %scan3A_53 iter_args(%scan3A_57 = %scan3A_49) -> (i32)  : i32 {
        %mul3A_58 = arith.constant 640 : i32
        %mul3A_59 = arith.muli %arg1, %mul3A_58 : i32
        %mul3A_60 = arith.constant 64 : i32
        %mul3A_61 = arith.muli %scan3A_56, %mul3A_60 : i32
        %add3A_62 = arith.addi %mul3A_59, %mul3A_61 : i32
        "tpu.region"() ({
          %run_scoped3A = tpu.sem_alloc : memref<!tpu.dma_semaphore, #tpu.memory_space<semaphore_mem>>
          %dma_start3A_68 = tpu.memref_slice %arg5[%add3A_62] : memref<10240xi32, #tpu.memory_space<hbm>> -> memref<64xi32, #tpu.memory_space<hbm>>
          %dma_start3A_69 = tpu.memref_slice %arg5[%add3A_62] : memref<10240xi32, #tpu.memory_space<hbm>> -> memref<64xi32, #tpu.memory_space<hbm>>
          tpu.enqueue_dma source(%dma_start3A_69 : memref<64xi32, #tpu.memory_space<hbm>>) target(%arg10 : memref<64xi32, #tpu.memory_space<vmem>>) target_semaphore(%run_scoped3A : memref<!tpu.dma_semaphore, #tpu.memory_space<semaphore_mem>>)
          %dma_wait3A_70 = tpu.memref_slice %arg5[%add3A_62] : memref<10240xi32, #tpu.memory_space<hbm>> -> memref<64xi32, #tpu.memory_space<hbm>>
          %dma_wait3A_71 = tpu.memref_slice %arg5[%add3A_62] : memref<10240xi32, #tpu.memory_space<hbm>> -> memref<64xi32, #tpu.memory_space<hbm>>
          tpu.wait_dma2 semaphore(%run_scoped3A : memref<!tpu.dma_semaphore, #tpu.memory_space<semaphore_mem>>) src(%dma_wait3A_71 : memref<64xi32, #tpu.memory_space<hbm>>) dst(%arg10 : memref<64xi32, #tpu.memory_space<vmem>>)
          tpu.yield
        }) : () -> ()
        %dma_start3A = arith.constant 0 : i32
        %dma_start3A_63 = arith.constant 0 : i32
        %dma_start3A_64 = tpu.memref_slice %arg2[%dma_start3A, %dma_start3A_63] : memref<180224x128xf32, #tpu.memory_space<hbm>> -> memref<180224x128xf32, #tpu.memory_space<hbm>>
        tpu.enqueue_indirect_dma source(%dma_start3A_64 : memref<180224x128xf32, #tpu.memory_space<hbm>>) target(%arg9 : memref<64x128xf32, #tpu.memory_space<vmem>>) offsets(%arg10 : memref<64xi32, #tpu.memory_space<vmem>>) semaphore(%arg12 : memref<!tpu.dma_semaphore, #tpu.memory_space<semaphore_mem>>)
        %dma_wait3A = arith.constant 0 : i32
        %dma_wait3A_65 = arith.constant 0 : i32
        %dma_wait3A_66 = tpu.memref_slice %arg2[%dma_wait3A, %dma_wait3A_65] : memref<180224x128xf32, #tpu.memory_space<hbm>> -> memref<180224x128xf32, #tpu.memory_space<hbm>>
        tpu.wait_indirect_dma semaphore(%arg12 : memref<!tpu.dma_semaphore, #tpu.memory_space<semaphore_mem>>) src(%dma_wait3A_66 : memref<180224x128xf32, #tpu.memory_space<hbm>>) dst(%arg9 : memref<64x128xf32, #tpu.memory_space<vmem>>)
        "tpu.region"() ({
          %run_scoped3A = tpu.sem_alloc : memref<!tpu.dma_semaphore, #tpu.memory_space<semaphore_mem>>
          %dma_start3A_68 = arith.constant 0 : i32
          %dma_start3A_69 = tpu.memref_slice %arg8[%add3A_62, %dma_start3A_68] : memref<10240x128xf32, #tpu.memory_space<hbm>> -> memref<64x128xf32, #tpu.memory_space<hbm>>
          %dma_start3A_70 = arith.constant 0 : i32
          %dma_start3A_71 = tpu.memref_slice %arg8[%add3A_62, %dma_start3A_70] : memref<10240x128xf32, #tpu.memory_space<hbm>> -> memref<64x128xf32, #tpu.memory_space<hbm>>
          tpu.enqueue_dma source(%arg9 : memref<64x128xf32, #tpu.memory_space<vmem>>) target(%dma_start3A_71 : memref<64x128xf32, #tpu.memory_space<hbm>>) target_semaphore(%run_scoped3A : memref<!tpu.dma_semaphore, #tpu.memory_space<semaphore_mem>>)
          %dma_wait3A_72 = arith.constant 0 : i32
          %dma_wait3A_73 = tpu.memref_slice %arg8[%add3A_62, %dma_wait3A_72] : memref<10240x128xf32, #tpu.memory_space<hbm>> -> memref<64x128xf32, #tpu.memory_space<hbm>>
          %dma_wait3A_74 = arith.constant 0 : i32
          %dma_wait3A_75 = tpu.memref_slice %arg8[%add3A_62, %dma_wait3A_74] : memref<10240x128xf32, #tpu.memory_space<hbm>> -> memref<64x128xf32, #tpu.memory_space<hbm>>
          tpu.wait_dma2 semaphore(%run_scoped3A : memref<!tpu.dma_semaphore, #tpu.memory_space<semaphore_mem>>) src(%arg9 : memref<64x128xf32, #tpu.memory_space<vmem>>) dst(%dma_wait3A_75 : memref<64x128xf32, #tpu.memory_space<hbm>>)
          tpu.yield
        }) : () -> ()
        %scan3A_67 = arith.constant 0 : i32
        scf.yield %scan3A_67 : i32
      }
      %scan3A_55 = arith.constant 10 : i32
    } else {
    }
    %eq3A_40 = arith.constant 1 : i32
    %eq3A_41 = arith.cmpi eq, %arg0, %eq3A_40 : i32
    %convert_element_type3A_42 = arith.extui %eq3A_41 : i1 to i32
    %cond3A_43 = arith.constant 0 : i32
    %cond3A_44 = arith.cmpi ne, %convert_element_type3A_42, %cond3A_43 : i32
    scf.if %cond3A_44 {
      %mul3A_45 = arith.constant 640 : i32
      %mul3A_46 = arith.muli %arg1, %mul3A_45 : i32
      %mul3A_47 = arith.constant 640 : i32
      %mul3A_48 = arith.muli %arg1, %mul3A_47 : i32
      "tpu.region"() ({
        %run_scoped3A = tpu.sem_alloc : memref<!tpu.dma_semaphore, #tpu.memory_space<semaphore_mem>>
        %dma_start3A = arith.constant 0 : i32
        %dma_start3A_49 = tpu.memref_slice %arg7[%mul3A_48, %dma_start3A] : memref<10240x128xf32, #tpu.memory_space<hbm>> -> memref<640x128xf32, #tpu.memory_space<hbm>>
        %dma_start3A_50 = arith.constant 0 : i32
        %dma_start3A_51 = tpu.memref_slice %arg11[%mul3A_46, %dma_start3A_50] : memref<10240x128xf32, #tpu.memory_space<vmem_shared>> -> memref<640x128xf32, #tpu.memory_space<vmem_shared>>
        tpu.enqueue_dma source(%dma_start3A_51 : memref<640x128xf32, #tpu.memory_space<vmem_shared>>) target(%dma_start3A_49 : memref<640x128xf32, #tpu.memory_space<hbm>>) target_semaphore(%run_scoped3A : memref<!tpu.dma_semaphore, #tpu.memory_space<semaphore_mem>>)
        %dma_wait3A = arith.constant 0 : i32
        %dma_wait3A_52 = tpu.memref_slice %arg7[%mul3A_48, %dma_wait3A] : memref<10240x128xf32, #tpu.memory_space<hbm>> -> memref<640x128xf32, #tpu.memory_space<hbm>>
        %dma_wait3A_53 = arith.constant 0 : i32
        %dma_wait3A_54 = tpu.memref_slice %arg11[%mul3A_46, %dma_wait3A_53] : memref<10240x128xf32, #tpu.memory_space<vmem_shared>> -> memref<640x128xf32, #tpu.memory_space<vmem_shared>>
        tpu.wait_dma2 semaphore(%run_scoped3A : memref<!tpu.dma_semaphore, #tpu.memory_space<semaphore_mem>>) src(%dma_wait3A_54 : memref<640x128xf32, #tpu.memory_space<vmem_shared>>) dst(%dma_wait3A_52 : memref<640x128xf32, #tpu.memory_space<hbm>>)
        tpu.yield
      }) : () -> ()
    } else {
    }
    return
  }
}

#map = affine_map<(d0, d1) -> (0, 0)>
#map1 = affine_map<(d0, d1) -> (0)>
#map2 = affine_map<(d0, d1) -> (0, 0, 0)>
module attributes {stable_mosaic.version = 14 : i64} {
  func.func @k(%arg0: i32, %arg1: i32, %arg2: memref<180224x128xf32, #tpu.memory_space<hbm>>, %arg3: memref<180224xi32, #tpu.memory_space<hbm>>, %arg4: memref<10240xi32, #tpu.memory_space<hbm>>, %arg5: memref<2x10240x128xf32, #tpu.memory_space<hbm>>, %arg6: memref<10240x128xf32, #tpu.memory_space<hbm>>, %arg7: memref<64x128xf32, #tpu.memory_space<vmem>>, %arg8: memref<64xi32, #tpu.memory_space<vmem>>, %arg9: memref<10240x128xf32, #tpu.memory_space<vmem_shared>>, %arg10: memref<!tpu.dma_semaphore, #tpu.memory_space<semaphore_mem>>) attributes {dimension_semantics = [#tpu.dimension_semantics<core_parallel>, #tpu.dimension_semantics<subcore_parallel>], iteration_bounds = array<i64: 2, 16>, scalar_prefetch = 0 : i64, scratch_operands = 4 : i64, tpu.core_type = #tpu.core_type<sc_vector_subcore>, window_params = [{transform_indices = #map}, {transform_indices = #map1}, {transform_indices = #map1}, {transform_indices = #map2}, {transform_indices = #map}]} {
    %broadcast_in_dim3A = arith.constant 0.000000e+00 : f32
    %broadcast_in_dim3A_0 = vector.broadcast %broadcast_in_dim3A : f32 to vector<16xf32>
    %scan3A = arith.constant 0 : i32
    %scan3A_1 = arith.constant 0 : i32
    %scan3A_2 = arith.constant 64 : i32
    %scan3A_3 = arith.addi %scan3A_1, %scan3A_2 : i32
    %scan3A_4 = arith.constant 1 : i32
    %scan3A_5 = scf.for %scan3A_41 = %scan3A_1 to %scan3A_3 step %scan3A_4 iter_args(%scan3A_42 = %scan3A) -> (i32)  : i32 {
      %swap3A = arith.index_cast %scan3A_41 : i32 to index
      %swap3A_43 = arith.constant 0 : index
      %swap3A_44 = tpu.vector_load %arg7[%swap3A, %swap3A_43] {strides = array<i32>} : memref<64x128xf32, #tpu.memory_space<vmem>>, vector<16xf32>,
      tpu.vector_store %arg7[%swap3A, %swap3A_43], %broadcast_in_dim3A_0 {strides = array<i32>} : memref<64x128xf32, #tpu.memory_space<vmem>>, vector<16xf32>,
      %swap3A_45 = arith.index_cast %scan3A_41 : i32 to index
      %swap3A_46 = arith.constant 16 : index
      %swap3A_47 = tpu.vector_load %arg7[%swap3A_45, %swap3A_46] {strides = array<i32>} : memref<64x128xf32, #tpu.memory_space<vmem>>, vector<16xf32>,
      tpu.vector_store %arg7[%swap3A_45, %swap3A_46], %broadcast_in_dim3A_0 {strides = array<i32>} : memref<64x128xf32, #tpu.memory_space<vmem>>, vector<16xf32>,
      %swap3A_48 = arith.index_cast %scan3A_41 : i32 to index
      %swap3A_49 = arith.constant 32 : index
      %swap3A_50 = tpu.vector_load %arg7[%swap3A_48, %swap3A_49] {strides = array<i32>} : memref<64x128xf32, #tpu.memory_space<vmem>>, vector<16xf32>,
      tpu.vector_store %arg7[%swap3A_48, %swap3A_49], %broadcast_in_dim3A_0 {strides = array<i32>} : memref<64x128xf32, #tpu.memory_space<vmem>>, vector<16xf32>,
      %swap3A_51 = arith.index_cast %scan3A_41 : i32 to index
      %swap3A_52 = arith.constant 48 : index
      %swap3A_53 = tpu.vector_load %arg7[%swap3A_51, %swap3A_52] {strides = array<i32>} : memref<64x128xf32, #tpu.memory_space<vmem>>, vector<16xf32>,
      tpu.vector_store %arg7[%swap3A_51, %swap3A_52], %broadcast_in_dim3A_0 {strides = array<i32>} : memref<64x128xf32, #tpu.memory_space<vmem>>, vector<16xf32>,
      %swap3A_54 = arith.index_cast %scan3A_41 : i32 to index
      %swap3A_55 = arith.constant 64 : index
      %swap3A_56 = tpu.vector_load %arg7[%swap3A_54, %swap3A_55] {strides = array<i32>} : memref<64x128xf32, #tpu.memory_space<vmem>>, vector<16xf32>,
      tpu.vector_store %arg7[%swap3A_54, %swap3A_55], %broadcast_in_dim3A_0 {strides = array<i32>} : memref<64x128xf32, #tpu.memory_space<vmem>>, vector<16xf32>,
      %swap3A_57 = arith.index_cast %scan3A_41 : i32 to index
      %swap3A_58 = arith.constant 80 : index
      %swap3A_59 = tpu.vector_load %arg7[%swap3A_57, %swap3A_58] {strides = array<i32>} : memref<64x128xf32, #tpu.memory_space<vmem>>, vector<16xf32>,
      tpu.vector_store %arg7[%swap3A_57, %swap3A_58], %broadcast_in_dim3A_0 {strides = array<i32>} : memref<64x128xf32, #tpu.memory_space<vmem>>, vector<16xf32>,
      %swap3A_60 = arith.index_cast %scan3A_41 : i32 to index
      %swap3A_61 = arith.constant 96 : index
      %swap3A_62 = tpu.vector_load %arg7[%swap3A_60, %swap3A_61] {strides = array<i32>} : memref<64x128xf32, #tpu.memory_space<vmem>>, vector<16xf32>,
      tpu.vector_store %arg7[%swap3A_60, %swap3A_61], %broadcast_in_dim3A_0 {strides = array<i32>} : memref<64x128xf32, #tpu.memory_space<vmem>>, vector<16xf32>,
      %swap3A_63 = arith.index_cast %scan3A_41 : i32 to index
      %swap3A_64 = arith.constant 112 : index
      %swap3A_65 = tpu.vector_load %arg7[%swap3A_63, %swap3A_64] {strides = array<i32>} : memref<64x128xf32, #tpu.memory_space<vmem>>, vector<16xf32>,
      tpu.vector_store %arg7[%swap3A_63, %swap3A_64], %broadcast_in_dim3A_0 {strides = array<i32>} : memref<64x128xf32, #tpu.memory_space<vmem>>, vector<16xf32>,
      %scan3A_66 = arith.constant 0 : i32
      scf.yield %scan3A_66 : i32
    }
    %scan3A_6 = arith.constant 64 : i32
    %mul3A = arith.constant 640 : i32
    %mul3A_7 = arith.muli %arg1, %mul3A : i32
    %add3A = arith.constant 0 : i32
    %add3A_8 = arith.addi %mul3A_7, %add3A : i32
    "tpu.region"() ({
      %run_scoped3A = tpu.sem_alloc : memref<!tpu.dma_semaphore, #tpu.memory_space<semaphore_mem>>
      %dma_start3A = arith.constant 0 : i32
      %dma_start3A_41 = tpu.memref_slice %arg9[%add3A_8, %dma_start3A] : memref<10240x128xf32, #tpu.memory_space<vmem_shared>> -> memref<64x128xf32, #tpu.memory_space<vmem_shared>>
      %dma_start3A_42 = arith.constant 0 : i32
      %dma_start3A_43 = tpu.memref_slice %arg9[%add3A_8, %dma_start3A_42] : memref<10240x128xf32, #tpu.memory_space<vmem_shared>> -> memref<64x128xf32, #tpu.memory_space<vmem_shared>>
      tpu.enqueue_dma source(%arg7 : memref<64x128xf32, #tpu.memory_space<vmem>>) target(%dma_start3A_43 : memref<64x128xf32, #tpu.memory_space<vmem_shared>>) target_semaphore(%run_scoped3A : memref<!tpu.dma_semaphore, #tpu.memory_space<semaphore_mem>>)
      %dma_wait3A = arith.constant 0 : i32
      %dma_wait3A_44 = tpu.memref_slice %arg9[%add3A_8, %dma_wait3A] : memref<10240x128xf32, #tpu.memory_space<vmem_shared>> -> memref<64x128xf32, #tpu.memory_space<vmem_shared>>
      %dma_wait3A_45 = arith.constant 0 : i32
      %dma_wait3A_46 = tpu.memref_slice %arg9[%add3A_8, %dma_wait3A_45] : memref<10240x128xf32, #tpu.memory_space<vmem_shared>> -> memref<64x128xf32, #tpu.memory_space<vmem_shared>>
      tpu.wait_dma2 semaphore(%run_scoped3A : memref<!tpu.dma_semaphore, #tpu.memory_space<semaphore_mem>>) src(%arg7 : memref<64x128xf32, #tpu.memory_space<vmem>>) dst(%dma_wait3A_46 : memref<64x128xf32, #tpu.memory_space<vmem_shared>>)
      tpu.yield
    }) : () -> ()
    %add3A_9 = arith.constant 64 : i32
    %add3A_10 = arith.addi %mul3A_7, %add3A_9 : i32
    "tpu.region"() ({
      %run_scoped3A = tpu.sem_alloc : memref<!tpu.dma_semaphore, #tpu.memory_space<semaphore_mem>>
      %dma_start3A = arith.constant 0 : i32
      %dma_start3A_41 = tpu.memref_slice %arg9[%add3A_10, %dma_start3A] : memref<10240x128xf32, #tpu.memory_space<vmem_shared>> -> memref<64x128xf32, #tpu.memory_space<vmem_shared>>
      %dma_start3A_42 = arith.constant 0 : i32
      %dma_start3A_43 = tpu.memref_slice %arg9[%add3A_10, %dma_start3A_42] : memref<10240x128xf32, #tpu.memory_space<vmem_shared>> -> memref<64x128xf32, #tpu.memory_space<vmem_shared>>
      tpu.enqueue_dma source(%arg7 : memref<64x128xf32, #tpu.memory_space<vmem>>) target(%dma_start3A_43 : memref<64x128xf32, #tpu.memory_space<vmem_shared>>) target_semaphore(%run_scoped3A : memref<!tpu.dma_semaphore, #tpu.memory_space<semaphore_mem>>)
      %dma_wait3A = arith.constant 0 : i32
      %dma_wait3A_44 = tpu.memref_slice %arg9[%add3A_10, %dma_wait3A] : memref<10240x128xf32, #tpu.memory_space<vmem_shared>> -> memref<64x128xf32, #tpu.memory_space<vmem_shared>>
      %dma_wait3A_45 = arith.constant 0 : i32
      %dma_wait3A_46 = tpu.memref_slice %arg9[%add3A_10, %dma_wait3A_45] : memref<10240x128xf32, #tpu.memory_space<vmem_shared>> -> memref<64x128xf32, #tpu.memory_space<vmem_shared>>
      tpu.wait_dma2 semaphore(%run_scoped3A : memref<!tpu.dma_semaphore, #tpu.memory_space<semaphore_mem>>) src(%arg7 : memref<64x128xf32, #tpu.memory_space<vmem>>) dst(%dma_wait3A_46 : memref<64x128xf32, #tpu.memory_space<vmem_shared>>)
      tpu.yield
    }) : () -> ()
    %add3A_11 = arith.constant 128 : i32
    %add3A_12 = arith.addi %mul3A_7, %add3A_11 : i32
    "tpu.region"() ({
      %run_scoped3A = tpu.sem_alloc : memref<!tpu.dma_semaphore, #tpu.memory_space<semaphore_mem>>
      %dma_start3A = arith.constant 0 : i32
      %dma_start3A_41 = tpu.memref_slice %arg9[%add3A_12, %dma_start3A] : memref<10240x128xf32, #tpu.memory_space<vmem_shared>> -> memref<64x128xf32, #tpu.memory_space<vmem_shared>>
      %dma_start3A_42 = arith.constant 0 : i32
      %dma_start3A_43 = tpu.memref_slice %arg9[%add3A_12, %dma_start3A_42] : memref<10240x128xf32, #tpu.memory_space<vmem_shared>> -> memref<64x128xf32, #tpu.memory_space<vmem_shared>>
      tpu.enqueue_dma source(%arg7 : memref<64x128xf32, #tpu.memory_space<vmem>>) target(%dma_start3A_43 : memref<64x128xf32, #tpu.memory_space<vmem_shared>>) target_semaphore(%run_scoped3A : memref<!tpu.dma_semaphore, #tpu.memory_space<semaphore_mem>>)
      %dma_wait3A = arith.constant 0 : i32
      %dma_wait3A_44 = tpu.memref_slice %arg9[%add3A_12, %dma_wait3A] : memref<10240x128xf32, #tpu.memory_space<vmem_shared>> -> memref<64x128xf32, #tpu.memory_space<vmem_shared>>
      %dma_wait3A_45 = arith.constant 0 : i32
      %dma_wait3A_46 = tpu.memref_slice %arg9[%add3A_12, %dma_wait3A_45] : memref<10240x128xf32, #tpu.memory_space<vmem_shared>> -> memref<64x128xf32, #tpu.memory_space<vmem_shared>>
      tpu.wait_dma2 semaphore(%run_scoped3A : memref<!tpu.dma_semaphore, #tpu.memory_space<semaphore_mem>>) src(%arg7 : memref<64x128xf32, #tpu.memory_space<vmem>>) dst(%dma_wait3A_46 : memref<64x128xf32, #tpu.memory_space<vmem_shared>>)
      tpu.yield
    }) : () -> ()
    %add3A_13 = arith.constant 192 : i32
    %add3A_14 = arith.addi %mul3A_7, %add3A_13 : i32
    "tpu.region"() ({
      %run_scoped3A = tpu.sem_alloc : memref<!tpu.dma_semaphore, #tpu.memory_space<semaphore_mem>>
      %dma_start3A = arith.constant 0 : i32
      %dma_start3A_41 = tpu.memref_slice %arg9[%add3A_14, %dma_start3A] : memref<10240x128xf32, #tpu.memory_space<vmem_shared>> -> memref<64x128xf32, #tpu.memory_space<vmem_shared>>
      %dma_start3A_42 = arith.constant 0 : i32
      %dma_start3A_43 = tpu.memref_slice %arg9[%add3A_14, %dma_start3A_42] : memref<10240x128xf32, #tpu.memory_space<vmem_shared>> -> memref<64x128xf32, #tpu.memory_space<vmem_shared>>
      tpu.enqueue_dma source(%arg7 : memref<64x128xf32, #tpu.memory_space<vmem>>) target(%dma_start3A_43 : memref<64x128xf32, #tpu.memory_space<vmem_shared>>) target_semaphore(%run_scoped3A : memref<!tpu.dma_semaphore, #tpu.memory_space<semaphore_mem>>)
      %dma_wait3A = arith.constant 0 : i32
      %dma_wait3A_44 = tpu.memref_slice %arg9[%add3A_14, %dma_wait3A] : memref<10240x128xf32, #tpu.memory_space<vmem_shared>> -> memref<64x128xf32, #tpu.memory_space<vmem_shared>>
      %dma_wait3A_45 = arith.constant 0 : i32
      %dma_wait3A_46 = tpu.memref_slice %arg9[%add3A_14, %dma_wait3A_45] : memref<10240x128xf32, #tpu.memory_space<vmem_shared>> -> memref<64x128xf32, #tpu.memory_space<vmem_shared>>
      tpu.wait_dma2 semaphore(%run_scoped3A : memref<!tpu.dma_semaphore, #tpu.memory_space<semaphore_mem>>) src(%arg7 : memref<64x128xf32, #tpu.memory_space<vmem>>) dst(%dma_wait3A_46 : memref<64x128xf32, #tpu.memory_space<vmem_shared>>)
      tpu.yield
    }) : () -> ()
    %add3A_15 = arith.constant 256 : i32
    %add3A_16 = arith.addi %mul3A_7, %add3A_15 : i32
    "tpu.region"() ({
      %run_scoped3A = tpu.sem_alloc : memref<!tpu.dma_semaphore, #tpu.memory_space<semaphore_mem>>
      %dma_start3A = arith.constant 0 : i32
      %dma_start3A_41 = tpu.memref_slice %arg9[%add3A_16, %dma_start3A] : memref<10240x128xf32, #tpu.memory_space<vmem_shared>> -> memref<64x128xf32, #tpu.memory_space<vmem_shared>>
      %dma_start3A_42 = arith.constant 0 : i32
      %dma_start3A_43 = tpu.memref_slice %arg9[%add3A_16, %dma_start3A_42] : memref<10240x128xf32, #tpu.memory_space<vmem_shared>> -> memref<64x128xf32, #tpu.memory_space<vmem_shared>>
      tpu.enqueue_dma source(%arg7 : memref<64x128xf32, #tpu.memory_space<vmem>>) target(%dma_start3A_43 : memref<64x128xf32, #tpu.memory_space<vmem_shared>>) target_semaphore(%run_scoped3A : memref<!tpu.dma_semaphore, #tpu.memory_space<semaphore_mem>>)
      %dma_wait3A = arith.constant 0 : i32
      %dma_wait3A_44 = tpu.memref_slice %arg9[%add3A_16, %dma_wait3A] : memref<10240x128xf32, #tpu.memory_space<vmem_shared>> -> memref<64x128xf32, #tpu.memory_space<vmem_shared>>
      %dma_wait3A_45 = arith.constant 0 : i32
      %dma_wait3A_46 = tpu.memref_slice %arg9[%add3A_16, %dma_wait3A_45] : memref<10240x128xf32, #tpu.memory_space<vmem_shared>> -> memref<64x128xf32, #tpu.memory_space<vmem_shared>>
      tpu.wait_dma2 semaphore(%run_scoped3A : memref<!tpu.dma_semaphore, #tpu.memory_space<semaphore_mem>>) src(%arg7 : memref<64x128xf32, #tpu.memory_space<vmem>>) dst(%dma_wait3A_46 : memref<64x128xf32, #tpu.memory_space<vmem_shared>>)
      tpu.yield
    }) : () -> ()
    %add3A_17 = arith.constant 320 : i32
    %add3A_18 = arith.addi %mul3A_7, %add3A_17 : i32
    "tpu.region"() ({
      %run_scoped3A = tpu.sem_alloc : memref<!tpu.dma_semaphore, #tpu.memory_space<semaphore_mem>>
      %dma_start3A = arith.constant 0 : i32
      %dma_start3A_41 = tpu.memref_slice %arg9[%add3A_18, %dma_start3A] : memref<10240x128xf32, #tpu.memory_space<vmem_shared>> -> memref<64x128xf32, #tpu.memory_space<vmem_shared>>
      %dma_start3A_42 = arith.constant 0 : i32
      %dma_start3A_43 = tpu.memref_slice %arg9[%add3A_18, %dma_start3A_42] : memref<10240x128xf32, #tpu.memory_space<vmem_shared>> -> memref<64x128xf32, #tpu.memory_space<vmem_shared>>
      tpu.enqueue_dma source(%arg7 : memref<64x128xf32, #tpu.memory_space<vmem>>) target(%dma_start3A_43 : memref<64x128xf32, #tpu.memory_space<vmem_shared>>) target_semaphore(%run_scoped3A : memref<!tpu.dma_semaphore, #tpu.memory_space<semaphore_mem>>)
      %dma_wait3A = arith.constant 0 : i32
      %dma_wait3A_44 = tpu.memref_slice %arg9[%add3A_18, %dma_wait3A] : memref<10240x128xf32, #tpu.memory_space<vmem_shared>> -> memref<64x128xf32, #tpu.memory_space<vmem_shared>>
      %dma_wait3A_45 = arith.constant 0 : i32
      %dma_wait3A_46 = tpu.memref_slice %arg9[%add3A_18, %dma_wait3A_45] : memref<10240x128xf32, #tpu.memory_space<vmem_shared>> -> memref<64x128xf32, #tpu.memory_space<vmem_shared>>
      tpu.wait_dma2 semaphore(%run_scoped3A : memref<!tpu.dma_semaphore, #tpu.memory_space<semaphore_mem>>) src(%arg7 : memref<64x128xf32, #tpu.memory_space<vmem>>) dst(%dma_wait3A_46 : memref<64x128xf32, #tpu.memory_space<vmem_shared>>)
      tpu.yield
    }) : () -> ()
    %add3A_19 = arith.constant 384 : i32
    %add3A_20 = arith.addi %mul3A_7, %add3A_19 : i32
    "tpu.region"() ({
      %run_scoped3A = tpu.sem_alloc : memref<!tpu.dma_semaphore, #tpu.memory_space<semaphore_mem>>
      %dma_start3A = arith.constant 0 : i32
      %dma_start3A_41 = tpu.memref_slice %arg9[%add3A_20, %dma_start3A] : memref<10240x128xf32, #tpu.memory_space<vmem_shared>> -> memref<64x128xf32, #tpu.memory_space<vmem_shared>>
      %dma_start3A_42 = arith.constant 0 : i32
      %dma_start3A_43 = tpu.memref_slice %arg9[%add3A_20, %dma_start3A_42] : memref<10240x128xf32, #tpu.memory_space<vmem_shared>> -> memref<64x128xf32, #tpu.memory_space<vmem_shared>>
      tpu.enqueue_dma source(%arg7 : memref<64x128xf32, #tpu.memory_space<vmem>>) target(%dma_start3A_43 : memref<64x128xf32, #tpu.memory_space<vmem_shared>>) target_semaphore(%run_scoped3A : memref<!tpu.dma_semaphore, #tpu.memory_space<semaphore_mem>>)
      %dma_wait3A = arith.constant 0 : i32
      %dma_wait3A_44 = tpu.memref_slice %arg9[%add3A_20, %dma_wait3A] : memref<10240x128xf32, #tpu.memory_space<vmem_shared>> -> memref<64x128xf32, #tpu.memory_space<vmem_shared>>
      %dma_wait3A_45 = arith.constant 0 : i32
      %dma_wait3A_46 = tpu.memref_slice %arg9[%add3A_20, %dma_wait3A_45] : memref<10240x128xf32, #tpu.memory_space<vmem_shared>> -> memref<64x128xf32, #tpu.memory_space<vmem_shared>>
      tpu.wait_dma2 semaphore(%run_scoped3A : memref<!tpu.dma_semaphore, #tpu.memory_space<semaphore_mem>>) src(%arg7 : memref<64x128xf32, #tpu.memory_space<vmem>>) dst(%dma_wait3A_46 : memref<64x128xf32, #tpu.memory_space<vmem_shared>>)
      tpu.yield
    }) : () -> ()
    %add3A_21 = arith.constant 448 : i32
    %add3A_22 = arith.addi %mul3A_7, %add3A_21 : i32
    "tpu.region"() ({
      %run_scoped3A = tpu.sem_alloc : memref<!tpu.dma_semaphore, #tpu.memory_space<semaphore_mem>>
      %dma_start3A = arith.constant 0 : i32
      %dma_start3A_41 = tpu.memref_slice %arg9[%add3A_22, %dma_start3A] : memref<10240x128xf32, #tpu.memory_space<vmem_shared>> -> memref<64x128xf32, #tpu.memory_space<vmem_shared>>
      %dma_start3A_42 = arith.constant 0 : i32
      %dma_start3A_43 = tpu.memref_slice %arg9[%add3A_22, %dma_start3A_42] : memref<10240x128xf32, #tpu.memory_space<vmem_shared>> -> memref<64x128xf32, #tpu.memory_space<vmem_shared>>
      tpu.enqueue_dma source(%arg7 : memref<64x128xf32, #tpu.memory_space<vmem>>) target(%dma_start3A_43 : memref<64x128xf32, #tpu.memory_space<vmem_shared>>) target_semaphore(%run_scoped3A : memref<!tpu.dma_semaphore, #tpu.memory_space<semaphore_mem>>)
      %dma_wait3A = arith.constant 0 : i32
      %dma_wait3A_44 = tpu.memref_slice %arg9[%add3A_22, %dma_wait3A] : memref<10240x128xf32, #tpu.memory_space<vmem_shared>> -> memref<64x128xf32, #tpu.memory_space<vmem_shared>>
      %dma_wait3A_45 = arith.constant 0 : i32
      %dma_wait3A_46 = tpu.memref_slice %arg9[%add3A_22, %dma_wait3A_45] : memref<10240x128xf32, #tpu.memory_space<vmem_shared>> -> memref<64x128xf32, #tpu.memory_space<vmem_shared>>
      tpu.wait_dma2 semaphore(%run_scoped3A : memref<!tpu.dma_semaphore, #tpu.memory_space<semaphore_mem>>) src(%arg7 : memref<64x128xf32, #tpu.memory_space<vmem>>) dst(%dma_wait3A_46 : memref<64x128xf32, #tpu.memory_space<vmem_shared>>)
      tpu.yield
    }) : () -> ()
    %add3A_23 = arith.constant 512 : i32
    %add3A_24 = arith.addi %mul3A_7, %add3A_23 : i32
    "tpu.region"() ({
      %run_scoped3A = tpu.sem_alloc : memref<!tpu.dma_semaphore, #tpu.memory_space<semaphore_mem>>
      %dma_start3A = arith.constant 0 : i32
      %dma_start3A_41 = tpu.memref_slice %arg9[%add3A_24, %dma_start3A] : memref<10240x128xf32, #tpu.memory_space<vmem_shared>> -> memref<64x128xf32, #tpu.memory_space<vmem_shared>>
      %dma_start3A_42 = arith.constant 0 : i32
      %dma_start3A_43 = tpu.memref_slice %arg9[%add3A_24, %dma_start3A_42] : memref<10240x128xf32, #tpu.memory_space<vmem_shared>> -> memref<64x128xf32, #tpu.memory_space<vmem_shared>>
      tpu.enqueue_dma source(%arg7 : memref<64x128xf32, #tpu.memory_space<vmem>>) target(%dma_start3A_43 : memref<64x128xf32, #tpu.memory_space<vmem_shared>>) target_semaphore(%run_scoped3A : memref<!tpu.dma_semaphore, #tpu.memory_space<semaphore_mem>>)
      %dma_wait3A = arith.constant 0 : i32
      %dma_wait3A_44 = tpu.memref_slice %arg9[%add3A_24, %dma_wait3A] : memref<10240x128xf32, #tpu.memory_space<vmem_shared>> -> memref<64x128xf32, #tpu.memory_space<vmem_shared>>
      %dma_wait3A_45 = arith.constant 0 : i32
      %dma_wait3A_46 = tpu.memref_slice %arg9[%add3A_24, %dma_wait3A_45] : memref<10240x128xf32, #tpu.memory_space<vmem_shared>> -> memref<64x128xf32, #tpu.memory_space<vmem_shared>>
      tpu.wait_dma2 semaphore(%run_scoped3A : memref<!tpu.dma_semaphore, #tpu.memory_space<semaphore_mem>>) src(%arg7 : memref<64x128xf32, #tpu.memory_space<vmem>>) dst(%dma_wait3A_46 : memref<64x128xf32, #tpu.memory_space<vmem_shared>>)
      tpu.yield
    }) : () -> ()
    %add3A_25 = arith.constant 576 : i32
    %add3A_26 = arith.addi %mul3A_7, %add3A_25 : i32
    "tpu.region"() ({
      %run_scoped3A = tpu.sem_alloc : memref<!tpu.dma_semaphore, #tpu.memory_space<semaphore_mem>>
      %dma_start3A = arith.constant 0 : i32
      %dma_start3A_41 = tpu.memref_slice %arg9[%add3A_26, %dma_start3A] : memref<10240x128xf32, #tpu.memory_space<vmem_shared>> -> memref<64x128xf32, #tpu.memory_space<vmem_shared>>
      %dma_start3A_42 = arith.constant 0 : i32
      %dma_start3A_43 = tpu.memref_slice %arg9[%add3A_26, %dma_start3A_42] : memref<10240x128xf32, #tpu.memory_space<vmem_shared>> -> memref<64x128xf32, #tpu.memory_space<vmem_shared>>
      tpu.enqueue_dma source(%arg7 : memref<64x128xf32, #tpu.memory_space<vmem>>) target(%dma_start3A_43 : memref<64x128xf32, #tpu.memory_space<vmem_shared>>) target_semaphore(%run_scoped3A : memref<!tpu.dma_semaphore, #tpu.memory_space<semaphore_mem>>)
      %dma_wait3A = arith.constant 0 : i32
      %dma_wait3A_44 = tpu.memref_slice %arg9[%add3A_26, %dma_wait3A] : memref<10240x128xf32, #tpu.memory_space<vmem_shared>> -> memref<64x128xf32, #tpu.memory_space<vmem_shared>>
      %dma_wait3A_45 = arith.constant 0 : i32
      %dma_wait3A_46 = tpu.memref_slice %arg9[%add3A_26, %dma_wait3A_45] : memref<10240x128xf32, #tpu.memory_space<vmem_shared>> -> memref<64x128xf32, #tpu.memory_space<vmem_shared>>
      tpu.wait_dma2 semaphore(%run_scoped3A : memref<!tpu.dma_semaphore, #tpu.memory_space<semaphore_mem>>) src(%arg7 : memref<64x128xf32, #tpu.memory_space<vmem>>) dst(%dma_wait3A_46 : memref<64x128xf32, #tpu.memory_space<vmem_shared>>)
      tpu.yield
    }) : () -> ()
    %barrier3A = arith.constant 0 : index
    tpu.barrier barrier_id(%barrier3A)
    %scan3A_27 = arith.constant 0 : i32
    %scan3A_28 = arith.constant 0 : i32
    %scan3A_29 = arith.constant 88 : i32
    %scan3A_30 = arith.addi %scan3A_28, %scan3A_29 : i32
    %scan3A_31 = arith.constant 1 : i32
    %scan3A_32 = scf.for %scan3A_41 = %scan3A_28 to %scan3A_30 step %scan3A_31 iter_args(%scan3A_42 = %scan3A_27) -> (i32)  : i32 {
      %mul3A_43 = arith.constant 90112 : i32
      %mul3A_44 = arith.muli %arg0, %mul3A_43 : i32
      %mul3A_45 = arith.constant 5632 : i32
      %mul3A_46 = arith.muli %arg1, %mul3A_45 : i32
      %add3A_47 = arith.addi %mul3A_44, %mul3A_46 : i32
      %mul3A_48 = arith.constant 64 : i32
      %mul3A_49 = arith.muli %scan3A_41, %mul3A_48 : i32
      %add3A_50 = arith.addi %add3A_47, %mul3A_49 : i32
      "tpu.region"() ({
        %run_scoped3A = tpu.sem_alloc : memref<!tpu.dma_semaphore, #tpu.memory_space<semaphore_mem>>
        %dma_start3A = tpu.memref_slice %arg3[%add3A_50] : memref<180224xi32, #tpu.memory_space<hbm>> -> memref<64xi32, #tpu.memory_space<hbm>>
        %dma_start3A_52 = tpu.memref_slice %arg3[%add3A_50] : memref<180224xi32, #tpu.memory_space<hbm>> -> memref<64xi32, #tpu.memory_space<hbm>>
        tpu.enqueue_dma source(%dma_start3A_52 : memref<64xi32, #tpu.memory_space<hbm>>) target(%arg8 : memref<64xi32, #tpu.memory_space<vmem>>) target_semaphore(%run_scoped3A : memref<!tpu.dma_semaphore, #tpu.memory_space<semaphore_mem>>)
        %dma_wait3A = tpu.memref_slice %arg3[%add3A_50] : memref<180224xi32, #tpu.memory_space<hbm>> -> memref<64xi32, #tpu.memory_space<hbm>>
        %dma_wait3A_53 = tpu.memref_slice %arg3[%add3A_50] : memref<180224xi32, #tpu.memory_space<hbm>> -> memref<64xi32, #tpu.memory_space<hbm>>
        tpu.wait_dma2 semaphore(%run_scoped3A : memref<!tpu.dma_semaphore, #tpu.memory_space<semaphore_mem>>) src(%dma_wait3A_53 : memref<64xi32, #tpu.memory_space<hbm>>) dst(%arg8 : memref<64xi32, #tpu.memory_space<vmem>>)
        tpu.yield
      }) : () -> ()
      "tpu.region"() ({
        %run_scoped3A = tpu.sem_alloc : memref<!tpu.dma_semaphore, #tpu.memory_space<semaphore_mem>>
        %dma_start3A = arith.constant 0 : i32
        %dma_start3A_52 = tpu.memref_slice %arg2[%add3A_50, %dma_start3A] : memref<180224x128xf32, #tpu.memory_space<hbm>> -> memref<64x128xf32, #tpu.memory_space<hbm>>
        %dma_start3A_53 = arith.constant 0 : i32
        %dma_start3A_54 = tpu.memref_slice %arg2[%add3A_50, %dma_start3A_53] : memref<180224x128xf32, #tpu.memory_space<hbm>> -> memref<64x128xf32, #tpu.memory_space<hbm>>
        tpu.enqueue_dma source(%dma_start3A_54 : memref<64x128xf32, #tpu.memory_space<hbm>>) target(%arg7 : memref<64x128xf32, #tpu.memory_space<vmem>>) target_semaphore(%run_scoped3A : memref<!tpu.dma_semaphore, #tpu.memory_space<semaphore_mem>>)
        %dma_wait3A = arith.constant 0 : i32
        %dma_wait3A_55 = tpu.memref_slice %arg2[%add3A_50, %dma_wait3A] : memref<180224x128xf32, #tpu.memory_space<hbm>> -> memref<64x128xf32, #tpu.memory_space<hbm>>
        %dma_wait3A_56 = arith.constant 0 : i32
        %dma_wait3A_57 = tpu.memref_slice %arg2[%add3A_50, %dma_wait3A_56] : memref<180224x128xf32, #tpu.memory_space<hbm>> -> memref<64x128xf32, #tpu.memory_space<hbm>>
        tpu.wait_dma2 semaphore(%run_scoped3A : memref<!tpu.dma_semaphore, #tpu.memory_space<semaphore_mem>>) src(%dma_wait3A_57 : memref<64x128xf32, #tpu.memory_space<hbm>>) dst(%arg7 : memref<64x128xf32, #tpu.memory_space<vmem>>)
        tpu.yield
      }) : () -> ()
      "tpu.region"() ({
        %run_scoped3A = tpu.sem_alloc : memref<!tpu.dma_semaphore, #tpu.memory_space<semaphore_mem>>
        %dma_start3A = arith.constant 0 : i32
        %dma_start3A_52 = arith.constant 0 : i32
        %dma_start3A_53 = tpu.memref_slice %arg9[%dma_start3A, %dma_start3A_52] : memref<10240x128xf32, #tpu.memory_space<vmem_shared>> -> memref<10240x128xf32, #tpu.memory_space<vmem_shared>>
        tpu.enqueue_indirect_dma source(%arg7 : memref<64x128xf32, #tpu.memory_space<vmem>>) target(%dma_start3A_53 : memref<10240x128xf32, #tpu.memory_space<vmem_shared>>) offsets(%arg8 : memref<64xi32, #tpu.memory_space<vmem>>) semaphore(%run_scoped3A : memref<!tpu.dma_semaphore, #tpu.memory_space<semaphore_mem>>) {add = true}
        %dma_wait3A = arith.constant 0 : i32
        %dma_wait3A_54 = arith.constant 0 : i32
        %dma_wait3A_55 = tpu.memref_slice %arg9[%dma_wait3A, %dma_wait3A_54] : memref<10240x128xf32, #tpu.memory_space<vmem_shared>> -> memref<10240x128xf32, #tpu.memory_space<vmem_shared>>
        tpu.wait_indirect_dma semaphore(%run_scoped3A : memref<!tpu.dma_semaphore, #tpu.memory_space<semaphore_mem>>) src(%arg7 : memref<64x128xf32, #tpu.memory_space<vmem>>) dst(%dma_wait3A_55 : memref<10240x128xf32, #tpu.memory_space<vmem_shared>>)
        tpu.yield
      }) : () -> ()
      %scan3A_51 = arith.constant 0 : i32
      scf.yield %scan3A_51 : i32
    }
    %scan3A_33 = arith.constant 88 : i32
    %barrier3A_34 = arith.constant 0 : index
    tpu.barrier barrier_id(%barrier3A_34)
    %mul3A_35 = arith.constant 640 : i32
    %mul3A_36 = arith.muli %arg1, %mul3A_35 : i32
    %mul3A_37 = arith.constant 640 : i32
    %mul3A_38 = arith.muli %arg1, %mul3A_37 : i32
    "tpu.region"() ({
      %run_scoped3A = tpu.sem_alloc : memref<!tpu.dma_semaphore, #tpu.memory_space<semaphore_mem>>
      %dma_start3A = arith.constant 0 : i32
      %dma_start3A_41 = tpu.memref_slice %arg5[%arg0, %mul3A_38, %dma_start3A] : memref<2x10240x128xf32, #tpu.memory_space<hbm>> -> memref<1x640x128xf32, #tpu.memory_space<hbm>>
      %dma_start3A_42 = tpu.memref_squeeze %dma_start3A_41 : memref<1x640x128xf32, #tpu.memory_space<hbm>> -> memref<640x128xf32, #tpu.memory_space<hbm>>
      %dma_start3A_43 = arith.constant 0 : i32
      %dma_start3A_44 = tpu.memref_slice %arg9[%mul3A_36, %dma_start3A_43] : memref<10240x128xf32, #tpu.memory_space<vmem_shared>> -> memref<640x128xf32, #tpu.memory_space<vmem_shared>>
      tpu.enqueue_dma source(%dma_start3A_44 : memref<640x128xf32, #tpu.memory_space<vmem_shared>>) target(%dma_start3A_42 : memref<640x128xf32, #tpu.memory_space<hbm>>) target_semaphore(%run_scoped3A : memref<!tpu.dma_semaphore, #tpu.memory_space<semaphore_mem>>)
      %dma_wait3A = arith.constant 0 : i32
      %dma_wait3A_45 = tpu.memref_slice %arg5[%arg0, %mul3A_38, %dma_wait3A] : memref<2x10240x128xf32, #tpu.memory_space<hbm>> -> memref<1x640x128xf32, #tpu.memory_space<hbm>>
      %dma_wait3A_46 = tpu.memref_squeeze %dma_wait3A_45 : memref<1x640x128xf32, #tpu.memory_space<hbm>> -> memref<640x128xf32, #tpu.memory_space<hbm>>
      %dma_wait3A_47 = arith.constant 0 : i32
      %dma_wait3A_48 = tpu.memref_slice %arg9[%mul3A_36, %dma_wait3A_47] : memref<10240x128xf32, #tpu.memory_space<vmem_shared>> -> memref<640x128xf32, #tpu.memory_space<vmem_shared>>
      tpu.wait_dma2 semaphore(%run_scoped3A : memref<!tpu.dma_semaphore, #tpu.memory_space<semaphore_mem>>) src(%dma_wait3A_48 : memref<640x128xf32, #tpu.memory_space<vmem_shared>>) dst(%dma_wait3A_46 : memref<640x128xf32, #tpu.memory_space<hbm>>)
      tpu.yield
    }) : () -> ()
    %eq3A = arith.constant 0 : i32
    %eq3A_39 = arith.cmpi eq, %arg0, %eq3A : i32
    %convert_element_type3A = arith.extui %eq3A_39 : i1 to i32
    %cond3A = arith.constant 0 : i32
    %cond3A_40 = arith.cmpi ne, %convert_element_type3A, %cond3A : i32
    scf.if %cond3A_40 {
      %scan3A_41 = arith.constant 0 : i32
      %scan3A_42 = arith.constant 0 : i32
      %scan3A_43 = arith.constant 10 : i32
      %scan3A_44 = arith.addi %scan3A_42, %scan3A_43 : i32
      %scan3A_45 = arith.constant 1 : i32
      %scan3A_46 = scf.for %scan3A_48 = %scan3A_42 to %scan3A_44 step %scan3A_45 iter_args(%scan3A_49 = %scan3A_41) -> (i32)  : i32 {
        %mul3A_50 = arith.constant 640 : i32
        %mul3A_51 = arith.muli %arg1, %mul3A_50 : i32
        %mul3A_52 = arith.constant 64 : i32
        %mul3A_53 = arith.muli %scan3A_48, %mul3A_52 : i32
        %add3A_54 = arith.addi %mul3A_51, %mul3A_53 : i32
        "tpu.region"() ({
          %run_scoped3A = tpu.sem_alloc : memref<!tpu.dma_semaphore, #tpu.memory_space<semaphore_mem>>
          %dma_start3A_60 = tpu.memref_slice %arg4[%add3A_54] : memref<10240xi32, #tpu.memory_space<hbm>> -> memref<64xi32, #tpu.memory_space<hbm>>
          %dma_start3A_61 = tpu.memref_slice %arg4[%add3A_54] : memref<10240xi32, #tpu.memory_space<hbm>> -> memref<64xi32, #tpu.memory_space<hbm>>
          tpu.enqueue_dma source(%dma_start3A_61 : memref<64xi32, #tpu.memory_space<hbm>>) target(%arg8 : memref<64xi32, #tpu.memory_space<vmem>>) target_semaphore(%run_scoped3A : memref<!tpu.dma_semaphore, #tpu.memory_space<semaphore_mem>>)
          %dma_wait3A_62 = tpu.memref_slice %arg4[%add3A_54] : memref<10240xi32, #tpu.memory_space<hbm>> -> memref<64xi32, #tpu.memory_space<hbm>>
          %dma_wait3A_63 = tpu.memref_slice %arg4[%add3A_54] : memref<10240xi32, #tpu.memory_space<hbm>> -> memref<64xi32, #tpu.memory_space<hbm>>
          tpu.wait_dma2 semaphore(%run_scoped3A : memref<!tpu.dma_semaphore, #tpu.memory_space<semaphore_mem>>) src(%dma_wait3A_63 : memref<64xi32, #tpu.memory_space<hbm>>) dst(%arg8 : memref<64xi32, #tpu.memory_space<vmem>>)
          tpu.yield
        }) : () -> ()
        %dma_start3A = arith.constant 0 : i32
        %dma_start3A_55 = arith.constant 0 : i32
        %dma_start3A_56 = tpu.memref_slice %arg2[%dma_start3A, %dma_start3A_55] : memref<180224x128xf32, #tpu.memory_space<hbm>> -> memref<180224x128xf32, #tpu.memory_space<hbm>>
        tpu.enqueue_indirect_dma source(%dma_start3A_56 : memref<180224x128xf32, #tpu.memory_space<hbm>>) target(%arg7 : memref<64x128xf32, #tpu.memory_space<vmem>>) offsets(%arg8 : memref<64xi32, #tpu.memory_space<vmem>>) semaphore(%arg10 : memref<!tpu.dma_semaphore, #tpu.memory_space<semaphore_mem>>)
        %dma_wait3A = arith.constant 0 : i32
        %dma_wait3A_57 = arith.constant 0 : i32
        %dma_wait3A_58 = tpu.memref_slice %arg2[%dma_wait3A, %dma_wait3A_57] : memref<180224x128xf32, #tpu.memory_space<hbm>> -> memref<180224x128xf32, #tpu.memory_space<hbm>>
        tpu.wait_indirect_dma semaphore(%arg10 : memref<!tpu.dma_semaphore, #tpu.memory_space<semaphore_mem>>) src(%dma_wait3A_58 : memref<180224x128xf32, #tpu.memory_space<hbm>>) dst(%arg7 : memref<64x128xf32, #tpu.memory_space<vmem>>)
        "tpu.region"() ({
          %run_scoped3A = tpu.sem_alloc : memref<!tpu.dma_semaphore, #tpu.memory_space<semaphore_mem>>
          %dma_start3A_60 = arith.constant 0 : i32
          %dma_start3A_61 = tpu.memref_slice %arg6[%add3A_54, %dma_start3A_60] : memref<10240x128xf32, #tpu.memory_space<hbm>> -> memref<64x128xf32, #tpu.memory_space<hbm>>
          %dma_start3A_62 = arith.constant 0 : i32
          %dma_start3A_63 = tpu.memref_slice %arg6[%add3A_54, %dma_start3A_62] : memref<10240x128xf32, #tpu.memory_space<hbm>> -> memref<64x128xf32, #tpu.memory_space<hbm>>
          tpu.enqueue_dma source(%arg7 : memref<64x128xf32, #tpu.memory_space<vmem>>) target(%dma_start3A_63 : memref<64x128xf32, #tpu.memory_space<hbm>>) target_semaphore(%run_scoped3A : memref<!tpu.dma_semaphore, #tpu.memory_space<semaphore_mem>>)
          %dma_wait3A_64 = arith.constant 0 : i32
          %dma_wait3A_65 = tpu.memref_slice %arg6[%add3A_54, %dma_wait3A_64] : memref<10240x128xf32, #tpu.memory_space<hbm>> -> memref<64x128xf32, #tpu.memory_space<hbm>>
          %dma_wait3A_66 = arith.constant 0 : i32
          %dma_wait3A_67 = tpu.memref_slice %arg6[%add3A_54, %dma_wait3A_66] : memref<10240x128xf32, #tpu.memory_space<hbm>> -> memref<64x128xf32, #tpu.memory_space<hbm>>
          tpu.wait_dma2 semaphore(%run_scoped3A : memref<!tpu.dma_semaphore, #tpu.memory_space<semaphore_mem>>) src(%arg7 : memref<64x128xf32, #tpu.memory_space<vmem>>) dst(%dma_wait3A_67 : memref<64x128xf32, #tpu.memory_space<hbm>>)
          tpu.yield
        }) : () -> ()
        %scan3A_59 = arith.constant 0 : i32
        scf.yield %scan3A_59 : i32
      }
      %scan3A_47 = arith.constant 10 : i32
    } else {
    }
    return
  }
}

#map = affine_map<(d0, d1) -> (0, 0)>
#map1 = affine_map<(d0, d1) -> (0)>
module attributes {stable_mosaic.version = 14 : i64} {
  func.func @k(%arg0: i32, %arg1: i32, %arg2: memref<10240x128xf32, #tpu.memory_space<hbm>>, %arg3: memref<10240x128xf32, #tpu.memory_space<hbm>>, %arg4: memref<10240x128xf32, #tpu.memory_space<hbm>>, %arg5: memref<180224xi32, #tpu.memory_space<hbm>>, %arg6: memref<180224xi32, #tpu.memory_space<hbm>>, %arg7: memref<10240xi32, #tpu.memory_space<hbm>>, %arg8: memref<180224x128xf32, #tpu.memory_space<hbm>>, %arg9: memref<180224x128xf32, #tpu.memory_space<hbm>>, %arg10: memref<256x128xf32, #tpu.memory_space<vmem>>, %arg11: memref<128x128xf32, #tpu.memory_space<vmem>>, %arg12: memref<256xi32, #tpu.memory_space<vmem>>, %arg13: memref<128xi32, #tpu.memory_space<vmem>>, %arg14: memref<!tpu.dma_semaphore, #tpu.memory_space<semaphore_mem>>) attributes {dimension_semantics = [#tpu.dimension_semantics<core_parallel>, #tpu.dimension_semantics<subcore_parallel>], iteration_bounds = array<i64: 2, 16>, scalar_prefetch = 0 : i64, scratch_operands = 5 : i64, tpu.core_type = #tpu.core_type<sc_vector_subcore>, window_params = [{transform_indices = #map}, {transform_indices = #map}, {transform_indices = #map}, {transform_indices = #map1}, {transform_indices = #map1}, {transform_indices = #map1}, {transform_indices = #map}, {transform_indices = #map}]} {
    %eq3A = arith.constant 0 : i32
    %eq3A_0 = arith.cmpi eq, %arg0, %eq3A : i32
    %convert_element_type3A = arith.extui %eq3A_0 : i1 to i32
    %cond3A = arith.constant 0 : i32
    %cond3A_1 = arith.cmpi ne, %convert_element_type3A, %cond3A : i32
    scf.if %cond3A_1 {
      %scan3A = arith.constant 0 : i32
      %scan3A_12 = arith.constant 0 : i32
      %scan3A_13 = arith.constant 44 : i32
      %scan3A_14 = arith.addi %scan3A_12, %scan3A_13 : i32
      %scan3A_15 = arith.constant 1 : i32
      %scan3A_16 = scf.for %scan3A_18 = %scan3A_12 to %scan3A_14 step %scan3A_15 iter_args(%scan3A_19 = %scan3A) -> (i32)  : i32 {
        %mul3A = arith.constant 11264 : i32
        %mul3A_20 = arith.muli %arg1, %mul3A : i32
        %mul3A_21 = arith.constant 256 : i32
        %mul3A_22 = arith.muli %scan3A_18, %mul3A_21 : i32
        %add3A = arith.addi %mul3A_20, %mul3A_22 : i32
        "tpu.region"() ({
          %run_scoped3A = tpu.sem_alloc : memref<!tpu.dma_semaphore, #tpu.memory_space<semaphore_mem>>
          %dma_start3A_28 = tpu.memref_slice %arg5[%add3A] : memref<180224xi32, #tpu.memory_space<hbm>> -> memref<256xi32, #tpu.memory_space<hbm>>
          %dma_start3A_29 = tpu.memref_slice %arg5[%add3A] : memref<180224xi32, #tpu.memory_space<hbm>> -> memref<256xi32, #tpu.memory_space<hbm>>
          tpu.enqueue_dma source(%dma_start3A_29 : memref<256xi32, #tpu.memory_space<hbm>>) target(%arg12 : memref<256xi32, #tpu.memory_space<vmem>>) target_semaphore(%run_scoped3A : memref<!tpu.dma_semaphore, #tpu.memory_space<semaphore_mem>>)
          %dma_wait3A_30 = tpu.memref_slice %arg5[%add3A] : memref<180224xi32, #tpu.memory_space<hbm>> -> memref<256xi32, #tpu.memory_space<hbm>>
          %dma_wait3A_31 = tpu.memref_slice %arg5[%add3A] : memref<180224xi32, #tpu.memory_space<hbm>> -> memref<256xi32, #tpu.memory_space<hbm>>
          tpu.wait_dma2 semaphore(%run_scoped3A : memref<!tpu.dma_semaphore, #tpu.memory_space<semaphore_mem>>) src(%dma_wait3A_31 : memref<256xi32, #tpu.memory_space<hbm>>) dst(%arg12 : memref<256xi32, #tpu.memory_space<vmem>>)
          tpu.yield
        }) : () -> ()
        %dma_start3A = arith.constant 0 : i32
        %dma_start3A_23 = arith.constant 0 : i32
        %dma_start3A_24 = tpu.memref_slice %arg2[%dma_start3A, %dma_start3A_23] : memref<10240x128xf32, #tpu.memory_space<hbm>> -> memref<10240x128xf32, #tpu.memory_space<hbm>>
        tpu.enqueue_indirect_dma source(%dma_start3A_24 : memref<10240x128xf32, #tpu.memory_space<hbm>>) target(%arg10 : memref<256x128xf32, #tpu.memory_space<vmem>>) offsets(%arg12 : memref<256xi32, #tpu.memory_space<vmem>>) semaphore(%arg14 : memref<!tpu.dma_semaphore, #tpu.memory_space<semaphore_mem>>)
        %dma_wait3A = arith.constant 0 : i32
        %dma_wait3A_25 = arith.constant 0 : i32
        %dma_wait3A_26 = tpu.memref_slice %arg2[%dma_wait3A, %dma_wait3A_25] : memref<10240x128xf32, #tpu.memory_space<hbm>> -> memref<10240x128xf32, #tpu.memory_space<hbm>>
        tpu.wait_indirect_dma semaphore(%arg14 : memref<!tpu.dma_semaphore, #tpu.memory_space<semaphore_mem>>) src(%dma_wait3A_26 : memref<10240x128xf32, #tpu.memory_space<hbm>>) dst(%arg10 : memref<256x128xf32, #tpu.memory_space<vmem>>)
        "tpu.region"() ({
          %run_scoped3A = tpu.sem_alloc : memref<!tpu.dma_semaphore, #tpu.memory_space<semaphore_mem>>
          %dma_start3A_28 = arith.constant 0 : i32
          %dma_start3A_29 = tpu.memref_slice %arg8[%add3A, %dma_start3A_28] : memref<180224x128xf32, #tpu.memory_space<hbm>> -> memref<256x128xf32, #tpu.memory_space<hbm>>
          %dma_start3A_30 = arith.constant 0 : i32
          %dma_start3A_31 = tpu.memref_slice %arg8[%add3A, %dma_start3A_30] : memref<180224x128xf32, #tpu.memory_space<hbm>> -> memref<256x128xf32, #tpu.memory_space<hbm>>
          tpu.enqueue_dma source(%arg10 : memref<256x128xf32, #tpu.memory_space<vmem>>) target(%dma_start3A_31 : memref<256x128xf32, #tpu.memory_space<hbm>>) target_semaphore(%run_scoped3A : memref<!tpu.dma_semaphore, #tpu.memory_space<semaphore_mem>>)
          %dma_wait3A_32 = arith.constant 0 : i32
          %dma_wait3A_33 = tpu.memref_slice %arg8[%add3A, %dma_wait3A_32] : memref<180224x128xf32, #tpu.memory_space<hbm>> -> memref<256x128xf32, #tpu.memory_space<hbm>>
          %dma_wait3A_34 = arith.constant 0 : i32
          %dma_wait3A_35 = tpu.memref_slice %arg8[%add3A, %dma_wait3A_34] : memref<180224x128xf32, #tpu.memory_space<hbm>> -> memref<256x128xf32, #tpu.memory_space<hbm>>
          tpu.wait_dma2 semaphore(%run_scoped3A : memref<!tpu.dma_semaphore, #tpu.memory_space<semaphore_mem>>) src(%arg10 : memref<256x128xf32, #tpu.memory_space<vmem>>) dst(%dma_wait3A_35 : memref<256x128xf32, #tpu.memory_space<hbm>>)
          tpu.yield
        }) : () -> ()
        %scan3A_27 = arith.constant 0 : i32
        scf.yield %scan3A_27 : i32
      }
      %scan3A_17 = arith.constant 44 : i32
    } else {
    }
    %eq3A_2 = arith.constant 1 : i32
    %eq3A_3 = arith.cmpi eq, %arg0, %eq3A_2 : i32
    %convert_element_type3A_4 = arith.extui %eq3A_3 : i1 to i32
    %cond3A_5 = arith.constant 0 : i32
    %cond3A_6 = arith.cmpi ne, %convert_element_type3A_4, %cond3A_5 : i32
    scf.if %cond3A_6 {
      %scan3A = arith.constant 0 : i32
      %scan3A_12 = arith.constant 0 : i32
      %scan3A_13 = arith.constant 44 : i32
      %scan3A_14 = arith.addi %scan3A_12, %scan3A_13 : i32
      %scan3A_15 = arith.constant 1 : i32
      %scan3A_16 = scf.for %scan3A_18 = %scan3A_12 to %scan3A_14 step %scan3A_15 iter_args(%scan3A_19 = %scan3A) -> (i32)  : i32 {
        %mul3A = arith.constant 11264 : i32
        %mul3A_20 = arith.muli %arg1, %mul3A : i32
        %mul3A_21 = arith.constant 256 : i32
        %mul3A_22 = arith.muli %scan3A_18, %mul3A_21 : i32
        %add3A = arith.addi %mul3A_20, %mul3A_22 : i32
        "tpu.region"() ({
          %run_scoped3A = tpu.sem_alloc : memref<!tpu.dma_semaphore, #tpu.memory_space<semaphore_mem>>
          %dma_start3A_28 = tpu.memref_slice %arg6[%add3A] : memref<180224xi32, #tpu.memory_space<hbm>> -> memref<256xi32, #tpu.memory_space<hbm>>
          %dma_start3A_29 = tpu.memref_slice %arg6[%add3A] : memref<180224xi32, #tpu.memory_space<hbm>> -> memref<256xi32, #tpu.memory_space<hbm>>
          tpu.enqueue_dma source(%dma_start3A_29 : memref<256xi32, #tpu.memory_space<hbm>>) target(%arg12 : memref<256xi32, #tpu.memory_space<vmem>>) target_semaphore(%run_scoped3A : memref<!tpu.dma_semaphore, #tpu.memory_space<semaphore_mem>>)
          %dma_wait3A_30 = tpu.memref_slice %arg6[%add3A] : memref<180224xi32, #tpu.memory_space<hbm>> -> memref<256xi32, #tpu.memory_space<hbm>>
          %dma_wait3A_31 = tpu.memref_slice %arg6[%add3A] : memref<180224xi32, #tpu.memory_space<hbm>> -> memref<256xi32, #tpu.memory_space<hbm>>
          tpu.wait_dma2 semaphore(%run_scoped3A : memref<!tpu.dma_semaphore, #tpu.memory_space<semaphore_mem>>) src(%dma_wait3A_31 : memref<256xi32, #tpu.memory_space<hbm>>) dst(%arg12 : memref<256xi32, #tpu.memory_space<vmem>>)
          tpu.yield
        }) : () -> ()
        %dma_start3A = arith.constant 0 : i32
        %dma_start3A_23 = arith.constant 0 : i32
        %dma_start3A_24 = tpu.memref_slice %arg3[%dma_start3A, %dma_start3A_23] : memref<10240x128xf32, #tpu.memory_space<hbm>> -> memref<10240x128xf32, #tpu.memory_space<hbm>>
        tpu.enqueue_indirect_dma source(%dma_start3A_24 : memref<10240x128xf32, #tpu.memory_space<hbm>>) target(%arg10 : memref<256x128xf32, #tpu.memory_space<vmem>>) offsets(%arg12 : memref<256xi32, #tpu.memory_space<vmem>>) semaphore(%arg14 : memref<!tpu.dma_semaphore, #tpu.memory_space<semaphore_mem>>)
        %dma_wait3A = arith.constant 0 : i32
        %dma_wait3A_25 = arith.constant 0 : i32
        %dma_wait3A_26 = tpu.memref_slice %arg3[%dma_wait3A, %dma_wait3A_25] : memref<10240x128xf32, #tpu.memory_space<hbm>> -> memref<10240x128xf32, #tpu.memory_space<hbm>>
        tpu.wait_indirect_dma semaphore(%arg14 : memref<!tpu.dma_semaphore, #tpu.memory_space<semaphore_mem>>) src(%dma_wait3A_26 : memref<10240x128xf32, #tpu.memory_space<hbm>>) dst(%arg10 : memref<256x128xf32, #tpu.memory_space<vmem>>)
        "tpu.region"() ({
          %run_scoped3A = tpu.sem_alloc : memref<!tpu.dma_semaphore, #tpu.memory_space<semaphore_mem>>
          %dma_start3A_28 = arith.constant 0 : i32
          %dma_start3A_29 = tpu.memref_slice %arg9[%add3A, %dma_start3A_28] : memref<180224x128xf32, #tpu.memory_space<hbm>> -> memref<256x128xf32, #tpu.memory_space<hbm>>
          %dma_start3A_30 = arith.constant 0 : i32
          %dma_start3A_31 = tpu.memref_slice %arg9[%add3A, %dma_start3A_30] : memref<180224x128xf32, #tpu.memory_space<hbm>> -> memref<256x128xf32, #tpu.memory_space<hbm>>
          tpu.enqueue_dma source(%arg10 : memref<256x128xf32, #tpu.memory_space<vmem>>) target(%dma_start3A_31 : memref<256x128xf32, #tpu.memory_space<hbm>>) target_semaphore(%run_scoped3A : memref<!tpu.dma_semaphore, #tpu.memory_space<semaphore_mem>>)
          %dma_wait3A_32 = arith.constant 0 : i32
          %dma_wait3A_33 = tpu.memref_slice %arg9[%add3A, %dma_wait3A_32] : memref<180224x128xf32, #tpu.memory_space<hbm>> -> memref<256x128xf32, #tpu.memory_space<hbm>>
          %dma_wait3A_34 = arith.constant 0 : i32
          %dma_wait3A_35 = tpu.memref_slice %arg9[%add3A, %dma_wait3A_34] : memref<180224x128xf32, #tpu.memory_space<hbm>> -> memref<256x128xf32, #tpu.memory_space<hbm>>
          tpu.wait_dma2 semaphore(%run_scoped3A : memref<!tpu.dma_semaphore, #tpu.memory_space<semaphore_mem>>) src(%arg10 : memref<256x128xf32, #tpu.memory_space<vmem>>) dst(%dma_wait3A_35 : memref<256x128xf32, #tpu.memory_space<hbm>>)
          tpu.yield
        }) : () -> ()
        %scan3A_27 = arith.constant 0 : i32
        scf.yield %scan3A_27 : i32
      }
      %scan3A_17 = arith.constant 44 : i32
    } else {
    }
    %barrier3A = arith.constant 0 : index
    tpu.barrier barrier_id(%barrier3A)
    %eq3A_7 = arith.constant 0 : i32
    %eq3A_8 = arith.cmpi eq, %arg0, %eq3A_7 : i32
    %convert_element_type3A_9 = arith.extui %eq3A_8 : i1 to i32
    %cond3A_10 = arith.constant 0 : i32
    %cond3A_11 = arith.cmpi ne, %convert_element_type3A_9, %cond3A_10 : i32
    scf.if %cond3A_11 {
      %scan3A = arith.constant 0 : i32
      %scan3A_12 = arith.constant 0 : i32
      %scan3A_13 = arith.constant 5 : i32
      %scan3A_14 = arith.addi %scan3A_12, %scan3A_13 : i32
      %scan3A_15 = arith.constant 1 : i32
      %scan3A_16 = scf.for %scan3A_18 = %scan3A_12 to %scan3A_14 step %scan3A_15 iter_args(%scan3A_19 = %scan3A) -> (i32)  : i32 {
        %mul3A = arith.constant 640 : i32
        %mul3A_20 = arith.muli %arg1, %mul3A : i32
        %mul3A_21 = arith.constant 128 : i32
        %mul3A_22 = arith.muli %scan3A_18, %mul3A_21 : i32
        %add3A = arith.addi %mul3A_20, %mul3A_22 : i32
        "tpu.region"() ({
          %run_scoped3A = tpu.sem_alloc : memref<!tpu.dma_semaphore, #tpu.memory_space<semaphore_mem>>
          %dma_start3A = tpu.memref_slice %arg7[%add3A] : memref<10240xi32, #tpu.memory_space<hbm>> -> memref<128xi32, #tpu.memory_space<hbm>>
          %dma_start3A_24 = tpu.memref_slice %arg7[%add3A] : memref<10240xi32, #tpu.memory_space<hbm>> -> memref<128xi32, #tpu.memory_space<hbm>>
          tpu.enqueue_dma source(%dma_start3A_24 : memref<128xi32, #tpu.memory_space<hbm>>) target(%arg13 : memref<128xi32, #tpu.memory_space<vmem>>) target_semaphore(%run_scoped3A : memref<!tpu.dma_semaphore, #tpu.memory_space<semaphore_mem>>)
          %dma_wait3A = tpu.memref_slice %arg7[%add3A] : memref<10240xi32, #tpu.memory_space<hbm>> -> memref<128xi32, #tpu.memory_space<hbm>>
          %dma_wait3A_25 = tpu.memref_slice %arg7[%add3A] : memref<10240xi32, #tpu.memory_space<hbm>> -> memref<128xi32, #tpu.memory_space<hbm>>
          tpu.wait_dma2 semaphore(%run_scoped3A : memref<!tpu.dma_semaphore, #tpu.memory_space<semaphore_mem>>) src(%dma_wait3A_25 : memref<128xi32, #tpu.memory_space<hbm>>) dst(%arg13 : memref<128xi32, #tpu.memory_space<vmem>>)
          tpu.yield
        }) : () -> ()
        "tpu.region"() ({
          %run_scoped3A = tpu.sem_alloc : memref<!tpu.dma_semaphore, #tpu.memory_space<semaphore_mem>>
          %dma_start3A = arith.constant 0 : i32
          %dma_start3A_24 = tpu.memref_slice %arg4[%add3A, %dma_start3A] : memref<10240x128xf32, #tpu.memory_space<hbm>> -> memref<128x128xf32, #tpu.memory_space<hbm>>
          %dma_start3A_25 = arith.constant 0 : i32
          %dma_start3A_26 = tpu.memref_slice %arg4[%add3A, %dma_start3A_25] : memref<10240x128xf32, #tpu.memory_space<hbm>> -> memref<128x128xf32, #tpu.memory_space<hbm>>
          tpu.enqueue_dma source(%dma_start3A_26 : memref<128x128xf32, #tpu.memory_space<hbm>>) target(%arg11 : memref<128x128xf32, #tpu.memory_space<vmem>>) target_semaphore(%run_scoped3A : memref<!tpu.dma_semaphore, #tpu.memory_space<semaphore_mem>>)
          %dma_wait3A = arith.constant 0 : i32
          %dma_wait3A_27 = tpu.memref_slice %arg4[%add3A, %dma_wait3A] : memref<10240x128xf32, #tpu.memory_space<hbm>> -> memref<128x128xf32, #tpu.memory_space<hbm>>
          %dma_wait3A_28 = arith.constant 0 : i32
          %dma_wait3A_29 = tpu.memref_slice %arg4[%add3A, %dma_wait3A_28] : memref<10240x128xf32, #tpu.memory_space<hbm>> -> memref<128x128xf32, #tpu.memory_space<hbm>>
          tpu.wait_dma2 semaphore(%run_scoped3A : memref<!tpu.dma_semaphore, #tpu.memory_space<semaphore_mem>>) src(%dma_wait3A_29 : memref<128x128xf32, #tpu.memory_space<hbm>>) dst(%arg11 : memref<128x128xf32, #tpu.memory_space<vmem>>)
          tpu.yield
        }) : () -> ()
        "tpu.region"() ({
          %run_scoped3A = tpu.sem_alloc : memref<!tpu.dma_semaphore, #tpu.memory_space<semaphore_mem>>
          %dma_start3A = arith.constant 0 : i32
          %dma_start3A_24 = arith.constant 0 : i32
          %dma_start3A_25 = tpu.memref_slice %arg8[%dma_start3A, %dma_start3A_24] : memref<180224x128xf32, #tpu.memory_space<hbm>> -> memref<180224x128xf32, #tpu.memory_space<hbm>>
          tpu.enqueue_indirect_dma source(%arg11 : memref<128x128xf32, #tpu.memory_space<vmem>>) target(%dma_start3A_25 : memref<180224x128xf32, #tpu.memory_space<hbm>>) offsets(%arg13 : memref<128xi32, #tpu.memory_space<vmem>>) semaphore(%run_scoped3A : memref<!tpu.dma_semaphore, #tpu.memory_space<semaphore_mem>>)
          %dma_wait3A = arith.constant 0 : i32
          %dma_wait3A_26 = arith.constant 0 : i32
          %dma_wait3A_27 = tpu.memref_slice %arg8[%dma_wait3A, %dma_wait3A_26] : memref<180224x128xf32, #tpu.memory_space<hbm>> -> memref<180224x128xf32, #tpu.memory_space<hbm>>
          tpu.wait_indirect_dma semaphore(%run_scoped3A : memref<!tpu.dma_semaphore, #tpu.memory_space<semaphore_mem>>) src(%arg11 : memref<128x128xf32, #tpu.memory_space<vmem>>) dst(%dma_wait3A_27 : memref<180224x128xf32, #tpu.memory_space<hbm>>)
          tpu.yield
        }) : () -> ()
        %scan3A_23 = arith.constant 0 : i32
        scf.yield %scan3A_23 : i32
      }
      %scan3A_17 = arith.constant 5 : i32
    } else {
    }
    return
  }
}

#map = affine_map<(d0, d1) -> (0, 0)>
#map1 = affine_map<(d0, d1) -> (0)>
module attributes {stable_mosaic.version = 14 : i64} {
  func.func @k(%arg0: i32, %arg1: i32, %arg2: memref<180224x128xf32, #tpu.memory_space<hbm>>, %arg3: memref<165888xi32, #tpu.memory_space<hbm>>, %arg4: memref<165888xi32, #tpu.memory_space<hbm>>, %arg5: memref<32xi32, #tpu.memory_space<hbm>>, %arg6: memref<180224x128xf32, #tpu.memory_space<hbm>>, %arg7: memref<64x128xf32, #tpu.memory_space<vmem>>, %arg8: memref<64xi32, #tpu.memory_space<vmem>>, %arg9: memref<64xi32, #tpu.memory_space<vmem>>, %arg10: memref<64xi32, #tpu.memory_space<vmem>>, %arg11: memref<32xi32, #tpu.memory_space<vmem>>, %arg12: memref<64x128xf32, #tpu.memory_space<vmem>>, %arg13: memref<8320x128xf32, #tpu.memory_space<vmem_shared>>, %arg14: memref<!tpu.dma_semaphore, #tpu.memory_space<semaphore_mem>>) attributes {dimension_semantics = [#tpu.dimension_semantics<core_parallel>, #tpu.dimension_semantics<subcore_parallel>], iteration_bounds = array<i64: 2, 16>, scalar_prefetch = 0 : i64, scratch_operands = 8 : i64, tpu.core_type = #tpu.core_type<sc_vector_subcore>, window_params = [{transform_indices = #map}, {transform_indices = #map1}, {transform_indices = #map1}, {transform_indices = #map1}, {transform_indices = #map}]} {
    %broadcast_in_dim3A = arith.constant 0.000000e+00 : f32
    %broadcast_in_dim3A_0 = vector.broadcast %broadcast_in_dim3A : f32 to vector<16xf32>
    %scan3A = arith.constant 0 : i32
    %scan3A_1 = arith.constant 0 : i32
    %scan3A_2 = arith.constant 64 : i32
    %scan3A_3 = arith.addi %scan3A_1, %scan3A_2 : i32
    %scan3A_4 = arith.constant 1 : i32
    %scan3A_5 = scf.for %scan3A_14 = %scan3A_1 to %scan3A_3 step %scan3A_4 iter_args(%scan3A_15 = %scan3A) -> (i32)  : i32 {
      %swap3A = arith.index_cast %scan3A_14 : i32 to index
      %swap3A_16 = arith.constant 0 : index
      %swap3A_17 = tpu.vector_load %arg12[%swap3A, %swap3A_16] {strides = array<i32>} : memref<64x128xf32, #tpu.memory_space<vmem>>, vector<16xf32>,
      tpu.vector_store %arg12[%swap3A, %swap3A_16], %broadcast_in_dim3A_0 {strides = array<i32>} : memref<64x128xf32, #tpu.memory_space<vmem>>, vector<16xf32>,
      %swap3A_18 = arith.index_cast %scan3A_14 : i32 to index
      %swap3A_19 = arith.constant 16 : index
      %swap3A_20 = tpu.vector_load %arg12[%swap3A_18, %swap3A_19] {strides = array<i32>} : memref<64x128xf32, #tpu.memory_space<vmem>>, vector<16xf32>,
      tpu.vector_store %arg12[%swap3A_18, %swap3A_19], %broadcast_in_dim3A_0 {strides = array<i32>} : memref<64x128xf32, #tpu.memory_space<vmem>>, vector<16xf32>,
      %swap3A_21 = arith.index_cast %scan3A_14 : i32 to index
      %swap3A_22 = arith.constant 32 : index
      %swap3A_23 = tpu.vector_load %arg12[%swap3A_21, %swap3A_22] {strides = array<i32>} : memref<64x128xf32, #tpu.memory_space<vmem>>, vector<16xf32>,
      tpu.vector_store %arg12[%swap3A_21, %swap3A_22], %broadcast_in_dim3A_0 {strides = array<i32>} : memref<64x128xf32, #tpu.memory_space<vmem>>, vector<16xf32>,
      %swap3A_24 = arith.index_cast %scan3A_14 : i32 to index
      %swap3A_25 = arith.constant 48 : index
      %swap3A_26 = tpu.vector_load %arg12[%swap3A_24, %swap3A_25] {strides = array<i32>} : memref<64x128xf32, #tpu.memory_space<vmem>>, vector<16xf32>,
      tpu.vector_store %arg12[%swap3A_24, %swap3A_25], %broadcast_in_dim3A_0 {strides = array<i32>} : memref<64x128xf32, #tpu.memory_space<vmem>>, vector<16xf32>,
      %swap3A_27 = arith.index_cast %scan3A_14 : i32 to index
      %swap3A_28 = arith.constant 64 : index
      %swap3A_29 = tpu.vector_load %arg12[%swap3A_27, %swap3A_28] {strides = array<i32>} : memref<64x128xf32, #tpu.memory_space<vmem>>, vector<16xf32>,
      tpu.vector_store %arg12[%swap3A_27, %swap3A_28], %broadcast_in_dim3A_0 {strides = array<i32>} : memref<64x128xf32, #tpu.memory_space<vmem>>, vector<16xf32>,
      %swap3A_30 = arith.index_cast %scan3A_14 : i32 to index
      %swap3A_31 = arith.constant 80 : index
      %swap3A_32 = tpu.vector_load %arg12[%swap3A_30, %swap3A_31] {strides = array<i32>} : memref<64x128xf32, #tpu.memory_space<vmem>>, vector<16xf32>,
      tpu.vector_store %arg12[%swap3A_30, %swap3A_31], %broadcast_in_dim3A_0 {strides = array<i32>} : memref<64x128xf32, #tpu.memory_space<vmem>>, vector<16xf32>,
      %swap3A_33 = arith.index_cast %scan3A_14 : i32 to index
      %swap3A_34 = arith.constant 96 : index
      %swap3A_35 = tpu.vector_load %arg12[%swap3A_33, %swap3A_34] {strides = array<i32>} : memref<64x128xf32, #tpu.memory_space<vmem>>, vector<16xf32>,
      tpu.vector_store %arg12[%swap3A_33, %swap3A_34], %broadcast_in_dim3A_0 {strides = array<i32>} : memref<64x128xf32, #tpu.memory_space<vmem>>, vector<16xf32>,
      %swap3A_36 = arith.index_cast %scan3A_14 : i32 to index
      %swap3A_37 = arith.constant 112 : index
      %swap3A_38 = tpu.vector_load %arg12[%swap3A_36, %swap3A_37] {strides = array<i32>} : memref<64x128xf32, #tpu.memory_space<vmem>>, vector<16xf32>,
      tpu.vector_store %arg12[%swap3A_36, %swap3A_37], %broadcast_in_dim3A_0 {strides = array<i32>} : memref<64x128xf32, #tpu.memory_space<vmem>>, vector<16xf32>,
      %scan3A_39 = arith.constant 0 : i32
      scf.yield %scan3A_39 : i32
    }
    %scan3A_6 = arith.constant 64 : i32
    "tpu.region"() ({
      %run_scoped3A = tpu.sem_alloc : memref<!tpu.dma_semaphore, #tpu.memory_space<semaphore_mem>>
      tpu.enqueue_dma source(%arg5 : memref<32xi32, #tpu.memory_space<hbm>>) target(%arg11 : memref<32xi32, #tpu.memory_space<vmem>>) target_semaphore(%run_scoped3A : memref<!tpu.dma_semaphore, #tpu.memory_space<semaphore_mem>>)
      tpu.wait_dma2 semaphore(%run_scoped3A : memref<!tpu.dma_semaphore, #tpu.memory_space<semaphore_mem>>) src(%arg5 : memref<32xi32, #tpu.memory_space<hbm>>) dst(%arg11 : memref<32xi32, #tpu.memory_space<vmem>>)
      tpu.yield
    }) : () -> ()
    %iota3A = tpu.iota {dimensions = array<i32: 0>} : vector<16xi32>
    %scan3A_7 = arith.constant 0 : i32
    %scan3A_8 = arith.constant 0 : i32
    %scan3A_9 = arith.constant 11 : i32
    %scan3A_10 = arith.addi %scan3A_8, %scan3A_9 : i32
    %scan3A_11 = arith.constant 1 : i32
    %scan3A_12 = scf.for %scan3A_14 = %scan3A_8 to %scan3A_10 step %scan3A_11 iter_args(%scan3A_15 = %scan3A_7) -> (i32)  : i32 {
      %mul3A = arith.constant 2 : i32
      %mul3A_16 = arith.muli %scan3A_14, %mul3A : i32
      %add3A = arith.addi %mul3A_16, %arg0 : i32
      %lt3A = arith.constant 22 : i32
      %lt3A_17 = arith.cmpi slt, %add3A, %lt3A : i32
      %convert_element_type3A = arith.extui %lt3A_17 : i1 to i32
      %cond3A = arith.constant 0 : i32
      %cond3A_18 = arith.cmpi ne, %convert_element_type3A, %cond3A : i32
      scf.if %cond3A_18 {
        %mul3A_20 = arith.constant 8192 : i32
        %mul3A_21 = arith.muli %add3A, %mul3A_20 : i32
        %mul3A_22 = arith.constant 520 : i32
        %mul3A_23 = arith.muli %arg1, %mul3A_22 : i32
        %add3A_24 = arith.constant 0 : i32
        %add3A_25 = arith.addi %mul3A_23, %add3A_24 : i32
        "tpu.region"() ({
          %run_scoped3A = tpu.sem_alloc : memref<!tpu.dma_semaphore, #tpu.memory_space<semaphore_mem>>
          %dma_start3A = arith.constant 0 : i32
          %dma_start3A_225 = tpu.memref_slice %arg13[%add3A_25, %dma_start3A] : memref<8320x128xf32, #tpu.memory_space<vmem_shared>> -> memref<64x128xf32, #tpu.memory_space<vmem_shared>>
          %dma_start3A_226 = arith.constant 0 : i32
          %dma_start3A_227 = tpu.memref_slice %arg13[%add3A_25, %dma_start3A_226] : memref<8320x128xf32, #tpu.memory_space<vmem_shared>> -> memref<64x128xf32, #tpu.memory_space<vmem_shared>>
          tpu.enqueue_dma source(%arg12 : memref<64x128xf32, #tpu.memory_space<vmem>>) target(%dma_start3A_227 : memref<64x128xf32, #tpu.memory_space<vmem_shared>>) target_semaphore(%run_scoped3A : memref<!tpu.dma_semaphore, #tpu.memory_space<semaphore_mem>>)
          %dma_wait3A = arith.constant 0 : i32
          %dma_wait3A_228 = tpu.memref_slice %arg13[%add3A_25, %dma_wait3A] : memref<8320x128xf32, #tpu.memory_space<vmem_shared>> -> memref<64x128xf32, #tpu.memory_space<vmem_shared>>
          %dma_wait3A_229 = arith.constant 0 : i32
          %dma_wait3A_230 = tpu.memref_slice %arg13[%add3A_25, %dma_wait3A_229] : memref<8320x128xf32, #tpu.memory_space<vmem_shared>> -> memref<64x128xf32, #tpu.memory_space<vmem_shared>>
          tpu.wait_dma2 semaphore(%run_scoped3A : memref<!tpu.dma_semaphore, #tpu.memory_space<semaphore_mem>>) src(%arg12 : memref<64x128xf32, #tpu.memory_space<vmem>>) dst(%dma_wait3A_230 : memref<64x128xf32, #tpu.memory_space<vmem_shared>>)
          tpu.yield
        }) : () -> ()
        %add3A_26 = arith.constant 64 : i32
        %add3A_27 = arith.addi %mul3A_23, %add3A_26 : i32
        "tpu.region"() ({
          %run_scoped3A = tpu.sem_alloc : memref<!tpu.dma_semaphore, #tpu.memory_space<semaphore_mem>>
          %dma_start3A = arith.constant 0 : i32
          %dma_start3A_225 = tpu.memref_slice %arg13[%add3A_27, %dma_start3A] : memref<8320x128xf32, #tpu.memory_space<vmem_shared>> -> memref<64x128xf32, #tpu.memory_space<vmem_shared>>
          %dma_start3A_226 = arith.constant 0 : i32
          %dma_start3A_227 = tpu.memref_slice %arg13[%add3A_27, %dma_start3A_226] : memref<8320x128xf32, #tpu.memory_space<vmem_shared>> -> memref<64x128xf32, #tpu.memory_space<vmem_shared>>
          tpu.enqueue_dma source(%arg12 : memref<64x128xf32, #tpu.memory_space<vmem>>) target(%dma_start3A_227 : memref<64x128xf32, #tpu.memory_space<vmem_shared>>) target_semaphore(%run_scoped3A : memref<!tpu.dma_semaphore, #tpu.memory_space<semaphore_mem>>)
          %dma_wait3A = arith.constant 0 : i32
          %dma_wait3A_228 = tpu.memref_slice %arg13[%add3A_27, %dma_wait3A] : memref<8320x128xf32, #tpu.memory_space<vmem_shared>> -> memref<64x128xf32, #tpu.memory_space<vmem_shared>>
          %dma_wait3A_229 = arith.constant 0 : i32
          %dma_wait3A_230 = tpu.memref_slice %arg13[%add3A_27, %dma_wait3A_229] : memref<8320x128xf32, #tpu.memory_space<vmem_shared>> -> memref<64x128xf32, #tpu.memory_space<vmem_shared>>
          tpu.wait_dma2 semaphore(%run_scoped3A : memref<!tpu.dma_semaphore, #tpu.memory_space<semaphore_mem>>) src(%arg12 : memref<64x128xf32, #tpu.memory_space<vmem>>) dst(%dma_wait3A_230 : memref<64x128xf32, #tpu.memory_space<vmem_shared>>)
          tpu.yield
        }) : () -> ()
        %add3A_28 = arith.constant 128 : i32
        %add3A_29 = arith.addi %mul3A_23, %add3A_28 : i32
        "tpu.region"() ({
          %run_scoped3A = tpu.sem_alloc : memref<!tpu.dma_semaphore, #tpu.memory_space<semaphore_mem>>
          %dma_start3A = arith.constant 0 : i32
          %dma_start3A_225 = tpu.memref_slice %arg13[%add3A_29, %dma_start3A] : memref<8320x128xf32, #tpu.memory_space<vmem_shared>> -> memref<64x128xf32, #tpu.memory_space<vmem_shared>>
          %dma_start3A_226 = arith.constant 0 : i32
          %dma_start3A_227 = tpu.memref_slice %arg13[%add3A_29, %dma_start3A_226] : memref<8320x128xf32, #tpu.memory_space<vmem_shared>> -> memref<64x128xf32, #tpu.memory_space<vmem_shared>>
          tpu.enqueue_dma source(%arg12 : memref<64x128xf32, #tpu.memory_space<vmem>>) target(%dma_start3A_227 : memref<64x128xf32, #tpu.memory_space<vmem_shared>>) target_semaphore(%run_scoped3A : memref<!tpu.dma_semaphore, #tpu.memory_space<semaphore_mem>>)
          %dma_wait3A = arith.constant 0 : i32
          %dma_wait3A_228 = tpu.memref_slice %arg13[%add3A_29, %dma_wait3A] : memref<8320x128xf32, #tpu.memory_space<vmem_shared>> -> memref<64x128xf32, #tpu.memory_space<vmem_shared>>
          %dma_wait3A_229 = arith.constant 0 : i32
          %dma_wait3A_230 = tpu.memref_slice %arg13[%add3A_29, %dma_wait3A_229] : memref<8320x128xf32, #tpu.memory_space<vmem_shared>> -> memref<64x128xf32, #tpu.memory_space<vmem_shared>>
          tpu.wait_dma2 semaphore(%run_scoped3A : memref<!tpu.dma_semaphore, #tpu.memory_space<semaphore_mem>>) src(%arg12 : memref<64x128xf32, #tpu.memory_space<vmem>>) dst(%dma_wait3A_230 : memref<64x128xf32, #tpu.memory_space<vmem_shared>>)
          tpu.yield
        }) : () -> ()
        %add3A_30 = arith.constant 192 : i32
        %add3A_31 = arith.addi %mul3A_23, %add3A_30 : i32
        "tpu.region"() ({
          %run_scoped3A = tpu.sem_alloc : memref<!tpu.dma_semaphore, #tpu.memory_space<semaphore_mem>>
          %dma_start3A = arith.constant 0 : i32
          %dma_start3A_225 = tpu.memref_slice %arg13[%add3A_31, %dma_start3A] : memref<8320x128xf32, #tpu.memory_space<vmem_shared>> -> memref<64x128xf32, #tpu.memory_space<vmem_shared>>
          %dma_start3A_226 = arith.constant 0 : i32
          %dma_start3A_227 = tpu.memref_slice %arg13[%add3A_31, %dma_start3A_226] : memref<8320x128xf32, #tpu.memory_space<vmem_shared>> -> memref<64x128xf32, #tpu.memory_space<vmem_shared>>
          tpu.enqueue_dma source(%arg12 : memref<64x128xf32, #tpu.memory_space<vmem>>) target(%dma_start3A_227 : memref<64x128xf32, #tpu.memory_space<vmem_shared>>) target_semaphore(%run_scoped3A : memref<!tpu.dma_semaphore, #tpu.memory_space<semaphore_mem>>)
          %dma_wait3A = arith.constant 0 : i32
          %dma_wait3A_228 = tpu.memref_slice %arg13[%add3A_31, %dma_wait3A] : memref<8320x128xf32, #tpu.memory_space<vmem_shared>> -> memref<64x128xf32, #tpu.memory_space<vmem_shared>>
          %dma_wait3A_229 = arith.constant 0 : i32
          %dma_wait3A_230 = tpu.memref_slice %arg13[%add3A_31, %dma_wait3A_229] : memref<8320x128xf32, #tpu.memory_space<vmem_shared>> -> memref<64x128xf32, #tpu.memory_space<vmem_shared>>
          tpu.wait_dma2 semaphore(%run_scoped3A : memref<!tpu.dma_semaphore, #tpu.memory_space<semaphore_mem>>) src(%arg12 : memref<64x128xf32, #tpu.memory_space<vmem>>) dst(%dma_wait3A_230 : memref<64x128xf32, #tpu.memory_space<vmem_shared>>)
          tpu.yield
        }) : () -> ()
        %add3A_32 = arith.constant 256 : i32
        %add3A_33 = arith.addi %mul3A_23, %add3A_32 : i32
        "tpu.region"() ({
          %run_scoped3A = tpu.sem_alloc : memref<!tpu.dma_semaphore, #tpu.memory_space<semaphore_mem>>
          %dma_start3A = arith.constant 0 : i32
          %dma_start3A_225 = tpu.memref_slice %arg13[%add3A_33, %dma_start3A] : memref<8320x128xf32, #tpu.memory_space<vmem_shared>> -> memref<64x128xf32, #tpu.memory_space<vmem_shared>>
          %dma_start3A_226 = arith.constant 0 : i32
          %dma_start3A_227 = tpu.memref_slice %arg13[%add3A_33, %dma_start3A_226] : memref<8320x128xf32, #tpu.memory_space<vmem_shared>> -> memref<64x128xf32, #tpu.memory_space<vmem_shared>>
          tpu.enqueue_dma source(%arg12 : memref<64x128xf32, #tpu.memory_space<vmem>>) target(%dma_start3A_227 : memref<64x128xf32, #tpu.memory_space<vmem_shared>>) target_semaphore(%run_scoped3A : memref<!tpu.dma_semaphore, #tpu.memory_space<semaphore_mem>>)
          %dma_wait3A = arith.constant 0 : i32
          %dma_wait3A_228 = tpu.memref_slice %arg13[%add3A_33, %dma_wait3A] : memref<8320x128xf32, #tpu.memory_space<vmem_shared>> -> memref<64x128xf32, #tpu.memory_space<vmem_shared>>
          %dma_wait3A_229 = arith.constant 0 : i32
          %dma_wait3A_230 = tpu.memref_slice %arg13[%add3A_33, %dma_wait3A_229] : memref<8320x128xf32, #tpu.memory_space<vmem_shared>> -> memref<64x128xf32, #tpu.memory_space<vmem_shared>>
          tpu.wait_dma2 semaphore(%run_scoped3A : memref<!tpu.dma_semaphore, #tpu.memory_space<semaphore_mem>>) src(%arg12 : memref<64x128xf32, #tpu.memory_space<vmem>>) dst(%dma_wait3A_230 : memref<64x128xf32, #tpu.memory_space<vmem_shared>>)
          tpu.yield
        }) : () -> ()
        %add3A_34 = arith.constant 320 : i32
        %add3A_35 = arith.addi %mul3A_23, %add3A_34 : i32
        "tpu.region"() ({
          %run_scoped3A = tpu.sem_alloc : memref<!tpu.dma_semaphore, #tpu.memory_space<semaphore_mem>>
          %dma_start3A = arith.constant 0 : i32
          %dma_start3A_225 = tpu.memref_slice %arg13[%add3A_35, %dma_start3A] : memref<8320x128xf32, #tpu.memory_space<vmem_shared>> -> memref<64x128xf32, #tpu.memory_space<vmem_shared>>
          %dma_start3A_226 = arith.constant 0 : i32
          %dma_start3A_227 = tpu.memref_slice %arg13[%add3A_35, %dma_start3A_226] : memref<8320x128xf32, #tpu.memory_space<vmem_shared>> -> memref<64x128xf32, #tpu.memory_space<vmem_shared>>
          tpu.enqueue_dma source(%arg12 : memref<64x128xf32, #tpu.memory_space<vmem>>) target(%dma_start3A_227 : memref<64x128xf32, #tpu.memory_space<vmem_shared>>) target_semaphore(%run_scoped3A : memref<!tpu.dma_semaphore, #tpu.memory_space<semaphore_mem>>)
          %dma_wait3A = arith.constant 0 : i32
          %dma_wait3A_228 = tpu.memref_slice %arg13[%add3A_35, %dma_wait3A] : memref<8320x128xf32, #tpu.memory_space<vmem_shared>> -> memref<64x128xf32, #tpu.memory_space<vmem_shared>>
          %dma_wait3A_229 = arith.constant 0 : i32
          %dma_wait3A_230 = tpu.memref_slice %arg13[%add3A_35, %dma_wait3A_229] : memref<8320x128xf32, #tpu.memory_space<vmem_shared>> -> memref<64x128xf32, #tpu.memory_space<vmem_shared>>
          tpu.wait_dma2 semaphore(%run_scoped3A : memref<!tpu.dma_semaphore, #tpu.memory_space<semaphore_mem>>) src(%arg12 : memref<64x128xf32, #tpu.memory_space<vmem>>) dst(%dma_wait3A_230 : memref<64x128xf32, #tpu.memory_space<vmem_shared>>)
          tpu.yield
        }) : () -> ()
        %add3A_36 = arith.constant 384 : i32
        %add3A_37 = arith.addi %mul3A_23, %add3A_36 : i32
        "tpu.region"() ({
          %run_scoped3A = tpu.sem_alloc : memref<!tpu.dma_semaphore, #tpu.memory_space<semaphore_mem>>
          %dma_start3A = arith.constant 0 : i32
          %dma_start3A_225 = tpu.memref_slice %arg13[%add3A_37, %dma_start3A] : memref<8320x128xf32, #tpu.memory_space<vmem_shared>> -> memref<64x128xf32, #tpu.memory_space<vmem_shared>>
          %dma_start3A_226 = arith.constant 0 : i32
          %dma_start3A_227 = tpu.memref_slice %arg13[%add3A_37, %dma_start3A_226] : memref<8320x128xf32, #tpu.memory_space<vmem_shared>> -> memref<64x128xf32, #tpu.memory_space<vmem_shared>>
          tpu.enqueue_dma source(%arg12 : memref<64x128xf32, #tpu.memory_space<vmem>>) target(%dma_start3A_227 : memref<64x128xf32, #tpu.memory_space<vmem_shared>>) target_semaphore(%run_scoped3A : memref<!tpu.dma_semaphore, #tpu.memory_space<semaphore_mem>>)
          %dma_wait3A = arith.constant 0 : i32
          %dma_wait3A_228 = tpu.memref_slice %arg13[%add3A_37, %dma_wait3A] : memref<8320x128xf32, #tpu.memory_space<vmem_shared>> -> memref<64x128xf32, #tpu.memory_space<vmem_shared>>
          %dma_wait3A_229 = arith.constant 0 : i32
          %dma_wait3A_230 = tpu.memref_slice %arg13[%add3A_37, %dma_wait3A_229] : memref<8320x128xf32, #tpu.memory_space<vmem_shared>> -> memref<64x128xf32, #tpu.memory_space<vmem_shared>>
          tpu.wait_dma2 semaphore(%run_scoped3A : memref<!tpu.dma_semaphore, #tpu.memory_space<semaphore_mem>>) src(%arg12 : memref<64x128xf32, #tpu.memory_space<vmem>>) dst(%dma_wait3A_230 : memref<64x128xf32, #tpu.memory_space<vmem_shared>>)
          tpu.yield
        }) : () -> ()
        %add3A_38 = arith.constant 448 : i32
        %add3A_39 = arith.addi %mul3A_23, %add3A_38 : i32
        "tpu.region"() ({
          %run_scoped3A = tpu.sem_alloc : memref<!tpu.dma_semaphore, #tpu.memory_space<semaphore_mem>>
          %dma_start3A = arith.constant 0 : i32
          %dma_start3A_225 = tpu.memref_slice %arg13[%add3A_39, %dma_start3A] : memref<8320x128xf32, #tpu.memory_space<vmem_shared>> -> memref<64x128xf32, #tpu.memory_space<vmem_shared>>
          %dma_start3A_226 = arith.constant 0 : i32
          %dma_start3A_227 = tpu.memref_slice %arg13[%add3A_39, %dma_start3A_226] : memref<8320x128xf32, #tpu.memory_space<vmem_shared>> -> memref<64x128xf32, #tpu.memory_space<vmem_shared>>
          tpu.enqueue_dma source(%arg12 : memref<64x128xf32, #tpu.memory_space<vmem>>) target(%dma_start3A_227 : memref<64x128xf32, #tpu.memory_space<vmem_shared>>) target_semaphore(%run_scoped3A : memref<!tpu.dma_semaphore, #tpu.memory_space<semaphore_mem>>)
          %dma_wait3A = arith.constant 0 : i32
          %dma_wait3A_228 = tpu.memref_slice %arg13[%add3A_39, %dma_wait3A] : memref<8320x128xf32, #tpu.memory_space<vmem_shared>> -> memref<64x128xf32, #tpu.memory_space<vmem_shared>>
          %dma_wait3A_229 = arith.constant 0 : i32
          %dma_wait3A_230 = tpu.memref_slice %arg13[%add3A_39, %dma_wait3A_229] : memref<8320x128xf32, #tpu.memory_space<vmem_shared>> -> memref<64x128xf32, #tpu.memory_space<vmem_shared>>
          tpu.wait_dma2 semaphore(%run_scoped3A : memref<!tpu.dma_semaphore, #tpu.memory_space<semaphore_mem>>) src(%arg12 : memref<64x128xf32, #tpu.memory_space<vmem>>) dst(%dma_wait3A_230 : memref<64x128xf32, #tpu.memory_space<vmem_shared>>)
          tpu.yield
        }) : () -> ()
        %add3A_40 = arith.constant 512 : i32
        %add3A_41 = arith.addi %mul3A_23, %add3A_40 : i32
        "tpu.region"() ({
          %run_scoped3A = tpu.sem_alloc : memref<!tpu.dma_semaphore, #tpu.memory_space<semaphore_mem>>
          %dma_start3A = arith.constant 0 : i32
          %dma_start3A_225 = arith.constant 0 : i32
          %dma_start3A_226 = tpu.memref_slice %arg12[%dma_start3A, %dma_start3A_225] : memref<64x128xf32, #tpu.memory_space<vmem>> -> memref<8x128xf32, #tpu.memory_space<vmem>>
          %dma_start3A_227 = arith.constant 0 : i32
          %dma_start3A_228 = tpu.memref_slice %arg13[%add3A_41, %dma_start3A_227] : memref<8320x128xf32, #tpu.memory_space<vmem_shared>> -> memref<8x128xf32, #tpu.memory_space<vmem_shared>>
          %dma_start3A_229 = arith.constant 0 : i32
          %dma_start3A_230 = tpu.memref_slice %arg13[%add3A_41, %dma_start3A_229] : memref<8320x128xf32, #tpu.memory_space<vmem_shared>> -> memref<8x128xf32, #tpu.memory_space<vmem_shared>>
          %dma_start3A_231 = arith.constant 0 : i32
          %dma_start3A_232 = arith.constant 0 : i32
          %dma_start3A_233 = tpu.memref_slice %arg12[%dma_start3A_231, %dma_start3A_232] : memref<64x128xf32, #tpu.memory_space<vmem>> -> memref<8x128xf32, #tpu.memory_space<vmem>>
          tpu.enqueue_dma source(%dma_start3A_233 : memref<8x128xf32, #tpu.memory_space<vmem>>) target(%dma_start3A_230 : memref<8x128xf32, #tpu.memory_space<vmem_shared>>) target_semaphore(%run_scoped3A : memref<!tpu.dma_semaphore, #tpu.memory_space<semaphore_mem>>)
          %dma_wait3A = arith.constant 0 : i32
          %dma_wait3A_234 = arith.constant 0 : i32
          %dma_wait3A_235 = tpu.memref_slice %arg12[%dma_wait3A, %dma_wait3A_234] : memref<64x128xf32, #tpu.memory_space<vmem>> -> memref<8x128xf32, #tpu.memory_space<vmem>>
          %dma_wait3A_236 = arith.constant 0 : i32
          %dma_wait3A_237 = tpu.memref_slice %arg13[%add3A_41, %dma_wait3A_236] : memref<8320x128xf32, #tpu.memory_space<vmem_shared>> -> memref<8x128xf32, #tpu.memory_space<vmem_shared>>
          %dma_wait3A_238 = arith.constant 0 : i32
          %dma_wait3A_239 = tpu.memref_slice %arg13[%add3A_41, %dma_wait3A_238] : memref<8320x128xf32, #tpu.memory_space<vmem_shared>> -> memref<8x128xf32, #tpu.memory_space<vmem_shared>>
          %dma_wait3A_240 = arith.constant 0 : i32
          %dma_wait3A_241 = arith.constant 0 : i32
          %dma_wait3A_242 = tpu.memref_slice %arg12[%dma_wait3A_240, %dma_wait3A_241] : memref<64x128xf32, #tpu.memory_space<vmem>> -> memref<8x128xf32, #tpu.memory_space<vmem>>
          tpu.wait_dma2 semaphore(%run_scoped3A : memref<!tpu.dma_semaphore, #tpu.memory_space<semaphore_mem>>) src(%dma_wait3A_242 : memref<8x128xf32, #tpu.memory_space<vmem>>) dst(%dma_wait3A_239 : memref<8x128xf32, #tpu.memory_space<vmem_shared>>)
          tpu.yield
        }) : () -> ()
        %barrier3A = arith.constant 0 : index
        tpu.barrier barrier_id(%barrier3A)
        %jit3A = arith.constant 16 : i32
        %div3A = arith.divsi %add3A, %jit3A : i32
        %sign3A = arith.constant 0 : i32
        %sign3A_42 = arith.cmpi sgt, %add3A, %sign3A : i32
        %sign3A_43 = arith.extui %sign3A_42 : i1 to i32
        %sign3A_44 = arith.constant 0 : i32
        %sign3A_45 = arith.cmpi slt, %add3A, %sign3A_44 : i32
        %sign3A_46 = arith.extui %sign3A_45 : i1 to i32
        %sign3A_47 = arith.subi %sign3A_43, %sign3A_46 : i32
        %sign3A_48 = arith.constant 0 : i32
        %sign3A_49 = arith.cmpi sgt, %jit3A, %sign3A_48 : i32
        %sign3A_50 = arith.extui %sign3A_49 : i1 to i32
        %sign3A_51 = arith.constant 0 : i32
        %sign3A_52 = arith.cmpi slt, %jit3A, %sign3A_51 : i32
        %sign3A_53 = arith.extui %sign3A_52 : i1 to i32
        %sign3A_54 = arith.subi %sign3A_50, %sign3A_53 : i32
        %ne3A = arith.cmpi ne, %sign3A_47, %sign3A_54 : i32
        %rem3A = arith.remsi %add3A, %jit3A : i32
        %ne3A_55 = arith.constant 0 : i32
        %ne3A_56 = arith.cmpi ne, %rem3A, %ne3A_55 : i32
        %and3A = arith.andi %ne3A, %ne3A_56 : i1
        %sub3A = arith.constant 1 : i32
        %sub3A_57 = arith.subi %div3A, %sub3A : i32
        %select_n3A = arith.select %and3A, %sub3A_57, %div3A : i32
        %mul3A_58 = arith.constant 16 : i32
        %mul3A_59 = arith.muli %select_n3A, %mul3A_58 : i32
        %get3A = arith.index_cast %mul3A_59 : i32 to index
        %get3A_60 = tpu.vector_load %arg11[%get3A] {strides = array<i32>} : memref<32xi32, #tpu.memory_space<vmem>>, vector<16xi32>,
        %iota3A_61 = tpu.iota {dimensions = array<i32: 0>} : vector<16xi32>
        %sub3A_62 = arith.subi %add3A, %mul3A_59 : i32
        %eq3A = vector.broadcast %sub3A_62 : i32 to vector<16xi32>
        %eq3A_63 = arith.cmpi eq, %iota3A_61, %eq3A : vector<16xi32>
        %jit3A_64 = arith.constant 0 : i32
        %broadcast_in_dim3A_65 = vector.broadcast %jit3A_64 : i32 to vector<16xi32>
        %select_n3A_66 = arith.select %eq3A_63, %get3A_60, %broadcast_in_dim3A_65 : vector<16xi1>, vector<16xi32>
        %reduce_max3A = arith.constant true
        %reduce_max3A_67 = vector.broadcast %reduce_max3A : i1 to vector<16xi1>
        %reduce_max3A_68 = arith.constant -2147483648 : i32
        %reduce_max3A_69 = vector.broadcast %reduce_max3A_68 : i32 to vector<16xi32>
        %reduce_max3A_70 = arith.xori %select_n3A_66, %reduce_max3A_69 : vector<16xi32>
        %reduce_max3A_71 = tpu.scan <max>, %reduce_max3A_70 masked %reduce_max3A_67 : vector<16xi32>, vector<16xi1> -> vector<16xi32>
        %reduce_max3A_72 = arith.xori %reduce_max3A_71, %reduce_max3A_69 : vector<16xi32>
        %reduce_max3A_73 = vector.extract %reduce_max3A_72[15] : i32 from vector<16xi32>
        %add3A_74 = arith.constant 1 : i32
        %add3A_75 = arith.addi %add3A, %add3A_74 : i32
        %jit3A_76 = arith.constant 16 : i32
        %div3A_77 = arith.divsi %add3A_75, %jit3A_76 : i32
        %sign3A_78 = arith.constant 0 : i32
        %sign3A_79 = arith.cmpi sgt, %add3A_75, %sign3A_78 : i32
        %sign3A_80 = arith.extui %sign3A_79 : i1 to i32
        %sign3A_81 = arith.constant 0 : i32
        %sign3A_82 = arith.cmpi slt, %add3A_75, %sign3A_81 : i32
        %sign3A_83 = arith.extui %sign3A_82 : i1 to i32
        %sign3A_84 = arith.subi %sign3A_80, %sign3A_83 : i32
        %sign3A_85 = arith.constant 0 : i32
        %sign3A_86 = arith.cmpi sgt, %jit3A_76, %sign3A_85 : i32
        %sign3A_87 = arith.extui %sign3A_86 : i1 to i32
        %sign3A_88 = arith.constant 0 : i32
        %sign3A_89 = arith.cmpi slt, %jit3A_76, %sign3A_88 : i32
        %sign3A_90 = arith.extui %sign3A_89 : i1 to i32
        %sign3A_91 = arith.subi %sign3A_87, %sign3A_90 : i32
        %ne3A_92 = arith.cmpi ne, %sign3A_84, %sign3A_91 : i32
        %rem3A_93 = arith.remsi %add3A_75, %jit3A_76 : i32
        %ne3A_94 = arith.constant 0 : i32
        %ne3A_95 = arith.cmpi ne, %rem3A_93, %ne3A_94 : i32
        %and3A_96 = arith.andi %ne3A_92, %ne3A_95 : i1
        %sub3A_97 = arith.constant 1 : i32
        %sub3A_98 = arith.subi %div3A_77, %sub3A_97 : i32
        %select_n3A_99 = arith.select %and3A_96, %sub3A_98, %div3A_77 : i32
        %mul3A_100 = arith.constant 16 : i32
        %mul3A_101 = arith.muli %select_n3A_99, %mul3A_100 : i32
        %get3A_102 = arith.index_cast %mul3A_101 : i32 to index
        %get3A_103 = tpu.vector_load %arg11[%get3A_102] {strides = array<i32>} : memref<32xi32, #tpu.memory_space<vmem>>, vector<16xi32>,
        %iota3A_104 = tpu.iota {dimensions = array<i32: 0>} : vector<16xi32>
        %sub3A_105 = arith.subi %add3A_75, %mul3A_101 : i32
        %eq3A_106 = vector.broadcast %sub3A_105 : i32 to vector<16xi32>
        %eq3A_107 = arith.cmpi eq, %iota3A_104, %eq3A_106 : vector<16xi32>
        %jit3A_108 = arith.constant 0 : i32
        %broadcast_in_dim3A_109 = vector.broadcast %jit3A_108 : i32 to vector<16xi32>
        %select_n3A_110 = arith.select %eq3A_107, %get3A_103, %broadcast_in_dim3A_109 : vector<16xi1>, vector<16xi32>
        %reduce_max3A_111 = arith.constant true
        %reduce_max3A_112 = vector.broadcast %reduce_max3A_111 : i1 to vector<16xi1>
        %reduce_max3A_113 = arith.constant -2147483648 : i32
        %reduce_max3A_114 = vector.broadcast %reduce_max3A_113 : i32 to vector<16xi32>
        %reduce_max3A_115 = arith.xori %select_n3A_110, %reduce_max3A_114 : vector<16xi32>
        %reduce_max3A_116 = tpu.scan <max>, %reduce_max3A_115 masked %reduce_max3A_112 : vector<16xi32>, vector<16xi1> -> vector<16xi32>
        %reduce_max3A_117 = arith.xori %reduce_max3A_116, %reduce_max3A_114 : vector<16xi32>
        %reduce_max3A_118 = vector.extract %reduce_max3A_117[15] : i32 from vector<16xi32>
        %sub3A_119 = arith.subi %reduce_max3A_118, %reduce_max3A_73 : i32
        %add3A_120 = arith.constant 16 : i32
        %add3A_121 = arith.addi %sub3A_119, %add3A_120 : i32
        %sub3A_122 = arith.constant 1 : i32
        %sub3A_123 = arith.subi %add3A_121, %sub3A_122 : i32
        %jit3A_124 = arith.constant 16 : i32
        %div3A_125 = arith.divsi %sub3A_123, %jit3A_124 : i32
        %sign3A_126 = arith.constant 0 : i32
        %sign3A_127 = arith.cmpi sgt, %sub3A_123, %sign3A_126 : i32
        %sign3A_128 = arith.extui %sign3A_127 : i1 to i32
        %sign3A_129 = arith.constant 0 : i32
        %sign3A_130 = arith.cmpi slt, %sub3A_123, %sign3A_129 : i32
        %sign3A_131 = arith.extui %sign3A_130 : i1 to i32
        %sign3A_132 = arith.subi %sign3A_128, %sign3A_131 : i32
        %sign3A_133 = arith.constant 0 : i32
        %sign3A_134 = arith.cmpi sgt, %jit3A_124, %sign3A_133 : i32
        %sign3A_135 = arith.extui %sign3A_134 : i1 to i32
        %sign3A_136 = arith.constant 0 : i32
        %sign3A_137 = arith.cmpi slt, %jit3A_124, %sign3A_136 : i32
        %sign3A_138 = arith.extui %sign3A_137 : i1 to i32
        %sign3A_139 = arith.subi %sign3A_135, %sign3A_138 : i32
        %ne3A_140 = arith.cmpi ne, %sign3A_132, %sign3A_139 : i32
        %rem3A_141 = arith.remsi %sub3A_123, %jit3A_124 : i32
        %ne3A_142 = arith.constant 0 : i32
        %ne3A_143 = arith.cmpi ne, %rem3A_141, %ne3A_142 : i32
        %and3A_144 = arith.andi %ne3A_140, %ne3A_143 : i1
        %sub3A_145 = arith.constant 1 : i32
        %sub3A_146 = arith.subi %div3A_125, %sub3A_145 : i32
        %select_n3A_147 = arith.select %and3A_144, %sub3A_146, %div3A_125 : i32
        %mul3A_148 = arith.muli %arg1, %select_n3A_147 : i32
        %add3A_149 = arith.addi %reduce_max3A_73, %mul3A_148 : i32
        %add3A_150 = arith.addi %add3A_149, %select_n3A_147 : i32
        %min3A = arith.minsi %add3A_150, %reduce_max3A_118 : i32
        %jit3A_151 = arith.constant 8 : i32
        %div3A_152 = arith.divsi %add3A_149, %jit3A_151 : i32
        %sign3A_153 = arith.constant 0 : i32
        %sign3A_154 = arith.cmpi sgt, %add3A_149, %sign3A_153 : i32
        %sign3A_155 = arith.extui %sign3A_154 : i1 to i32
        %sign3A_156 = arith.constant 0 : i32
        %sign3A_157 = arith.cmpi slt, %add3A_149, %sign3A_156 : i32
        %sign3A_158 = arith.extui %sign3A_157 : i1 to i32
        %sign3A_159 = arith.subi %sign3A_155, %sign3A_158 : i32
        %sign3A_160 = arith.constant 0 : i32
        %sign3A_161 = arith.cmpi sgt, %jit3A_151, %sign3A_160 : i32
        %sign3A_162 = arith.extui %sign3A_161 : i1 to i32
        %sign3A_163 = arith.constant 0 : i32
        %sign3A_164 = arith.cmpi slt, %jit3A_151, %sign3A_163 : i32
        %sign3A_165 = arith.extui %sign3A_164 : i1 to i32
        %sign3A_166 = arith.subi %sign3A_162, %sign3A_165 : i32
        %ne3A_167 = arith.cmpi ne, %sign3A_159, %sign3A_166 : i32
        %rem3A_168 = arith.remsi %add3A_149, %jit3A_151 : i32
        %ne3A_169 = arith.constant 0 : i32
        %ne3A_170 = arith.cmpi ne, %rem3A_168, %ne3A_169 : i32
        %and3A_171 = arith.andi %ne3A_167, %ne3A_170 : i1
        %sub3A_172 = arith.constant 1 : i32
        %sub3A_173 = arith.subi %div3A_152, %sub3A_172 : i32
        %select_n3A_174 = arith.select %and3A_171, %sub3A_173, %div3A_152 : i32
        %mul3A_175 = arith.constant 8 : i32
        %mul3A_176 = arith.muli %select_n3A_174, %mul3A_175 : i32
        %sub3A_177 = arith.subi %min3A, %mul3A_176 : i32
        %add3A_178 = arith.constant 64 : i32
        %add3A_179 = arith.addi %sub3A_177, %add3A_178 : i32
        %sub3A_180 = arith.constant 1 : i32
        %sub3A_181 = arith.subi %add3A_179, %sub3A_180 : i32
        %jit3A_182 = arith.constant 64 : i32
        %div3A_183 = arith.divsi %sub3A_181, %jit3A_182 : i32
        %sign3A_184 = arith.constant 0 : i32
        %sign3A_185 = arith.cmpi sgt, %sub3A_181, %sign3A_184 : i32
        %sign3A_186 = arith.extui %sign3A_185 : i1 to i32
        %sign3A_187 = arith.constant 0 : i32
        %sign3A_188 = arith.cmpi slt, %sub3A_181, %sign3A_187 : i32
        %sign3A_189 = arith.extui %sign3A_188 : i1 to i32
        %sign3A_190 = arith.subi %sign3A_186, %sign3A_189 : i32
        %sign3A_191 = arith.constant 0 : i32
        %sign3A_192 = arith.cmpi sgt, %jit3A_182, %sign3A_191 : i32
        %sign3A_193 = arith.extui %sign3A_192 : i1 to i32
        %sign3A_194 = arith.constant 0 : i32
        %sign3A_195 = arith.cmpi slt, %jit3A_182, %sign3A_194 : i32
        %sign3A_196 = arith.extui %sign3A_195 : i1 to i32
        %sign3A_197 = arith.subi %sign3A_193, %sign3A_196 : i32
        %ne3A_198 = arith.cmpi ne, %sign3A_190, %sign3A_197 : i32
        %rem3A_199 = arith.remsi %sub3A_181, %jit3A_182 : i32
        %ne3A_200 = arith.constant 0 : i32
        %ne3A_201 = arith.cmpi ne, %rem3A_199, %ne3A_200 : i32
        %and3A_202 = arith.andi %ne3A_198, %ne3A_201 : i1
        %sub3A_203 = arith.constant 1 : i32
        %sub3A_204 = arith.subi %div3A_183, %sub3A_203 : i32
        %select_n3A_205 = arith.select %and3A_202, %sub3A_204, %div3A_183 : i32
        %max3A = arith.constant 0 : i32
        %max3A_206 = arith.maxsi %select_n3A_205, %max3A : i32
        %while3A = arith.constant 0 : i32
        %while3A_207 = arith.constant 0 : i32
        %while3A_208 = arith.subi %max3A_206, %while3A : i32
        %while3A_209 = arith.addi %while3A, %while3A_208 : i32
        %while3A_210 = arith.constant 1 : i32
        %while3A_211 = arith.divsi %while3A_208, %while3A_210 : i32
        %while3A_212 = arith.muli %while3A_211, %while3A_210 : i32
        %while3A_213 = arith.addi %while3A, %while3A_212 : i32
        %while3A_214 = arith.constant 1 : i32
        %while3A_215 = scf.for %while3A_225 = %while3A to %while3A_213 step %while3A_214 iter_args(%while3A_226 = %while3A_207) -> (i32)  : i32 {
          %mul3A_227 = arith.constant 64 : i32
          %mul3A_228 = arith.muli %while3A_225, %mul3A_227 : i32
          %add3A_229 = arith.addi %mul3A_176, %mul3A_228 : i32
          "tpu.region"() ({
            %run_scoped3A = tpu.sem_alloc : memref<!tpu.dma_semaphore, #tpu.memory_space<semaphore_mem>>
            %dma_start3A_305 = tpu.memref_slice %arg3[%add3A_229] : memref<165888xi32, #tpu.memory_space<hbm>> -> memref<64xi32, #tpu.memory_space<hbm>>
            %dma_start3A_306 = tpu.memref_slice %arg3[%add3A_229] : memref<165888xi32, #tpu.memory_space<hbm>> -> memref<64xi32, #tpu.memory_space<hbm>>
            tpu.enqueue_dma source(%dma_start3A_306 : memref<64xi32, #tpu.memory_space<hbm>>) target(%arg8 : memref<64xi32, #tpu.memory_space<vmem>>) target_semaphore(%run_scoped3A : memref<!tpu.dma_semaphore, #tpu.memory_space<semaphore_mem>>)
            %dma_wait3A_307 = tpu.memref_slice %arg3[%add3A_229] : memref<165888xi32, #tpu.memory_space<hbm>> -> memref<64xi32, #tpu.memory_space<hbm>>
            %dma_wait3A_308 = tpu.memref_slice %arg3[%add3A_229] : memref<165888xi32, #tpu.memory_space<hbm>> -> memref<64xi32, #tpu.memory_space<hbm>>
            tpu.wait_dma2 semaphore(%run_scoped3A : memref<!tpu.dma_semaphore, #tpu.memory_space<semaphore_mem>>) src(%dma_wait3A_308 : memref<64xi32, #tpu.memory_space<hbm>>) dst(%arg8 : memref<64xi32, #tpu.memory_space<vmem>>)
            tpu.yield
          }) : () -> ()
          "tpu.region"() ({
            %run_scoped3A = tpu.sem_alloc : memref<!tpu.dma_semaphore, #tpu.memory_space<semaphore_mem>>
            %dma_start3A_305 = tpu.memref_slice %arg4[%add3A_229] : memref<165888xi32, #tpu.memory_space<hbm>> -> memref<64xi32, #tpu.memory_space<hbm>>
            %dma_start3A_306 = tpu.memref_slice %arg4[%add3A_229] : memref<165888xi32, #tpu.memory_space<hbm>> -> memref<64xi32, #tpu.memory_space<hbm>>
            tpu.enqueue_dma source(%dma_start3A_306 : memref<64xi32, #tpu.memory_space<hbm>>) target(%arg9 : memref<64xi32, #tpu.memory_space<vmem>>) target_semaphore(%run_scoped3A : memref<!tpu.dma_semaphore, #tpu.memory_space<semaphore_mem>>)
            %dma_wait3A_307 = tpu.memref_slice %arg4[%add3A_229] : memref<165888xi32, #tpu.memory_space<hbm>> -> memref<64xi32, #tpu.memory_space<hbm>>
            %dma_wait3A_308 = tpu.memref_slice %arg4[%add3A_229] : memref<165888xi32, #tpu.memory_space<hbm>> -> memref<64xi32, #tpu.memory_space<hbm>>
            tpu.wait_dma2 semaphore(%run_scoped3A : memref<!tpu.dma_semaphore, #tpu.memory_space<semaphore_mem>>) src(%dma_wait3A_308 : memref<64xi32, #tpu.memory_space<hbm>>) dst(%arg9 : memref<64xi32, #tpu.memory_space<vmem>>)
            tpu.yield
          }) : () -> ()
          %dma_start3A = arith.constant 0 : i32
          %dma_start3A_230 = arith.constant 0 : i32
          %dma_start3A_231 = tpu.memref_slice %arg2[%dma_start3A, %dma_start3A_230] : memref<180224x128xf32, #tpu.memory_space<hbm>> -> memref<180224x128xf32, #tpu.memory_space<hbm>>
          tpu.enqueue_indirect_dma source(%dma_start3A_231 : memref<180224x128xf32, #tpu.memory_space<hbm>>) target(%arg7 : memref<64x128xf32, #tpu.memory_space<vmem>>) offsets(%arg8 : memref<64xi32, #tpu.memory_space<vmem>>) semaphore(%arg14 : memref<!tpu.dma_semaphore, #tpu.memory_space<semaphore_mem>>)
          %dma_wait3A = arith.constant 0 : i32
          %dma_wait3A_232 = arith.constant 0 : i32
          %dma_wait3A_233 = tpu.memref_slice %arg2[%dma_wait3A, %dma_wait3A_232] : memref<180224x128xf32, #tpu.memory_space<hbm>> -> memref<180224x128xf32, #tpu.memory_space<hbm>>
          tpu.wait_indirect_dma semaphore(%arg14 : memref<!tpu.dma_semaphore, #tpu.memory_space<semaphore_mem>>) src(%dma_wait3A_233 : memref<180224x128xf32, #tpu.memory_space<hbm>>) dst(%arg7 : memref<64x128xf32, #tpu.memory_space<vmem>>)
          %get3A_234 = arith.constant 0 : index
          %get3A_235 = tpu.vector_load %arg9[%get3A_234] {strides = array<i32>} : memref<64xi32, #tpu.memory_space<vmem>>, vector<16xi32>,
          %add3A_236 = arith.constant 0 : i32
          %add3A_237 = arith.addi %add3A_229, %add3A_236 : i32
          %add3A_238 = vector.broadcast %add3A_237 : i32 to vector<16xi32>
          %add3A_239 = arith.addi %add3A_238, %iota3A : vector<16xi32>
          %ge3A = vector.broadcast %add3A_149 : i32 to vector<16xi32>
          %ge3A_240 = arith.cmpi sge, %add3A_239, %ge3A : vector<16xi32>
          %lt3A_241 = vector.broadcast %min3A : i32 to vector<16xi32>
          %lt3A_242 = arith.cmpi slt, %add3A_239, %lt3A_241 : vector<16xi32>
          %and3A_243 = arith.andi %ge3A_240, %lt3A_242 : vector<16xi1>
          %sub3A_244 = vector.broadcast %mul3A_21 : i32 to vector<16xi32>
          %sub3A_245 = arith.subi %get3A_235, %sub3A_244 : vector<16xi32>
          %jit3A_246 = arith.constant 8192 : i32
          %broadcast_in_dim3A_247 = vector.broadcast %jit3A_246 : i32 to vector<16xi32>
          %select_n3A_248 = arith.select %and3A_243, %sub3A_245, %broadcast_in_dim3A_247 : vector<16xi1>, vector<16xi32>
          %swap3A = arith.constant 0 : index
          %swap3A_249 = tpu.vector_load %arg10[%swap3A] {strides = array<i32>} : memref<64xi32, #tpu.memory_space<vmem>>, vector<16xi32>,
          tpu.vector_store %arg10[%swap3A], %select_n3A_248 {strides = array<i32>} : memref<64xi32, #tpu.memory_space<vmem>>, vector<16xi32>,
          %get3A_250 = arith.constant 16 : index
          %get3A_251 = tpu.vector_load %arg9[%get3A_250] {strides = array<i32>} : memref<64xi32, #tpu.memory_space<vmem>>, vector<16xi32>,
          %add3A_252 = arith.constant 16 : i32
          %add3A_253 = arith.addi %add3A_229, %add3A_252 : i32
          %add3A_254 = vector.broadcast %add3A_253 : i32 to vector<16xi32>
          %add3A_255 = arith.addi %add3A_254, %iota3A : vector<16xi32>
          %ge3A_256 = vector.broadcast %add3A_149 : i32 to vector<16xi32>
          %ge3A_257 = arith.cmpi sge, %add3A_255, %ge3A_256 : vector<16xi32>
          %lt3A_258 = vector.broadcast %min3A : i32 to vector<16xi32>
          %lt3A_259 = arith.cmpi slt, %add3A_255, %lt3A_258 : vector<16xi32>
          %and3A_260 = arith.andi %ge3A_257, %lt3A_259 : vector<16xi1>
          %sub3A_261 = vector.broadcast %mul3A_21 : i32 to vector<16xi32>
          %sub3A_262 = arith.subi %get3A_251, %sub3A_261 : vector<16xi32>
          %jit3A_263 = arith.constant 8192 : i32
          %broadcast_in_dim3A_264 = vector.broadcast %jit3A_263 : i32 to vector<16xi32>
          %select_n3A_265 = arith.select %and3A_260, %sub3A_262, %broadcast_in_dim3A_264 : vector<16xi1>, vector<16xi32>
          %swap3A_266 = arith.constant 16 : index
          %swap3A_267 = tpu.vector_load %arg10[%swap3A_266] {strides = array<i32>} : memref<64xi32, #tpu.memory_space<vmem>>, vector<16xi32>,
          tpu.vector_store %arg10[%swap3A_266], %select_n3A_265 {strides = array<i32>} : memref<64xi32, #tpu.memory_space<vmem>>, vector<16xi32>,
          %get3A_268 = arith.constant 32 : index
          %get3A_269 = tpu.vector_load %arg9[%get3A_268] {strides = array<i32>} : memref<64xi32, #tpu.memory_space<vmem>>, vector<16xi32>,
          %add3A_270 = arith.constant 32 : i32
          %add3A_271 = arith.addi %add3A_229, %add3A_270 : i32
          %add3A_272 = vector.broadcast %add3A_271 : i32 to vector<16xi32>
          %add3A_273 = arith.addi %add3A_272, %iota3A : vector<16xi32>
          %ge3A_274 = vector.broadcast %add3A_149 : i32 to vector<16xi32>
          %ge3A_275 = arith.cmpi sge, %add3A_273, %ge3A_274 : vector<16xi32>
          %lt3A_276 = vector.broadcast %min3A : i32 to vector<16xi32>
          %lt3A_277 = arith.cmpi slt, %add3A_273, %lt3A_276 : vector<16xi32>
          %and3A_278 = arith.andi %ge3A_275, %lt3A_277 : vector<16xi1>
          %sub3A_279 = vector.broadcast %mul3A_21 : i32 to vector<16xi32>
          %sub3A_280 = arith.subi %get3A_269, %sub3A_279 : vector<16xi32>
          %jit3A_281 = arith.constant 8192 : i32
          %broadcast_in_dim3A_282 = vector.broadcast %jit3A_281 : i32 to vector<16xi32>
          %select_n3A_283 = arith.select %and3A_278, %sub3A_280, %broadcast_in_dim3A_282 : vector<16xi1>, vector<16xi32>
          %swap3A_284 = arith.constant 32 : index
          %swap3A_285 = tpu.vector_load %arg10[%swap3A_284] {strides = array<i32>} : memref<64xi32, #tpu.memory_space<vmem>>, vector<16xi32>,
          tpu.vector_store %arg10[%swap3A_284], %select_n3A_283 {strides = array<i32>} : memref<64xi32, #tpu.memory_space<vmem>>, vector<16xi32>,
          %get3A_286 = arith.constant 48 : index
          %get3A_287 = tpu.vector_load %arg9[%get3A_286] {strides = array<i32>} : memref<64xi32, #tpu.memory_space<vmem>>, vector<16xi32>,
          %add3A_288 = arith.constant 48 : i32
          %add3A_289 = arith.addi %add3A_229, %add3A_288 : i32
          %add3A_290 = vector.broadcast %add3A_289 : i32 to vector<16xi32>
          %add3A_291 = arith.addi %add3A_290, %iota3A : vector<16xi32>
          %ge3A_292 = vector.broadcast %add3A_149 : i32 to vector<16xi32>
          %ge3A_293 = arith.cmpi sge, %add3A_291, %ge3A_292 : vector<16xi32>
          %lt3A_294 = vector.broadcast %min3A : i32 to vector<16xi32>
          %lt3A_295 = arith.cmpi slt, %add3A_291, %lt3A_294 : vector<16xi32>
          %and3A_296 = arith.andi %ge3A_293, %lt3A_295 : vector<16xi1>
          %sub3A_297 = vector.broadcast %mul3A_21 : i32 to vector<16xi32>
          %sub3A_298 = arith.subi %get3A_287, %sub3A_297 : vector<16xi32>
          %jit3A_299 = arith.constant 8192 : i32
          %broadcast_in_dim3A_300 = vector.broadcast %jit3A_299 : i32 to vector<16xi32>
          %select_n3A_301 = arith.select %and3A_296, %sub3A_298, %broadcast_in_dim3A_300 : vector<16xi1>, vector<16xi32>
          %swap3A_302 = arith.constant 48 : index
          %swap3A_303 = tpu.vector_load %arg10[%swap3A_302] {strides = array<i32>} : memref<64xi32, #tpu.memory_space<vmem>>, vector<16xi32>,
          tpu.vector_store %arg10[%swap3A_302], %select_n3A_301 {strides = array<i32>} : memref<64xi32, #tpu.memory_space<vmem>>, vector<16xi32>,
          "tpu.region"() ({
            %run_scoped3A = tpu.sem_alloc : memref<!tpu.dma_semaphore, #tpu.memory_space<semaphore_mem>>
            %dma_start3A_305 = arith.constant 0 : i32
            %dma_start3A_306 = arith.constant 0 : i32
            %dma_start3A_307 = tpu.memref_slice %arg13[%dma_start3A_305, %dma_start3A_306] : memref<8320x128xf32, #tpu.memory_space<vmem_shared>> -> memref<8320x128xf32, #tpu.memory_space<vmem_shared>>
            tpu.enqueue_indirect_dma source(%arg7 : memref<64x128xf32, #tpu.memory_space<vmem>>) target(%dma_start3A_307 : memref<8320x128xf32, #tpu.memory_space<vmem_shared>>) offsets(%arg10 : memref<64xi32, #tpu.memory_space<vmem>>) semaphore(%run_scoped3A : memref<!tpu.dma_semaphore, #tpu.memory_space<semaphore_mem>>) {add = true}
            %dma_wait3A_308 = arith.constant 0 : i32
            %dma_wait3A_309 = arith.constant 0 : i32
            %dma_wait3A_310 = tpu.memref_slice %arg13[%dma_wait3A_308, %dma_wait3A_309] : memref<8320x128xf32, #tpu.memory_space<vmem_shared>> -> memref<8320x128xf32, #tpu.memory_space<vmem_shared>>
            tpu.wait_indirect_dma semaphore(%run_scoped3A : memref<!tpu.dma_semaphore, #tpu.memory_space<semaphore_mem>>) src(%arg7 : memref<64x128xf32, #tpu.memory_space<vmem>>) dst(%dma_wait3A_310 : memref<8320x128xf32, #tpu.memory_space<vmem_shared>>)
            tpu.yield
          }) : () -> ()
          %while3A_304 = arith.constant 0 : i32
          scf.yield %while3A_304 : i32
        }
        %while3A_216 = arith.constant 1 : i32
        %while3A_217 = scf.for %while3A_225 = %while3A_213 to %while3A_209 step %while3A_216 iter_args(%while3A_226 = %while3A_215) -> (i32)  : i32 {
          %mul3A_227 = arith.constant 64 : i32
          %mul3A_228 = arith.muli %while3A_225, %mul3A_227 : i32
          %add3A_229 = arith.addi %mul3A_176, %mul3A_228 : i32
          "tpu.region"() ({
            %run_scoped3A = tpu.sem_alloc : memref<!tpu.dma_semaphore, #tpu.memory_space<semaphore_mem>>
            %dma_start3A_305 = tpu.memref_slice %arg3[%add3A_229] : memref<165888xi32, #tpu.memory_space<hbm>> -> memref<64xi32, #tpu.memory_space<hbm>>
            %dma_start3A_306 = tpu.memref_slice %arg3[%add3A_229] : memref<165888xi32, #tpu.memory_space<hbm>> -> memref<64xi32, #tpu.memory_space<hbm>>
            tpu.enqueue_dma source(%dma_start3A_306 : memref<64xi32, #tpu.memory_space<hbm>>) target(%arg8 : memref<64xi32, #tpu.memory_space<vmem>>) target_semaphore(%run_scoped3A : memref<!tpu.dma_semaphore, #tpu.memory_space<semaphore_mem>>)
            %dma_wait3A_307 = tpu.memref_slice %arg3[%add3A_229] : memref<165888xi32, #tpu.memory_space<hbm>> -> memref<64xi32, #tpu.memory_space<hbm>>
            %dma_wait3A_308 = tpu.memref_slice %arg3[%add3A_229] : memref<165888xi32, #tpu.memory_space<hbm>> -> memref<64xi32, #tpu.memory_space<hbm>>
            tpu.wait_dma2 semaphore(%run_scoped3A : memref<!tpu.dma_semaphore, #tpu.memory_space<semaphore_mem>>) src(%dma_wait3A_308 : memref<64xi32, #tpu.memory_space<hbm>>) dst(%arg8 : memref<64xi32, #tpu.memory_space<vmem>>)
            tpu.yield
          }) : () -> ()
          "tpu.region"() ({
            %run_scoped3A = tpu.sem_alloc : memref<!tpu.dma_semaphore, #tpu.memory_space<semaphore_mem>>
            %dma_start3A_305 = tpu.memref_slice %arg4[%add3A_229] : memref<165888xi32, #tpu.memory_space<hbm>> -> memref<64xi32, #tpu.memory_space<hbm>>
            %dma_start3A_306 = tpu.memref_slice %arg4[%add3A_229] : memref<165888xi32, #tpu.memory_space<hbm>> -> memref<64xi32, #tpu.memory_space<hbm>>
            tpu.enqueue_dma source(%dma_start3A_306 : memref<64xi32, #tpu.memory_space<hbm>>) target(%arg9 : memref<64xi32, #tpu.memory_space<vmem>>) target_semaphore(%run_scoped3A : memref<!tpu.dma_semaphore, #tpu.memory_space<semaphore_mem>>)
            %dma_wait3A_307 = tpu.memref_slice %arg4[%add3A_229] : memref<165888xi32, #tpu.memory_space<hbm>> -> memref<64xi32, #tpu.memory_space<hbm>>
            %dma_wait3A_308 = tpu.memref_slice %arg4[%add3A_229] : memref<165888xi32, #tpu.memory_space<hbm>> -> memref<64xi32, #tpu.memory_space<hbm>>
            tpu.wait_dma2 semaphore(%run_scoped3A : memref<!tpu.dma_semaphore, #tpu.memory_space<semaphore_mem>>) src(%dma_wait3A_308 : memref<64xi32, #tpu.memory_space<hbm>>) dst(%arg9 : memref<64xi32, #tpu.memory_space<vmem>>)
            tpu.yield
          }) : () -> ()
          %dma_start3A = arith.constant 0 : i32
          %dma_start3A_230 = arith.constant 0 : i32
          %dma_start3A_231 = tpu.memref_slice %arg2[%dma_start3A, %dma_start3A_230] : memref<180224x128xf32, #tpu.memory_space<hbm>> -> memref<180224x128xf32, #tpu.memory_space<hbm>>
          tpu.enqueue_indirect_dma source(%dma_start3A_231 : memref<180224x128xf32, #tpu.memory_space<hbm>>) target(%arg7 : memref<64x128xf32, #tpu.memory_space<vmem>>) offsets(%arg8 : memref<64xi32, #tpu.memory_space<vmem>>) semaphore(%arg14 : memref<!tpu.dma_semaphore, #tpu.memory_space<semaphore_mem>>)
          %dma_wait3A = arith.constant 0 : i32
          %dma_wait3A_232 = arith.constant 0 : i32
          %dma_wait3A_233 = tpu.memref_slice %arg2[%dma_wait3A, %dma_wait3A_232] : memref<180224x128xf32, #tpu.memory_space<hbm>> -> memref<180224x128xf32, #tpu.memory_space<hbm>>
          tpu.wait_indirect_dma semaphore(%arg14 : memref<!tpu.dma_semaphore, #tpu.memory_space<semaphore_mem>>) src(%dma_wait3A_233 : memref<180224x128xf32, #tpu.memory_space<hbm>>) dst(%arg7 : memref<64x128xf32, #tpu.memory_space<vmem>>)
          %get3A_234 = arith.constant 0 : index
          %get3A_235 = tpu.vector_load %arg9[%get3A_234] {strides = array<i32>} : memref<64xi32, #tpu.memory_space<vmem>>, vector<16xi32>,
          %add3A_236 = arith.constant 0 : i32
          %add3A_237 = arith.addi %add3A_229, %add3A_236 : i32
          %add3A_238 = vector.broadcast %add3A_237 : i32 to vector<16xi32>
          %add3A_239 = arith.addi %add3A_238, %iota3A : vector<16xi32>
          %ge3A = vector.broadcast %add3A_149 : i32 to vector<16xi32>
          %ge3A_240 = arith.cmpi sge, %add3A_239, %ge3A : vector<16xi32>
          %lt3A_241 = vector.broadcast %min3A : i32 to vector<16xi32>
          %lt3A_242 = arith.cmpi slt, %add3A_239, %lt3A_241 : vector<16xi32>
          %and3A_243 = arith.andi %ge3A_240, %lt3A_242 : vector<16xi1>
          %sub3A_244 = vector.broadcast %mul3A_21 : i32 to vector<16xi32>
          %sub3A_245 = arith.subi %get3A_235, %sub3A_244 : vector<16xi32>
          %jit3A_246 = arith.constant 8192 : i32
          %broadcast_in_dim3A_247 = vector.broadcast %jit3A_246 : i32 to vector<16xi32>
          %select_n3A_248 = arith.select %and3A_243, %sub3A_245, %broadcast_in_dim3A_247 : vector<16xi1>, vector<16xi32>
          %swap3A = arith.constant 0 : index
          %swap3A_249 = tpu.vector_load %arg10[%swap3A] {strides = array<i32>} : memref<64xi32, #tpu.memory_space<vmem>>, vector<16xi32>,
          tpu.vector_store %arg10[%swap3A], %select_n3A_248 {strides = array<i32>} : memref<64xi32, #tpu.memory_space<vmem>>, vector<16xi32>,
          %get3A_250 = arith.constant 16 : index
          %get3A_251 = tpu.vector_load %arg9[%get3A_250] {strides = array<i32>} : memref<64xi32, #tpu.memory_space<vmem>>, vector<16xi32>,
          %add3A_252 = arith.constant 16 : i32
          %add3A_253 = arith.addi %add3A_229, %add3A_252 : i32
          %add3A_254 = vector.broadcast %add3A_253 : i32 to vector<16xi32>
          %add3A_255 = arith.addi %add3A_254, %iota3A : vector<16xi32>
          %ge3A_256 = vector.broadcast %add3A_149 : i32 to vector<16xi32>
          %ge3A_257 = arith.cmpi sge, %add3A_255, %ge3A_256 : vector<16xi32>
          %lt3A_258 = vector.broadcast %min3A : i32 to vector<16xi32>
          %lt3A_259 = arith.cmpi slt, %add3A_255, %lt3A_258 : vector<16xi32>
          %and3A_260 = arith.andi %ge3A_257, %lt3A_259 : vector<16xi1>
          %sub3A_261 = vector.broadcast %mul3A_21 : i32 to vector<16xi32>
          %sub3A_262 = arith.subi %get3A_251, %sub3A_261 : vector<16xi32>
          %jit3A_263 = arith.constant 8192 : i32
          %broadcast_in_dim3A_264 = vector.broadcast %jit3A_263 : i32 to vector<16xi32>
          %select_n3A_265 = arith.select %and3A_260, %sub3A_262, %broadcast_in_dim3A_264 : vector<16xi1>, vector<16xi32>
          %swap3A_266 = arith.constant 16 : index
          %swap3A_267 = tpu.vector_load %arg10[%swap3A_266] {strides = array<i32>} : memref<64xi32, #tpu.memory_space<vmem>>, vector<16xi32>,
          tpu.vector_store %arg10[%swap3A_266], %select_n3A_265 {strides = array<i32>} : memref<64xi32, #tpu.memory_space<vmem>>, vector<16xi32>,
          %get3A_268 = arith.constant 32 : index
          %get3A_269 = tpu.vector_load %arg9[%get3A_268] {strides = array<i32>} : memref<64xi32, #tpu.memory_space<vmem>>, vector<16xi32>,
          %add3A_270 = arith.constant 32 : i32
          %add3A_271 = arith.addi %add3A_229, %add3A_270 : i32
          %add3A_272 = vector.broadcast %add3A_271 : i32 to vector<16xi32>
          %add3A_273 = arith.addi %add3A_272, %iota3A : vector<16xi32>
          %ge3A_274 = vector.broadcast %add3A_149 : i32 to vector<16xi32>
          %ge3A_275 = arith.cmpi sge, %add3A_273, %ge3A_274 : vector<16xi32>
          %lt3A_276 = vector.broadcast %min3A : i32 to vector<16xi32>
          %lt3A_277 = arith.cmpi slt, %add3A_273, %lt3A_276 : vector<16xi32>
          %and3A_278 = arith.andi %ge3A_275, %lt3A_277 : vector<16xi1>
          %sub3A_279 = vector.broadcast %mul3A_21 : i32 to vector<16xi32>
          %sub3A_280 = arith.subi %get3A_269, %sub3A_279 : vector<16xi32>
          %jit3A_281 = arith.constant 8192 : i32
          %broadcast_in_dim3A_282 = vector.broadcast %jit3A_281 : i32 to vector<16xi32>
          %select_n3A_283 = arith.select %and3A_278, %sub3A_280, %broadcast_in_dim3A_282 : vector<16xi1>, vector<16xi32>
          %swap3A_284 = arith.constant 32 : index
          %swap3A_285 = tpu.vector_load %arg10[%swap3A_284] {strides = array<i32>} : memref<64xi32, #tpu.memory_space<vmem>>, vector<16xi32>,
          tpu.vector_store %arg10[%swap3A_284], %select_n3A_283 {strides = array<i32>} : memref<64xi32, #tpu.memory_space<vmem>>, vector<16xi32>,
          %get3A_286 = arith.constant 48 : index
          %get3A_287 = tpu.vector_load %arg9[%get3A_286] {strides = array<i32>} : memref<64xi32, #tpu.memory_space<vmem>>, vector<16xi32>,
          %add3A_288 = arith.constant 48 : i32
          %add3A_289 = arith.addi %add3A_229, %add3A_288 : i32
          %add3A_290 = vector.broadcast %add3A_289 : i32 to vector<16xi32>
          %add3A_291 = arith.addi %add3A_290, %iota3A : vector<16xi32>
          %ge3A_292 = vector.broadcast %add3A_149 : i32 to vector<16xi32>
          %ge3A_293 = arith.cmpi sge, %add3A_291, %ge3A_292 : vector<16xi32>
          %lt3A_294 = vector.broadcast %min3A : i32 to vector<16xi32>
          %lt3A_295 = arith.cmpi slt, %add3A_291, %lt3A_294 : vector<16xi32>
          %and3A_296 = arith.andi %ge3A_293, %lt3A_295 : vector<16xi1>
          %sub3A_297 = vector.broadcast %mul3A_21 : i32 to vector<16xi32>
          %sub3A_298 = arith.subi %get3A_287, %sub3A_297 : vector<16xi32>
          %jit3A_299 = arith.constant 8192 : i32
          %broadcast_in_dim3A_300 = vector.broadcast %jit3A_299 : i32 to vector<16xi32>
          %select_n3A_301 = arith.select %and3A_296, %sub3A_298, %broadcast_in_dim3A_300 : vector<16xi1>, vector<16xi32>
          %swap3A_302 = arith.constant 48 : index
          %swap3A_303 = tpu.vector_load %arg10[%swap3A_302] {strides = array<i32>} : memref<64xi32, #tpu.memory_space<vmem>>, vector<16xi32>,
          tpu.vector_store %arg10[%swap3A_302], %select_n3A_301 {strides = array<i32>} : memref<64xi32, #tpu.memory_space<vmem>>, vector<16xi32>,
          "tpu.region"() ({
            %run_scoped3A = tpu.sem_alloc : memref<!tpu.dma_semaphore, #tpu.memory_space<semaphore_mem>>
            %dma_start3A_305 = arith.constant 0 : i32
            %dma_start3A_306 = arith.constant 0 : i32
            %dma_start3A_307 = tpu.memref_slice %arg13[%dma_start3A_305, %dma_start3A_306] : memref<8320x128xf32, #tpu.memory_space<vmem_shared>> -> memref<8320x128xf32, #tpu.memory_space<vmem_shared>>
            tpu.enqueue_indirect_dma source(%arg7 : memref<64x128xf32, #tpu.memory_space<vmem>>) target(%dma_start3A_307 : memref<8320x128xf32, #tpu.memory_space<vmem_shared>>) offsets(%arg10 : memref<64xi32, #tpu.memory_space<vmem>>) semaphore(%run_scoped3A : memref<!tpu.dma_semaphore, #tpu.memory_space<semaphore_mem>>) {add = true}
            %dma_wait3A_308 = arith.constant 0 : i32
            %dma_wait3A_309 = arith.constant 0 : i32
            %dma_wait3A_310 = tpu.memref_slice %arg13[%dma_wait3A_308, %dma_wait3A_309] : memref<8320x128xf32, #tpu.memory_space<vmem_shared>> -> memref<8320x128xf32, #tpu.memory_space<vmem_shared>>
            tpu.wait_indirect_dma semaphore(%run_scoped3A : memref<!tpu.dma_semaphore, #tpu.memory_space<semaphore_mem>>) src(%arg7 : memref<64x128xf32, #tpu.memory_space<vmem>>) dst(%dma_wait3A_310 : memref<8320x128xf32, #tpu.memory_space<vmem_shared>>)
            tpu.yield
          }) : () -> ()
          %while3A_304 = arith.constant 0 : i32
          scf.yield %while3A_304 : i32
        }
        %barrier3A_218 = arith.constant 0 : index
        tpu.barrier barrier_id(%barrier3A_218)
        %mul3A_219 = arith.constant 512 : i32
        %mul3A_220 = arith.muli %arg1, %mul3A_219 : i32
        %mul3A_221 = arith.constant 512 : i32
        %mul3A_222 = arith.muli %arg1, %mul3A_221 : i32
        %add3A_223 = arith.addi %mul3A_21, %mul3A_222 : i32
        "tpu.region"() ({
          %run_scoped3A = tpu.sem_alloc : memref<!tpu.dma_semaphore, #tpu.memory_space<semaphore_mem>>
          %dma_start3A = arith.constant 0 : i32
          %dma_start3A_225 = tpu.memref_slice %arg6[%add3A_223, %dma_start3A] : memref<180224x128xf32, #tpu.memory_space<hbm>> -> memref<512x128xf32, #tpu.memory_space<hbm>>
          %dma_start3A_226 = arith.constant 0 : i32
          %dma_start3A_227 = tpu.memref_slice %arg13[%mul3A_220, %dma_start3A_226] : memref<8320x128xf32, #tpu.memory_space<vmem_shared>> -> memref<512x128xf32, #tpu.memory_space<vmem_shared>>
          tpu.enqueue_dma source(%dma_start3A_227 : memref<512x128xf32, #tpu.memory_space<vmem_shared>>) target(%dma_start3A_225 : memref<512x128xf32, #tpu.memory_space<hbm>>) target_semaphore(%run_scoped3A : memref<!tpu.dma_semaphore, #tpu.memory_space<semaphore_mem>>)
          %dma_wait3A = arith.constant 0 : i32
          %dma_wait3A_228 = tpu.memref_slice %arg6[%add3A_223, %dma_wait3A] : memref<180224x128xf32, #tpu.memory_space<hbm>> -> memref<512x128xf32, #tpu.memory_space<hbm>>
          %dma_wait3A_229 = arith.constant 0 : i32
          %dma_wait3A_230 = tpu.memref_slice %arg13[%mul3A_220, %dma_wait3A_229] : memref<8320x128xf32, #tpu.memory_space<vmem_shared>> -> memref<512x128xf32, #tpu.memory_space<vmem_shared>>
          tpu.wait_dma2 semaphore(%run_scoped3A : memref<!tpu.dma_semaphore, #tpu.memory_space<semaphore_mem>>) src(%dma_wait3A_230 : memref<512x128xf32, #tpu.memory_space<vmem_shared>>) dst(%dma_wait3A_228 : memref<512x128xf32, #tpu.memory_space<hbm>>)
          tpu.yield
        }) : () -> ()
        %barrier3A_224 = arith.constant 0 : index
        tpu.barrier barrier_id(%barrier3A_224)
      } else {
      }
      %scan3A_19 = arith.constant 0 : i32
      scf.yield %scan3A_19 : i32
    }
    %scan3A_13 = arith.constant 11 : i32
    return
  }
}

module attributes {stable_mosaic.version = 14 : i64} {
  func.func @_mm_body(%arg0: memref<1792x128xf32, #tpu.memory_space<vmem>>, %arg1: memref<128x128xf32, #tpu.memory_space<vmem>>, %arg2: memref<1792x128xf32, #tpu.memory_space<vmem>>) attributes {dimension_semantics = [], scalar_prefetch = 0 : i64, scratch_operands = 0 : i64, tpu.core_type = #tpu.core_type<tc>} {
    %get3A = arith.constant 0 : index
    %get3A_0 = arith.constant 0 : index
    %get3A_1 = vector.load %arg0[%get3A, %get3A_0] : memref<1792x128xf32, #tpu.memory_space<vmem>>, vector<1792x128xf32>
    %get3A_2 = arith.constant 0 : index
    %get3A_3 = arith.constant 0 : index
    %get3A_4 = vector.load %arg1[%get3A_2, %get3A_3] : memref<128x128xf32, #tpu.memory_space<vmem>>, vector<128x128xf32>
    %dot_general3A = arith.constant dense<0.000000e+00> : vector<1792x128xf32>
    %dot_general3A_5 = tpu.matmul %get3A_1, %get3A_4, %dot_general3A {dimension_numbers = #tpu.dot_dimension_numbers<[1], [0], [0], [1], [0, 0, 1, 1], [], []>, transpose_lhs_hint = false} : vector<1792x128xf32>, vector<128x128xf32>, vector<1792x128xf32> -> vector<1792x128xf32>
    %swap3A = arith.constant 0 : index
    %swap3A_6 = arith.constant 0 : index
    %swap3A_7 = vector.load %arg2[%swap3A, %swap3A_6] : memref<1792x128xf32, #tpu.memory_space<vmem>>, vector<1792x128xf32>
    tpu.vector_store %arg2[%swap3A, %swap3A_6], %dot_general3A_5 {strides = array<i32>} : memref<1792x128xf32, #tpu.memory_space<vmem>>, vector<1792x128xf32>,
    return
  }
}

module attributes {stable_mosaic.version = 14 : i64} {
  func.func @_pass1_body(%arg0: i32, %arg1: memref<512x128xf32, #tpu.memory_space<vmem>>, %arg2: memref<128x128xf32, #tpu.memory_space<vmem>>, %arg3: memref<1x128xf32, #tpu.memory_space<vmem>>, %arg4: memref<128x128xf32, #tpu.memory_space<vmem>>, %arg5: memref<512x128xf32, #tpu.memory_space<vmem>>, %arg6: memref<512x128xf32, #tpu.memory_space<vmem>>) attributes {dimension_semantics = [#tpu.dimension_semantics<arbitrary>], iteration_bounds = array<i64: 352>, scalar_prefetch = 0 : i64, scratch_operands = 0 : i64, tpu.core_type = #tpu.core_type<tc>, window_params = [{transform_indices = @transform_0, window_bounds = array<i64: 512, 128>}, {pipeline_mode = #tpu.pipeline_mode<synchronous>, transform_indices = @transform_1, window_bounds = array<i64: 128, 128>}, {pipeline_mode = #tpu.pipeline_mode<synchronous>, transform_indices = @transform_2, window_bounds = array<i64: 1, 128>}, {pipeline_mode = #tpu.pipeline_mode<synchronous>, transform_indices = @transform_3, window_bounds = array<i64: 128, 128>}, {transform_indices = @transform_4, window_bounds = array<i64: 512, 128>}, {transform_indices = @transform_5, window_bounds = array<i64: 512, 128>}]} {
    %get3A = arith.constant 0 : index
    %get3A_0 = arith.constant 0 : index
    %get3A_1 = vector.load %arg1[%get3A, %get3A_0] : memref<512x128xf32, #tpu.memory_space<vmem>>, vector<512x128xf32>
    %get3A_2 = arith.constant 0 : index
    %get3A_3 = arith.constant 0 : index
    %get3A_4 = vector.load %arg2[%get3A_2, %get3A_3] : memref<128x128xf32, #tpu.memory_space<vmem>>, vector<128x128xf32>
    %dot_general3A = arith.constant dense<0.000000e+00> : vector<512x128xf32>
    %dot_general3A_5 = tpu.matmul %get3A_1, %get3A_4, %dot_general3A {dimension_numbers = #tpu.dot_dimension_numbers<[1], [0], [0], [1], [0, 0, 1, 1], [], []>, transpose_lhs_hint = false} : vector<512x128xf32>, vector<128x128xf32>, vector<512x128xf32> -> vector<512x128xf32>
    %get3A_6 = arith.constant 0 : index
    %get3A_7 = arith.constant 0 : index
    %get3A_8 = vector.load %arg3[%get3A_6, %get3A_7] : memref<1x128xf32, #tpu.memory_space<vmem>>, vector<1x128xf32>
    %add3A = vector.broadcast %get3A_8 : vector<1x128xf32> to vector<512x128xf32>
    %add3A_9 = arith.addf %dot_general3A_5, %add3A : vector<512x128xf32>
    %max3A = arith.constant 0.000000e+00 : f32
    %max3A_10 = vector.broadcast %max3A : f32 to vector<512x128xf32>
    %max3A_11 = arith.maximumf %add3A_9, %max3A_10 : vector<512x128xf32>
    %swap3A = arith.constant 0 : index
    %swap3A_12 = arith.constant 0 : index
    %swap3A_13 = vector.load %arg5[%swap3A, %swap3A_12] : memref<512x128xf32, #tpu.memory_space<vmem>>, vector<512x128xf32>
    tpu.vector_store %arg5[%swap3A, %swap3A_12], %max3A_11 {strides = array<i32>} : memref<512x128xf32, #tpu.memory_space<vmem>>, vector<512x128xf32>,
    %get3A_14 = arith.constant 0 : index
    %get3A_15 = arith.constant 0 : index
    %get3A_16 = vector.load %arg4[%get3A_14, %get3A_15] : memref<128x128xf32, #tpu.memory_space<vmem>>, vector<128x128xf32>
    %dot_general3A_17 = arith.constant dense<0.000000e+00> : vector<512x128xf32>
    %dot_general3A_18 = tpu.matmul %get3A_1, %get3A_16, %dot_general3A_17 {dimension_numbers = #tpu.dot_dimension_numbers<[1], [0], [0], [1], [0, 0, 1, 1], [], []>, transpose_lhs_hint = false} : vector<512x128xf32>, vector<128x128xf32>, vector<512x128xf32> -> vector<512x128xf32>
    %swap3A_19 = arith.constant 0 : index
    %swap3A_20 = arith.constant 0 : index
    %swap3A_21 = vector.load %arg6[%swap3A_19, %swap3A_20] : memref<512x128xf32, #tpu.memory_space<vmem>>, vector<512x128xf32>
    tpu.vector_store %arg6[%swap3A_19, %swap3A_20], %dot_general3A_18 {strides = array<i32>} : memref<512x128xf32, #tpu.memory_space<vmem>>, vector<512x128xf32>,
    return
  }
  func.func @transform_0(%arg0: i32) -> (i32, i32) {
    %c0_i32 = arith.constant 0 : i32
    %c0_i32_0 = arith.constant 0 : i32
    return %arg0, %c0_i32 : i32, i32
  }
  func.func @transform_1(%arg0: i32) -> (i32, i32) {
    %c0_i32 = arith.constant 0 : i32
    %c0_i32_0 = arith.constant 0 : i32
    %c0_i32_1 = arith.constant 0 : i32
    return %c0_i32, %c0_i32_0 : i32, i32
  }
  func.func @transform_2(%arg0: i32) -> (i32, i32) {
    %c0_i32 = arith.constant 0 : i32
    %c0_i32_0 = arith.constant 0 : i32
    %c0_i32_1 = arith.constant 0 : i32
    return %c0_i32, %c0_i32_0 : i32, i32
  }
  func.func @transform_3(%arg0: i32) -> (i32, i32) {
    %c0_i32 = arith.constant 0 : i32
    %c0_i32_0 = arith.constant 0 : i32
    %c0_i32_1 = arith.constant 0 : i32
    return %c0_i32, %c0_i32_0 : i32, i32
  }
  func.func @transform_4(%arg0: i32) -> (i32, i32) {
    %c0_i32 = arith.constant 0 : i32
    %c0_i32_0 = arith.constant 0 : i32
    return %arg0, %c0_i32 : i32, i32
  }
  func.func @transform_5(%arg0: i32) -> (i32, i32) {
    %c0_i32 = arith.constant 0 : i32
    %c0_i32_0 = arith.constant 0 : i32
    return %arg0, %c0_i32 : i32, i32
  }
}

module attributes {stable_mosaic.version = 14 : i64} {
  func.func @_tables_body(%arg0: i32, %arg1: memref<1024x128xf32, #tpu.memory_space<vmem>>, %arg2: memref<1024x128xf32, #tpu.memory_space<vmem>>, %arg3: memref<2x1024x128xf32, #tpu.memory_space<vmem>>, %arg4: memref<1024x128xf32, #tpu.memory_space<vmem>>, %arg5: memref<1024x128xf32, #tpu.memory_space<vmem>>, %arg6: memref<1024x128xf32, #tpu.memory_space<vmem>>, %arg7: memref<1024x128xf32, #tpu.memory_space<vmem>>, %arg8: memref<2x7x128x128xf32, #tpu.memory_space<vmem>>, %arg9: memref<1024x128xf32, #tpu.memory_space<vmem>>, %arg10: memref<1024x128xf32, #tpu.memory_space<vmem>>, %arg11: memref<1024x128xf32, #tpu.memory_space<vmem>>) attributes {dimension_semantics = [#tpu.dimension_semantics<arbitrary>], iteration_bounds = array<i64: 10>, scalar_prefetch = 0 : i64, scratch_operands = 0 : i64, tpu.core_type = #tpu.core_type<tc>, window_params = [{transform_indices = @transform_0, window_bounds = array<i64: 1024, 128>}, {transform_indices = @transform_1, window_bounds = array<i64: 1024, 128>}, {transform_indices = @transform_2, window_bounds = array<i64: 2, 1024, 128>}, {transform_indices = @transform_3, window_bounds = array<i64: 1024, 128>}, {transform_indices = @transform_4, window_bounds = array<i64: 1024, 128>}, {transform_indices = @transform_5, window_bounds = array<i64: 1024, 128>}, {transform_indices = @transform_6, window_bounds = array<i64: 1024, 128>}, {pipeline_mode = #tpu.pipeline_mode<synchronous>, transform_indices = @transform_7, window_bounds = array<i64: 2, 7, 128, 128>}, {transform_indices = @transform_8, window_bounds = array<i64: 1024, 128>}, {transform_indices = @transform_9, window_bounds = array<i64: 1024, 128>}, {transform_indices = @transform_10, window_bounds = array<i64: 1024, 128>}]} {
    %mul3A = arith.constant 1024 : i32
    %mul3A_0 = arith.muli %arg0, %mul3A : i32
    %iota3A = tpu.iota {dimensions = array<i32: 0>} : vector<1024x1xi32>
    %add3A = vector.broadcast %mul3A_0 : i32 to vector<1024x1xi32>
    %add3A_1 = arith.addi %add3A, %iota3A : vector<1024x1xi32>
    %lt3A = arith.constant 10000 : i32
    %lt3A_2 = vector.broadcast %lt3A : i32 to vector<1024x1xi32>
    %lt3A_3 = arith.cmpi slt, %add3A_1, %lt3A_2 : vector<1024x1xi32>
    %convert_element_type3A = arith.extui %lt3A_3 : vector<1024x1xi1> to vector<1024x1xi32>
    %convert_element_type3A_4 = arith.sitofp %convert_element_type3A : vector<1024x1xi32> to vector<1024x1xf32>
    %get3A = arith.constant 0 : index
    %get3A_5 = arith.constant 0 : index
    %get3A_6 = vector.load %arg6[%get3A, %get3A_5] : memref<1024x128xf32, #tpu.memory_space<vmem>>, vector<1024x128xf32>
    %mul3A_7 = vector.broadcast %convert_element_type3A_4 : vector<1024x1xf32> to vector<1024x128xf32>
    %mul3A_8 = arith.mulf %get3A_6, %mul3A_7 : vector<1024x128xf32>
    %get3A_9 = arith.constant 0 : index
    %get3A_10 = arith.constant 0 : index
    %get3A_11 = vector.load %arg7[%get3A_9, %get3A_10] : memref<1024x128xf32, #tpu.memory_space<vmem>>, vector<1024x128xf32>
    %mul3A_12 = vector.broadcast %convert_element_type3A_4 : vector<1024x1xf32> to vector<1024x128xf32>
    %mul3A_13 = arith.mulf %get3A_11, %mul3A_12 : vector<1024x128xf32>
    %get3A_14 = arith.constant 0 : index
    %get3A_15 = arith.constant 0 : index
    %get3A_16 = vector.load %arg4[%get3A_14, %get3A_15] : memref<1024x128xf32, #tpu.memory_space<vmem>>, vector<1024x128xf32>
    %mul3A_17 = vector.broadcast %convert_element_type3A_4 : vector<1024x1xf32> to vector<1024x128xf32>
    %mul3A_18 = arith.mulf %get3A_16, %mul3A_17 : vector<1024x128xf32>
    %get3A_19 = arith.constant 0 : index
    %get3A_20 = arith.constant 0 : index
    %get3A_21 = vector.load %arg5[%get3A_19, %get3A_20] : memref<1024x128xf32, #tpu.memory_space<vmem>>, vector<1024x128xf32>
    %mul3A_22 = vector.broadcast %convert_element_type3A_4 : vector<1024x1xf32> to vector<1024x128xf32>
    %mul3A_23 = arith.mulf %get3A_21, %mul3A_22 : vector<1024x128xf32>
    %get3A_24 = arith.constant 0 : index
    %get3A_25 = arith.constant 0 : index
    %get3A_26 = vector.load %arg2[%get3A_24, %get3A_25] : memref<1024x128xf32, #tpu.memory_space<vmem>>, vector<1024x128xf32>
    %mul3A_27 = arith.mulf %get3A_26, %mul3A_13 : vector<1024x128xf32>
    %get3A_28 = arith.constant 0 : index
    %get3A_29 = arith.constant 0 : index
    %get3A_30 = vector.load %arg1[%get3A_28, %get3A_29] : memref<1024x128xf32, #tpu.memory_space<vmem>>, vector<1024x128xf32>
    %mul3A_31 = arith.mulf %get3A_30, %mul3A_8 : vector<1024x128xf32>
    %get3A_32 = arith.constant 0 : index
    %get3A_33 = arith.constant 0 : index
    %get3A_34 = arith.constant 0 : index
    %get3A_35 = vector.load %arg3[%get3A_32, %get3A_33, %get3A_34] : memref<2x1024x128xf32, #tpu.memory_space<vmem>>, vector<1x1024x128xf32>
    %get3A_36 = vector.shape_cast %get3A_35 : vector<1x1024x128xf32> to vector<1024x128xf32>
    %get3A_37 = arith.constant 1 : index
    %get3A_38 = arith.constant 0 : index
    %get3A_39 = arith.constant 0 : index
    %get3A_40 = vector.load %arg3[%get3A_37, %get3A_38, %get3A_39] : memref<2x1024x128xf32, #tpu.memory_space<vmem>>, vector<1x1024x128xf32>
    %get3A_41 = vector.shape_cast %get3A_40 : vector<1x1024x128xf32> to vector<1024x128xf32>
    %add3A_42 = arith.addf %get3A_36, %get3A_41 : vector<1024x128xf32>
    %mul3A_43 = arith.mulf %add3A_42, %mul3A_13 : vector<1024x128xf32>
    %get3A_44 = arith.constant 0 : index
    %get3A_45 = arith.constant 0 : index
    %get3A_46 = arith.constant 0 : index
    %get3A_47 = arith.constant 0 : index
    %get3A_48 = vector.load %arg8[%get3A_44, %get3A_45, %get3A_46, %get3A_47] : memref<2x7x128x128xf32, #tpu.memory_space<vmem>>, vector<2x7x128x128xf32>
    %slice3A = vector.extract_strided_slice %get3A_48 {offsets = [0, 1, 0, 0], sizes = [1, 1, 128, 128], strides = [1, 1, 1, 1]} : vector<2x7x128x128xf32> to vector<1x1x128x128xf32>
    %squeeze3A = vector.shape_cast %slice3A : vector<1x1x128x128xf32> to vector<128x128xf32>
    %dot_general3A = arith.constant dense<0.000000e+00> : vector<1024x128xf32>
    %dot_general3A_49 = tpu.matmul %mul3A_18, %squeeze3A, %dot_general3A {dimension_numbers = #tpu.dot_dimension_numbers<[1], [0], [0], [1], [0, 0, 1, 1], [], []>, transpose_lhs_hint = false} : vector<1024x128xf32>, vector<128x128xf32>, vector<1024x128xf32> -> vector<1024x128xf32>
    %slice3A_50 = vector.extract_strided_slice %get3A_48 {offsets = [0, 5, 0, 0], sizes = [1, 1, 128, 128], strides = [1, 1, 1, 1]} : vector<2x7x128x128xf32> to vector<1x1x128x128xf32>
    %squeeze3A_51 = vector.shape_cast %slice3A_50 : vector<1x1x128x128xf32> to vector<128x128xf32>
    %dot_general3A_52 = arith.constant dense<0.000000e+00> : vector<1024x128xf32>
    %dot_general3A_53 = tpu.matmul %mul3A_31, %squeeze3A_51, %dot_general3A_52 {dimension_numbers = #tpu.dot_dimension_numbers<[1], [0], [0], [1], [0, 0, 1, 1], [], []>, transpose_lhs_hint = false} : vector<1024x128xf32>, vector<128x128xf32>, vector<1024x128xf32> -> vector<1024x128xf32>
    %add3A_54 = arith.addf %dot_general3A_49, %dot_general3A_53 : vector<1024x128xf32>
    %slice3A_55 = vector.extract_strided_slice %get3A_48 {offsets = [0, 2, 0, 0], sizes = [1, 1, 128, 128], strides = [1, 1, 1, 1]} : vector<2x7x128x128xf32> to vector<1x1x128x128xf32>
    %squeeze3A_56 = vector.shape_cast %slice3A_55 : vector<1x1x128x128xf32> to vector<128x128xf32>
    %dot_general3A_57 = arith.constant dense<0.000000e+00> : vector<1024x128xf32>
    %dot_general3A_58 = tpu.matmul %mul3A_18, %squeeze3A_56, %dot_general3A_57 {dimension_numbers = #tpu.dot_dimension_numbers<[1], [0], [0], [1], [0, 0, 1, 1], [], []>, transpose_lhs_hint = false} : vector<1024x128xf32>, vector<128x128xf32>, vector<1024x128xf32> -> vector<1024x128xf32>
    %slice3A_59 = vector.extract_strided_slice %get3A_48 {offsets = [0, 4, 0, 0], sizes = [1, 1, 128, 128], strides = [1, 1, 1, 1]} : vector<2x7x128x128xf32> to vector<1x1x128x128xf32>
    %squeeze3A_60 = vector.shape_cast %slice3A_59 : vector<1x1x128x128xf32> to vector<128x128xf32>
    %dot_general3A_61 = arith.constant dense<0.000000e+00> : vector<1024x128xf32>
    %dot_general3A_62 = tpu.matmul %mul3A_27, %squeeze3A_60, %dot_general3A_61 {dimension_numbers = #tpu.dot_dimension_numbers<[1], [0], [0], [1], [0, 0, 1, 1], [], []>, transpose_lhs_hint = false} : vector<1024x128xf32>, vector<128x128xf32>, vector<1024x128xf32> -> vector<1024x128xf32>
    %add3A_63 = arith.addf %dot_general3A_58, %dot_general3A_62 : vector<1024x128xf32>
    %slice3A_64 = vector.extract_strided_slice %get3A_48 {offsets = [0, 6, 0, 0], sizes = [1, 1, 128, 128], strides = [1, 1, 1, 1]} : vector<2x7x128x128xf32> to vector<1x1x128x128xf32>
    %squeeze3A_65 = vector.shape_cast %slice3A_64 : vector<1x1x128x128xf32> to vector<128x128xf32>
    %dot_general3A_66 = arith.constant dense<0.000000e+00> : vector<1024x128xf32>
    %dot_general3A_67 = tpu.matmul %mul3A_43, %squeeze3A_65, %dot_general3A_66 {dimension_numbers = #tpu.dot_dimension_numbers<[1], [0], [0], [1], [0, 0, 1, 1], [], []>, transpose_lhs_hint = false} : vector<1024x128xf32>, vector<128x128xf32>, vector<1024x128xf32> -> vector<1024x128xf32>
    %slice3A_68 = vector.extract_strided_slice %get3A_48 {offsets = [1, 0, 0, 0], sizes = [1, 1, 128, 128], strides = [1, 1, 1, 1]} : vector<2x7x128x128xf32> to vector<1x1x128x128xf32>
    %squeeze3A_69 = vector.shape_cast %slice3A_68 : vector<1x1x128x128xf32> to vector<128x128xf32>
    %slice3A_70 = vector.extract_strided_slice %get3A_48 {offsets = [1, 1, 0, 0], sizes = [1, 1, 128, 128], strides = [1, 1, 1, 1]} : vector<2x7x128x128xf32> to vector<1x1x128x128xf32>
    %squeeze3A_71 = vector.shape_cast %slice3A_70 : vector<1x1x128x128xf32> to vector<128x128xf32>
    %add3A_72 = arith.addf %squeeze3A_69, %squeeze3A_71 : vector<128x128xf32>
    %slice3A_73 = vector.extract_strided_slice %get3A_48 {offsets = [1, 2, 0, 0], sizes = [1, 1, 128, 128], strides = [1, 1, 1, 1]} : vector<2x7x128x128xf32> to vector<1x1x128x128xf32>
    %squeeze3A_74 = vector.shape_cast %slice3A_73 : vector<1x1x128x128xf32> to vector<128x128xf32>
    %add3A_75 = arith.addf %add3A_72, %squeeze3A_74 : vector<128x128xf32>
    %dot_general3A_76 = arith.constant dense<0.000000e+00> : vector<1024x128xf32>
    %dot_general3A_77 = tpu.matmul %mul3A_18, %add3A_75, %dot_general3A_76 {dimension_numbers = #tpu.dot_dimension_numbers<[1], [0], [0], [1], [0, 0, 1, 1], [], []>, transpose_lhs_hint = false} : vector<1024x128xf32>, vector<128x128xf32>, vector<1024x128xf32> -> vector<1024x128xf32>
    %slice3A_78 = vector.extract_strided_slice %get3A_48 {offsets = [1, 3, 0, 0], sizes = [1, 1, 128, 128], strides = [1, 1, 1, 1]} : vector<2x7x128x128xf32> to vector<1x1x128x128xf32>
    %squeeze3A_79 = vector.shape_cast %slice3A_78 : vector<1x1x128x128xf32> to vector<128x128xf32>
    %dot_general3A_80 = arith.constant dense<0.000000e+00> : vector<1024x128xf32>
    %dot_general3A_81 = tpu.matmul %mul3A_23, %squeeze3A_79, %dot_general3A_80 {dimension_numbers = #tpu.dot_dimension_numbers<[1], [0], [0], [1], [0, 0, 1, 1], [], []>, transpose_lhs_hint = false} : vector<1024x128xf32>, vector<128x128xf32>, vector<1024x128xf32> -> vector<1024x128xf32>
    %add3A_82 = arith.addf %dot_general3A_77, %dot_general3A_81 : vector<1024x128xf32>
    %slice3A_83 = vector.extract_strided_slice %get3A_48 {offsets = [1, 4, 0, 0], sizes = [1, 1, 128, 128], strides = [1, 1, 1, 1]} : vector<2x7x128x128xf32> to vector<1x1x128x128xf32>
    %squeeze3A_84 = vector.shape_cast %slice3A_83 : vector<1x1x128x128xf32> to vector<128x128xf32>
    %dot_general3A_85 = arith.constant dense<0.000000e+00> : vector<1024x128xf32>
    %dot_general3A_86 = tpu.matmul %mul3A_27, %squeeze3A_84, %dot_general3A_85 {dimension_numbers = #tpu.dot_dimension_numbers<[1], [0], [0], [1], [0, 0, 1, 1], [], []>, transpose_lhs_hint = false} : vector<1024x128xf32>, vector<128x128xf32>, vector<1024x128xf32> -> vector<1024x128xf32>
    %add3A_87 = arith.addf %add3A_82, %dot_general3A_86 : vector<1024x128xf32>
    %slice3A_88 = vector.extract_strided_slice %get3A_48 {offsets = [1, 5, 0, 0], sizes = [1, 1, 128, 128], strides = [1, 1, 1, 1]} : vector<2x7x128x128xf32> to vector<1x1x128x128xf32>
    %squeeze3A_89 = vector.shape_cast %slice3A_88 : vector<1x1x128x128xf32> to vector<128x128xf32>
    %dot_general3A_90 = arith.constant dense<0.000000e+00> : vector<1024x128xf32>
    %dot_general3A_91 = tpu.matmul %mul3A_31, %squeeze3A_89, %dot_general3A_90 {dimension_numbers = #tpu.dot_dimension_numbers<[1], [0], [0], [1], [0, 0, 1, 1], [], []>, transpose_lhs_hint = false} : vector<1024x128xf32>, vector<128x128xf32>, vector<1024x128xf32> -> vector<1024x128xf32>
    %add3A_92 = arith.addf %add3A_87, %dot_general3A_91 : vector<1024x128xf32>
    %slice3A_93 = vector.extract_strided_slice %get3A_48 {offsets = [1, 6, 0, 0], sizes = [1, 1, 128, 128], strides = [1, 1, 1, 1]} : vector<2x7x128x128xf32> to vector<1x1x128x128xf32>
    %squeeze3A_94 = vector.shape_cast %slice3A_93 : vector<1x1x128x128xf32> to vector<128x128xf32>
    %dot_general3A_95 = arith.constant dense<0.000000e+00> : vector<1024x128xf32>
    %dot_general3A_96 = tpu.matmul %mul3A_43, %squeeze3A_94, %dot_general3A_95 {dimension_numbers = #tpu.dot_dimension_numbers<[1], [0], [0], [1], [0, 0, 1, 1], [], []>, transpose_lhs_hint = false} : vector<1024x128xf32>, vector<128x128xf32>, vector<1024x128xf32> -> vector<1024x128xf32>
    %add3A_97 = arith.addf %add3A_92, %dot_general3A_96 : vector<1024x128xf32>
    %slice3A_98 = vector.extract_strided_slice %get3A_48 {offsets = [0, 3, 0, 0], sizes = [1, 1, 128, 128], strides = [1, 1, 1, 1]} : vector<2x7x128x128xf32> to vector<1x1x128x128xf32>
    %squeeze3A_99 = vector.shape_cast %slice3A_98 : vector<1x1x128x128xf32> to vector<128x128xf32>
    %dot_general3A_100 = arith.constant dense<0.000000e+00> : vector<1024x128xf32>
    %dot_general3A_101 = tpu.matmul %mul3A_23, %squeeze3A_99, %dot_general3A_100 {dimension_numbers = #tpu.dot_dimension_numbers<[1], [0], [0], [1], [0, 0, 1, 1], [], []>, transpose_lhs_hint = false} : vector<1024x128xf32>, vector<128x128xf32>, vector<1024x128xf32> -> vector<1024x128xf32>
    %slice3A_102 = vector.extract_strided_slice %get3A_48 {offsets = [0, 0, 0, 0], sizes = [1, 1, 128, 128], strides = [1, 1, 1, 1]} : vector<2x7x128x128xf32> to vector<1x1x128x128xf32>
    %squeeze3A_103 = vector.shape_cast %slice3A_102 : vector<1x1x128x128xf32> to vector<128x128xf32>
    %dot_general3A_104 = arith.constant dense<0.000000e+00> : vector<1024x128xf32>
    %dot_general3A_105 = tpu.matmul %mul3A_18, %squeeze3A_103, %dot_general3A_104 {dimension_numbers = #tpu.dot_dimension_numbers<[1], [0], [0], [1], [0, 0, 1, 1], [], []>, transpose_lhs_hint = false} : vector<1024x128xf32>, vector<128x128xf32>, vector<1024x128xf32> -> vector<1024x128xf32>
    %add3A_106 = arith.addf %dot_general3A_101, %dot_general3A_105 : vector<1024x128xf32>
    %add3A_107 = arith.addf %add3A_106, %add3A_54 : vector<1024x128xf32>
    %add3A_108 = arith.addf %add3A_107, %add3A_63 : vector<1024x128xf32>
    %add3A_109 = arith.addf %add3A_108, %dot_general3A_67 : vector<1024x128xf32>
    %sub3A = arith.subf %add3A_97, %add3A_109 : vector<1024x128xf32>
    %mul3A_110 = vector.broadcast %convert_element_type3A_4 : vector<1024x1xf32> to vector<1024x128xf32>
    %mul3A_111 = arith.mulf %add3A_54, %mul3A_110 : vector<1024x128xf32>
    %swap3A = arith.constant 0 : index
    %swap3A_112 = arith.constant 0 : index
    %swap3A_113 = vector.load %arg9[%swap3A, %swap3A_112] : memref<1024x128xf32, #tpu.memory_space<vmem>>, vector<1024x128xf32>
    tpu.vector_store %arg9[%swap3A, %swap3A_112], %mul3A_111 {strides = array<i32>} : memref<1024x128xf32, #tpu.memory_space<vmem>>, vector<1024x128xf32>,
    %add3A_114 = arith.addf %add3A_63, %dot_general3A_67 : vector<1024x128xf32>
    %mul3A_115 = vector.broadcast %convert_element_type3A_4 : vector<1024x1xf32> to vector<1024x128xf32>
    %mul3A_116 = arith.mulf %add3A_114, %mul3A_115 : vector<1024x128xf32>
    %swap3A_117 = arith.constant 0 : index
    %swap3A_118 = arith.constant 0 : index
    %swap3A_119 = vector.load %arg10[%swap3A_117, %swap3A_118] : memref<1024x128xf32, #tpu.memory_space<vmem>>, vector<1024x128xf32>
    tpu.vector_store %arg10[%swap3A_117, %swap3A_118], %mul3A_116 {strides = array<i32>} : memref<1024x128xf32, #tpu.memory_space<vmem>>, vector<1024x128xf32>,
    %add3A_120 = arith.addf %add3A_54, %sub3A : vector<1024x128xf32>
    %mul3A_121 = vector.broadcast %convert_element_type3A_4 : vector<1024x1xf32> to vector<1024x128xf32>
    %mul3A_122 = arith.mulf %add3A_120, %mul3A_121 : vector<1024x128xf32>
    %swap3A_123 = arith.constant 0 : index
    %swap3A_124 = arith.constant 0 : index
    %swap3A_125 = vector.load %arg11[%swap3A_123, %swap3A_124] : memref<1024x128xf32, #tpu.memory_space<vmem>>, vector<1024x128xf32>
    tpu.vector_store %arg11[%swap3A_123, %swap3A_124], %mul3A_122 {strides = array<i32>} : memref<1024x128xf32, #tpu.memory_space<vmem>>, vector<1024x128xf32>,
    return
  }
  func.func @transform_0(%arg0: i32) -> (i32, i32) {
    %c0_i32 = arith.constant 0 : i32
    %c0_i32_0 = arith.constant 0 : i32
    return %arg0, %c0_i32 : i32, i32
  }
  func.func @transform_1(%arg0: i32) -> (i32, i32) {
    %c0_i32 = arith.constant 0 : i32
    %c0_i32_0 = arith.constant 0 : i32
    return %arg0, %c0_i32 : i32, i32
  }
  func.func @transform_2(%arg0: i32) -> (i32, i32, i32) {
    %c0_i32 = arith.constant 0 : i32
    %c0_i32_0 = arith.constant 0 : i32
    %c0_i32_1 = arith.constant 0 : i32
    return %c0_i32, %arg0, %c0_i32_0 : i32, i32, i32
  }
  func.func @transform_3(%arg0: i32) -> (i32, i32) {
    %c0_i32 = arith.constant 0 : i32
    %c0_i32_0 = arith.constant 0 : i32
    return %arg0, %c0_i32 : i32, i32
  }
  func.func @transform_4(%arg0: i32) -> (i32, i32) {
    %c0_i32 = arith.constant 0 : i32
    %c0_i32_0 = arith.constant 0 : i32
    return %arg0, %c0_i32 : i32, i32
  }
  func.func @transform_5(%arg0: i32) -> (i32, i32) {
    %c0_i32 = arith.constant 0 : i32
    %c0_i32_0 = arith.constant 0 : i32
    return %arg0, %c0_i32 : i32, i32
  }
  func.func @transform_6(%arg0: i32) -> (i32, i32) {
    %c0_i32 = arith.constant 0 : i32
    %c0_i32_0 = arith.constant 0 : i32
    return %arg0, %c0_i32 : i32, i32
  }
  func.func @transform_7(%arg0: i32) -> (i32, i32, i32, i32) {
    %c0_i32 = arith.constant 0 : i32
    %c0_i32_0 = arith.constant 0 : i32
    %c0_i32_1 = arith.constant 0 : i32
    %c0_i32_2 = arith.constant 0 : i32
    %c0_i32_3 = arith.constant 0 : i32
    return %c0_i32, %c0_i32_0, %c0_i32_1, %c0_i32_2 : i32, i32, i32, i32
  }
  func.func @transform_8(%arg0: i32) -> (i32, i32) {
    %c0_i32 = arith.constant 0 : i32
    %c0_i32_0 = arith.constant 0 : i32
    return %arg0, %c0_i32 : i32, i32
  }
  func.func @transform_9(%arg0: i32) -> (i32, i32) {
    %c0_i32 = arith.constant 0 : i32
    %c0_i32_0 = arith.constant 0 : i32
    return %arg0, %c0_i32 : i32, i32
  }
  func.func @transform_10(%arg0: i32) -> (i32, i32) {
    %c0_i32 = arith.constant 0 : i32
    %c0_i32_0 = arith.constant 0 : i32
    return %arg0, %c0_i32 : i32, i32
  }
}

module attributes {stable_mosaic.version = 14 : i64} {
  func.func @_final_body(%arg0: i32, %arg1: memref<512x128xf32, #tpu.memory_space<vmem>>, %arg2: memref<512x128xf32, #tpu.memory_space<vmem>>, %arg3: memref<512x128xf32, #tpu.memory_space<vmem>>, %arg4: memref<512x128xf32, #tpu.memory_space<vmem>>, %arg5: memref<128x128xf32, #tpu.memory_space<vmem>>, %arg6: memref<1x128xf32, #tpu.memory_space<vmem>>, %arg7: memref<512x128xf32, #tpu.memory_space<vmem>>) attributes {dimension_semantics = [#tpu.dimension_semantics<arbitrary>], iteration_bounds = array<i64: 352>, scalar_prefetch = 0 : i64, scratch_operands = 0 : i64, tpu.core_type = #tpu.core_type<tc>, window_params = [{transform_indices = @transform_0, window_bounds = array<i64: 512, 128>}, {transform_indices = @transform_1, window_bounds = array<i64: 512, 128>}, {transform_indices = @transform_2, window_bounds = array<i64: 512, 128>}, {transform_indices = @transform_3, window_bounds = array<i64: 512, 128>}, {pipeline_mode = #tpu.pipeline_mode<synchronous>, transform_indices = @transform_4, window_bounds = array<i64: 128, 128>}, {pipeline_mode = #tpu.pipeline_mode<synchronous>, transform_indices = @transform_5, window_bounds = array<i64: 1, 128>}, {transform_indices = @transform_6, window_bounds = array<i64: 512, 128>}]} {
    %get3A = arith.constant 0 : index
    %get3A_0 = arith.constant 0 : index
    %get3A_1 = vector.load %arg1[%get3A, %get3A_0] : memref<512x128xf32, #tpu.memory_space<vmem>>, vector<512x128xf32>
    %get3A_2 = arith.constant 0 : index
    %get3A_3 = arith.constant 0 : index
    %get3A_4 = vector.load %arg5[%get3A_2, %get3A_3] : memref<128x128xf32, #tpu.memory_space<vmem>>, vector<128x128xf32>
    %dot_general3A = arith.constant dense<0.000000e+00> : vector<512x128xf32>
    %dot_general3A_5 = tpu.matmul %get3A_1, %get3A_4, %dot_general3A {dimension_numbers = #tpu.dot_dimension_numbers<[1], [0], [0], [1], [0, 0, 1, 1], [], []>, transpose_lhs_hint = false} : vector<512x128xf32>, vector<128x128xf32>, vector<512x128xf32> -> vector<512x128xf32>
    %get3A_6 = arith.constant 0 : index
    %get3A_7 = arith.constant 0 : index
    %get3A_8 = vector.load %arg2[%get3A_6, %get3A_7] : memref<512x128xf32, #tpu.memory_space<vmem>>, vector<512x128xf32>
    %add3A = arith.addf %dot_general3A_5, %get3A_8 : vector<512x128xf32>
    %get3A_9 = arith.constant 0 : index
    %get3A_10 = arith.constant 0 : index
    %get3A_11 = vector.load %arg3[%get3A_9, %get3A_10] : memref<512x128xf32, #tpu.memory_space<vmem>>, vector<512x128xf32>
    %add3A_12 = arith.addf %add3A, %get3A_11 : vector<512x128xf32>
    %get3A_13 = arith.constant 0 : index
    %get3A_14 = arith.constant 0 : index
    %get3A_15 = vector.load %arg4[%get3A_13, %get3A_14] : memref<512x128xf32, #tpu.memory_space<vmem>>, vector<512x128xf32>
    %add3A_16 = arith.addf %add3A_12, %get3A_15 : vector<512x128xf32>
    %get3A_17 = arith.constant 0 : index
    %get3A_18 = arith.constant 0 : index
    %get3A_19 = vector.load %arg6[%get3A_17, %get3A_18] : memref<1x128xf32, #tpu.memory_space<vmem>>, vector<1x128xf32>
    %add3A_20 = vector.broadcast %get3A_19 : vector<1x128xf32> to vector<512x128xf32>
    %add3A_21 = arith.addf %add3A_16, %add3A_20 : vector<512x128xf32>
    %max3A = arith.constant 0.000000e+00 : f32
    %max3A_22 = vector.broadcast %max3A : f32 to vector<512x128xf32>
    %max3A_23 = arith.maximumf %add3A_21, %max3A_22 : vector<512x128xf32>
    %swap3A = arith.constant 0 : index
    %swap3A_24 = arith.constant 0 : index
    %swap3A_25 = vector.load %arg7[%swap3A, %swap3A_24] : memref<512x128xf32, #tpu.memory_space<vmem>>, vector<512x128xf32>
    tpu.vector_store %arg7[%swap3A, %swap3A_24], %max3A_23 {strides = array<i32>} : memref<512x128xf32, #tpu.memory_space<vmem>>, vector<512x128xf32>,
    return
  }
  func.func @transform_0(%arg0: i32) -> (i32, i32) {
    %c0_i32 = arith.constant 0 : i32
    %c0_i32_0 = arith.constant 0 : i32
    return %arg0, %c0_i32 : i32, i32
  }
  func.func @transform_1(%arg0: i32) -> (i32, i32) {
    %c0_i32 = arith.constant 0 : i32
    %c0_i32_0 = arith.constant 0 : i32
    return %arg0, %c0_i32 : i32, i32
  }
  func.func @transform_2(%arg0: i32) -> (i32, i32) {
    %c0_i32 = arith.constant 0 : i32
    %c0_i32_0 = arith.constant 0 : i32
    return %arg0, %c0_i32 : i32, i32
  }
  func.func @transform_3(%arg0: i32) -> (i32, i32) {
    %c0_i32 = arith.constant 0 : i32
    %c0_i32_0 = arith.constant 0 : i32
    return %arg0, %c0_i32 : i32, i32
  }
  func.func @transform_4(%arg0: i32) -> (i32, i32) {
    %c0_i32 = arith.constant 0 : i32
    %c0_i32_0 = arith.constant 0 : i32
    %c0_i32_1 = arith.constant 0 : i32
    return %c0_i32, %c0_i32_0 : i32, i32
  }
  func.func @transform_5(%arg0: i32) -> (i32, i32) {
    %c0_i32 = arith.constant 0 : i32
    %c0_i32_0 = arith.constant 0 : i32
    %c0_i32_1 = arith.constant 0 : i32
    return %c0_i32, %c0_i32_0 : i32, i32
  }
  func.func @transform_6(%arg0: i32) -> (i32, i32) {
    %c0_i32 = arith.constant 0 : i32
    %c0_i32_0 = arith.constant 0 : i32
    return %arg0, %c0_i32 : i32, i32
  }
}

</mosaic_0001>

<sc_bundles>
// kernel: gather_offload_async_start
scs
__scs_entry_jumppad:
0x0: {  	(pc) =	sbr.rel $0x88, $3  }
0x1: {  	(tag) =	ssettag $0x0;
	lr =	simm.s32 $0x1  }
0x2: {  	[smem:$0x3F98] =	sst lr;
	_ =	strace $0xD0000000  }
0x3: {  	_ = 	snop  }
0x4: {  	_ = 	snop  }
0x5: {  	_ = 	snop  }
0x6: {  	_ = 	snop  }
0x7: {  	_ = 	snop  }
__scs_overlays_trampoline_lowered:
0x8: {  	[smem:$0x3FA7] =	sst s0  }
0x9: {  	[smem:$0x3FA8] =	sst s1  }
0xa: {  	[smem:$0x3FA9] =	sst s2  }
0xb: {  	[smem:$0x3FAA] =	sst s3  }
0xc: {  	[smem:$0x3FAB] =	sst s4  }
0xd: {  	[smem:$0x3FAC] =	sst s5  }
0xe: {  	[smem:$0x3FAD] =	sst s6  }
0xf: {  	[smem:$0x3FAE] =	sst s7  }
0x10: {  	[smem:$0x3FAF] =	sst s8  }
0x11: {  	[smem:$0x3FB0] =	sst s9;
	s0 =	simm.s32 @!p0 $0x0  }
0x12: {  	s1 =	sld [smem:$0x3F96];
	s0 =	simm.s32 @p0 $0x1  }
0x13: {  	[smem:$0x3FB1] =	sst s0;
	s0 =	simm.s32 @!p1 $0x0  }
0x14: {  	s2 =	sld [smem:$0x3F95];
	s0 =	simm.s32 @p1 $0x1  }
0x15: {  	[smem:$0x3FB2] =	sst s0;
	s0 =	simm.s32 @!p2 $0x0  }
0x16: {  	s3 =	sld [smem:$0x3FDB];
	s0 =	simm.s32 @p2 $0x1  }
0x17: {  	s4 =	simm.s32 $0x1BF5;
	[smem:$0x3FB4] =	sst s0  }
0x18: {  	s0 =	sld [smem:$0x3F97];
	_ =	swait.ge [sflag:s4], $0x0  }
0x19: {  	s7 =	sld [smem:$0x3F98]  }
0x1a: {  	s8 =	sadd.s32 $0xFFFFE003, lr  }
0x1b: {  	s9 =	sadd.s32 $0xFFFFFEF7, lr;
	s5 =	simm.s32 $0xFFFFFFFF;
	p2 =	slt.u32 s8, $0xFFFFF086  }
0x1c: {  	p1 =	slt.u32 s9, $0xF7A;
	s5 =	simm.s32 @!p2 $0x0  }
0x1d: {  	s5 =	simm.s32 @p1 $0x1;
	p0 =	seq.s32 s7, s2  }
0x1e: {  	s7 =	smul.u32 @!p0 $0xF7A, s2;
	p2 =	seq.s32 @!p0 s5, $0x0  }
0x1f: {  	s9 =	smul.u32 $0xF7A, s1;
	s8 =	simm.s32 @!p0 $0x1BF5;
	p2 =	por !p2, p0  }
0x20: {  	[sflag:s8] =	ssyncset.s32 @!p0 $0xFFFFF086;
	s6 =	sadd.s32 @!p0 s3, s7;
	s7 =	simm.s32 @!p0 $0x108  }
0x21: {  	s3 =	sadd.s32 s3, s9;
	s6 =	sadd.s32 @!p0 $0x88, s6;
	s7 =	simm.s32 @p2 $0x1082  }
0x22: {  	[simem:s7], [sflag:s8] =	dma.local @!p0 [hbm:s6], $0xF7A  }
0x23: {  	s9 =	sor.u32 $0xD0000000, s2;
	s6 =	simm.s32 $0x108;
	_ =	swait.ge @!p0 [sflag:s8], $0x0  }
0x24: {  	s3 =	sadd.s32 $0x88, s3;
	s6 =	simm.s32 @!p1 $0x1082;
	[sflag:s4] =	ssyncset.s32 $0xFFFFF086  }
0x25: {  	[simem:s6], [sflag:s4] =	dma.local [hbm:s3], $0xF7A  }
0x26: {  	[smem:$0x3F98] =	sst s1;
	(tag) =	ssettag s2;
	_ =	strace s9  }
0x27: {  	s1 =	sld [smem:$0x3FA8]  }
0x28: {  	s2 =	sld [smem:$0x3FA9]  }
0x29: {  	s4 =	sld [smem:$0x3FAB]  }
0x2a: {  	p0 =	seq.s32 s5, $0x0;
	s5 =	sld [smem:$0x3FAC]  }
0x2b: {  	s6 =	sld [smem:$0x3FAD]  }
0x2c: {  	s7 =	sld [smem:$0x3FAE]  }
0x2d: {  	s3 =	simm.s32 $0x108;
	s8 =	sld [smem:$0x3FAF]  }
0x2e: {  	s3 =	simm.s32 @!p0 $0x1082;
	s9 =	sld [smem:$0x3FB0]  }
0x2f: {  	lr =	sadd.s32 s0, s3;
	s0 =	sld [smem:$0x3FA7]  }
0x30: {  	s3 =	sld [smem:$0x3FAA]  }
0x31: {  	[smem:$0x3FB3] =	sst s10  }
0x32: {  	s10 =	sld [smem:$0x3FB1];
	_ =	sdelay $0x3  }
0x33: {  	p0 =	seq.s32 s10, $0x1;
	s10 =	sld [smem:$0x3FB3];
	_ =	sdelay $0x3  }
0x34: {  	[smem:$0x3FB3] =	sst s10  }
0x35: {  	s10 =	sld [smem:$0x3FB2];
	_ =	sdelay $0x3  }
0x36: {  	p1 =	seq.s32 s10, $0x1;
	s10 =	sld [smem:$0x3FB3];
	_ =	sdelay $0x3  }
0x37: {  	[smem:$0x3FB3] =	sst s10  }
0x38: {  	s10 =	sld [smem:$0x3FB4]  }
0x39: {  	_ = 	snop;
	(pc) =	sbr.ind lr, $3  }
0x3a: {  	_ = 	snop  }
0x3b: {  	_ = 	snop  }
0x3c: {  	p2 =	seq.s32 s10, $0x1;
	s10 =	sld [smem:$0x3FB3]  }
0x3d: {  	_ =	shalt  }
0x3e: {  	_ =	shalt  }
0x3f: {  	_ =	shalt  }
0x40: {  	_ =	shalt  }
0x41: {  	_ =	shalt  }
0x42: {  	_ =	shalt  }
0x43: {  	_ =	shalt  }
0x44: {  	_ =	shalt  }
0x45: {  	_ =	shalt  }
0x46: {  	_ =	shalt  }
0x47: {  	_ =	shalt  }
0x48: {  	_ =	shalt  }
0x49: {  	_ =	shalt  }
0x4a: {  	_ =	shalt  }
0x4b: {  	_ =	shalt  }
0x4c: {  	_ =	shalt  }
0x4d: {  	_ =	shalt  }
0x4e: {  	_ =	shalt  }
0x4f: {  	_ =	shalt  }
0x50: {  	_ =	shalt  }
0x51: {  	_ =	shalt  }
0x52: {  	_ =	shalt  }
0x53: {  	_ =	shalt  }
0x54: {  	_ =	shalt  }
0x55: {  	_ =	shalt  }
0x56: {  	_ =	shalt  }
0x57: {  	_ =	shalt  }
0x58: {  	_ =	shalt  }
0x59: {  	_ =	shalt  }
0x5a: {  	_ =	shalt  }
0x5b: {  	_ =	shalt  }
0x5c: {  	_ =	shalt  }
0x5d: {  	_ =	shalt  }
0x5e: {  	_ =	shalt  }
0x5f: {  	_ =	shalt  }
0x60: {  	_ =	shalt  }
0x61: {  	_ =	shalt  }
0x62: {  	_ =	shalt  }
0x63: {  	_ =	shalt  }
0x64: {  	_ =	shalt  }
0x65: {  	_ =	shalt  }
0x66: {  	_ =	shalt  }
0x67: {  	_ =	shalt  }
0x68: {  	_ =	shalt  }
0x69: {  	_ =	shalt  }
0x6a: {  	_ =	shalt  }
0x6b: {  	_ =	shalt  }
0x6c: {  	_ =	shalt  }
0x6d: {  	_ =	shalt  }
0x6e: {  	_ =	shalt  }
0x6f: {  	_ =	shalt  }
0x70: {  	_ =	shalt  }
0x71: {  	_ =	shalt  }
0x72: {  	_ =	shalt  }
0x73: {  	_ =	shalt  }
0x74: {  	_ =	shalt  }
0x75: {  	_ =	shalt  }
0x76: {  	_ =	shalt  }
0x77: {  	_ =	shalt  }
0x78: {  	_ =	shalt  }
0x79: {  	_ =	shalt  }
0x7a: {  	_ =	shalt  }
0x7b: {  	_ =	shalt  }
0x7c: {  	_ =	shalt  }
0x7d: {  	_ =	shalt  }
0x7e: {  	_ =	shalt  }
0x7f: {  	_ =	shalt  }
0x80: {  	_ =	shalt  }
0x81: {  	_ =	shalt  }
0x82: {  	_ =	shalt  }
0x83: {  	_ =	shalt  }
0x84: {  	_ =	shalt  }
0x85: {  	_ =	shalt  }
0x86: {  	_ =	shalt  }
0x87: {  	_ =	shalt  }
.Lfunc_end0:
.L_simem_size_0:
called_computation_lowered:
.L_overlay_start_0:
0x88: {  	s0 =	sld [smem:$0x3FD9]  }
0x89: {  	s1 =	sld [smem:$0x3FFE];
	_ =	sdelay $0x3  }
0x8a: {  	s0 =	sadd.s32 s1, s0  }
0x8b: {  	[smem:$0x3FBF] =	sst s0  }
0x8c: {  	_ = 	snop  }
0x8d: {  	s0 =	sld [smem:$0x3FD0];
	(tm) =	ssettm $0x1  }
0x8e: {  	s16 =	sld [smem:$0x3FFB];
	_ =	sdelay $0x3  }
0x8f: {  	_ =	strace s16  }
0x90: {  	s1 =	sld [smem:$0x3FFC];
	_ =	sdelay $0x3  }
0x91: {  	_ =	strace s1  }
0x92: {  	s1 =	sld [smem:$0x3FFD];
	_ =	sdelay $0x3  }
0x93: {  	_ =	strace s1  }
0x94: {  	_ =	strace $0x8FFFFFFF  }
0x95: {  	s17 =	sld [smem:$0x3FDB];
	_ =	sdelay $0x1  }
0x96: {  	s2 =	simm.s32 $_scs_section_size  }
0x97: {  	s3 =	simm.s32 $_size__tile_overlayer_lowered;
	s4 =	simm.s32 $_tile_overlayer_lowered  }
0x98: {  	s20 =	simm.s32 $0x1BFF;
	s19 =	sshll.u32 s4, $0x1;
	s1 =	sadd.s32 s2, s17  }
0x99: {  	s5 =	simm.s32 $0x0;
	s18 =	sshll.u32 s3, $0x1;
	s3 =	sadd.s32 s19, s1  }
0x9a: {  	[timem:s5], [sflag:s20] =	dma.local [hbm:s3], s18  }
0x9b: {  	_ =	swait.ge [sflag:s20], s18  }
0x9c: {  	s2 =	ssub.s32 $0x0, s18;
	[sflag:s20] =	ssyncset.done $0x0  }
0x9d: {  	[sflag:s20] =	ssyncadd.s32 s2;
	_ =	sdelay $0x1  }
0x9e: {  	s21 =	simm.s32 $0x1B8B  }
0x9f: {  	_ =	swait.ge [sflag:s21], $0x1  }
0xa0: {  	[sflag:s21] =	ssyncset.done $0x0  }
0xa1: {  	s23 =	simm.s32 $0x1B8E;
	s22 =	sld [smem:$0x3FFE];
	[sflag:s21] =	ssyncadd.s32 $0xFFFFFFFF  }
0xa2: {  	s24 =	simm.s32 $execute0_lowered;
	[smem:$0x3FD2] =	sst s23  }
0xa3: {  	s3 =	sshll.u32 s24, $0x1;
	_ =	strace $0x80000052;
	[dreg:$0x1] =	wrdreg $0xFFFFFFFF  }
0xa4: {  	s25 =	simm.s32 $_size_execute0_lowered;
	s1 =	sadd.s32 s1, s3;
	[dreg:$0x0] =	wrdreg $0x0  }
0xa5: {  	s3 =	sshll.u32 s25, $0x1;
	[dreg:$0x2] =	wrdreg s1  }
0xa6: {  	[dreg:$0x3] =	wrdreg s3  }
0xa7: {  	[dreg:$0x4] =	wrdreg $0xC0  }
0xa8: {  	_ =	task [dreg:s5], $0x5FFFF  }
0xa9: {  	[dreg:$0x1] =	wrdreg $0xFFFFFFFF  }
0xaa: {  	[dreg:$0x0] =	wrdreg $0x60  }
0xab: {  	[dreg:$0x2] =	wrdreg s0  }
0xac: {  	[dreg:$0x3] =	wrdreg s22  }
0xad: {  	[dreg:$0x4] =	wrdreg $0x9  }
0xae: {  	_ =	task.clear_ibuf [dreg:s5], $0x5FFFF;
	_ =	strace $0x90000052  }
0xaf: {  	s26 =	simm.s32 $0x9;
	_ =	strace $0x80000054  }
0xb0: {  	_ =	swait.ge [sflag:s26], $0x1  }
0xb1: {  	[sflag:s26] =	ssyncadd.s32 $0xFFFFFFFF  }
0xb2: {  	_ =	strace $0x90000054  }
0xb3: {  	_ =	sfence  }
0xb4: {  	s28 =	sld [smem:$0x0];
	_ =	sdelay $0x1  }
0xb5: {  	s29 =	srdreg.scid  }
0xb6: {  	s30 =	sshll.u32 s29, $0xD;
	s31 =	sshrl.u32 s29, $0x2  }
0xb7: {  	s2 =	sand.u32 $0x4000, s30;
	s1 =	sand.u32 $0x1, s29;
	s0 =	sadd.s32 s31, s28  }
0xb8: {  	s1 =	sor.u32 s2, s1;
	s0 =	sshll.u32 s0, $0x11  }
0xb9: {  	s0 =	sor.u32 s0, s1  }
0xba: {  	s0 =	sadd.s32 $0x8F2B, s0  }
0xbb: {  	[sflag:s0] =	ssyncadd.remote.s32 $0x1  }
0xbc: {  	_ =	sfence.sel $0xFFFF  }
0xbd: {  	[dreg:$0x0] =	wrdreg $0xFFFFFFFF;
	(pc) =	sbr.abs _section_cstart, $3  }
0xbe: {  	[dreg:$0x1] =	wrdreg $0xFFFFFFFF  }
0xbf: {  	_ =	task.clear_ibuf [dreg:s5], $0x2FFFF;
	_ =	strace $0x9FFFFFFF  }
0xc0: {  	(tm) =	ssettm $0x7FFFFFFF  }
0xc1: {  	_ =	shalt  }
tec
execute0_lowered:
.L_overlay_start_1:
0x0: {  	(tag) =	ssettag $0x1  }
0x1: {  	s2 =	rddreg [dreg:$0x0]  }
0x2: {  	s8 =	rddreg [dreg:$0x1]  }
0x3: {  	s0 =	rddreg [dreg:$0x2]  }
0x4: {  	_ =	strace $0x80000053;
	s4 =	simm.s32 $0x1;
	s1 =	stileid.u32  }
0x5: {  	s7 =	simm.s32 $0x1;
	s9 =	simm.s32 $0x1;
	s6 =	simm.s32 $0x2  }
0x6: {  	s10 =	simm.s32 $0x3;
	s13 =	simm.s32 $0x0;
	s12 =	simm.s32 $0x0  }
.Ltmp0:
0x7: {  	s3 =	sadd.s32 $0xBC00, s8;
	p0 =	slt.u32 s1, $0xA;
	(pc) =	sbr.rel .LBB2_1-.Ltmp0, $4  }
0x8: {  	[sflag:s4] =	ssyncpa.u1 $0x0;
	s7 =	simm.s32 @!p0 $0x0;
	p0 =	sne.s32 s1, $0x9  }
0x9: {  	s5 =	smul.u32 $0x190, s1;
	[sflag:s6] =	ssyncpa.u1 $0x0;
	s9 =	simm.s32 @!p0 $0x0  }
0xa: {  	s8 =	sadd.s32 $0xC200, s8;
	[sflag:s10] =	ssyncpa.u1 $0x0;
	s7 =	sadd.s32 s9, s7  }
0xb: {  	vm0 =	vmmov $0xffff;
	s10 =	simm.s32 $0x0;
	s11 =	smov.u32 s5;
	s9 =	sadd.s32 $0x1, s7  }
.LBB2_4:
0xc: {  	v2 =	vnsel vm1, $0x0, v2  }
0xd: {  	vm1 =	vgt.s32 v0, $0x0;
	v2 =	vmin.u32 v2, $0x29793  }
0xe: {  	v0 =	vnsel vm1, $0x0, v0  }
0xf: {  	v0 =	vmin.u32 v0, $0x29793  }
0x10: {  	[tilespmem:s18], [sflag:$0x1] =	stream.indirect_vreg.gather [hbm4b:s2+s10], $0x1, v1, vm0, $0x4038;
	[tilespmem:$0x640] =	vst v63  }
0x11: {  	(ifvalue) =	ssetifvalue $0x7FFFFFFF  }
0x12: {  	[tilespmem:s15], [sflag:$0x1] =	stream.indirect_vreg.gather [hbm4b:s2+s10], $0x1, v2, vm0, $0x4038;
	[tilespmem:$0x640] =	vst v63  }
0x13: {  	s29 =	sadd.s32 $0x10, s15;
	(ifvalue) =	ssetifvalue $0x7FFFFFFF  }
0x14: {  	[tilespmem:s29], [sflag:$0x1] =	stream.indirect_vreg.gather [hbm4b:s2+s10], $0x1, v0, vm0, $0x4038;
	[tilespmem:$0x640] =	vst v63  }
0x15: {  	_ =	swait.ge [sflag:s4], $0x190  }
0x16: {  	s30 =	sshrl.u32 s13, $0x3;
	[sflag:s4] =	ssyncset.done $0x0  }
0x17: {  	s31 =	sand.u32 $0x7, s13;
	s15 =	sadd.s32 s8, s30;
	[sflag:s4] =	ssyncadd.s32 $0xFFFFFE70  }
0x18: {  	[hbm4b:s15+s31] =	stream.linear.scatter [tilespmem:s14], [sflag:$0x3], $0x190, $0x38;
	[tilespmem:$0x640] =	vst v63  }
.LBB2_5:
0x19: {  	s15 =	sadd.s32 $0x1900, s11  }
0x1a: {  	p1 =	sgt.s32 s15, $0x270F  }
0x1b: {  	s15 =	smov.u32 @p1 s5;
	p1 =	sne.s32 s12, s9  }
.Ltmp1:
0x1c: {  	p0 =	slt.u32 s12, $0x2;
	(pc) =	sbr.rel @!p1 .LBB2_6-.Ltmp1, $4  }
0x1d: {  	s14 =	simm.s32 @!p0 $0x3  }
0x1e: {  	_ =	swait.ge @!p0 [sflag:s14], $0x190  }
0x1f: {  	s16 =	sadd.s32 $0x1, s12;
	s13 =	smov.u32 s11;
	[sflag:s14] =	ssyncset.done @!p0 $0x0  }
0x20: {  	s12 =	smov.u32 s16;
	s11 =	smov.u32 s15;
	[sflag:s14] =	ssyncadd.s32 @!p0 $0xFFFFFE70  }
.LBB2_1:
0x21: {  	p0 =	sge.u32 s12, s7  }
0x22: {  	s14 =	sxor.u32 @!p0 $0x1, s12  }
0x23: {  	s14 =	smul.u32 @!p0 $0x640, s14  }
0x24: {  	s31 =	sadd.s32 $0xFFFFFFFF, s12;
	s15 =	sshrl.u32 @!p0 s11, $0x3  }
0x25: {  	s16 =	sand.u32 @!p0 $0x7, s11;
	s15 =	sadd.s32 @!p0 s3, s15;
	s14 =	sshra.s32 @!p0 s14, $0x2  }
0x26: {  	[tilespmem:s14], [sflag:$0x2] =	stream.linear.gather @!p0 [hbm4b:s15+s16], $0x190, $0x38;
	[tilespmem:$0x640] =	vst v63  }
0x27: {  	p0 =	sge.u32 s31, s7  }
.Ltmp2:
0x28: {  	_ = 	snop;
	(pc) =	sbr.rel @p0 .LBB2_5-.Ltmp2, $1  }
0x29: {  	_ =	sdelay $0x3  }
0x2a: {  	s14 =	sand.u32 $0x1, s12  }
0x2b: {  	_ =	swait.ge [sflag:s6], $0x190;
	p0 =	seq.s32 s14, $0x1;
	s14 =	simm.s32 $0x190  }
0x2c: {  	[sflag:s6] =	ssyncset.done $0x0;
	s14 =	simm.s32 @!p0 $0x0  }
0x2d: {  	[sflag:s6] =	ssyncadd.s32 $0xFFFFFE70;
	(ifvalue) =	ssetifvalue $0x7FFFFFFF;
	v0 =	vld.msk [tilespmem:s14+$0x0 ss:$0x1], $0xffff;
	_ =	sdelay $0x4  }
0x2e: {  	s15 =	sadd.s32 $0x10, s14;
	vm1 =	vgt.s32 v0, $0x0  }
0x2f: {  	v2 =	vld.msk [tilespmem:s15+$0x0 ss:$0x1], $0xffff;
	v1 =	vnsel vm1, $0x0, v0  }
0x30: {  	v1 =	vmin.u32 v1, $0x29793;
	_ =	sdelay $0x2  }
0x31: {  	s17 =	simm.s32 $0x20;
	s14 =	sadd.s32 $0x320, s14;
	s16 =	sadd.s32 $0x10, s15  }
0x32: {  	s15 =	sadd.s32 $0x10, s14;
	s18 =	smov.u32 s14;
	v0 =	vld.msk [tilespmem:s16+$0x0 ss:$0x1], $0xffff;
	vm1 =	vgt.s32 v2, $0x0;
	(ifvalue) =	ssetifvalue $0x7FFFFFFF  }
.LBB2_3:
0x33: {  	[tilespmem:s18], [sflag:$0x1] =	stream.indirect_vreg.gather [hbm4b:s2+s10], $0x1, v1, vm0, $0x4038;
	[tilespmem:$0x640] =	vst v63  }
0x34: {  	s17 =	sadd.s32 $0x10, s17  }
0x35: {  	v2 =	vnsel vm1, $0x0, v2;
	p0 =	slt.u32 s17, $0x180  }
.Ltmp3:
0x36: {  	s18 =	smov.u32 s15;
	v1 =	vmin.u32 v2, $0x29793;
	(pc) =	sbr.rel @p0 .LBB2_3-.Ltmp3, $3  }
0x37: {  	_ =	sdelay $0x1  }
0x38: {  	s16 =	sadd.s32 $0x10, s16  }
0x39: {  	vm1 =	vgt.s32 v0, $0x0;
	s15 =	sadd.s32 $0x10, s15;
	v2 =	vmov v0;
	(ifvalue) =	ssetifvalue $0x7FFFFFFF;
	v0 =	vld.msk [tilespmem:s16+$0x0 ss:$0x1], $0xffff  }
.Ltmp4:
0x3a: {  	_ = 	snop;
	(pc) =	sbr.rel .LBB2_4-.Ltmp4, $1  }
0x3b: {  	_ =	sdelay $0x3  }
.LBB2_6:
0x3c: {  	_ =	sfence.sel $0x180000  }
0x3d: {  	s2 =	simm.s32 $0x2;
	[bflag:$0x0] =	sbarrier.arrive $0xFFFF  }
0x3e: {  	s30 =	simm.s32 $0x3;
	[sflag:s2] =	ssyncpa.u1 $0x1  }
0x3f: {  	s31 =	simm.s32 $0x1;
	[sflag:s30] =	ssyncpa.u1 $0x1  }
0x40: {  	[sflag:s31] =	ssyncpa.u1 $0x1  }
0x41: {  	p0 =	sne.s32 s1, $0x0;
	_ =	strace $0x90000053  }
0x42: {  	s0 =	sadd.s32 @!p0 $0x100000, s0;
	[bflag:$0x2] =	sbarrier.arrive $0xFFFF  }
0x43: {  	[sflag:s0] =	ssyncadd.tile.s32 @!p0 $0x1;
	_ =	shalt  }
.Lfunc_end2:
_tile_overlayer_lowered:
.L_overlay_start_2:
0x44: {  	(tag) =	ssettag $0x2  }
0x45: {  	s0 =	rddreg [dreg:$0x0];
	s2 =	stileid.u32  }
0x46: {  	s1 =	rddreg [dreg:$0x1];
	p0 =	sne.s32 s2, $0x0  }
0x47: {  	s3 =	rddreg [dreg:$0x2];
	[bflag:$0x3] =	sbarrier.arrive $0xFFFF;
	s2 =	simm.s32 @!p0 $0x1C01  }
0x48: {  	[timem:s3], [sflag:s2] =	dma.local @!p0 [hbm:s0], s1  }
0x49: {  	s0 =	simm.s32 @!p0 $0x1  }
0x4a: {  	_ =	swait.ge @!p0 [sflag:s0], s1  }
0x4b: {  	s1 =	ssub.s32 @!p0 $0x0, s1;
	[sflag:s0] =	ssyncset.done @!p0 $0x0  }
0x4c: {  	[sflag:s0] =	ssyncadd.s32 @!p0 s1  }
0x4d: {  	[bflag:$0x3] =	sbarrier.arrive $0xFFFF  }
0x4e: {  	_ =	shalt  }

// kernel: kernel.10.cloned.1.call-start
scs
__scs_entry_jumppad:
0x0: {  	(pc) =	sbr.rel $0x88, $3  }
0x1: {  	(tag) =	ssettag $0x0;
	lr =	simm.s32 $0x1  }
0x2: {  	[smem:$0x3F98] =	sst lr;
	_ =	strace $0xD0000000  }
0x3: {  	_ = 	snop  }
0x4: {  	_ = 	snop  }
0x5: {  	_ = 	snop  }
0x6: {  	_ = 	snop  }
0x7: {  	_ = 	snop  }
__scs_overlays_trampoline_lowered:
0x8: {  	[smem:$0x3FA7] =	sst s0  }
0x9: {  	[smem:$0x3FA8] =	sst s1  }
0xa: {  	[smem:$0x3FA9] =	sst s2  }
0xb: {  	[smem:$0x3FAA] =	sst s3  }
0xc: {  	[smem:$0x3FAB] =	sst s4  }
0xd: {  	[smem:$0x3FAC] =	sst s5  }
0xe: {  	[smem:$0x3FAD] =	sst s6  }
0xf: {  	[smem:$0x3FAE] =	sst s7  }
0x10: {  	[smem:$0x3FAF] =	sst s8  }
0x11: {  	[smem:$0x3FB0] =	sst s9;
	s0 =	simm.s32 @!p0 $0x0  }
0x12: {  	s1 =	sld [smem:$0x3F96];
	s0 =	simm.s32 @p0 $0x1  }
0x13: {  	[smem:$0x3FB1] =	sst s0;
	s0 =	simm.s32 @!p1 $0x0  }
0x14: {  	s2 =	sld [smem:$0x3F95];
	s0 =	simm.s32 @p1 $0x1  }
0x15: {  	[smem:$0x3FB2] =	sst s0;
	s0 =	simm.s32 @!p2 $0x0  }
0x16: {  	s3 =	sld [smem:$0x3FDB];
	s0 =	simm.s32 @p2 $0x1  }
0x17: {  	s4 =	simm.s32 $0x1BF5;
	[smem:$0x3FB4] =	sst s0  }
0x18: {  	s0 =	sld [smem:$0x3F97];
	_ =	swait.ge [sflag:s4], $0x0  }
0x19: {  	s7 =	sld [smem:$0x3F98]  }
0x1a: {  	s8 =	sadd.s32 $0xFFFFE003, lr  }
0x1b: {  	s9 =	sadd.s32 $0xFFFFFEF7, lr;
	s5 =	simm.s32 $0xFFFFFFFF;
	p2 =	slt.u32 s8, $0xFFFFF086  }
0x1c: {  	p1 =	slt.u32 s9, $0xF7A;
	s5 =	simm.s32 @!p2 $0x0  }
0x1d: {  	s5 =	simm.s32 @p1 $0x1;
	p0 =	seq.s32 s7, s2  }
0x1e: {  	s7 =	smul.u32 @!p0 $0xF7A, s2;
	p2 =	seq.s32 @!p0 s5, $0x0  }
0x1f: {  	s9 =	smul.u32 $0xF7A, s1;
	s8 =	simm.s32 @!p0 $0x1BF5;
	p2 =	por !p2, p0  }
0x20: {  	[sflag:s8] =	ssyncset.s32 @!p0 $0xFFFFF086;
	s6 =	sadd.s32 @!p0 s3, s7;
	s7 =	simm.s32 @!p0 $0x108  }
0x21: {  	s3 =	sadd.s32 s3, s9;
	s6 =	sadd.s32 @!p0 $0x88, s6;
	s7 =	simm.s32 @p2 $0x1082  }
0x22: {  	[simem:s7], [sflag:s8] =	dma.local @!p0 [hbm:s6], $0xF7A  }
0x23: {  	s9 =	sor.u32 $0xD0000000, s2;
	s6 =	simm.s32 $0x108;
	_ =	swait.ge @!p0 [sflag:s8], $0x0  }
0x24: {  	s3 =	sadd.s32 $0x88, s3;
	s6 =	simm.s32 @!p1 $0x1082;
	[sflag:s4] =	ssyncset.s32 $0xFFFFF086  }
0x25: {  	[simem:s6], [sflag:s4] =	dma.local [hbm:s3], $0xF7A  }
0x26: {  	[smem:$0x3F98] =	sst s1;
	(tag) =	ssettag s2;
	_ =	strace s9  }
0x27: {  	s1 =	sld [smem:$0x3FA8]  }
0x28: {  	s2 =	sld [smem:$0x3FA9]  }
0x29: {  	s4 =	sld [smem:$0x3FAB]  }
0x2a: {  	p0 =	seq.s32 s5, $0x0;
	s5 =	sld [smem:$0x3FAC]  }
0x2b: {  	s6 =	sld [smem:$0x3FAD]  }
0x2c: {  	s7 =	sld [smem:$0x3FAE]  }
0x2d: {  	s3 =	simm.s32 $0x108;
	s8 =	sld [smem:$0x3FAF]  }
0x2e: {  	s3 =	simm.s32 @!p0 $0x1082;
	s9 =	sld [smem:$0x3FB0]  }
0x2f: {  	lr =	sadd.s32 s0, s3;
	s0 =	sld [smem:$0x3FA7]  }
0x30: {  	s3 =	sld [smem:$0x3FAA]  }
0x31: {  	[smem:$0x3FB3] =	sst s10  }
0x32: {  	s10 =	sld [smem:$0x3FB1];
	_ =	sdelay $0x3  }
0x33: {  	p0 =	seq.s32 s10, $0x1;
	s10 =	sld [smem:$0x3FB3];
	_ =	sdelay $0x3  }
0x34: {  	[smem:$0x3FB3] =	sst s10  }
0x35: {  	s10 =	sld [smem:$0x3FB2];
	_ =	sdelay $0x3  }
0x36: {  	p1 =	seq.s32 s10, $0x1;
	s10 =	sld [smem:$0x3FB3];
	_ =	sdelay $0x3  }
0x37: {  	[smem:$0x3FB3] =	sst s10  }
0x38: {  	s10 =	sld [smem:$0x3FB4]  }
0x39: {  	_ = 	snop;
	(pc) =	sbr.ind lr, $3  }
0x3a: {  	_ = 	snop  }
0x3b: {  	_ = 	snop  }
0x3c: {  	p2 =	seq.s32 s10, $0x1;
	s10 =	sld [smem:$0x3FB3]  }
0x3d: {  	_ =	shalt  }
0x3e: {  	_ =	shalt  }
0x3f: {  	_ =	shalt  }
0x40: {  	_ =	shalt  }
0x41: {  	_ =	shalt  }
0x42: {  	_ =	shalt  }
0x43: {  	_ =	shalt  }
0x44: {  	_ =	shalt  }
0x45: {  	_ =	shalt  }
0x46: {  	_ =	shalt  }
0x47: {  	_ =	shalt  }
0x48: {  	_ =	shalt  }
0x49: {  	_ =	shalt  }
0x4a: {  	_ =	shalt  }
0x4b: {  	_ =	shalt  }
0x4c: {  	_ =	shalt  }
0x4d: {  	_ =	shalt  }
0x4e: {  	_ =	shalt  }
0x4f: {  	_ =	shalt  }
0x50: {  	_ =	shalt  }
0x51: {  	_ =	shalt  }
0x52: {  	_ =	shalt  }
0x53: {  	_ =	shalt  }
0x54: {  	_ =	shalt  }
0x55: {  	_ =	shalt  }
0x56: {  	_ =	shalt  }
0x57: {  	_ =	shalt  }
0x58: {  	_ =	shalt  }
0x59: {  	_ =	shalt  }
0x5a: {  	_ =	shalt  }
0x5b: {  	_ =	shalt  }
0x5c: {  	_ =	shalt  }
0x5d: {  	_ =	shalt  }
0x5e: {  	_ =	shalt  }
0x5f: {  	_ =	shalt  }
0x60: {  	_ =	shalt  }
0x61: {  	_ =	shalt  }
0x62: {  	_ =	shalt  }
0x63: {  	_ =	shalt  }
0x64: {  	_ =	shalt  }
0x65: {  	_ =	shalt  }
0x66: {  	_ =	shalt  }
0x67: {  	_ =	shalt  }
0x68: {  	_ =	shalt  }
0x69: {  	_ =	shalt  }
0x6a: {  	_ =	shalt  }
0x6b: {  	_ =	shalt  }
0x6c: {  	_ =	shalt  }
0x6d: {  	_ =	shalt  }
0x6e: {  	_ =	shalt  }
0x6f: {  	_ =	shalt  }
0x70: {  	_ =	shalt  }
0x71: {  	_ =	shalt  }
0x72: {  	_ =	shalt  }
0x73: {  	_ =	shalt  }
0x74: {  	_ =	shalt  }
0x75: {  	_ =	shalt  }
0x76: {  	_ =	shalt  }
0x77: {  	_ =	shalt  }
0x78: {  	_ =	shalt  }
0x79: {  	_ =	shalt  }
0x7a: {  	_ =	shalt  }
0x7b: {  	_ =	shalt  }
0x7c: {  	_ =	shalt  }
0x7d: {  	_ =	shalt  }
0x7e: {  	_ =	shalt  }
0x7f: {  	_ =	shalt  }
0x80: {  	_ =	shalt  }
0x81: {  	_ =	shalt  }
0x82: {  	_ =	shalt  }
0x83: {  	_ =	shalt  }
0x84: {  	_ =	shalt  }
0x85: {  	_ =	shalt  }
0x86: {  	_ =	shalt  }
0x87: {  	_ =	shalt  }
.Lfunc_end0:
.L_simem_size_0:
called_computation.1_lowered:
.L_overlay_start_0:
0x88: {  	s2 =	sld [smem:$0x3FD9]  }
0x89: {  	s3 =	sld [smem:$0x3FFE];
	_ =	sdelay $0x1  }
0x8a: {  	s1 =	srdreg.scid  }
0x8b: {  	s0 =	sand.u32 $0x1, s1  }
0x8c: {  	s16 =	sshll.u32 s0, $0xA;
	s2 =	sadd.s32 s3, s2  }
0x8d: {  	s2 =	sadd.s32 s2, s16  }
0x8e: {  	[smem:$0x3FBF] =	sst s2  }
0x8f: {  	_ = 	snop  }
0x90: {  	(tm) =	ssettm $0x1  }
0x91: {  	s17 =	sld [smem:$0x3FFB];
	_ =	sdelay $0x3  }
0x92: {  	_ =	strace s17  }
0x93: {  	s2 =	sld [smem:$0x3FFC];
	_ =	sdelay $0x3  }
0x94: {  	_ =	strace s2  }
0x95: {  	s2 =	sld [smem:$0x3FFD];
	_ =	sdelay $0x3  }
0x96: {  	_ =	strace s2  }
0x97: {  	_ =	strace $0x8FFFFFFF  }
0x98: {  	s18 =	sld [smem:$0x3FDB];
	_ =	sdelay $0x1  }
0x99: {  	s19 =	simm.s32 $_scs_section_size  }
0x9a: {  	s4 =	simm.s32 $_size__tile_overlayer_lowered;
	s5 =	simm.s32 $_tile_overlayer_lowered  }
0x9b: {  	s22 =	simm.s32 $0x1BFF;
	s21 =	sshll.u32 s5, $0x1;
	s2 =	sadd.s32 s19, s18  }
0x9c: {  	s6 =	simm.s32 $0x0;
	s20 =	sshll.u32 s4, $0x1;
	s4 =	sadd.s32 s21, s2  }
0x9d: {  	[timem:s6], [sflag:s22] =	dma.local [hbm:s4], s20  }
0x9e: {  	_ =	swait.ge [sflag:s22], s20  }
0x9f: {  	s3 =	ssub.s32 $0x0, s20;
	[sflag:s22] =	ssyncset.done $0x0  }
0xa0: {  	[sflag:s22] =	ssyncadd.s32 s3;
	_ =	sdelay $0x1  }
0xa1: {  	s23 =	simm.s32 $0x1B8B  }
0xa2: {  	_ =	swait.ge [sflag:s23], $0x1  }
0xa3: {  	[sflag:s23] =	ssyncset.done $0x0  }
0xa4: {  	s25 =	simm.s32 $0x1B8E;
	s24 =	sld [smem:$0x3FFE];
	[sflag:s23] =	ssyncadd.s32 $0xFFFFFFFF  }
0xa5: {  	s26 =	simm.s32 $execute0_lowered;
	[smem:$0x3FD2] =	sst s25  }
0xa6: {  	s4 =	sshll.u32 s26, $0x1;
	_ =	strace $0x80000049;
	[dreg:$0x1] =	wrdreg $0xFFFFFFFF  }
0xa7: {  	s28 =	simm.s32 $_size_execute0_lowered;
	s2 =	sadd.s32 s2, s4;
	[dreg:$0x0] =	wrdreg $0x0  }
0xa8: {  	s4 =	sshll.u32 s28, $0x1;
	[dreg:$0x2] =	wrdreg s2  }
0xa9: {  	[dreg:$0x3] =	wrdreg s4  }
0xaa: {  	[dreg:$0x4] =	wrdreg $0xC0  }
0xab: {  	_ =	task [dreg:s6], $0x5FFFF  }
0xac: {  	[dreg:$0x1] =	wrdreg $0xFFFFFFFF  }
0xad: {  	[dreg:$0x0] =	wrdreg $0x60  }
0xae: {  	[dreg:$0x2] =	wrdreg s24  }
0xaf: {  	[dreg:$0x3] =	wrdreg $0x20800  }
0xb0: {  	[dreg:$0x4] =	wrdreg $0x9  }
0xb1: {  	_ =	task.clear_ibuf [dreg:s6], $0x5FFFF;
	_ =	strace $0x90000049  }
0xb2: {  	s29 =	simm.s32 $0x9;
	_ =	strace $0x8000004B  }
0xb3: {  	_ =	swait.ge [sflag:s29], $0x1  }
0xb4: {  	[sflag:s29] =	ssyncadd.s32 $0xFFFFFFFF  }
0xb5: {  	_ =	strace $0x9000004B  }
0xb6: {  	_ =	sfence  }
0xb7: {  	s30 =	sld [smem:$0x0];
	_ =	sdelay $0x2  }
0xb8: {  	s31 =	sshll.u32 s1, $0xD;
	s1 =	sshrl.u32 s1, $0x2  }
0xb9: {  	s3 =	sand.u32 $0x4000, s31;
	s1 =	sadd.s32 s1, s30  }
0xba: {  	s0 =	sor.u32 s3, s0;
	s1 =	sshll.u32 s1, $0x11  }
0xbb: {  	s0 =	sor.u32 s1, s0  }
0xbc: {  	s0 =	sadd.s32 $0x8F2B, s0  }
0xbd: {  	[sflag:s0] =	ssyncadd.remote.s32 $0x1  }
0xbe: {  	_ =	sfence.sel $0xFFFF  }
0xbf: {  	[dreg:$0x0] =	wrdreg $0xFFFFFFFF;
	(pc) =	sbr.abs _section_cstart, $3  }
0xc0: {  	[dreg:$0x1] =	wrdreg $0xFFFFFFFF  }
0xc1: {  	_ =	task.clear_ibuf [dreg:s6], $0x2FFFF;
	_ =	strace $0x9FFFFFFF  }
0xc2: {  	(tm) =	ssettm $0x7FFFFFFF  }
0xc3: {  	_ =	shalt  }
tec
execute0_lowered:
.L_overlay_start_1:
0x0: {  	(tag) =	ssettag $0x1  }
0x1: {  	s6 =	rddreg [dreg:$0x0];
	s1 =	stileid.u32  }
0x2: {  	s2 =	rddreg [dreg:$0x1];
	s3 =	simm.s32 $0x0;
	s5 =	smul.u32 $0x580, s1  }
0x3: {  	s8 =	srdreg.scid;
	s24 =	simm.s32 $0x2000;
	s7 =	smul.u32 $0x50000, s1  }
0x4: {  	s25 =	simm.s32 $0x40;
	s26 =	simm.s32 $0x1;
	s31 =	smul.u32 $0x50, s1  }
0x5: {  	s28 =	simm.s32 $0x0;
	[smem:$0x7FF] =	sst s3;
	s9 =	smul.u32 $0x2800, s1  }
0x6: {  	s4 =	sadd.s32 $0x10E00, s6;
	s23 =	sand.u32 $0x1, s8;
	s18 =	smul.u32 $0x2C000, s1  }
0x7: {  	_ =	strace $0x8000004A;
	s15 =	ssub.s32 $0x2, s23;
	p0 =	sne.s32 s23, $0x0  }
0x8: {  	s23 =	simm.s32 $0x2;
	s20 =	sadd.s32 s5, s6;
	s7 =	sshrl.u32 s7, $0x2  }
0x9: {  	s22 =	sadd.s32 s31, s6;
	s21 =	sadd.s32 s9, s6;
	s16 =	sshrl.u32 s15, $0x1  }
0xa: {  	s18 =	sadd.s32 s18, s4;
	s5 =	sadd.s32 s7, s2;
	s0 =	sadd.s32 $0x2D0E00, s21  }
0xb: {  	s17 =	ssub.s32 s15, s16;
	s16 =	sadd.s32 $0x2F8E00, s21;
	s19 =	sadd.s32 $0xB16800, s20  }
.Ltmp0:
0xc: {  	s20 =	sadd.s32 $0xB11000, s20;
	s21 =	sadd.s32 $0x320E00, s21;
	(pc) =	sbr.rel .LBB2_1-.Ltmp0, $4  }
0xd: {  	s22 =	sadd.s32 $0xBC00, s22;
	s6 =	sadd.s32 $0x2000, s5;
	s7 =	sadd.s32 $0x4000, s5  }
0xe: {  	s8 =	sadd.s32 $0x6000, s5;
	s9 =	sadd.s32 $0x8000, s5;
	s10 =	sadd.s32 $0xA000, s5  }
0xf: {  	s11 =	sadd.s32 $0xC000, s5;
	s12 =	sadd.s32 $0xE000, s5;
	s13 =	sadd.s32 $0x10000, s5  }
0x10: {  	v0 =	vimm.f32 $0.0e+00;
	s14 =	sadd.s32 $0x12000, s5;
	[dreg:$0x3] =	wrdreg s0;
	s17 =	smax.u32 s17, $0x1  }
.LBB2_11:
0x11: {  	s0 =	sadd.s32 s30, s20;
	[sflag:s23] =	ssyncadd.s32 $0xFFFFE000  }
0x12: {  	[tilespmem:s24], [sflag:$0x2] =	stream.linear.gather [hbm4b:s0+s3], $0x40, $0x38;
	[tilespmem:$0x16080] =	vst v63  }
0x13: {  	_ =	swait.ge [sflag:s23], $0x40  }
0x14: {  	[sflag:s23] =	ssyncset.done $0x0  }
0x15: {  	[sflag:s23] =	ssyncadd.s32 $0xFFFFFFC0  }
0x16: {  	[tilespmem:s3], [sflag:$0x2] =	stream.linear.gather [hbm4b:s29+s3], $0x2000, $0x38;
	[tilespmem:$0x16080] =	vst v63  }
0x17: {  	_ =	swait.ge [sflag:s23], $0x2000  }
0x18: {  	[sflag:s23] =	ssyncset.done $0x0  }
0x19: {  	[sflag:s23] =	ssyncadd.s32 $0xFFFFE000  }
0x1a: {  	[spmem:s2] =	stream.indirect.scatter.add.f32 [tilespmem:s3], [sflag:$0x2], $0x80, s24, s25, $0xb8;
	[tilespmem:$0x16080] =	vst v63  }
0x1b: {  	_ =	swait.ge [sflag:s23], $0x2000  }
0x1c: {  	[sflag:s23] =	ssyncset.done $0x0  }
0x1d: {  	s31 =	sshll.u32 s1, $0x6;
	[sflag:s23] =	ssyncadd.s32 $0xFFFFE000  }
0x1e: {  	s15 =	sshrl.u32 s5, $0x3;
	s0 =	sor.u32 $0x1C02, s31;
	[bflag:$0x0] =	sbarrier.arrive $0xFFFF  }
0x1f: {  	[hbm:s16], [sflag:s0] =	dma.local [spmem:s15], $0x2800  }
0x20: {  	_ =	swait.ge [sflag:s23], $0x2800  }
0x21: {  	[sflag:s23] =	ssyncset.done $0x0  }
0x22: {  	[sflag:s23] =	ssyncadd.s32 $0xFFFFD800  }
.LBB2_12:
0x23: {  	s28 =	sadd.s32 $0x1, s28  }
0x24: {  	p1 =	sne.s32 s28, s17  }
.Ltmp1:
0x25: {  	_ = 	snop;
	(pc) =	sbr.rel @!p1 .LBB2_13-.Ltmp1, $1  }
0x26: {  	_ =	sdelay $0x3  }
.LBB2_1:
0x27: {  	s29 =	simm.s32 $0x0;
	s30 =	simm.s32 $0x200  }
.LBB2_2:
0x28: {  	p1 =	sne.s32 s30, $0x7E00;
	[tilespmem:s29+$0x70] =	vst v0  }
0x29: {  	[tilespmem:s29+$0x0] =	vst v0  }
0x2a: {  	[tilespmem:s29+$0x10] =	vst v0  }
.Ltmp2:
0x2b: {  	[tilespmem:s29+$0x20] =	vst v0;
	(pc) =	sbr.rel @p1 .LBB2_2-.Ltmp2, $4  }
0x2c: {  	[tilespmem:s29+$0x30] =	vst v0  }
0x2d: {  	[tilespmem:s29+$0x40] =	vst v0  }
0x2e: {  	[tilespmem:s29+$0x50] =	vst v0  }
0x2f: {  	[tilespmem:s29+$0x60] =	vst v0;
	s29 =	sshra.s32 s30, $0x2;
	s30 =	sadd.s32 $0x200, s30  }
0x30: {  	[tilespmem:s29+$0x70] =	vst v0  }
0x31: {  	[tilespmem:s29+$0x0] =	vst v0  }
0x32: {  	[tilespmem:s29+$0x10] =	vst v0  }
0x33: {  	[tilespmem:s29+$0x20] =	vst v0  }
0x34: {  	[tilespmem:s29+$0x30] =	vst v0  }
0x35: {  	[tilespmem:s29+$0x40] =	vst v0  }
0x36: {  	[tilespmem:s29+$0x50] =	vst v0  }
0x37: {  	[tilespmem:s29+$0x60] =	vst v0;
	s31 =	simm.s32 $0x0  }
0x38: {  	[spmem:s5] =	stream.linear.scatter [tilespmem:s31], [sflag:$0x2], $0x2000, $0x38;
	[tilespmem:$0x16080] =	vst v63  }
0x39: {  	_ =	swait.ge [sflag:s23], $0x2000  }
0x3a: {  	[sflag:s23] =	ssyncset.done $0x0  }
0x3b: {  	[sflag:s23] =	ssyncadd.s32 $0xFFFFE000  }
0x3c: {  	[spmem:s6] =	stream.linear.scatter [tilespmem:s31], [sflag:$0x2], $0x2000, $0x38;
	[tilespmem:$0x16080] =	vst v63  }
0x3d: {  	_ =	swait.ge [sflag:s23], $0x2000  }
0x3e: {  	[sflag:s23] =	ssyncset.done $0x0  }
0x3f: {  	[sflag:s23] =	ssyncadd.s32 $0xFFFFE000  }
0x40: {  	[spmem:s7] =	stream.linear.scatter [tilespmem:s31], [sflag:$0x2], $0x2000, $0x38;
	[tilespmem:$0x16080] =	vst v63  }
0x41: {  	_ =	swait.ge [sflag:s23], $0x2000  }
0x42: {  	[sflag:s23] =	ssyncset.done $0x0  }
0x43: {  	[sflag:s23] =	ssyncadd.s32 $0xFFFFE000  }
0x44: {  	[spmem:s8] =	stream.linear.scatter [tilespmem:s31], [sflag:$0x2], $0x2000, $0x38;
	[tilespmem:$0x16080] =	vst v63  }
0x45: {  	_ =	swait.ge [sflag:s23], $0x2000  }
0x46: {  	[sflag:s23] =	ssyncset.done $0x0  }
0x47: {  	[sflag:s23] =	ssyncadd.s32 $0xFFFFE000  }
0x48: {  	[spmem:s9] =	stream.linear.scatter [tilespmem:s31], [sflag:$0x2], $0x2000, $0x38;
	[tilespmem:$0x16080] =	vst v63  }
0x49: {  	_ =	swait.ge [sflag:s23], $0x2000  }
0x4a: {  	[sflag:s23] =	ssyncset.done $0x0  }
0x4b: {  	[sflag:s23] =	ssyncadd.s32 $0xFFFFE000  }
0x4c: {  	[spmem:s10] =	stream.linear.scatter [tilespmem:s31], [sflag:$0x2], $0x2000, $0x38;
	[tilespmem:$0x16080] =	vst v63  }
0x4d: {  	_ =	swait.ge [sflag:s23], $0x2000  }
0x4e: {  	[sflag:s23] =	ssyncset.done $0x0  }
0x4f: {  	[sflag:s23] =	ssyncadd.s32 $0xFFFFE000  }
0x50: {  	[spmem:s11] =	stream.linear.scatter [tilespmem:s31], [sflag:$0x2], $0x2000, $0x38;
	[tilespmem:$0x16080] =	vst v63  }
0x51: {  	_ =	swait.ge [sflag:s23], $0x2000  }
0x52: {  	[sflag:s23] =	ssyncset.done $0x0  }
0x53: {  	[sflag:s23] =	ssyncadd.s32 $0xFFFFE000  }
0x54: {  	[spmem:s12] =	stream.linear.scatter [tilespmem:s31], [sflag:$0x2], $0x2000, $0x38;
	[tilespmem:$0x16080] =	vst v63  }
0x55: {  	_ =	swait.ge [sflag:s23], $0x2000  }
0x56: {  	[sflag:s23] =	ssyncset.done $0x0  }
0x57: {  	[sflag:s23] =	ssyncadd.s32 $0xFFFFE000  }
0x58: {  	[spmem:s13] =	stream.linear.scatter [tilespmem:s31], [sflag:$0x2], $0x2000, $0x38;
	[tilespmem:$0x16080] =	vst v63  }
0x59: {  	_ =	swait.ge [sflag:s23], $0x2000  }
0x5a: {  	[sflag:s23] =	ssyncset.done $0x0  }
0x5b: {  	[sflag:s23] =	ssyncadd.s32 $0xFFFFE000  }
0x5c: {  	[spmem:s14] =	stream.linear.scatter [tilespmem:s31], [sflag:$0x2], $0x2000, $0x38;
	[tilespmem:$0x16080] =	vst v63  }
.Ltmp3:
0x5d: {  	_ =	swait.ge [sflag:s23], $0x2000;
	(pc) =	sbr.rel @p0 .LBB2_9-.Ltmp3, $3  }
0x5e: {  	[sflag:s23] =	ssyncset.done $0x0  }
0x5f: {  	[sflag:s23] =	ssyncadd.s32 $0xFFFFE000  }
0x60: {  	[bflag:$0x0] =	sbarrier.arrive $0xFFFF;
	_ =	sdelay $0x1  }
0x61: {  	s29 =	sadd.s32 $0x0, s19  }
0x62: {  	[tilespmem:s24], [sflag:$0x2] =	stream.linear.gather [hbm4b:s29+s3], $0x40, $0x38;
	[tilespmem:$0x16080] =	vst v63  }
0x63: {  	_ =	swait.ge [sflag:s23], $0x40  }
0x64: {  	[sflag:s23] =	ssyncset.done $0x0  }
0x65: {  	[sflag:s23] =	ssyncadd.s32 $0xFFFFFFC0  }
0x66: {  	[tilespmem:s3], [sflag:$0x2] =	stream.linear.gather [hbm4b:s18+s3], $0x2000, $0x38;
	[tilespmem:$0x16080] =	vst v63  }
0x67: {  	_ =	swait.ge [sflag:s23], $0x2000  }
0x68: {  	[sflag:s23] =	ssyncset.done $0x0  }
0x69: {  	[sflag:s23] =	ssyncadd.s32 $0xFFFFE000  }
0x6a: {  	[spmem:s2] =	stream.indirect.scatter.add.f32 [tilespmem:s3], [sflag:$0x2], $0x80, s24, s25, $0xb8;
	[tilespmem:$0x16080] =	vst v63  }
0x6b: {  	s30 =	simm.s32 $0x8;
	_ =	swait.ge [sflag:s23], $0x2000  }
0x6c: {  	s31 =	simm.s32 $0x10;
	s29 =	sadd.s32 $0x400, s18;
	[sflag:s23] =	ssyncset.done $0x0  }
.LBB2_5:
0x6d: {  	s0 =	sadd.s32 s30, s19  }
0x6e: {  	[sflag:s23] =	ssyncadd.s32 $0xFFFFE000;
	s30 =	smov.u32 s31;
	s15 =	sadd.s32 $0x8, s31  }
0x6f: {  	[tilespmem:s24], [sflag:$0x2] =	stream.linear.gather [hbm4b:s0+s3], $0x40, $0x38;
	[tilespmem:$0x16080] =	vst v63  }
0x70: {  	p1 =	sne.s32 s31, $0x578;
	_ =	swait.ge [sflag:s23], $0x40  }
0x71: {  	[sflag:s23] =	ssyncset.done $0x0  }
0x72: {  	[sflag:s23] =	ssyncadd.s32 $0xFFFFFFC0  }
0x73: {  	[tilespmem:s3], [sflag:$0x2] =	stream.linear.gather [hbm4b:s29+s3], $0x2000, $0x38;
	[tilespmem:$0x16080] =	vst v63  }
0x74: {  	_ =	swait.ge [sflag:s23], $0x2000  }
.Ltmp4:
0x75: {  	[sflag:s23] =	ssyncset.done $0x0;
	(pc) =	sbr.rel @p1 .LBB2_5-.Ltmp4, $4  }
0x76: {  	[sflag:s23] =	ssyncadd.s32 $0xFFFFE000  }
0x77: {  	[spmem:s2] =	stream.indirect.scatter.add.f32 [tilespmem:s3], [sflag:$0x2], $0x80, s24, s25, $0xb8;
	[tilespmem:$0x16080] =	vst v63  }
0x78: {  	_ =	swait.ge [sflag:s23], $0x2000  }
0x79: {  	s31 =	smov.u32 s15;
	s29 =	sadd.s32 $0x400, s29;
	[sflag:s23] =	ssyncset.done $0x0  }
0x7a: {  	s0 =	sadd.s32 s30, s19;
	[sflag:s23] =	ssyncadd.s32 $0xFFFFE000  }
0x7b: {  	[tilespmem:s24], [sflag:$0x2] =	stream.linear.gather [hbm4b:s0+s3], $0x40, $0x38;
	[tilespmem:$0x16080] =	vst v63  }
0x7c: {  	_ =	swait.ge [sflag:s23], $0x40  }
0x7d: {  	[sflag:s23] =	ssyncset.done $0x0  }
0x7e: {  	[sflag:s23] =	ssyncadd.s32 $0xFFFFFFC0  }
0x7f: {  	[tilespmem:s3], [sflag:$0x2] =	stream.linear.gather [hbm4b:s29+s3], $0x2000, $0x38;
	[tilespmem:$0x16080] =	vst v63  }
0x80: {  	_ =	swait.ge [sflag:s23], $0x2000  }
0x81: {  	[sflag:s23] =	ssyncset.done $0x0  }
0x82: {  	[sflag:s23] =	ssyncadd.s32 $0xFFFFE000  }
0x83: {  	[spmem:s2] =	stream.indirect.scatter.add.f32 [tilespmem:s3], [sflag:$0x2], $0x80, s24, s25, $0xb8;
	[tilespmem:$0x16080] =	vst v63  }
0x84: {  	_ =	swait.ge [sflag:s23], $0x2000  }
0x85: {  	[sflag:s23] =	ssyncset.done $0x0  }
0x86: {  	[sflag:s23] =	ssyncadd.s32 $0xFFFFE000  }
0x87: {  	s15 =	sshll.u32 s1, $0x6;
	[bflag:$0x0] =	sbarrier.arrive $0xFFFF  }
0x88: {  	s0 =	sor.u32 $0x1C02, s15;
	s15 =	sshrl.u32 s5, $0x3;
	s29 =	rddreg [dreg:$0x3]  }
0x89: {  	[hbm:s29], [sflag:s0] =	dma.local [spmem:s15], $0x2800  }
0x8a: {  	_ =	swait.ge [sflag:s23], $0x2800  }
0x8b: {  	[sflag:s23] =	ssyncset.done $0x0  }
0x8c: {  	s15 =	sadd.s32 $0x0, s22;
	[sflag:s23] =	ssyncadd.s32 $0xFFFFD800  }
0x8d: {  	[tilespmem:s24], [sflag:$0x2] =	stream.linear.gather [hbm4b:s15+s3], $0x40, $0x38;
	[tilespmem:$0x16080] =	vst v63  }
0x8e: {  	_ =	swait.ge [sflag:s23], $0x40  }
0x8f: {  	[sflag:s23] =	ssyncset.done $0x0  }
0x90: {  	[sflag:s23] =	ssyncadd.s32 $0xFFFFFFC0  }
0x91: {  	[tilespmem:s3], [sflag:$0x1] =	stream.indirect.gather [hbm4b:s4+s25], $0x80, s24, s25, $0xb8;
	[tilespmem:$0x16080] =	vst v63  }
0x92: {  	_ =	swait.ge [sflag:s26], $0x2000  }
0x93: {  	[sflag:s26] =	ssyncset.done $0x0  }
0x94: {  	[sflag:s26] =	ssyncadd.s32 $0xFFFFE000  }
0x95: {  	[hbm4b:s21+s3] =	stream.linear.scatter [tilespmem:s3], [sflag:$0x2], $0x2000, $0x38;
	[tilespmem:$0x16080] =	vst v63  }
0x96: {  	s30 =	simm.s32 $0x8;
	_ =	swait.ge [sflag:s23], $0x2000  }
0x97: {  	s31 =	simm.s32 $0x10;
	s29 =	sadd.s32 $0x400, s21;
	[sflag:s23] =	ssyncset.done $0x0  }
.LBB2_7:
0x98: {  	s0 =	sadd.s32 s30, s22  }
0x99: {  	[sflag:s23] =	ssyncadd.s32 $0xFFFFE000;
	s30 =	smov.u32 s31;
	s15 =	sadd.s32 $0x8, s31  }
0x9a: {  	[tilespmem:s24], [sflag:$0x2] =	stream.linear.gather [hbm4b:s0+s3], $0x40, $0x38;
	[tilespmem:$0x16080] =	vst v63  }
0x9b: {  	p1 =	seq.s32 s31, $0x48;
	_ =	swait.ge [sflag:s23], $0x40  }
0x9c: {  	[sflag:s23] =	ssyncset.done $0x0  }
0x9d: {  	[sflag:s23] =	ssyncadd.s32 $0xFFFFFFC0  }
0x9e: {  	[tilespmem:s3], [sflag:$0x1] =	stream.indirect.gather [hbm4b:s4+s25], $0x80, s24, s25, $0xb8;
	[tilespmem:$0x16080] =	vst v63  }
0x9f: {  	_ =	swait.ge [sflag:s26], $0x2000  }
.Ltmp5:
0xa0: {  	[sflag:s26] =	ssyncset.done $0x0;
	(pc) =	sbr.rel @!p1 .LBB2_7-.Ltmp5, $4  }
0xa1: {  	[sflag:s26] =	ssyncadd.s32 $0xFFFFE000  }
0xa2: {  	[hbm4b:s29+s3] =	stream.linear.scatter [tilespmem:s3], [sflag:$0x2], $0x2000, $0x38;
	[tilespmem:$0x16080] =	vst v63  }
0xa3: {  	_ =	swait.ge [sflag:s23], $0x2000  }
0xa4: {  	s31 =	smov.u32 s15;
	s29 =	sadd.s32 $0x400, s29;
	[sflag:s23] =	ssyncset.done $0x0  }
0xa5: {  	s0 =	sadd.s32 s30, s22;
	[sflag:s23] =	ssyncadd.s32 $0xFFFFE000  }
0xa6: {  	[tilespmem:s24], [sflag:$0x2] =	stream.linear.gather [hbm4b:s0+s3], $0x40, $0x38;
	[tilespmem:$0x16080] =	vst v63  }
0xa7: {  	_ =	swait.ge [sflag:s23], $0x40  }
0xa8: {  	[sflag:s23] =	ssyncset.done $0x0  }
0xa9: {  	[sflag:s23] =	ssyncadd.s32 $0xFFFFFFC0  }
0xaa: {  	[tilespmem:s3], [sflag:$0x1] =	stream.indirect.gather [hbm4b:s4+s25], $0x80, s24, s25, $0xb8;
	[tilespmem:$0x16080] =	vst v63  }
0xab: {  	_ =	swait.ge [sflag:s26], $0x2000  }
0xac: {  	[sflag:s26] =	ssyncset.done $0x0  }
.Ltmp6:
0xad: {  	[sflag:s26] =	ssyncadd.s32 $0xFFFFE000;
	(pc) =	sbr.rel .LBB2_12-.Ltmp6, $4  }
0xae: {  	[hbm4b:s29+s3] =	stream.linear.scatter [tilespmem:s3], [sflag:$0x2], $0x2000, $0x38;
	[tilespmem:$0x16080] =	vst v63  }
0xaf: {  	_ =	swait.ge [sflag:s23], $0x2000  }
0xb0: {  	[sflag:s23] =	ssyncset.done $0x0  }
0xb1: {  	[sflag:s23] =	ssyncadd.s32 $0xFFFFE000  }
.LBB2_9:
0xb2: {  	s0 =	sadd.s32 $0x0, s20  }
0xb3: {  	[tilespmem:s24], [sflag:$0x2] =	stream.linear.gather [hbm4b:s0+s3], $0x40, $0x38;
	[tilespmem:$0x16080] =	vst v63  }
0xb4: {  	_ =	swait.ge [sflag:s23], $0x40  }
0xb5: {  	[sflag:s23] =	ssyncset.done $0x0  }
0xb6: {  	[sflag:s23] =	ssyncadd.s32 $0xFFFFFFC0  }
0xb7: {  	[tilespmem:s3], [sflag:$0x2] =	stream.linear.gather [hbm4b:s18+s3], $0x2000, $0x38;
	[tilespmem:$0x16080] =	vst v63  }
0xb8: {  	_ =	swait.ge [sflag:s23], $0x2000  }
0xb9: {  	[sflag:s23] =	ssyncset.done $0x0  }
0xba: {  	[sflag:s23] =	ssyncadd.s32 $0xFFFFE000  }
0xbb: {  	[spmem:s2] =	stream.indirect.scatter.add.f32 [tilespmem:s3], [sflag:$0x2], $0x80, s24, s25, $0xb8;
	[tilespmem:$0x16080] =	vst v63  }
0xbc: {  	s30 =	simm.s32 $0x8;
	_ =	swait.ge [sflag:s23], $0x2000  }
0xbd: {  	s31 =	simm.s32 $0x10;
	s29 =	sadd.s32 $0x400, s18;
	[sflag:s23] =	ssyncset.done $0x0  }
.LBB2_10:
0xbe: {  	s0 =	sadd.s32 s30, s20  }
0xbf: {  	[sflag:s23] =	ssyncadd.s32 $0xFFFFE000;
	s30 =	smov.u32 s31;
	s15 =	sadd.s32 $0x8, s31  }
0xc0: {  	[tilespmem:s24], [sflag:$0x2] =	stream.linear.gather [hbm4b:s0+s3], $0x40, $0x38;
	[tilespmem:$0x16080] =	vst v63  }
0xc1: {  	p1 =	seq.s32 s31, $0x578;
	_ =	swait.ge [sflag:s23], $0x40  }
0xc2: {  	[sflag:s23] =	ssyncset.done $0x0  }
0xc3: {  	[sflag:s23] =	ssyncadd.s32 $0xFFFFFFC0  }
0xc4: {  	[tilespmem:s3], [sflag:$0x2] =	stream.linear.gather [hbm4b:s29+s3], $0x2000, $0x38;
	[tilespmem:$0x16080] =	vst v63  }
0xc5: {  	_ =	swait.ge [sflag:s23], $0x2000  }
.Ltmp7:
0xc6: {  	[sflag:s23] =	ssyncset.done $0x0;
	(pc) =	sbr.rel @!p1 .LBB2_10-.Ltmp7, $4  }
0xc7: {  	[sflag:s23] =	ssyncadd.s32 $0xFFFFE000  }
0xc8: {  	[spmem:s2] =	stream.indirect.scatter.add.f32 [tilespmem:s3], [sflag:$0x2], $0x80, s24, s25, $0xb8;
	[tilespmem:$0x16080] =	vst v63  }
0xc9: {  	_ =	swait.ge [sflag:s23], $0x2000  }
0xca: {  	s31 =	smov.u32 s15;
	s29 =	sadd.s32 $0x400, s29;
	[sflag:s23] =	ssyncset.done $0x0  }
.Ltmp8:
0xcb: {  	_ = 	snop;
	(pc) =	sbr.rel .LBB2_11-.Ltmp8, $1  }
0xcc: {  	_ =	sdelay $0x3  }
.LBB2_13:
0xcd: {  	_ =	sfence.sel $0x180000  }
0xce: {  	[bflag:$0x0] =	sbarrier.arrive $0xFFFF  }
0xcf: {  	_ =	strace $0x9000004A  }
0xd0: {  	[bflag:$0x2] =	sbarrier.arrive $0xFFFF  }
0xd1: {  	p0 =	sne.s32 s1, $0x0;
	s0 =	rddreg [dreg:$0x2]  }
0xd2: {  	s0 =	sadd.s32 @!p0 $0x100000, s0  }
0xd3: {  	[sflag:s0] =	ssyncadd.tile.s32 @!p0 $0x1;
	_ =	shalt  }
.Lfunc_end2:
_tile_overlayer_lowered:
.L_overlay_start_2:
0xd4: {  	(tag) =	ssettag $0x2  }
0xd5: {  	s0 =	rddreg [dreg:$0x0];
	s2 =	stileid.u32  }
0xd6: {  	s1 =	rddreg [dreg:$0x1];
	p0 =	sne.s32 s2, $0x0  }
0xd7: {  	s3 =	rddreg [dreg:$0x2];
	[bflag:$0x3] =	sbarrier.arrive $0xFFFF;
	s2 =	simm.s32 @!p0 $0x1C02  }
0xd8: {  	[timem:s3], [sflag:s2] =	dma.local @!p0 [hbm:s0], s1  }
0xd9: {  	s0 =	simm.s32 @!p0 $0x2  }
0xda: {  	_ =	swait.ge @!p0 [sflag:s0], s1  }
0xdb: {  	s1 =	ssub.s32 @!p0 $0x0, s1;
	[sflag:s0] =	ssyncset.done @!p0 $0x0  }
0xdc: {  	[sflag:s0] =	ssyncadd.s32 @!p0 s1  }
0xdd: {  	[bflag:$0x3] =	sbarrier.arrive $0xFFFF  }
0xde: {  	_ =	shalt  }

// kernel: kernel.13.cloned.1.call-start
scs
__scs_entry_jumppad:
0x0: {  	(pc) =	sbr.rel $0x88, $3  }
0x1: {  	(tag) =	ssettag $0x0;
	lr =	simm.s32 $0x1  }
0x2: {  	[smem:$0x3F98] =	sst lr;
	_ =	strace $0xD0000000  }
0x3: {  	_ = 	snop  }
0x4: {  	_ = 	snop  }
0x5: {  	_ = 	snop  }
0x6: {  	_ = 	snop  }
0x7: {  	_ = 	snop  }
__scs_overlays_trampoline_lowered:
0x8: {  	[smem:$0x3FA7] =	sst s0  }
0x9: {  	[smem:$0x3FA8] =	sst s1  }
0xa: {  	[smem:$0x3FA9] =	sst s2  }
0xb: {  	[smem:$0x3FAA] =	sst s3  }
0xc: {  	[smem:$0x3FAB] =	sst s4  }
0xd: {  	[smem:$0x3FAC] =	sst s5  }
0xe: {  	[smem:$0x3FAD] =	sst s6  }
0xf: {  	[smem:$0x3FAE] =	sst s7  }
0x10: {  	[smem:$0x3FAF] =	sst s8  }
0x11: {  	[smem:$0x3FB0] =	sst s9;
	s0 =	simm.s32 @!p0 $0x0  }
0x12: {  	s1 =	sld [smem:$0x3F96];
	s0 =	simm.s32 @p0 $0x1  }
0x13: {  	[smem:$0x3FB1] =	sst s0;
	s0 =	simm.s32 @!p1 $0x0  }
0x14: {  	s2 =	sld [smem:$0x3F95];
	s0 =	simm.s32 @p1 $0x1  }
0x15: {  	[smem:$0x3FB2] =	sst s0;
	s0 =	simm.s32 @!p2 $0x0  }
0x16: {  	s3 =	sld [smem:$0x3FDB];
	s0 =	simm.s32 @p2 $0x1  }
0x17: {  	s4 =	simm.s32 $0x1BF5;
	[smem:$0x3FB4] =	sst s0  }
0x18: {  	s0 =	sld [smem:$0x3F97];
	_ =	swait.ge [sflag:s4], $0x0  }
0x19: {  	s7 =	sld [smem:$0x3F98]  }
0x1a: {  	s8 =	sadd.s32 $0xFFFFE003, lr  }
0x1b: {  	s9 =	sadd.s32 $0xFFFFFEF7, lr;
	s5 =	simm.s32 $0xFFFFFFFF;
	p2 =	slt.u32 s8, $0xFFFFF086  }
0x1c: {  	p1 =	slt.u32 s9, $0xF7A;
	s5 =	simm.s32 @!p2 $0x0  }
0x1d: {  	s5 =	simm.s32 @p1 $0x1;
	p0 =	seq.s32 s7, s2  }
0x1e: {  	s7 =	smul.u32 @!p0 $0xF7A, s2;
	p2 =	seq.s32 @!p0 s5, $0x0  }
0x1f: {  	s9 =	smul.u32 $0xF7A, s1;
	s8 =	simm.s32 @!p0 $0x1BF5;
	p2 =	por !p2, p0  }
0x20: {  	[sflag:s8] =	ssyncset.s32 @!p0 $0xFFFFF086;
	s6 =	sadd.s32 @!p0 s3, s7;
	s7 =	simm.s32 @!p0 $0x108  }
0x21: {  	s3 =	sadd.s32 s3, s9;
	s6 =	sadd.s32 @!p0 $0x88, s6;
	s7 =	simm.s32 @p2 $0x1082  }
0x22: {  	[simem:s7], [sflag:s8] =	dma.local @!p0 [hbm:s6], $0xF7A  }
0x23: {  	s9 =	sor.u32 $0xD0000000, s2;
	s6 =	simm.s32 $0x108;
	_ =	swait.ge @!p0 [sflag:s8], $0x0  }
0x24: {  	s3 =	sadd.s32 $0x88, s3;
	s6 =	simm.s32 @!p1 $0x1082;
	[sflag:s4] =	ssyncset.s32 $0xFFFFF086  }
0x25: {  	[simem:s6], [sflag:s4] =	dma.local [hbm:s3], $0xF7A  }
0x26: {  	[smem:$0x3F98] =	sst s1;
	(tag) =	ssettag s2;
	_ =	strace s9  }
0x27: {  	s1 =	sld [smem:$0x3FA8]  }
0x28: {  	s2 =	sld [smem:$0x3FA9]  }
0x29: {  	s4 =	sld [smem:$0x3FAB]  }
0x2a: {  	p0 =	seq.s32 s5, $0x0;
	s5 =	sld [smem:$0x3FAC]  }
0x2b: {  	s6 =	sld [smem:$0x3FAD]  }
0x2c: {  	s7 =	sld [smem:$0x3FAE]  }
0x2d: {  	s3 =	simm.s32 $0x108;
	s8 =	sld [smem:$0x3FAF]  }
0x2e: {  	s3 =	simm.s32 @!p0 $0x1082;
	s9 =	sld [smem:$0x3FB0]  }
0x2f: {  	lr =	sadd.s32 s0, s3;
	s0 =	sld [smem:$0x3FA7]  }
0x30: {  	s3 =	sld [smem:$0x3FAA]  }
0x31: {  	[smem:$0x3FB3] =	sst s10  }
0x32: {  	s10 =	sld [smem:$0x3FB1];
	_ =	sdelay $0x3  }
0x33: {  	p0 =	seq.s32 s10, $0x1;
	s10 =	sld [smem:$0x3FB3];
	_ =	sdelay $0x3  }
0x34: {  	[smem:$0x3FB3] =	sst s10  }
0x35: {  	s10 =	sld [smem:$0x3FB2];
	_ =	sdelay $0x3  }
0x36: {  	p1 =	seq.s32 s10, $0x1;
	s10 =	sld [smem:$0x3FB3];
	_ =	sdelay $0x3  }
0x37: {  	[smem:$0x3FB3] =	sst s10  }
0x38: {  	s10 =	sld [smem:$0x3FB4]  }
0x39: {  	_ = 	snop;
	(pc) =	sbr.ind lr, $3  }
0x3a: {  	_ = 	snop  }
0x3b: {  	_ = 	snop  }
0x3c: {  	p2 =	seq.s32 s10, $0x1;
	s10 =	sld [smem:$0x3FB3]  }
0x3d: {  	_ =	shalt  }
0x3e: {  	_ =	shalt  }
0x3f: {  	_ =	shalt  }
0x40: {  	_ =	shalt  }
0x41: {  	_ =	shalt  }
0x42: {  	_ =	shalt  }
0x43: {  	_ =	shalt  }
0x44: {  	_ =	shalt  }
0x45: {  	_ =	shalt  }
0x46: {  	_ =	shalt  }
0x47: {  	_ =	shalt  }
0x48: {  	_ =	shalt  }
0x49: {  	_ =	shalt  }
0x4a: {  	_ =	shalt  }
0x4b: {  	_ =	shalt  }
0x4c: {  	_ =	shalt  }
0x4d: {  	_ =	shalt  }
0x4e: {  	_ =	shalt  }
0x4f: {  	_ =	shalt  }
0x50: {  	_ =	shalt  }
0x51: {  	_ =	shalt  }
0x52: {  	_ =	shalt  }
0x53: {  	_ =	shalt  }
0x54: {  	_ =	shalt  }
0x55: {  	_ =	shalt  }
0x56: {  	_ =	shalt  }
0x57: {  	_ =	shalt  }
0x58: {  	_ =	shalt  }
0x59: {  	_ =	shalt  }
0x5a: {  	_ =	shalt  }
0x5b: {  	_ =	shalt  }
0x5c: {  	_ =	shalt  }
0x5d: {  	_ =	shalt  }
0x5e: {  	_ =	shalt  }
0x5f: {  	_ =	shalt  }
0x60: {  	_ =	shalt  }
0x61: {  	_ =	shalt  }
0x62: {  	_ =	shalt  }
0x63: {  	_ =	shalt  }
0x64: {  	_ =	shalt  }
0x65: {  	_ =	shalt  }
0x66: {  	_ =	shalt  }
0x67: {  	_ =	shalt  }
0x68: {  	_ =	shalt  }
0x69: {  	_ =	shalt  }
0x6a: {  	_ =	shalt  }
0x6b: {  	_ =	shalt  }
0x6c: {  	_ =	shalt  }
0x6d: {  	_ =	shalt  }
0x6e: {  	_ =	shalt  }
0x6f: {  	_ =	shalt  }
0x70: {  	_ =	shalt  }
0x71: {  	_ =	shalt  }
0x72: {  	_ =	shalt  }
0x73: {  	_ =	shalt  }
0x74: {  	_ =	shalt  }
0x75: {  	_ =	shalt  }
0x76: {  	_ =	shalt  }
0x77: {  	_ =	shalt  }
0x78: {  	_ =	shalt  }
0x79: {  	_ =	shalt  }
0x7a: {  	_ =	shalt  }
0x7b: {  	_ =	shalt  }
0x7c: {  	_ =	shalt  }
0x7d: {  	_ =	shalt  }
0x7e: {  	_ =	shalt  }
0x7f: {  	_ =	shalt  }
0x80: {  	_ =	shalt  }
0x81: {  	_ =	shalt  }
0x82: {  	_ =	shalt  }
0x83: {  	_ =	shalt  }
0x84: {  	_ =	shalt  }
0x85: {  	_ =	shalt  }
0x86: {  	_ =	shalt  }
0x87: {  	_ =	shalt  }
.Lfunc_end0:
.L_simem_size_0:
called_computation.2_lowered:
.L_overlay_start_0:
0x88: {  	s2 =	sld [smem:$0x3FD9]  }
0x89: {  	s3 =	sld [smem:$0x3FFE];
	_ =	sdelay $0x1  }
0x8a: {  	s1 =	srdreg.scid  }
0x8b: {  	s0 =	sand.u32 $0x1, s1  }
0x8c: {  	s17 =	sshll.u32 s0, $0xA;
	s2 =	sadd.s32 s3, s2  }
0x8d: {  	s2 =	sadd.s32 s2, s17  }
0x8e: {  	[smem:$0x3FBF] =	sst s2  }
0x8f: {  	_ = 	snop  }
0x90: {  	s2 =	sld [smem:$0x3FD0];
	(tm) =	ssettm $0x1  }
0x91: {  	s18 =	sld [smem:$0x3FFB];
	_ =	sdelay $0x3  }
0x92: {  	_ =	strace s18  }
0x93: {  	s3 =	sld [smem:$0x3FFC];
	_ =	sdelay $0x3  }
0x94: {  	_ =	strace s3  }
0x95: {  	s3 =	sld [smem:$0x3FFD];
	_ =	sdelay $0x3  }
0x96: {  	_ =	strace s3  }
0x97: {  	_ =	strace $0x8FFFFFFF  }
0x98: {  	s19 =	sld [smem:$0x3FDB];
	_ =	sdelay $0x1  }
0x99: {  	s4 =	simm.s32 $_scs_section_size  }
0x9a: {  	s5 =	simm.s32 $_size__tile_overlayer_lowered;
	s6 =	simm.s32 $_tile_overlayer_lowered  }
0x9b: {  	s22 =	simm.s32 $0x1BFF;
	s21 =	sshll.u32 s6, $0x1;
	s3 =	sadd.s32 s4, s19  }
0x9c: {  	s7 =	simm.s32 $0x0;
	s20 =	sshll.u32 s5, $0x1;
	s5 =	sadd.s32 s21, s3  }
0x9d: {  	[timem:s7], [sflag:s22] =	dma.local [hbm:s5], s20  }
0x9e: {  	_ =	swait.ge [sflag:s22], s20  }
0x9f: {  	s4 =	ssub.s32 $0x0, s20;
	[sflag:s22] =	ssyncset.done $0x0  }
0xa0: {  	[sflag:s22] =	ssyncadd.s32 s4;
	_ =	sdelay $0x1  }
0xa1: {  	s23 =	simm.s32 $0x1B8B  }
0xa2: {  	_ =	swait.ge [sflag:s23], $0x1  }
0xa3: {  	[sflag:s23] =	ssyncset.done $0x0  }
0xa4: {  	s25 =	simm.s32 $0x1B8E;
	s24 =	sld [smem:$0x3FFE];
	[sflag:s23] =	ssyncadd.s32 $0xFFFFFFFF  }
0xa5: {  	s26 =	simm.s32 $execute0_lowered;
	[smem:$0x3FD2] =	sst s25  }
0xa6: {  	s5 =	sshll.u32 s26, $0x1;
	_ =	strace $0x80000046;
	[dreg:$0x1] =	wrdreg $0xFFFFFFFF  }
0xa7: {  	s28 =	simm.s32 $_size_execute0_lowered;
	s3 =	sadd.s32 s3, s5;
	[dreg:$0x0] =	wrdreg $0x0  }
0xa8: {  	s5 =	sshll.u32 s28, $0x1;
	[dreg:$0x2] =	wrdreg s3  }
0xa9: {  	[dreg:$0x3] =	wrdreg s5  }
0xaa: {  	[dreg:$0x4] =	wrdreg $0xC0  }
0xab: {  	_ =	task [dreg:s7], $0x5FFFF  }
0xac: {  	[dreg:$0x1] =	wrdreg $0xFFFFFFFF  }
0xad: {  	[dreg:$0x0] =	wrdreg $0x60  }
0xae: {  	[dreg:$0x2] =	wrdreg s24  }
0xaf: {  	[dreg:$0x3] =	wrdreg s2  }
0xb0: {  	[dreg:$0x4] =	wrdreg $0x42000  }
0xb1: {  	[dreg:$0x5] =	wrdreg $0x9  }
0xb2: {  	_ =	task.clear_ibuf [dreg:s7], $0x6FFFF;
	_ =	strace $0x90000046  }
0xb3: {  	s29 =	simm.s32 $0x9;
	_ =	strace $0x80000048  }
0xb4: {  	_ =	swait.ge [sflag:s29], $0x1  }
0xb5: {  	[sflag:s29] =	ssyncadd.s32 $0xFFFFFFFF  }
0xb6: {  	_ =	strace $0x90000048  }
0xb7: {  	_ =	sfence  }
0xb8: {  	s30 =	sld [smem:$0x0];
	_ =	sdelay $0x2  }
0xb9: {  	s31 =	sshll.u32 s1, $0xD;
	s1 =	sshrl.u32 s1, $0x2  }
0xba: {  	s3 =	sand.u32 $0x4000, s31;
	s1 =	sadd.s32 s1, s30  }
0xbb: {  	s0 =	sor.u32 s3, s0;
	s1 =	sshll.u32 s1, $0x11  }
0xbc: {  	s0 =	sor.u32 s1, s0  }
0xbd: {  	s0 =	sadd.s32 $0x8F2B, s0  }
0xbe: {  	[sflag:s0] =	ssyncadd.remote.s32 $0x1  }
0xbf: {  	_ =	sfence.sel $0xFFFF  }
0xc0: {  	[dreg:$0x0] =	wrdreg $0xFFFFFFFF;
	(pc) =	sbr.abs _section_cstart, $3  }
0xc1: {  	[dreg:$0x1] =	wrdreg $0xFFFFFFFF  }
0xc2: {  	_ =	task.clear_ibuf [dreg:s7], $0x2FFFF;
	_ =	strace $0x9FFFFFFF  }
0xc3: {  	(tm) =	ssettm $0x7FFFFFFF  }
tec
execute0_lowered:
.L_overlay_start_1:
0x0: {  	(tag) =	ssettag $0x1  }
0x1: {  	s0 =	rddreg [dreg:$0x0]  }
0x2: {  	s1 =	rddreg [dreg:$0x1]  }
0x3: {  	s3 =	rddreg [dreg:$0x2];
	s4 =	simm.s32 $0x0  }
0x4: {  	s2 =	stileid.u32;
	s7 =	srdreg.scid;
	s21 =	simm.s32 $0x2  }
0x5: {  	s22 =	simm.s32 $0x2200;
	s23 =	simm.s32 $0x1;
	s24 =	simm.s32 $0x2000  }
0x6: {  	s28 =	simm.s32 $0x40;
	s29 =	simm.s32 $0x2100;
	[smem:$0x7FF] =	sst s4  }
0x7: {  	s8 =	smul.u32 $0x41000, s2;
	s5 =	sadd.s32 $0x2D0E00, s0;
	s6 =	sadd.s32 $0xBC00, s0  }
0x8: {  	s26 =	sand.u32 $0x1, s7;
	s7 =	stileid.u32;
	s9 =	sadd.s32 $0x4200, s0  }
0x9: {  	s2 =	simm.s32 $0x0;
	_ =	strace $0x80000047;
	[dreg:$0x5] =	wrdreg s9  }
0xa: {  	[dreg:$0x4] =	wrdreg s26;
	s10 =	ssub.s32 $0x2, s26;
	s11 =	sshll.u32 s7, $0xD  }
0xb: {  	s18 =	sshll.u32 s7, $0x10;
	s26 =	simm.s32 $0x2080;
	s8 =	sshrl.u32 s8, $0x2  }
0xc: {  	s12 =	sshrl.u32 s10, $0x1;
	s0 =	sadd.s32 s11, s0;
	s19 =	sadd.s32 s18, s3  }
.Ltmp0:
0xd: {  	s9 =	sadd.s32 s8, s3;
	s30 =	ssub.s32 s10, s12;
	(pc) =	sbr.rel .LBB2_1-.Ltmp0, $4  }
0xe: {  	s18 =	sadd.s32 $0x850E00, s0;
	s25 =	sshrl.u32 s19, $0x3;
	s10 =	sadd.s32 $0x2000, s9  }
0xf: {  	s11 =	sadd.s32 $0x4000, s9;
	s12 =	sadd.s32 $0x6000, s9;
	s13 =	sadd.s32 $0x8000, s9  }
0x10: {  	s14 =	sadd.s32 $0xA000, s9;
	s15 =	sadd.s32 $0xC000, s9;
	s31 =	smax.u32 s30, $0x1  }
0x11: {  	v0 =	vimm.f32 $0.0e+00;
	v1 =	vlaneseq.u32;
	s16 =	sadd.s32 $0xE000, s9;
	s17 =	sadd.s32 $0x10000, s9;
	[dreg:$0x6] =	wrdreg s31  }
.LBB2_9:
0x12: {  	s2 =	rddreg [dreg:$0x7]  }
0x13: {  	s0 =	rddreg [dreg:$0x6];
	s2 =	sadd.s32 $0x1, s2  }
0x14: {  	p0 =	sne.s32 s2, s0  }
.Ltmp1:
0x15: {  	_ = 	snop;
	(pc) =	sbr.rel @!p0 .LBB2_10-.Ltmp1, $1  }
0x16: {  	_ =	sdelay $0x3  }
.LBB2_1:
0x17: {  	[dreg:$0x7] =	wrdreg s2;
	s0 =	simm.s32 $0x0;
	s8 =	simm.s32 $0x200  }
.LBB2_2:
0x18: {  	p0 =	sne.s32 s8, $0x7E00;
	[tilespmem:s0+$0x2270] =	vst v0  }
0x19: {  	[tilespmem:s0+$0x2200] =	vst v0  }
0x1a: {  	[tilespmem:s0+$0x2210] =	vst v0  }
.Ltmp2:
0x1b: {  	[tilespmem:s0+$0x2220] =	vst v0;
	(pc) =	sbr.rel @p0 .LBB2_2-.Ltmp2, $4  }
0x1c: {  	[tilespmem:s0+$0x2230] =	vst v0  }
0x1d: {  	[tilespmem:s0+$0x2240] =	vst v0  }
0x1e: {  	[tilespmem:s0+$0x2250] =	vst v0  }
0x1f: {  	[tilespmem:s0+$0x2260] =	vst v0;
	s0 =	sshra.s32 s8, $0x2;
	s8 =	sadd.s32 $0x200, s8  }
0x20: {  	[tilespmem:s0+$0x2270] =	vst v0  }
0x21: {  	[tilespmem:s0+$0x2200] =	vst v0  }
0x22: {  	[tilespmem:s0+$0x2210] =	vst v0  }
0x23: {  	[tilespmem:s0+$0x2220] =	vst v0  }
0x24: {  	[tilespmem:s0+$0x2230] =	vst v0  }
0x25: {  	[tilespmem:s0+$0x2240] =	vst v0  }
0x26: {  	[tilespmem:s0+$0x2250] =	vst v0;
	s31 =	simm.s32 $0x0  }
.Ltmp3:
0x27: {  	[tilespmem:s0+$0x2260] =	vst v0;
	s30 =	rddreg [dreg:$0x5];
	s2 =	simm.s32 $0x2180;
	(pc) =	sbr.rel .LBB2_4-.Ltmp3, $4  }
0x28: {  	[tilespmem:s2], [sflag:$0x2] =	stream.linear.gather [hbm4b:s30+s31], $0x80, $0x38;
	[tilespmem:$0x14600] =	vst v63  }
0x29: {  	_ =	swait.ge [sflag:s21], $0x80  }
0x2a: {  	[sflag:s21] =	ssyncset.done $0x0  }
0x2b: {  	[sflag:s21] =	ssyncadd.s32 $0xFFFFFF80  }
.LBB2_7:
0x2c: {  	v2 =	vsub.s32 v5, v4  }
0x2d: {  	v3 =	vsub.s32 v6, v4;
	v2 =	vnsel vm1, $0x2000, v2  }
0x2e: {  	v62 =	vsub.s32 v7, v4;
	v3 =	vnsel vm3, $0x2000, v3;
	[tilespmem:$0x2130] =	vst v2  }
0x2f: {  	v63 =	vnsel vm0, $0x2000, v62;
	v2 =	vsub.s32 v8, v4;
	[tilespmem:$0x2120] =	vst v3  }
0x30: {  	[tilespmem:$0x2110] =	vst v63;
	v2 =	vnsel vm2, $0x2000, v2  }
0x31: {  	[tilespmem:$0x2100] =	vst v2  }
0x32: {  	[spmem:s3] =	stream.indirect.scatter.add.f32 [tilespmem:s4], [sflag:$0x2], $0x80, s29, s28, $0xb8;
	[tilespmem:$0x14600] =	vst v63  }
0x33: {  	_ =	swait.ge [sflag:s21], $0x2000  }
0x34: {  	[sflag:s21] =	ssyncset.done $0x0  }
0x35: {  	s7 =	stileid.u32;
	[sflag:s21] =	ssyncadd.s32 $0xFFFFE000  }
.LBB2_8:
0x36: {  	s0 =	sshll.u32 s0, $0x11  }
0x37: {  	s2 =	sshll.u32 s7, $0x6;
	[bflag:$0x0] =	sbarrier.arrive $0xFFFF;
	s31 =	sadd.s32 $0x1, s31  }
0x38: {  	s0 =	sadd.s32 s0, s18;
	s2 =	sor.u32 $0x1C02, s2;
	p0 =	sne.s32 s31, $0xB  }
0x39: {  	[hbm:s0], [sflag:s2] =	dma.local [spmem:s25], $0x2000  }
.Ltmp4:
0x3a: {  	_ =	swait.ge [sflag:s21], $0x2000;
	(pc) =	sbr.rel @!p0 .LBB2_9-.Ltmp4, $3  }
0x3b: {  	[sflag:s21] =	ssyncset.done $0x0  }
0x3c: {  	[sflag:s21] =	ssyncadd.s32 $0xFFFFE000  }
0x3d: {  	[bflag:$0x0] =	sbarrier.arrive $0xFFFF;
	_ =	sdelay $0x1  }
.LBB2_4:
0x3e: {  	[spmem:s9] =	stream.linear.scatter [tilespmem:s22], [sflag:$0x2], $0x2000, $0x38;
	[tilespmem:$0x14600] =	vst v63  }
0x3f: {  	_ =	swait.ge [sflag:s21], $0x2000  }
0x40: {  	[sflag:s21] =	ssyncset.done $0x0  }
0x41: {  	[sflag:s21] =	ssyncadd.s32 $0xFFFFE000  }
0x42: {  	[spmem:s10] =	stream.linear.scatter [tilespmem:s22], [sflag:$0x2], $0x2000, $0x38;
	[tilespmem:$0x14600] =	vst v63  }
0x43: {  	_ =	swait.ge [sflag:s21], $0x2000  }
0x44: {  	[sflag:s21] =	ssyncset.done $0x0  }
0x45: {  	[sflag:s21] =	ssyncadd.s32 $0xFFFFE000  }
0x46: {  	[spmem:s11] =	stream.linear.scatter [tilespmem:s22], [sflag:$0x2], $0x2000, $0x38;
	[tilespmem:$0x14600] =	vst v63  }
0x47: {  	_ =	swait.ge [sflag:s21], $0x2000  }
0x48: {  	[sflag:s21] =	ssyncset.done $0x0  }
0x49: {  	[sflag:s21] =	ssyncadd.s32 $0xFFFFE000  }
0x4a: {  	[spmem:s12] =	stream.linear.scatter [tilespmem:s22], [sflag:$0x2], $0x2000, $0x38;
	[tilespmem:$0x14600] =	vst v63  }
0x4b: {  	_ =	swait.ge [sflag:s21], $0x2000  }
0x4c: {  	[sflag:s21] =	ssyncset.done $0x0  }
0x4d: {  	[sflag:s21] =	ssyncadd.s32 $0xFFFFE000  }
0x4e: {  	[spmem:s13] =	stream.linear.scatter [tilespmem:s22], [sflag:$0x2], $0x2000, $0x38;
	[tilespmem:$0x14600] =	vst v63  }
0x4f: {  	_ =	swait.ge [sflag:s21], $0x2000  }
0x50: {  	[sflag:s21] =	ssyncset.done $0x0  }
0x51: {  	[sflag:s21] =	ssyncadd.s32 $0xFFFFE000  }
0x52: {  	[spmem:s14] =	stream.linear.scatter [tilespmem:s22], [sflag:$0x2], $0x2000, $0x38;
	[tilespmem:$0x14600] =	vst v63  }
0x53: {  	_ =	swait.ge [sflag:s21], $0x2000  }
0x54: {  	[sflag:s21] =	ssyncset.done $0x0  }
0x55: {  	[sflag:s21] =	ssyncadd.s32 $0xFFFFE000  }
0x56: {  	[spmem:s15] =	stream.linear.scatter [tilespmem:s22], [sflag:$0x2], $0x2000, $0x38;
	[tilespmem:$0x14600] =	vst v63  }
0x57: {  	_ =	swait.ge [sflag:s21], $0x2000  }
0x58: {  	[sflag:s21] =	ssyncset.done $0x0  }
0x59: {  	[sflag:s21] =	ssyncadd.s32 $0xFFFFE000  }
0x5a: {  	[spmem:s16] =	stream.linear.scatter [tilespmem:s22], [sflag:$0x2], $0x2000, $0x38;
	[tilespmem:$0x14600] =	vst v63  }
0x5b: {  	_ =	swait.ge [sflag:s21], $0x2000  }
0x5c: {  	[sflag:s21] =	ssyncset.done $0x0  }
0x5d: {  	[sflag:s21] =	ssyncadd.s32 $0xFFFFE000  }
0x5e: {  	[spmem:s17] =	stream.linear.scatter [tilespmem:s22], [sflag:$0x2], $0x400, $0x38;
	[tilespmem:$0x14600] =	vst v63  }
0x5f: {  	_ =	swait.ge [sflag:s21], $0x400  }
0x60: {  	s8 =	sshll.u32 s31, $0x1;
	[sflag:s21] =	ssyncset.done $0x0;
	s0 =	rddreg [dreg:$0x4]  }
0x61: {  	s0 =	sor.u32 s0, s8;
	[sflag:s21] =	ssyncadd.s32 $0xFFFFFC00  }
0x62: {  	s8 =	sand.u32 $0x10, s8;
	[bflag:$0x0] =	sbarrier.arrive $0xFFFF;
	s19 =	sadd.s32 $0x1, s0  }
0x63: {  	v2 =	vld [tilespmem:s8+$0x2180];
	s20 =	sand.u32 $0x30, s19  }
0x64: {  	v3 =	vld [tilespmem:s20+$0x2180];
	_ =	sdelay $0x1  }
0x65: {  	s8 =	ssub.s32 s0, s8  }
0x66: {  	s19 =	sand.u32 $0xF, s19;
	v4 =	vmov s8  }
0x67: {  	v63 =	vmov s19;
	vm0 =	veq.s32 v4, v1;
	v2 =	vxor.u32 $0x80000000, v2  }
0x68: {  	vm15 =	veq.s32 v63, v1;
	v2 =	vnsel vm0, $0x80000000, v2;
	v3 =	vxor.u32 $0x80000000, v3  }
0x69: {  	(xrf0) =	vmax.scan.msk.u32 $0xffff, v2;
	v2 =	vnsel vm15, $0x80000000, v3  }
0x6a: {  	(xrf0) =	vmax.scan.msk.u32 $0xffff, v2;
	_ =	sdelay $0x4  }
0x6b: {  	v2, _, _ =	vpop (xrf0)  }
0x6c: {  	(v2sf) =	vpush v2, $0xF;
	v2, _, _ =	vpop (xrf0)  }
0x6d: {  	(v2sf) =	vpush v2, $0xF;
	_ =	sdelay $0xd  }
0x6e: {  	s20 =	spop (v2sf)  }
0x6f: {  	s2 =	spop (v2sf)  }
0x70: {  	s20 =	sxor.u32 $0x80000000, s20;
	s8 =	sxor.u32 $0x80000000, s2  }
0x71: {  	s19 =	ssub.s32 s8, s20  }
0x72: {  	s19 =	sadd.s32 $0xF, s19  }
0x73: {  	s30 =	sand.u32 $0xF, s19  }
0x74: {  	s2 =	sshra.s32 s19, $0x1F;
	p0 =	slt.s32 s19, $0x1;
	p1 =	sne.s32 s30, $0x0  }
0x75: {  	s2 =	sshrl.u32 s2, $0x1C;
	p0 =	por !p0, !p1  }
0x76: {  	s2 =	sadd.s32 s2, s19;
	s19 =	simm.s32 $0x1;
	p0 =	por !p0, !p0  }
0x77: {  	s2 =	sshra.s32 s2, $0x4;
	s19 =	simm.s32 @!p0 $0x0  }
0x78: {  	s2 =	ssub.s32 s2, s19  }
0x79: {  	s19 =	smul.u32 s7, s2;
	_ =	sdelay $0x1  }
0x7a: {  	s20 =	sadd.s32 s20, s19  }
0x7b: {  	s19 =	sand.u32 $0x7, s20  }
0x7c: {  	s30 =	sshra.s32 s20, $0x1F;
	p3 =	slt.s32 s20, $0x1;
	p4 =	sne.s32 s19, $0x0  }
0x7d: {  	s19 =	sshrl.u32 s30, $0x1D;
	p0 =	por !p3, !p4  }
0x7e: {  	s30 =	simm.s32 $0x1;
	s19 =	sadd.s32 s19, s20;
	p0 =	por !p0, !p0  }
0x7f: {  	s2 =	sadd.s32 s2, s20;
	s19 =	sshrl.u32 s19, $0x3;
	s30 =	simm.s32 @!p0 $0x0  }
0x80: {  	p0 =	slt.s32 s2, s8;
	s19 =	ssub.s32 s19, s30  }
0x81: {  	s8 =	smov.u32 @p0 s2;
	s19 =	sshll.u32 s19, $0x3  }
0x82: {  	s2 =	ssub.s32 s8, s19  }
0x83: {  	s2 =	sadd.s32 $0x3F, s2  }
0x84: {  	s30 =	sand.u32 $0x3F, s2  }
0x85: {  	p6 =	slt.s32 s2, $0x1;
	p5 =	sne.s32 s30, $0x0;
	s30 =	sshra.s32 s2, $0x1F  }
0x86: {  	s30 =	sshrl.u32 s30, $0x1A;
	p0 =	por !p6, !p5  }
0x87: {  	s2 =	sadd.s32 s30, s2;
	p0 =	por !p0, !p0;
	s30 =	simm.s32 $0x1  }
0x88: {  	s2 =	sshra.s32 s2, $0x6;
	s30 =	simm.s32 @!p0 $0x0  }
0x89: {  	s30 =	ssub.s32 s2, s30  }
0x8a: {  	p0 =	slt.s32 s30, $0x1  }
.Ltmp5:
0x8b: {  	_ = 	snop;
	(pc) =	sbr.rel @p0 .LBB2_8-.Ltmp5, $1  }
0x8c: {  	_ =	sdelay $0x3  }
0x8d: {  	s2 =	sshrl.u32 s19, $0x3  }
0x8e: {  	s7 =	sadd.s32 s1, s2  }
0x8f: {  	[tilespmem:s24], [sflag:$0x2] =	stream.linear.gather [hbm4b:s7+s4], $0x40, $0x38;
	[tilespmem:$0x14600] =	vst v63  }
0x90: {  	_ =	swait.ge [sflag:s21], $0x40  }
0x91: {  	[sflag:s21] =	ssyncset.done $0x0  }
0x92: {  	s2 =	sadd.s32 s6, s2;
	[sflag:s21] =	ssyncadd.s32 $0xFFFFFFC0  }
0x93: {  	[tilespmem:s26], [sflag:$0x2] =	stream.linear.gather [hbm4b:s2+s4], $0x40, $0x38;
	[tilespmem:$0x14600] =	vst v63  }
0x94: {  	_ =	swait.ge [sflag:s21], $0x40  }
0x95: {  	[sflag:s21] =	ssyncset.done $0x0  }
0x96: {  	[sflag:s21] =	ssyncadd.s32 $0xFFFFFFC0  }
0x97: {  	[tilespmem:s4], [sflag:$0x1] =	stream.indirect.gather [hbm4b:s5+s28], $0x80, s24, s28, $0xb8;
	[tilespmem:$0x14600] =	vst v63  }
0x98: {  	_ =	swait.ge [sflag:s23], $0x2000  }
0x99: {  	v2 =	vmov s20;
	s20 =	sadd.s32 $0x30, s19;
	v3 =	vmov s8;
	s8 =	sadd.s32 $0x20, s19;
	[sflag:s23] =	ssyncset.done $0x0  }
0x9a: {  	v7 =	vadd.s32 s19, v1;
	p0 =	sne.s32 s30, $0x1;
	v4 =	vadd.s32 s20, v1;
	v8 =	vadd.s32 s8, v1;
	s7 =	sadd.s32 $0x10, s19;
	[sflag:s23] =	ssyncadd.s32 $0xFFFFE000  }
.Ltmp6:
0x9b: {  	vm0 =	vge.s32 v4, v2;
	vm1 =	vlt.s32 v4, v3;
	v4 =	vadd.s32 s7, v1;
	v5 =	vld [tilespmem:$0x20B0];
	(pc) =	sbr.rel @!p0 .LBB2_7-.Ltmp6, $4  }
0x9c: {  	vm4 =	vge.s32 v7, v2;
	vm2 =	vge.s32 v4, v2;
	vm3 =	vlt.s32 v4, v3;
	v6 =	vld [tilespmem:$0x20A0]  }
0x9d: {  	vm1 =	vmand vm0, vm1;
	vm0 =	vmand vm2, vm3;
	vm2 =	vlt.s32 v7, v3;
	v7 =	vld [tilespmem:$0x2090]  }
0x9e: {  	s20 =	sshll.u32 s0, $0xD;
	vm5 =	vlt.s32 v8, v3;
	vm3 =	vge.s32 v8, v2;
	v8 =	vld [tilespmem:$0x2080]  }
0x9f: {  	s8 =	sadd.s32 $0x40, s19;
	v4 =	vmov s20;
	s20 =	sadd.s32 $0xFFFFFFFF, s30;
	vm2 =	vmand vm4, vm2;
	vm3 =	vmand vm3, vm5  }
.LBB2_6:
0xa0: {  	p0 =	sne.s32 s20, $0x1;
	s20 =	sadd.s32 $0xFFFFFFFF, s20  }
0xa1: {  	s2 =	sshrl.u32 s8, $0x3;
	v5 =	vsub.s32 v5, v4  }
0xa2: {  	v6 =	vsub.s32 v6, v4;
	v5 =	vnsel vm1, $0x2000, v5  }
0xa3: {  	v7 =	vsub.s32 v7, v4;
	v6 =	vnsel vm3, $0x2000, v6;
	[tilespmem:$0x2130] =	vst v5  }
0xa4: {  	v7 =	vnsel vm0, $0x2000, v7;
	v5 =	vsub.s32 v8, v4;
	[tilespmem:$0x2120] =	vst v6  }
0xa5: {  	v5 =	vnsel vm2, $0x2000, v5;
	[tilespmem:$0x2110] =	vst v7  }
0xa6: {  	[tilespmem:$0x2100] =	vst v5  }
0xa7: {  	[spmem:s3] =	stream.indirect.scatter.add.f32 [tilespmem:s4], [sflag:$0x2], $0x80, s29, s28, $0xb8;
	[tilespmem:$0x14600] =	vst v63  }
0xa8: {  	_ =	swait.ge [sflag:s21], $0x2000  }
0xa9: {  	[sflag:s21] =	ssyncset.done $0x0  }
0xaa: {  	s7 =	sadd.s32 s1, s2;
	[sflag:s21] =	ssyncadd.s32 $0xFFFFE000  }
0xab: {  	[tilespmem:s24], [sflag:$0x2] =	stream.linear.gather [hbm4b:s7+s4], $0x40, $0x38;
	[tilespmem:$0x14600] =	vst v63  }
0xac: {  	_ =	swait.ge [sflag:s21], $0x40  }
0xad: {  	[sflag:s21] =	ssyncset.done $0x0  }
0xae: {  	s2 =	sadd.s32 s6, s2;
	[sflag:s21] =	ssyncadd.s32 $0xFFFFFFC0  }
0xaf: {  	[tilespmem:s26], [sflag:$0x2] =	stream.linear.gather [hbm4b:s2+s4], $0x40, $0x38;
	[tilespmem:$0x14600] =	vst v63  }
0xb0: {  	_ =	swait.ge [sflag:s21], $0x40  }
0xb1: {  	[sflag:s21] =	ssyncset.done $0x0  }
0xb2: {  	s2 =	sadd.s32 $0x30, s8;
	[sflag:s21] =	ssyncadd.s32 $0xFFFFFFC0  }
0xb3: {  	v5 =	vadd.s32 s2, v1;
	[tilespmem:s4], [sflag:$0x1] =	stream.indirect.gather [hbm4b:s5+s28], $0x80, s24, s28, $0xb8;
	[tilespmem:$0x14600] =	vst v63  }
0xb4: {  	v6 =	vadd.s32 s8, v1;
	s7 =	sadd.s32 $0x20, s8;
	s2 =	sadd.s32 $0x10, s8;
	vm0 =	vge.s32 v5, v2;
	vm1 =	vlt.s32 v5, v3;
	_ =	swait.ge [sflag:s23], $0x2000  }
0xb5: {  	v7 =	vadd.s32 s7, v1;
	v5 =	vadd.s32 s2, v1;
	vm1 =	vmand vm0, vm1;
	[sflag:s23] =	ssyncset.done $0x0  }
.Ltmp7:
0xb6: {  	vm2 =	vge.s32 v6, v2;
	vm0 =	vge.s32 v5, v2;
	vm3 =	vlt.s32 v5, v3;
	[sflag:s23] =	ssyncadd.s32 $0xFFFFE000;
	(pc) =	sbr.rel @p0 .LBB2_6-.Ltmp7, $4  }
0xb7: {  	vm0 =	vmand vm0, vm3;
	vm3 =	vge.s32 v7, v2;
	v5 =	vld [tilespmem:$0x20B0]  }
0xb8: {  	vm4 =	vlt.s32 v6, v3;
	vm5 =	vlt.s32 v7, v3;
	v6 =	vld [tilespmem:$0x20A0]  }
0xb9: {  	vm2 =	vmand vm2, vm4;
	vm3 =	vmand vm3, vm5;
	v7 =	vld [tilespmem:$0x2090]  }
0xba: {  	s8 =	sadd.s32 $0x40, s8;
	v8 =	vld [tilespmem:$0x2080]  }
.Ltmp8:
0xbb: {  	_ = 	snop;
	(pc) =	sbr.rel .LBB2_7-.Ltmp8, $1  }
0xbc: {  	_ =	sdelay $0x3  }
.LBB2_10:
0xbd: {  	_ =	sfence.sel $0x180000  }
0xbe: {  	[bflag:$0x0] =	sbarrier.arrive $0xFFFF  }
0xbf: {  	_ =	strace $0x90000047  }
0xc0: {  	[bflag:$0x2] =	sbarrier.arrive $0xFFFF  }
0xc1: {  	p0 =	sne.s32 s7, $0x0;
	s0 =	rddreg [dreg:$0x3]  }
0xc2: {  	s0 =	sadd.s32 @!p0 $0x100000, s0  }
0xc3: {  	[sflag:s0] =	ssyncadd.tile.s32 @!p0 $0x1;
	_ =	shalt  }
.Lfunc_end2:
_tile_overlayer_lowered:
.L_overlay_start_2:
0xc4: {  	(tag) =	ssettag $0x2  }
0xc5: {  	s0 =	rddreg [dreg:$0x0];
	s2 =	stileid.u32  }
0xc6: {  	s1 =	rddreg [dreg:$0x1];
	p0 =	sne.s32 s2, $0x0  }
0xc7: {  	s3 =	rddreg [dreg:$0x2];
	[bflag:$0x3] =	sbarrier.arrive $0xFFFF;
	s2 =	simm.s32 @!p0 $0x1C02  }
0xc8: {  	[timem:s3], [sflag:s2] =	dma.local @!p0 [hbm:s0], s1  }
0xc9: {  	s0 =	simm.s32 @!p0 $0x2  }
0xca: {  	_ =	swait.ge @!p0 [sflag:s0], s1  }
0xcb: {  	s1 =	ssub.s32 @!p0 $0x0, s1;
	[sflag:s0] =	ssyncset.done @!p0 $0x0  }
0xcc: {  	[sflag:s0] =	ssyncadd.s32 @!p0 s1  }
0xcd: {  	[bflag:$0x3] =	sbarrier.arrive $0xFFFF  }
0xce: {  	_ =	shalt  }

// kernel: kernel.16.cloned.1.call-start
scs
__scs_entry_jumppad:
0x0: {  	(pc) =	sbr.rel $0x88, $3  }
0x1: {  	(tag) =	ssettag $0x0;
	lr =	simm.s32 $0x1  }
0x2: {  	[smem:$0x3F98] =	sst lr;
	_ =	strace $0xD0000000  }
0x3: {  	_ = 	snop  }
0x4: {  	_ = 	snop  }
0x5: {  	_ = 	snop  }
0x6: {  	_ = 	snop  }
0x7: {  	_ = 	snop  }
__scs_overlays_trampoline_lowered:
0x8: {  	[smem:$0x3FA7] =	sst s0  }
0x9: {  	[smem:$0x3FA8] =	sst s1  }
0xa: {  	[smem:$0x3FA9] =	sst s2  }
0xb: {  	[smem:$0x3FAA] =	sst s3  }
0xc: {  	[smem:$0x3FAB] =	sst s4  }
0xd: {  	[smem:$0x3FAC] =	sst s5  }
0xe: {  	[smem:$0x3FAD] =	sst s6  }
0xf: {  	[smem:$0x3FAE] =	sst s7  }
0x10: {  	[smem:$0x3FAF] =	sst s8  }
0x11: {  	[smem:$0x3FB0] =	sst s9;
	s0 =	simm.s32 @!p0 $0x0  }
0x12: {  	s1 =	sld [smem:$0x3F96];
	s0 =	simm.s32 @p0 $0x1  }
0x13: {  	[smem:$0x3FB1] =	sst s0;
	s0 =	simm.s32 @!p1 $0x0  }
0x14: {  	s2 =	sld [smem:$0x3F95];
	s0 =	simm.s32 @p1 $0x1  }
0x15: {  	[smem:$0x3FB2] =	sst s0;
	s0 =	simm.s32 @!p2 $0x0  }
0x16: {  	s3 =	sld [smem:$0x3FDB];
	s0 =	simm.s32 @p2 $0x1  }
0x17: {  	s4 =	simm.s32 $0x1BF5;
	[smem:$0x3FB4] =	sst s0  }
0x18: {  	s0 =	sld [smem:$0x3F97];
	_ =	swait.ge [sflag:s4], $0x0  }
0x19: {  	s7 =	sld [smem:$0x3F98]  }
0x1a: {  	s8 =	sadd.s32 $0xFFFFE003, lr  }
0x1b: {  	s9 =	sadd.s32 $0xFFFFFEF7, lr;
	s5 =	simm.s32 $0xFFFFFFFF;
	p2 =	slt.u32 s8, $0xFFFFF086  }
0x1c: {  	p1 =	slt.u32 s9, $0xF7A;
	s5 =	simm.s32 @!p2 $0x0  }
0x1d: {  	s5 =	simm.s32 @p1 $0x1;
	p0 =	seq.s32 s7, s2  }
0x1e: {  	s7 =	smul.u32 @!p0 $0xF7A, s2;
	p2 =	seq.s32 @!p0 s5, $0x0  }
0x1f: {  	s9 =	smul.u32 $0xF7A, s1;
	s8 =	simm.s32 @!p0 $0x1BF5;
	p2 =	por !p2, p0  }
0x20: {  	[sflag:s8] =	ssyncset.s32 @!p0 $0xFFFFF086;
	s6 =	sadd.s32 @!p0 s3, s7;
	s7 =	simm.s32 @!p0 $0x108  }
0x21: {  	s3 =	sadd.s32 s3, s9;
	s6 =	sadd.s32 @!p0 $0x88, s6;
	s7 =	simm.s32 @p2 $0x1082  }
0x22: {  	[simem:s7], [sflag:s8] =	dma.local @!p0 [hbm:s6], $0xF7A  }
0x23: {  	s9 =	sor.u32 $0xD0000000, s2;
	s6 =	simm.s32 $0x108;
	_ =	swait.ge @!p0 [sflag:s8], $0x0  }
0x24: {  	s3 =	sadd.s32 $0x88, s3;
	s6 =	simm.s32 @!p1 $0x1082;
	[sflag:s4] =	ssyncset.s32 $0xFFFFF086  }
0x25: {  	[simem:s6], [sflag:s4] =	dma.local [hbm:s3], $0xF7A  }
0x26: {  	[smem:$0x3F98] =	sst s1;
	(tag) =	ssettag s2;
	_ =	strace s9  }
0x27: {  	s1 =	sld [smem:$0x3FA8]  }
0x28: {  	s2 =	sld [smem:$0x3FA9]  }
0x29: {  	s4 =	sld [smem:$0x3FAB]  }
0x2a: {  	p0 =	seq.s32 s5, $0x0;
	s5 =	sld [smem:$0x3FAC]  }
0x2b: {  	s6 =	sld [smem:$0x3FAD]  }
0x2c: {  	s7 =	sld [smem:$0x3FAE]  }
0x2d: {  	s3 =	simm.s32 $0x108;
	s8 =	sld [smem:$0x3FAF]  }
0x2e: {  	s3 =	simm.s32 @!p0 $0x1082;
	s9 =	sld [smem:$0x3FB0]  }
0x2f: {  	lr =	sadd.s32 s0, s3;
	s0 =	sld [smem:$0x3FA7]  }
0x30: {  	s3 =	sld [smem:$0x3FAA]  }
0x31: {  	[smem:$0x3FB3] =	sst s10  }
0x32: {  	s10 =	sld [smem:$0x3FB1];
	_ =	sdelay $0x3  }
0x33: {  	p0 =	seq.s32 s10, $0x1;
	s10 =	sld [smem:$0x3FB3];
	_ =	sdelay $0x3  }
0x34: {  	[smem:$0x3FB3] =	sst s10  }
0x35: {  	s10 =	sld [smem:$0x3FB2];
	_ =	sdelay $0x3  }
0x36: {  	p1 =	seq.s32 s10, $0x1;
	s10 =	sld [smem:$0x3FB3];
	_ =	sdelay $0x3  }
0x37: {  	[smem:$0x3FB3] =	sst s10  }
0x38: {  	s10 =	sld [smem:$0x3FB4]  }
0x39: {  	_ = 	snop;
	(pc) =	sbr.ind lr, $3  }
0x3a: {  	_ = 	snop  }
0x3b: {  	_ = 	snop  }
0x3c: {  	p2 =	seq.s32 s10, $0x1;
	s10 =	sld [smem:$0x3FB3]  }
0x3d: {  	_ =	shalt  }
0x3e: {  	_ =	shalt  }
0x3f: {  	_ =	shalt  }
0x40: {  	_ =	shalt  }
0x41: {  	_ =	shalt  }
0x42: {  	_ =	shalt  }
0x43: {  	_ =	shalt  }
0x44: {  	_ =	shalt  }
0x45: {  	_ =	shalt  }
0x46: {  	_ =	shalt  }
0x47: {  	_ =	shalt  }
0x48: {  	_ =	shalt  }
0x49: {  	_ =	shalt  }
0x4a: {  	_ =	shalt  }
0x4b: {  	_ =	shalt  }
0x4c: {  	_ =	shalt  }
0x4d: {  	_ =	shalt  }
0x4e: {  	_ =	shalt  }
0x4f: {  	_ =	shalt  }
0x50: {  	_ =	shalt  }
0x51: {  	_ =	shalt  }
0x52: {  	_ =	shalt  }
0x53: {  	_ =	shalt  }
0x54: {  	_ =	shalt  }
0x55: {  	_ =	shalt  }
0x56: {  	_ =	shalt  }
0x57: {  	_ =	shalt  }
0x58: {  	_ =	shalt  }
0x59: {  	_ =	shalt  }
0x5a: {  	_ =	shalt  }
0x5b: {  	_ =	shalt  }
0x5c: {  	_ =	shalt  }
0x5d: {  	_ =	shalt  }
0x5e: {  	_ =	shalt  }
0x5f: {  	_ =	shalt  }
0x60: {  	_ =	shalt  }
0x61: {  	_ =	shalt  }
0x62: {  	_ =	shalt  }
0x63: {  	_ =	shalt  }
0x64: {  	_ =	shalt  }
0x65: {  	_ =	shalt  }
0x66: {  	_ =	shalt  }
0x67: {  	_ =	shalt  }
0x68: {  	_ =	shalt  }
0x69: {  	_ =	shalt  }
0x6a: {  	_ =	shalt  }
0x6b: {  	_ =	shalt  }
0x6c: {  	_ =	shalt  }
0x6d: {  	_ =	shalt  }
0x6e: {  	_ =	shalt  }
0x6f: {  	_ =	shalt  }
0x70: {  	_ =	shalt  }
0x71: {  	_ =	shalt  }
0x72: {  	_ =	shalt  }
0x73: {  	_ =	shalt  }
0x74: {  	_ =	shalt  }
0x75: {  	_ =	shalt  }
0x76: {  	_ =	shalt  }
0x77: {  	_ =	shalt  }
0x78: {  	_ =	shalt  }
0x79: {  	_ =	shalt  }
0x7a: {  	_ =	shalt  }
0x7b: {  	_ =	shalt  }
0x7c: {  	_ =	shalt  }
0x7d: {  	_ =	shalt  }
0x7e: {  	_ =	shalt  }
0x7f: {  	_ =	shalt  }
0x80: {  	_ =	shalt  }
0x81: {  	_ =	shalt  }
0x82: {  	_ =	shalt  }
0x83: {  	_ =	shalt  }
0x84: {  	_ =	shalt  }
0x85: {  	_ =	shalt  }
0x86: {  	_ =	shalt  }
0x87: {  	_ =	shalt  }
.Lfunc_end0:
.L_simem_size_0:
called_computation.3_lowered:
.L_overlay_start_0:
0x88: {  	s2 =	sld [smem:$0x3FD9]  }
0x89: {  	s3 =	sld [smem:$0x3FFE];
	_ =	sdelay $0x1  }
0x8a: {  	s1 =	srdreg.scid  }
0x8b: {  	s0 =	sand.u32 $0x1, s1  }
0x8c: {  	s17 =	sshll.u32 s0, $0xA;
	s2 =	sadd.s32 s3, s2  }
0x8d: {  	s2 =	sadd.s32 s2, s17  }
0x8e: {  	[smem:$0x3FBF] =	sst s2  }
0x8f: {  	_ = 	snop  }
0x90: {  	s18 =	sld [smem:$0x3FD0];
	(tm) =	ssettm $0x1  }
0x91: {  	s19 =	sld [smem:$0x3FFB];
	_ =	sdelay $0x3  }
0x92: {  	_ =	strace s19  }
0x93: {  	s2 =	sld [smem:$0x3FFC];
	_ =	sdelay $0x3  }
0x94: {  	_ =	strace s2  }
0x95: {  	s2 =	sld [smem:$0x3FFD];
	_ =	sdelay $0x3  }
0x96: {  	_ =	strace s2  }
0x97: {  	_ =	strace $0x8FFFFFFF  }
0x98: {  	s20 =	sld [smem:$0x3FDB];
	_ =	sdelay $0x1  }
0x99: {  	s4 =	simm.s32 $_scs_section_size  }
0x9a: {  	s5 =	simm.s32 $_size__tile_overlayer_lowered;
	s6 =	simm.s32 $_tile_overlayer_lowered  }
0x9b: {  	s7 =	simm.s32 $0x1BFF;
	s21 =	sshll.u32 s6, $0x1;
	s4 =	sadd.s32 s4, s20  }
0x9c: {  	s22 =	simm.s32 $0x0;
	s5 =	sshll.u32 s5, $0x1;
	s6 =	sadd.s32 s21, s4  }
0x9d: {  	[timem:s22], [sflag:s7] =	dma.local [hbm:s6], s5  }
0x9e: {  	_ =	swait.ge [sflag:s7], s5  }
0x9f: {  	s5 =	ssub.s32 $0x0, s5;
	[sflag:s7] =	ssyncset.done $0x0  }
0xa0: {  	[sflag:s7] =	ssyncadd.s32 s5;
	_ =	sdelay $0x1  }
0xa1: {  	s23 =	simm.s32 $0x1B8B  }
0xa2: {  	_ =	swait.ge [sflag:s23], $0x1  }
0xa3: {  	[sflag:s23] =	ssyncset.done $0x0  }
0xa4: {  	[sflag:s23] =	ssyncadd.s32 $0xFFFFFFFF  }
0xa5: {  	s5 =	sld [smem:$0x0]  }
0xa6: {  	s6 =	sand.u32 $0xFFFFFFFE, s1  }
0xa7: {  	p0 =	sne.s32 s1, s6  }
0xa8: {  	s6 =	sshll.u32 @p0 s6, $0xE  }
0xa9: {  	s6 =	sadd.s32 @p0 $0x11B8D, s6;
	s7 =	sshll.u32 @p0 s5, $0x11  }
0xaa: {  	s6 =	sor.u32 @p0 s7, s6  }
0xab: {  	[sflag:s6] =	ssyncadd.remote.s32 @p0 $0x1;
	_ =	sdelay $0x1  }
0xac: {  	s6 =	simm.s32 @p0 $0x1B8D  }
0xad: {  	_ =	swait.eq @p0 [sflag:s6], $0x1  }
0xae: {  	[sflag:s6] =	ssyncadd.s32 @p0 $0xFFFFFFFF  }
0xaf: {  	s7 =	sshll.u32 @!p0 s1, $0xE  }
0xb0: {  	s7 =	sor.u32 @!p0 $0x4000, s7;
	s6 =	simm.s32 @!p0 $0x1B8D  }
0xb1: {  	s5 =	sshll.u32 @!p0 s5, $0x11;
	s7 =	sadd.s32 @!p0 $0x11B8D, s7;
	_ =	swait.eq @!p0 [sflag:s6], $0x1  }
0xb2: {  	s5 =	sor.u32 @!p0 s5, s7;
	[sflag:s6] =	ssyncadd.s32 @!p0 $0xFFFFFFFF  }
0xb3: {  	s25 =	simm.s32 $0x1B8E;
	s24 =	sld [smem:$0x3FFE];
	[sflag:s5] =	ssyncadd.remote.s32 @!p0 $0x1  }
0xb4: {  	s26 =	simm.s32 $execute0_lowered;
	[smem:$0x3FD2] =	sst s25  }
0xb5: {  	s6 =	sshll.u32 s26, $0x1;
	_ =	strace $0x8000004C;
	[dreg:$0x1] =	wrdreg $0xFFFFFFFF  }
0xb6: {  	s28 =	simm.s32 $_size_execute0_lowered;
	s4 =	sadd.s32 s4, s6;
	[dreg:$0x0] =	wrdreg $0x0  }
0xb7: {  	s6 =	sshll.u32 s28, $0x1;
	[dreg:$0x2] =	wrdreg s4  }
0xb8: {  	[dreg:$0x3] =	wrdreg s6  }
0xb9: {  	[dreg:$0x4] =	wrdreg $0xC0  }
0xba: {  	_ =	task [dreg:s22], $0x5FFFF  }
0xbb: {  	[dreg:$0x1] =	wrdreg $0xFFFFFFFF  }
0xbc: {  	[dreg:$0x0] =	wrdreg $0x60  }
0xbd: {  	[dreg:$0x2] =	wrdreg s24  }
0xbe: {  	[dreg:$0x3] =	wrdreg s18  }
0xbf: {  	[dreg:$0x4] =	wrdreg $0x20800  }
0xc0: {  	[dreg:$0x5] =	wrdreg $0xA  }
0xc1: {  	_ =	task.clear_ibuf [dreg:s22], $0x6FFFF;
	_ =	strace $0x9000004C  }
0xc2: {  	s29 =	simm.s32 $0xA;
	_ =	strace $0x8000004E  }
0xc3: {  	_ =	swait.ge [sflag:s29], $0x1  }
0xc4: {  	[sflag:s29] =	ssyncadd.s32 $0xFFFFFFFF  }
0xc5: {  	_ =	strace $0x9000004E  }
0xc6: {  	_ =	sfence  }
0xc7: {  	s30 =	sld [smem:$0x0];
	_ =	sdelay $0x2  }
0xc8: {  	s31 =	sshll.u32 s1, $0xD;
	s1 =	sshrl.u32 s1, $0x2  }
0xc9: {  	s4 =	sand.u32 $0x4000, s31;
	s1 =	sadd.s32 s1, s30  }
0xca: {  	s0 =	sor.u32 s4, s0;
	s1 =	sshll.u32 s1, $0x11  }
0xcb: {  	s0 =	sor.u32 s1, s0  }
0xcc: {  	s0 =	sadd.s32 $0x8F2B, s0  }
0xcd: {  	[sflag:s0] =	ssyncadd.remote.s32 $0x1  }
0xce: {  	_ =	sfence.sel $0xFFFF  }
0xcf: {  	[dreg:$0x0] =	wrdreg $0xFFFFFFFF;
	(pc) =	sbr.abs _section_cstart, $3  }
0xd0: {  	[dreg:$0x1] =	wrdreg $0xFFFFFFFF  }
0xd1: {  	_ =	task.clear_ibuf [dreg:s22], $0x2FFFF;
	_ =	strace $0x9FFFFFFF  }
0xd2: {  	(tm) =	ssettm $0x7FFFFFFF  }
0xd3: {  	_ =	shalt  }
tec
execute0_lowered:
.L_overlay_start_1:
0x0: {  	(tag) =	ssettag $0x1  }
0x1: {  	s0 =	srdreg.scid  }
0x2: {  	s24 =	sand.u32 $0x1, s0  }
0x3: {  	s0 =	stileid.u32;
	s4 =	smul.u32 $0x16000, s24  }
0x4: {  	s5 =	smul.u32 $0x1600, s0  }
0x5: {  	s6 =	rddreg [dreg:$0x0];
	s7 =	smul.u32 $0x50000, s0  }
0x6: {  	s15 =	rddreg [dreg:$0x1];
	s31 =	smul.u32 $0x50, s0  }
0x7: {  	s2 =	rddreg [dreg:$0x2];
	s8 =	smul.u32 $0x2800, s0  }
0x8: {  	s1 =	rddreg [dreg:$0x3];
	s14 =	smul.u32 $0x140000, s24  }
0x9: {  	s3 =	simm.s32 $0x0;
	s23 =	simm.s32 $0x40;
	s17 =	smul.u32 $0x14000, s0  }
0xa: {  	s25 =	simm.s32 $0x0;
	[smem:$0x7FF] =	sst s3;
	s21 =	smul.u32 $0x160000, s24  }
0xb: {  	_ =	strace $0x8000004D;
	s9 =	ssub.s32 $0x2, s24;
	s22 =	smul.u32 $0x16000, s0  }
0xc: {  	p0 =	sne.s32 s24, $0x0;
	s24 =	simm.s32 $0x1;
	s10 =	sshrl.u32 s9, $0x1  }
0xd: {  	s4 =	sadd.s32 s5, s4;
	s7 =	sshrl.u32 s7, $0x2;
	s20 =	sadd.s32 s31, s6  }
0xe: {  	s19 =	sadd.s32 s8, s6;
	s16 =	ssub.s32 s9, s10;
	s17 =	sadd.s32 s17, s14  }
0xf: {  	s5 =	sshrl.u32 s4, $0x3;
	s4 =	sadd.s32 $0x850E00, s6;
	s17 =	sshrl.u32 s17, $0x3  }
0x10: {  	s16 =	smax.u32 s16, $0x1;
	s19 =	sadd.s32 $0x348E00, s19;
	s20 =	sadd.s32 $0xBC00, s20  }
0x11: {  	s18 =	sadd.s32 s5, s6;
	s5 =	sadd.s32 s7, s2;
	s21 =	sadd.s32 s21, s4  }
.Ltmp0:
0x12: {  	s15 =	sadd.s32 s15, s17;
	s6 =	sadd.s32 $0x2000, s5;
	(pc) =	sbr.rel .LBB2_1-.Ltmp0, $4  }
0x13: {  	s7 =	sadd.s32 $0x4000, s5;
	s8 =	sadd.s32 $0x6000, s5;
	s9 =	sadd.s32 $0x8000, s5  }
0x14: {  	s10 =	sadd.s32 $0xA000, s5;
	s11 =	sadd.s32 $0xC000, s5;
	s12 =	sadd.s32 $0xE000, s5  }
0x15: {  	s13 =	sadd.s32 $0x10000, s5;
	s14 =	sadd.s32 $0x12000, s5;
	s17 =	sadd.s32 s22, s21  }
0x16: {  	v0 =	vimm.f32 $0.0e+00;
	s18 =	sadd.s32 $0xB11000, s18;
	s21 =	simm.s32 $0x2;
	s22 =	simm.s32 $0x2000  }
.LBB2_8:
0x17: {  	s28 =	sadd.s32 s28, s20;
	[sflag:s21] =	ssyncadd.s32 $0xFFFFE000  }
0x18: {  	[tilespmem:s22], [sflag:$0x2] =	stream.linear.gather [hbm4b:s28+s3], $0x40, $0x38;
	[tilespmem:$0x16080] =	vst v63  }
0x19: {  	_ =	swait.ge [sflag:s21], $0x40  }
0x1a: {  	[sflag:s21] =	ssyncset.done $0x0  }
0x1b: {  	[sflag:s21] =	ssyncadd.s32 $0xFFFFFFC0  }
0x1c: {  	[tilespmem:s3], [sflag:$0x1] =	stream.indirect.gather [hbm4b:s4+s23], $0x80, s22, s23, $0xb8;
	[tilespmem:$0x16080] =	vst v63  }
0x1d: {  	_ =	swait.ge [sflag:s24], $0x2000  }
0x1e: {  	[sflag:s24] =	ssyncset.done $0x0  }
0x1f: {  	[sflag:s24] =	ssyncadd.s32 $0xFFFFE000  }
0x20: {  	[hbm4b:s26+s3] =	stream.linear.scatter [tilespmem:s3], [sflag:$0x2], $0x2000, $0x38;
	[tilespmem:$0x16080] =	vst v63  }
0x21: {  	_ =	swait.ge [sflag:s21], $0x2000  }
0x22: {  	[sflag:s21] =	ssyncset.done $0x0  }
0x23: {  	[sflag:s21] =	ssyncadd.s32 $0xFFFFE000  }
.LBB2_9:
0x24: {  	s25 =	sadd.s32 $0x1, s25  }
0x25: {  	p1 =	sne.s32 s25, s16  }
.Ltmp1:
0x26: {  	_ = 	snop;
	(pc) =	sbr.rel @!p1 .LBB2_10-.Ltmp1, $1  }
0x27: {  	_ =	sdelay $0x3  }
.LBB2_1:
0x28: {  	s26 =	simm.s32 $0x0;
	s28 =	simm.s32 $0x200  }
.LBB2_2:
0x29: {  	p1 =	sne.s32 s28, $0x7E00;
	[tilespmem:s26+$0x70] =	vst v0  }
0x2a: {  	[tilespmem:s26+$0x0] =	vst v0  }
0x2b: {  	[tilespmem:s26+$0x10] =	vst v0  }
.Ltmp2:
0x2c: {  	[tilespmem:s26+$0x20] =	vst v0;
	(pc) =	sbr.rel @p1 .LBB2_2-.Ltmp2, $4  }
0x2d: {  	[tilespmem:s26+$0x30] =	vst v0  }
0x2e: {  	[tilespmem:s26+$0x40] =	vst v0  }
0x2f: {  	[tilespmem:s26+$0x50] =	vst v0  }
0x30: {  	[tilespmem:s26+$0x60] =	vst v0;
	s26 =	sshra.s32 s28, $0x2;
	s28 =	sadd.s32 $0x200, s28  }
0x31: {  	[tilespmem:s26+$0x70] =	vst v0  }
0x32: {  	[tilespmem:s26+$0x0] =	vst v0  }
0x33: {  	[tilespmem:s26+$0x10] =	vst v0  }
0x34: {  	[tilespmem:s26+$0x20] =	vst v0  }
0x35: {  	[tilespmem:s26+$0x30] =	vst v0  }
0x36: {  	[tilespmem:s26+$0x40] =	vst v0  }
0x37: {  	[tilespmem:s26+$0x50] =	vst v0  }
0x38: {  	[tilespmem:s26+$0x60] =	vst v0;
	s30 =	simm.s32 $0x0  }
0x39: {  	[spmem:s5] =	stream.linear.scatter [tilespmem:s30], [sflag:$0x2], $0x2000, $0x38;
	[tilespmem:$0x16080] =	vst v63  }
0x3a: {  	_ =	swait.ge [sflag:s21], $0x2000  }
0x3b: {  	[sflag:s21] =	ssyncset.done $0x0  }
0x3c: {  	[sflag:s21] =	ssyncadd.s32 $0xFFFFE000  }
0x3d: {  	[spmem:s6] =	stream.linear.scatter [tilespmem:s30], [sflag:$0x2], $0x2000, $0x38;
	[tilespmem:$0x16080] =	vst v63  }
0x3e: {  	_ =	swait.ge [sflag:s21], $0x2000  }
0x3f: {  	[sflag:s21] =	ssyncset.done $0x0  }
0x40: {  	[sflag:s21] =	ssyncadd.s32 $0xFFFFE000  }
0x41: {  	[spmem:s7] =	stream.linear.scatter [tilespmem:s30], [sflag:$0x2], $0x2000, $0x38;
	[tilespmem:$0x16080] =	vst v63  }
0x42: {  	_ =	swait.ge [sflag:s21], $0x2000  }
0x43: {  	[sflag:s21] =	ssyncset.done $0x0  }
0x44: {  	[sflag:s21] =	ssyncadd.s32 $0xFFFFE000  }
0x45: {  	[spmem:s8] =	stream.linear.scatter [tilespmem:s30], [sflag:$0x2], $0x2000, $0x38;
	[tilespmem:$0x16080] =	vst v63  }
0x46: {  	_ =	swait.ge [sflag:s21], $0x2000  }
0x47: {  	[sflag:s21] =	ssyncset.done $0x0  }
0x48: {  	[sflag:s21] =	ssyncadd.s32 $0xFFFFE000  }
0x49: {  	[spmem:s9] =	stream.linear.scatter [tilespmem:s30], [sflag:$0x2], $0x2000, $0x38;
	[tilespmem:$0x16080] =	vst v63  }
0x4a: {  	_ =	swait.ge [sflag:s21], $0x2000  }
0x4b: {  	[sflag:s21] =	ssyncset.done $0x0  }
0x4c: {  	[sflag:s21] =	ssyncadd.s32 $0xFFFFE000  }
0x4d: {  	[spmem:s10] =	stream.linear.scatter [tilespmem:s30], [sflag:$0x2], $0x2000, $0x38;
	[tilespmem:$0x16080] =	vst v63  }
0x4e: {  	_ =	swait.ge [sflag:s21], $0x2000  }
0x4f: {  	[sflag:s21] =	ssyncset.done $0x0  }
0x50: {  	[sflag:s21] =	ssyncadd.s32 $0xFFFFE000  }
0x51: {  	[spmem:s11] =	stream.linear.scatter [tilespmem:s30], [sflag:$0x2], $0x2000, $0x38;
	[tilespmem:$0x16080] =	vst v63  }
0x52: {  	_ =	swait.ge [sflag:s21], $0x2000  }
0x53: {  	[sflag:s21] =	ssyncset.done $0x0  }
0x54: {  	[sflag:s21] =	ssyncadd.s32 $0xFFFFE000  }
0x55: {  	[spmem:s12] =	stream.linear.scatter [tilespmem:s30], [sflag:$0x2], $0x2000, $0x38;
	[tilespmem:$0x16080] =	vst v63  }
0x56: {  	_ =	swait.ge [sflag:s21], $0x2000  }
0x57: {  	[sflag:s21] =	ssyncset.done $0x0  }
0x58: {  	[sflag:s21] =	ssyncadd.s32 $0xFFFFE000  }
0x59: {  	[spmem:s13] =	stream.linear.scatter [tilespmem:s30], [sflag:$0x2], $0x2000, $0x38;
	[tilespmem:$0x16080] =	vst v63  }
0x5a: {  	_ =	swait.ge [sflag:s21], $0x2000  }
0x5b: {  	[sflag:s21] =	ssyncset.done $0x0  }
0x5c: {  	[sflag:s21] =	ssyncadd.s32 $0xFFFFE000  }
0x5d: {  	[spmem:s14] =	stream.linear.scatter [tilespmem:s30], [sflag:$0x2], $0x2000, $0x38;
	[tilespmem:$0x16080] =	vst v63  }
0x5e: {  	_ =	swait.ge [sflag:s21], $0x2000  }
0x5f: {  	[sflag:s21] =	ssyncset.done $0x0  }
0x60: {  	[sflag:s21] =	ssyncadd.s32 $0xFFFFE000  }
0x61: {  	s31 =	sadd.s32 $0x0, s18;
	[bflag:$0x0] =	sbarrier.arrive $0xFFFF  }
0x62: {  	[tilespmem:s22], [sflag:$0x2] =	stream.linear.gather [hbm4b:s31+s3], $0x40, $0x38;
	[tilespmem:$0x16080] =	vst v63  }
0x63: {  	_ =	swait.ge [sflag:s21], $0x40  }
0x64: {  	[sflag:s21] =	ssyncset.done $0x0  }
0x65: {  	[sflag:s21] =	ssyncadd.s32 $0xFFFFFFC0  }
0x66: {  	[tilespmem:s3], [sflag:$0x2] =	stream.linear.gather [hbm4b:s17+s3], $0x2000, $0x38;
	[tilespmem:$0x16080] =	vst v63  }
0x67: {  	_ =	swait.ge [sflag:s21], $0x2000  }
0x68: {  	[sflag:s21] =	ssyncset.done $0x0  }
0x69: {  	[sflag:s21] =	ssyncadd.s32 $0xFFFFE000  }
0x6a: {  	[spmem:s2] =	stream.indirect.scatter.add.f32 [tilespmem:s3], [sflag:$0x2], $0x80, s22, s23, $0xb8;
	[tilespmem:$0x16080] =	vst v63  }
0x6b: {  	s28 =	simm.s32 $0x8;
	_ =	swait.ge [sflag:s21], $0x2000  }
0x6c: {  	s29 =	simm.s32 $0x10;
	s26 =	sadd.s32 $0x400, s17;
	[sflag:s21] =	ssyncset.done $0x0  }
.LBB2_4:
0x6d: {  	s30 =	sadd.s32 s28, s18  }
0x6e: {  	[sflag:s21] =	ssyncadd.s32 $0xFFFFE000;
	s28 =	smov.u32 s29;
	s31 =	sadd.s32 $0x8, s29  }
0x6f: {  	[tilespmem:s22], [sflag:$0x2] =	stream.linear.gather [hbm4b:s30+s3], $0x40, $0x38;
	[tilespmem:$0x16080] =	vst v63  }
0x70: {  	p1 =	sne.s32 s29, $0x2B8;
	_ =	swait.ge [sflag:s21], $0x40  }
0x71: {  	[sflag:s21] =	ssyncset.done $0x0  }
0x72: {  	[sflag:s21] =	ssyncadd.s32 $0xFFFFFFC0  }
0x73: {  	[tilespmem:s3], [sflag:$0x2] =	stream.linear.gather [hbm4b:s26+s3], $0x2000, $0x38;
	[tilespmem:$0x16080] =	vst v63  }
0x74: {  	_ =	swait.ge [sflag:s21], $0x2000  }
.Ltmp3:
0x75: {  	[sflag:s21] =	ssyncset.done $0x0;
	(pc) =	sbr.rel @p1 .LBB2_4-.Ltmp3, $4  }
0x76: {  	[sflag:s21] =	ssyncadd.s32 $0xFFFFE000  }
0x77: {  	[spmem:s2] =	stream.indirect.scatter.add.f32 [tilespmem:s3], [sflag:$0x2], $0x80, s22, s23, $0xb8;
	[tilespmem:$0x16080] =	vst v63  }
0x78: {  	_ =	swait.ge [sflag:s21], $0x2000  }
0x79: {  	s29 =	smov.u32 s31;
	s26 =	sadd.s32 $0x400, s26;
	[sflag:s21] =	ssyncset.done $0x0  }
0x7a: {  	s28 =	sadd.s32 s28, s18;
	[sflag:s21] =	ssyncadd.s32 $0xFFFFE000  }
0x7b: {  	[tilespmem:s22], [sflag:$0x2] =	stream.linear.gather [hbm4b:s28+s3], $0x40, $0x38;
	[tilespmem:$0x16080] =	vst v63  }
0x7c: {  	_ =	swait.ge [sflag:s21], $0x40  }
0x7d: {  	[sflag:s21] =	ssyncset.done $0x0  }
0x7e: {  	[sflag:s21] =	ssyncadd.s32 $0xFFFFFFC0  }
0x7f: {  	[tilespmem:s3], [sflag:$0x2] =	stream.linear.gather [hbm4b:s26+s3], $0x2000, $0x38;
	[tilespmem:$0x16080] =	vst v63  }
0x80: {  	_ =	swait.ge [sflag:s21], $0x2000  }
0x81: {  	[sflag:s21] =	ssyncset.done $0x0  }
0x82: {  	[sflag:s21] =	ssyncadd.s32 $0xFFFFE000  }
0x83: {  	[spmem:s2] =	stream.indirect.scatter.add.f32 [tilespmem:s3], [sflag:$0x2], $0x80, s22, s23, $0xb8;
	[tilespmem:$0x16080] =	vst v63  }
0x84: {  	_ =	swait.ge [sflag:s21], $0x2000  }
0x85: {  	[sflag:s21] =	ssyncset.done $0x0  }
0x86: {  	s30 =	sshll.u32 s0, $0x6;
	s31 =	sshrl.u32 s5, $0x3;
	[sflag:s21] =	ssyncadd.s32 $0xFFFFE000  }
.Ltmp4:
0x87: {  	s26 =	sor.u32 $0x1C02, s30;
	[bflag:$0x0] =	sbarrier.arrive $0xFFFF;
	(pc) =	sbr.rel @p0 .LBB2_9-.Ltmp4, $4  }
0x88: {  	[hbm:s15], [sflag:s26] =	dma.local [spmem:s31], $0x2800  }
0x89: {  	_ =	swait.ge [sflag:s21], $0x2800  }
0x8a: {  	[sflag:s21] =	ssyncset.done $0x0  }
0x8b: {  	[sflag:s21] =	ssyncadd.s32 $0xFFFFD800  }
0x8c: {  	s26 =	sadd.s32 $0x0, s20  }
0x8d: {  	[tilespmem:s22], [sflag:$0x2] =	stream.linear.gather [hbm4b:s26+s3], $0x40, $0x38;
	[tilespmem:$0x16080] =	vst v63  }
0x8e: {  	_ =	swait.ge [sflag:s21], $0x40  }
0x8f: {  	[sflag:s21] =	ssyncset.done $0x0  }
0x90: {  	[sflag:s21] =	ssyncadd.s32 $0xFFFFFFC0  }
0x91: {  	[tilespmem:s3], [sflag:$0x1] =	stream.indirect.gather [hbm4b:s4+s23], $0x80, s22, s23, $0xb8;
	[tilespmem:$0x16080] =	vst v63  }
0x92: {  	_ =	swait.ge [sflag:s24], $0x2000  }
0x93: {  	[sflag:s24] =	ssyncset.done $0x0  }
0x94: {  	[sflag:s24] =	ssyncadd.s32 $0xFFFFE000  }
0x95: {  	[hbm4b:s19+s3] =	stream.linear.scatter [tilespmem:s3], [sflag:$0x2], $0x2000, $0x38;
	[tilespmem:$0x16080] =	vst v63  }
0x96: {  	s28 =	simm.s32 $0x8;
	_ =	swait.ge [sflag:s21], $0x2000  }
0x97: {  	s29 =	simm.s32 $0x10;
	s26 =	sadd.s32 $0x400, s19;
	[sflag:s21] =	ssyncset.done $0x0  }
.LBB2_7:
0x98: {  	s30 =	sadd.s32 s28, s20  }
0x99: {  	[sflag:s21] =	ssyncadd.s32 $0xFFFFE000;
	s28 =	smov.u32 s29;
	s31 =	sadd.s32 $0x8, s29  }
0x9a: {  	[tilespmem:s22], [sflag:$0x2] =	stream.linear.gather [hbm4b:s30+s3], $0x40, $0x38;
	[tilespmem:$0x16080] =	vst v63  }
0x9b: {  	p1 =	sne.s32 s29, $0x48;
	_ =	swait.ge [sflag:s21], $0x40  }
0x9c: {  	[sflag:s21] =	ssyncset.done $0x0  }
0x9d: {  	[sflag:s21] =	ssyncadd.s32 $0xFFFFFFC0  }
0x9e: {  	[tilespmem:s3], [sflag:$0x1] =	stream.indirect.gather [hbm4b:s4+s23], $0x80, s22, s23, $0xb8;
	[tilespmem:$0x16080] =	vst v63  }
0x9f: {  	_ =	swait.ge [sflag:s24], $0x2000  }
.Ltmp5:
0xa0: {  	[sflag:s24] =	ssyncset.done $0x0;
	(pc) =	sbr.rel @p1 .LBB2_7-.Ltmp5, $4  }
0xa1: {  	[sflag:s24] =	ssyncadd.s32 $0xFFFFE000  }
0xa2: {  	[hbm4b:s26+s3] =	stream.linear.scatter [tilespmem:s3], [sflag:$0x2], $0x2000, $0x38;
	[tilespmem:$0x16080] =	vst v63  }
0xa3: {  	_ =	swait.ge [sflag:s21], $0x2000  }
0xa4: {  	s29 =	smov.u32 s31;
	s26 =	sadd.s32 $0x400, s26;
	[sflag:s21] =	ssyncset.done $0x0  }
.Ltmp6:
0xa5: {  	_ = 	snop;
	(pc) =	sbr.rel .LBB2_8-.Ltmp6, $1  }
0xa6: {  	_ =	sdelay $0x3  }
.LBB2_10:
0xa7: {  	_ =	sfence.sel $0x180000  }
0xa8: {  	[bflag:$0x0] =	sbarrier.arrive $0xFFFF  }
0xa9: {  	p0 =	sne.s32 s0, $0x0;
	_ =	strace $0x9000004D  }
0xaa: {  	s0 =	sadd.s32 @!p0 $0x100000, s1;
	[bflag:$0x2] =	sbarrier.arrive $0xFFFF  }
0xab: {  	[sflag:s0] =	ssyncadd.tile.s32 @!p0 $0x1;
	_ =	shalt  }
.Lfunc_end2:
_tile_overlayer_lowered:
.L_overlay_start_2:
0xac: {  	(tag) =	ssettag $0x2  }
0xad: {  	s0 =	rddreg [dreg:$0x0];
	s2 =	stileid.u32  }
0xae: {  	s1 =	rddreg [dreg:$0x1];
	p0 =	sne.s32 s2, $0x0  }
0xaf: {  	s3 =	rddreg [dreg:$0x2];
	[bflag:$0x3] =	sbarrier.arrive $0xFFFF;
	s2 =	simm.s32 @!p0 $0x1C02  }
0xb0: {  	[timem:s3], [sflag:s2] =	dma.local @!p0 [hbm:s0], s1  }
0xb1: {  	s0 =	simm.s32 @!p0 $0x2  }
0xb2: {  	_ =	swait.ge @!p0 [sflag:s0], s1  }
0xb3: {  	s1 =	ssub.s32 @!p0 $0x0, s1;
	[sflag:s0] =	ssyncset.done @!p0 $0x0  }
0xb4: {  	[sflag:s0] =	ssyncadd.s32 @!p0 s1  }
0xb5: {  	[bflag:$0x3] =	sbarrier.arrive $0xFFFF  }
0xb6: {  	_ =	shalt  }

// kernel: kernel.19.cloned.1.call-start
scs
__scs_entry_jumppad:
0x0: {  	(pc) =	sbr.rel $0x88, $3  }
0x1: {  	(tag) =	ssettag $0x0;
	lr =	simm.s32 $0x1  }
0x2: {  	[smem:$0x3F98] =	sst lr;
	_ =	strace $0xD0000000  }
0x3: {  	_ = 	snop  }
0x4: {  	_ = 	snop  }
0x5: {  	_ = 	snop  }
0x6: {  	_ = 	snop  }
0x7: {  	_ = 	snop  }
__scs_overlays_trampoline_lowered:
0x8: {  	[smem:$0x3FA7] =	sst s0  }
0x9: {  	[smem:$0x3FA8] =	sst s1  }
0xa: {  	[smem:$0x3FA9] =	sst s2  }
0xb: {  	[smem:$0x3FAA] =	sst s3  }
0xc: {  	[smem:$0x3FAB] =	sst s4  }
0xd: {  	[smem:$0x3FAC] =	sst s5  }
0xe: {  	[smem:$0x3FAD] =	sst s6  }
0xf: {  	[smem:$0x3FAE] =	sst s7  }
0x10: {  	[smem:$0x3FAF] =	sst s8  }
0x11: {  	[smem:$0x3FB0] =	sst s9;
	s0 =	simm.s32 @!p0 $0x0  }
0x12: {  	s1 =	sld [smem:$0x3F96];
	s0 =	simm.s32 @p0 $0x1  }
0x13: {  	[smem:$0x3FB1] =	sst s0;
	s0 =	simm.s32 @!p1 $0x0  }
0x14: {  	s2 =	sld [smem:$0x3F95];
	s0 =	simm.s32 @p1 $0x1  }
0x15: {  	[smem:$0x3FB2] =	sst s0;
	s0 =	simm.s32 @!p2 $0x0  }
0x16: {  	s3 =	sld [smem:$0x3FDB];
	s0 =	simm.s32 @p2 $0x1  }
0x17: {  	s4 =	simm.s32 $0x1BF5;
	[smem:$0x3FB4] =	sst s0  }
0x18: {  	s0 =	sld [smem:$0x3F97];
	_ =	swait.ge [sflag:s4], $0x0  }
0x19: {  	s7 =	sld [smem:$0x3F98]  }
0x1a: {  	s8 =	sadd.s32 $0xFFFFE003, lr  }
0x1b: {  	s9 =	sadd.s32 $0xFFFFFEF7, lr;
	s5 =	simm.s32 $0xFFFFFFFF;
	p2 =	slt.u32 s8, $0xFFFFF086  }
0x1c: {  	p1 =	slt.u32 s9, $0xF7A;
	s5 =	simm.s32 @!p2 $0x0  }
0x1d: {  	s5 =	simm.s32 @p1 $0x1;
	p0 =	seq.s32 s7, s2  }
0x1e: {  	s7 =	smul.u32 @!p0 $0xF7A, s2;
	p2 =	seq.s32 @!p0 s5, $0x0  }
0x1f: {  	s9 =	smul.u32 $0xF7A, s1;
	s8 =	simm.s32 @!p0 $0x1BF5;
	p2 =	por !p2, p0  }
0x20: {  	[sflag:s8] =	ssyncset.s32 @!p0 $0xFFFFF086;
	s6 =	sadd.s32 @!p0 s3, s7;
	s7 =	simm.s32 @!p0 $0x108  }
0x21: {  	s3 =	sadd.s32 s3, s9;
	s6 =	sadd.s32 @!p0 $0x88, s6;
	s7 =	simm.s32 @p2 $0x1082  }
0x22: {  	[simem:s7], [sflag:s8] =	dma.local @!p0 [hbm:s6], $0xF7A  }
0x23: {  	s9 =	sor.u32 $0xD0000000, s2;
	s6 =	simm.s32 $0x108;
	_ =	swait.ge @!p0 [sflag:s8], $0x0  }
0x24: {  	s3 =	sadd.s32 $0x88, s3;
	s6 =	simm.s32 @!p1 $0x1082;
	[sflag:s4] =	ssyncset.s32 $0xFFFFF086  }
0x25: {  	[simem:s6], [sflag:s4] =	dma.local [hbm:s3], $0xF7A  }
0x26: {  	[smem:$0x3F98] =	sst s1;
	(tag) =	ssettag s2;
	_ =	strace s9  }
0x27: {  	s1 =	sld [smem:$0x3FA8]  }
0x28: {  	s2 =	sld [smem:$0x3FA9]  }
0x29: {  	s4 =	sld [smem:$0x3FAB]  }
0x2a: {  	p0 =	seq.s32 s5, $0x0;
	s5 =	sld [smem:$0x3FAC]  }
0x2b: {  	s6 =	sld [smem:$0x3FAD]  }
0x2c: {  	s7 =	sld [smem:$0x3FAE]  }
0x2d: {  	s3 =	simm.s32 $0x108;
	s8 =	sld [smem:$0x3FAF]  }
0x2e: {  	s3 =	simm.s32 @!p0 $0x1082;
	s9 =	sld [smem:$0x3FB0]  }
0x2f: {  	lr =	sadd.s32 s0, s3;
	s0 =	sld [smem:$0x3FA7]  }
0x30: {  	s3 =	sld [smem:$0x3FAA]  }
0x31: {  	[smem:$0x3FB3] =	sst s10  }
0x32: {  	s10 =	sld [smem:$0x3FB1];
	_ =	sdelay $0x3  }
0x33: {  	p0 =	seq.s32 s10, $0x1;
	s10 =	sld [smem:$0x3FB3];
	_ =	sdelay $0x3  }
0x34: {  	[smem:$0x3FB3] =	sst s10  }
0x35: {  	s10 =	sld [smem:$0x3FB2];
	_ =	sdelay $0x3  }
0x36: {  	p1 =	seq.s32 s10, $0x1;
	s10 =	sld [smem:$0x3FB3];
	_ =	sdelay $0x3  }
0x37: {  	[smem:$0x3FB3] =	sst s10  }
0x38: {  	s10 =	sld [smem:$0x3FB4]  }
0x39: {  	_ = 	snop;
	(pc) =	sbr.ind lr, $3  }
0x3a: {  	_ = 	snop  }
0x3b: {  	_ = 	snop  }
0x3c: {  	p2 =	seq.s32 s10, $0x1;
	s10 =	sld [smem:$0x3FB3]  }
0x3d: {  	_ =	shalt  }
0x3e: {  	_ =	shalt  }
0x3f: {  	_ =	shalt  }
0x40: {  	_ =	shalt  }
0x41: {  	_ =	shalt  }
0x42: {  	_ =	shalt  }
0x43: {  	_ =	shalt  }
0x44: {  	_ =	shalt  }
0x45: {  	_ =	shalt  }
0x46: {  	_ =	shalt  }
0x47: {  	_ =	shalt  }
0x48: {  	_ =	shalt  }
0x49: {  	_ =	shalt  }
0x4a: {  	_ =	shalt  }
0x4b: {  	_ =	shalt  }
0x4c: {  	_ =	shalt  }
0x4d: {  	_ =	shalt  }
0x4e: {  	_ =	shalt  }
0x4f: {  	_ =	shalt  }
0x50: {  	_ =	shalt  }
0x51: {  	_ =	shalt  }
0x52: {  	_ =	shalt  }
0x53: {  	_ =	shalt  }
0x54: {  	_ =	shalt  }
0x55: {  	_ =	shalt  }
0x56: {  	_ =	shalt  }
0x57: {  	_ =	shalt  }
0x58: {  	_ =	shalt  }
0x59: {  	_ =	shalt  }
0x5a: {  	_ =	shalt  }
0x5b: {  	_ =	shalt  }
0x5c: {  	_ =	shalt  }
0x5d: {  	_ =	shalt  }
0x5e: {  	_ =	shalt  }
0x5f: {  	_ =	shalt  }
0x60: {  	_ =	shalt  }
0x61: {  	_ =	shalt  }
0x62: {  	_ =	shalt  }
0x63: {  	_ =	shalt  }
0x64: {  	_ =	shalt  }
0x65: {  	_ =	shalt  }
0x66: {  	_ =	shalt  }
0x67: {  	_ =	shalt  }
0x68: {  	_ =	shalt  }
0x69: {  	_ =	shalt  }
0x6a: {  	_ =	shalt  }
0x6b: {  	_ =	shalt  }
0x6c: {  	_ =	shalt  }
0x6d: {  	_ =	shalt  }
0x6e: {  	_ =	shalt  }
0x6f: {  	_ =	shalt  }
0x70: {  	_ =	shalt  }
0x71: {  	_ =	shalt  }
0x72: {  	_ =	shalt  }
0x73: {  	_ =	shalt  }
0x74: {  	_ =	shalt  }
0x75: {  	_ =	shalt  }
0x76: {  	_ =	shalt  }
0x77: {  	_ =	shalt  }
0x78: {  	_ =	shalt  }
0x79: {  	_ =	shalt  }
0x7a: {  	_ =	shalt  }
0x7b: {  	_ =	shalt  }
0x7c: {  	_ =	shalt  }
0x7d: {  	_ =	shalt  }
0x7e: {  	_ =	shalt  }
0x7f: {  	_ =	shalt  }
0x80: {  	_ =	shalt  }
0x81: {  	_ =	shalt  }
0x82: {  	_ =	shalt  }
0x83: {  	_ =	shalt  }
0x84: {  	_ =	shalt  }
0x85: {  	_ =	shalt  }
0x86: {  	_ =	shalt  }
0x87: {  	_ =	shalt  }
.Lfunc_end0:
.L_simem_size_0:
called_computation.4_lowered:
.L_overlay_start_0:
0x88: {  	s2 =	sld [smem:$0x3FD9]  }
0x89: {  	s3 =	sld [smem:$0x3FFE];
	_ =	sdelay $0x1  }
0x8a: {  	s1 =	srdreg.scid  }
0x8b: {  	s0 =	sand.u32 $0x1, s1  }
0x8c: {  	s17 =	sshll.u32 s0, $0xA;
	s2 =	sadd.s32 s3, s2  }
0x8d: {  	s2 =	sadd.s32 s2, s17  }
0x8e: {  	[smem:$0x3FBF] =	sst s2  }
0x8f: {  	_ = 	snop  }
0x90: {  	s2 =	sld [smem:$0x3FD0];
	(tm) =	ssettm $0x1  }
0x91: {  	s18 =	sld [smem:$0x3FFB];
	_ =	sdelay $0x3  }
0x92: {  	_ =	strace s18  }
0x93: {  	s3 =	sld [smem:$0x3FFC];
	_ =	sdelay $0x3  }
0x94: {  	_ =	strace s3  }
0x95: {  	s3 =	sld [smem:$0x3FFD];
	_ =	sdelay $0x3  }
0x96: {  	_ =	strace s3  }
0x97: {  	_ =	strace $0x8FFFFFFF  }
0x98: {  	s19 =	sld [smem:$0x3FDB];
	_ =	sdelay $0x1  }
0x99: {  	s4 =	simm.s32 $_scs_section_size  }
0x9a: {  	s5 =	simm.s32 $_size__tile_overlayer_lowered;
	s6 =	simm.s32 $_tile_overlayer_lowered  }
0x9b: {  	s22 =	simm.s32 $0x1BFF;
	s21 =	sshll.u32 s6, $0x1;
	s3 =	sadd.s32 s4, s19  }
0x9c: {  	s7 =	simm.s32 $0x0;
	s20 =	sshll.u32 s5, $0x1;
	s5 =	sadd.s32 s21, s3  }
0x9d: {  	[timem:s7], [sflag:s22] =	dma.local [hbm:s5], s20  }
0x9e: {  	_ =	swait.ge [sflag:s22], s20  }
0x9f: {  	s4 =	ssub.s32 $0x0, s20;
	[sflag:s22] =	ssyncset.done $0x0  }
0xa0: {  	[sflag:s22] =	ssyncadd.s32 s4;
	_ =	sdelay $0x1  }
0xa1: {  	s23 =	simm.s32 $0x1B8B  }
0xa2: {  	_ =	swait.ge [sflag:s23], $0x1  }
0xa3: {  	[sflag:s23] =	ssyncset.done $0x0  }
0xa4: {  	s25 =	simm.s32 $0x1B8E;
	s24 =	sld [smem:$0x3FFE];
	[sflag:s23] =	ssyncadd.s32 $0xFFFFFFFF  }
0xa5: {  	s26 =	simm.s32 $execute0_lowered;
	[smem:$0x3FD2] =	sst s25  }
0xa6: {  	s5 =	sshll.u32 s26, $0x1;
	_ =	strace $0x8000004F;
	[dreg:$0x1] =	wrdreg $0xFFFFFFFF  }
0xa7: {  	s28 =	simm.s32 $_size_execute0_lowered;
	s3 =	sadd.s32 s3, s5;
	[dreg:$0x0] =	wrdreg $0x0  }
0xa8: {  	s5 =	sshll.u32 s28, $0x1;
	[dreg:$0x2] =	wrdreg s3  }
0xa9: {  	[dreg:$0x3] =	wrdreg s5  }
0xaa: {  	[dreg:$0x4] =	wrdreg $0xC0  }
0xab: {  	_ =	task [dreg:s7], $0x5FFFF  }
0xac: {  	[dreg:$0x1] =	wrdreg $0xFFFFFFFF  }
0xad: {  	[dreg:$0x0] =	wrdreg $0x60  }
0xae: {  	[dreg:$0x2] =	wrdreg s2  }
0xaf: {  	[dreg:$0x3] =	wrdreg s24  }
0xb0: {  	[dreg:$0x4] =	wrdreg $0x9  }
0xb1: {  	_ =	task.clear_ibuf [dreg:s7], $0x5FFFF;
	_ =	strace $0x9000004F  }
0xb2: {  	s29 =	simm.s32 $0x9;
	_ =	strace $0x80000051  }
0xb3: {  	_ =	swait.ge [sflag:s29], $0x1  }
0xb4: {  	[sflag:s29] =	ssyncadd.s32 $0xFFFFFFFF  }
0xb5: {  	_ =	strace $0x90000051  }
0xb6: {  	_ =	sfence  }
0xb7: {  	s30 =	sld [smem:$0x0];
	_ =	sdelay $0x2  }
0xb8: {  	s31 =	sshll.u32 s1, $0xD;
	s1 =	sshrl.u32 s1, $0x2  }
0xb9: {  	s3 =	sand.u32 $0x4000, s31;
	s1 =	sadd.s32 s1, s30  }
0xba: {  	s0 =	sor.u32 s3, s0;
	s1 =	sshll.u32 s1, $0x11  }
0xbb: {  	s0 =	sor.u32 s1, s0  }
0xbc: {  	s0 =	sadd.s32 $0x8F2B, s0  }
0xbd: {  	[sflag:s0] =	ssyncadd.remote.s32 $0x1  }
0xbe: {  	_ =	sfence.sel $0xFFFF  }
0xbf: {  	[dreg:$0x0] =	wrdreg $0xFFFFFFFF;
	(pc) =	sbr.abs _section_cstart, $3  }
0xc0: {  	[dreg:$0x1] =	wrdreg $0xFFFFFFFF  }
0xc1: {  	_ =	task.clear_ibuf [dreg:s7], $0x2FFFF;
	_ =	strace $0x9FFFFFFF  }
0xc2: {  	(tm) =	ssettm $0x7FFFFFFF  }
0xc3: {  	_ =	shalt  }
tec
execute0_lowered:
.L_overlay_start_1:
0x0: {  	(tag) =	ssettag $0x1  }
0x1: {  	s1 =	rddreg [dreg:$0x0]  }
0x2: {  	s0 =	rddreg [dreg:$0x1];
	s3 =	simm.s32 $0x0  }
0x3: {  	s2 =	stileid.u32;
	s6 =	srdreg.scid;
	s22 =	simm.s32 $0x2  }
0x4: {  	s23 =	simm.s32 $0x100;
	s28 =	simm.s32 $0x80;
	s5 =	smul.u32 $0x580, s2  }
0x5: {  	s29 =	simm.s32 $0x0;
	[smem:$0x7FF] =	sst s3;
	s19 =	smul.u32 $0x2C000, s2  }
0x6: {  	s4 =	sadd.s32 $0xC200, s0;
	s16 =	sadd.s32 $0x34200, s0;
	s14 =	smul.u32 $0x280, s2  }
0x7: {  	s21 =	sand.u32 $0x1, s6;
	s15 =	sadd.s32 $0xBC00, s0;
	s8 =	smul.u32 $0x2800, s2  }
0x8: {  	_ =	strace $0x80000050;
	s6 =	ssub.s32 $0x2, s21;
	p0 =	sne.s32 s21, $0x0  }
0x9: {  	s21 =	simm.s32 $0xC000;
	s20 =	sadd.s32 s5, s0;
	s5 =	sadd.s32 $0x5C200, s0  }
0xa: {  	s0 =	sadd.s32 s19, s0;
	s7 =	sshrl.u32 s6, $0x1;
	s24 =	sshrl.u32 s14, $0x3  }
0xb: {  	s9 =	sadd.s32 $0x80, s14;
	s8 =	sadd.s32 s16, s8;
	s26 =	sadd.s32 $0x100, s14  }
0xc: {  	s17 =	sadd.s32 $0x180, s14;
	s18 =	sadd.s32 $0x200, s14;
	s6 =	ssub.s32 s6, s7  }
0xd: {  	s25 =	sadd.s32 s15, s24;
	s10 =	sshrl.u32 s9, $0x3;
	s11 =	sshll.u32 s9, $0x4  }
0xe: {  	s12 =	sshrl.u32 s26, $0x3;
	s13 =	sshll.u32 s26, $0x4;
	s30 =	sshrl.u32 s17, $0x3  }
0xf: {  	s17 =	sshll.u32 s17, $0x4;
	s31 =	sshrl.u32 s18, $0x3;
	s18 =	sshll.u32 s18, $0x4  }
0x10: {  	s19 =	sadd.s32 s19, s5;
	s24 =	simm.s32 $0x1;
	s26 =	simm.s32 $0x8000  }
.Ltmp0:
0x11: {  	s6 =	smax.u32 s6, $0x1;
	[dreg:$0x3] =	wrdreg s25;
	(pc) =	sbr.rel .LBB2_1-.Ltmp0, $4  }
0x12: {  	s9 =	sadd.s32 s15, s10;
	s10 =	sadd.s32 s16, s11;
	s11 =	sadd.s32 s15, s12  }
0x13: {  	s12 =	sadd.s32 s16, s13;
	s13 =	sadd.s32 s15, s30;
	s14 =	sadd.s32 s16, s17  }
0x14: {  	s15 =	sadd.s32 s15, s31;
	s16 =	sadd.s32 s16, s18;
	s17 =	sadd.s32 $0xB1C000, s0  }
0x15: {  	s18 =	sadd.s32 $0xB11000, s20;
	s20 =	sadd.s32 $0xB16800, s20;
	s25 =	simm.s32 $0xC100  }
.LBB2_7:
0x16: {  	s0 =	sadd.s32 s31, s18;
	[sflag:s22] =	ssyncadd.s32 $0xFFFF8000  }
0x17: {  	[tilespmem:s21], [sflag:$0x2] =	stream.linear.gather [hbm4b:s0+s3], $0x100, $0x38;
	[tilespmem:$0xC180] =	vst v63  }
0x18: {  	_ =	swait.ge [sflag:s22], $0x100  }
0x19: {  	[sflag:s22] =	ssyncset.done $0x0  }
0x1a: {  	[sflag:s22] =	ssyncadd.s32 $0xFFFFFF00  }
0x1b: {  	[tilespmem:s3], [sflag:$0x1] =	stream.indirect.gather [hbm4b:s4+s23], $0x80, s21, s23, $0xb8;
	[tilespmem:$0xC180] =	vst v63  }
0x1c: {  	_ =	swait.ge [sflag:s24], $0x8000  }
0x1d: {  	[sflag:s24] =	ssyncset.done $0x0  }
0x1e: {  	[sflag:s24] =	ssyncadd.s32 $0xFFFF8000  }
0x1f: {  	[hbm4b:s30+s3] =	stream.linear.scatter [tilespmem:s3], [sflag:$0x2], $0x8000, $0x38;
	[tilespmem:$0xC180] =	vst v63  }
0x20: {  	_ =	swait.ge [sflag:s22], $0x8000  }
0x21: {  	[sflag:s22] =	ssyncset.done $0x0  }
0x22: {  	[sflag:s22] =	ssyncadd.s32 $0xFFFF8000  }
0x23: {  	[bflag:$0x0] =	sbarrier.arrive $0xFFFF  }
.LBB2_8:
0x24: {  	s29 =	sadd.s32 $0x1, s29  }
0x25: {  	p1 =	sne.s32 s29, s6  }
.Ltmp1:
0x26: {  	_ = 	snop;
	(pc) =	sbr.rel @!p1 .LBB2_9-.Ltmp1, $1  }
0x27: {  	_ =	sdelay $0x3  }
.LBB2_1:
.Ltmp2:
0x28: {  	(pc) =	sbr.rel @p0 .LBB2_5-.Ltmp2, $1  }
0x29: {  	_ =	sdelay $0x3  }
0x2a: {  	s0 =	sadd.s32 $0x0, s20  }
0x2b: {  	[tilespmem:s21], [sflag:$0x2] =	stream.linear.gather [hbm4b:s0+s3], $0x100, $0x38;
	[tilespmem:$0xC180] =	vst v63  }
0x2c: {  	_ =	swait.ge [sflag:s22], $0x100  }
0x2d: {  	[sflag:s22] =	ssyncset.done $0x0  }
0x2e: {  	[sflag:s22] =	ssyncadd.s32 $0xFFFFFF00  }
0x2f: {  	[tilespmem:s3], [sflag:$0x1] =	stream.indirect.gather [hbm4b:s1+s23], $0x80, s21, s23, $0xb8;
	[tilespmem:$0xC180] =	vst v63  }
0x30: {  	_ =	swait.ge [sflag:s24], $0x8000  }
0x31: {  	[sflag:s24] =	ssyncset.done $0x0  }
0x32: {  	[sflag:s24] =	ssyncadd.s32 $0xFFFF8000  }
0x33: {  	[hbm4b:s19+s3] =	stream.linear.scatter [tilespmem:s3], [sflag:$0x2], $0x8000, $0x38;
	[tilespmem:$0xC180] =	vst v63  }
0x34: {  	s31 =	simm.s32 $0x20;
	_ =	swait.ge [sflag:s22], $0x8000  }
0x35: {  	s30 =	sadd.s32 $0x1000, s19;
	s0 =	simm.s32 $0x40;
	[sflag:s22] =	ssyncset.done $0x0  }
.LBB2_3:
0x36: {  	s2 =	sadd.s32 s31, s20  }
0x37: {  	[sflag:s22] =	ssyncadd.s32 $0xFFFF8000;
	s31 =	smov.u32 s0;
	s7 =	sadd.s32 $0x20, s0  }
0x38: {  	[tilespmem:s21], [sflag:$0x2] =	stream.linear.gather [hbm4b:s2+s3], $0x100, $0x38;
	[tilespmem:$0xC180] =	vst v63  }
0x39: {  	p1 =	seq.s32 s0, $0x560;
	_ =	swait.ge [sflag:s22], $0x100  }
0x3a: {  	[sflag:s22] =	ssyncset.done $0x0  }
0x3b: {  	[sflag:s22] =	ssyncadd.s32 $0xFFFFFF00  }
0x3c: {  	[tilespmem:s3], [sflag:$0x1] =	stream.indirect.gather [hbm4b:s1+s23], $0x80, s21, s23, $0xb8;
	[tilespmem:$0xC180] =	vst v63  }
0x3d: {  	_ =	swait.ge [sflag:s24], $0x8000  }
.Ltmp3:
0x3e: {  	[sflag:s24] =	ssyncset.done $0x0;
	(pc) =	sbr.rel @!p1 .LBB2_3-.Ltmp3, $4  }
0x3f: {  	[sflag:s24] =	ssyncadd.s32 $0xFFFF8000  }
0x40: {  	[hbm4b:s30+s3] =	stream.linear.scatter [tilespmem:s3], [sflag:$0x2], $0x8000, $0x38;
	[tilespmem:$0xC180] =	vst v63  }
0x41: {  	_ =	swait.ge [sflag:s22], $0x8000  }
0x42: {  	s0 =	smov.u32 s7;
	s30 =	sadd.s32 $0x1000, s30;
	[sflag:s22] =	ssyncset.done $0x0  }
0x43: {  	s0 =	sadd.s32 s31, s20;
	[sflag:s22] =	ssyncadd.s32 $0xFFFF8000  }
0x44: {  	[tilespmem:s21], [sflag:$0x2] =	stream.linear.gather [hbm4b:s0+s3], $0x100, $0x38;
	[tilespmem:$0xC180] =	vst v63  }
0x45: {  	_ =	swait.ge [sflag:s22], $0x100  }
0x46: {  	[sflag:s22] =	ssyncset.done $0x0  }
0x47: {  	[sflag:s22] =	ssyncadd.s32 $0xFFFFFF00  }
0x48: {  	[tilespmem:s3], [sflag:$0x1] =	stream.indirect.gather [hbm4b:s1+s23], $0x80, s21, s23, $0xb8;
	[tilespmem:$0xC180] =	vst v63  }
0x49: {  	_ =	swait.ge [sflag:s24], $0x8000  }
0x4a: {  	[sflag:s24] =	ssyncset.done $0x0  }
0x4b: {  	[sflag:s24] =	ssyncadd.s32 $0xFFFF8000  }
0x4c: {  	[hbm4b:s30+s3] =	stream.linear.scatter [tilespmem:s3], [sflag:$0x2], $0x8000, $0x38;
	[tilespmem:$0xC180] =	vst v63  }
0x4d: {  	_ =	swait.ge [sflag:s22], $0x8000  }
0x4e: {  	[sflag:s22] =	ssyncset.done $0x0  }
0x4f: {  	[sflag:s22] =	ssyncadd.s32 $0xFFFF8000  }
0x50: {  	[bflag:$0x0] =	sbarrier.arrive $0xFFFF  }
0x51: {  	s31 =	rddreg [dreg:$0x3]  }
0x52: {  	[tilespmem:s25], [sflag:$0x2] =	stream.linear.gather [hbm4b:s31+s3], $0x80, $0x38;
	[tilespmem:$0xC180] =	vst v63  }
0x53: {  	_ =	swait.ge [sflag:s22], $0x80  }
0x54: {  	[sflag:s22] =	ssyncset.done $0x0  }
0x55: {  	[sflag:s22] =	ssyncadd.s32 $0xFFFFFF80  }
0x56: {  	[tilespmem:s26], [sflag:$0x2] =	stream.linear.gather [hbm4b:s8+s3], $0x4000, $0x38;
	[tilespmem:$0xC180] =	vst v63  }
0x57: {  	_ =	swait.ge [sflag:s22], $0x4000  }
0x58: {  	[sflag:s22] =	ssyncset.done $0x0  }
0x59: {  	[sflag:s22] =	ssyncadd.s32 $0xFFFFC000  }
0x5a: {  	[hbm4b:s5+s28] =	stream.indirect.scatter [tilespmem:s26], [sflag:$0x2], $0x80, s25, s28, $0xb8;
	[tilespmem:$0xC180] =	vst v63  }
0x5b: {  	_ =	swait.ge [sflag:s22], $0x4000  }
0x5c: {  	[sflag:s22] =	ssyncset.done $0x0  }
0x5d: {  	[sflag:s22] =	ssyncadd.s32 $0xFFFFC000  }
0x5e: {  	[tilespmem:s25], [sflag:$0x2] =	stream.linear.gather [hbm4b:s9+s3], $0x80, $0x38;
	[tilespmem:$0xC180] =	vst v63  }
0x5f: {  	_ =	swait.ge [sflag:s22], $0x80  }
0x60: {  	[sflag:s22] =	ssyncset.done $0x0  }
0x61: {  	[sflag:s22] =	ssyncadd.s32 $0xFFFFFF80  }
0x62: {  	[tilespmem:s26], [sflag:$0x2] =	stream.linear.gather [hbm4b:s10+s3], $0x4000, $0x38;
	[tilespmem:$0xC180] =	vst v63  }
0x63: {  	_ =	swait.ge [sflag:s22], $0x4000  }
0x64: {  	[sflag:s22] =	ssyncset.done $0x0  }
0x65: {  	[sflag:s22] =	ssyncadd.s32 $0xFFFFC000  }
0x66: {  	[hbm4b:s5+s28] =	stream.indirect.scatter [tilespmem:s26], [sflag:$0x2], $0x80, s25, s28, $0xb8;
	[tilespmem:$0xC180] =	vst v63  }
0x67: {  	_ =	swait.ge [sflag:s22], $0x4000  }
0x68: {  	[sflag:s22] =	ssyncset.done $0x0  }
0x69: {  	[sflag:s22] =	ssyncadd.s32 $0xFFFFC000  }
0x6a: {  	[tilespmem:s25], [sflag:$0x2] =	stream.linear.gather [hbm4b:s11+s3], $0x80, $0x38;
	[tilespmem:$0xC180] =	vst v63  }
0x6b: {  	_ =	swait.ge [sflag:s22], $0x80  }
0x6c: {  	[sflag:s22] =	ssyncset.done $0x0  }
0x6d: {  	[sflag:s22] =	ssyncadd.s32 $0xFFFFFF80  }
0x6e: {  	[tilespmem:s26], [sflag:$0x2] =	stream.linear.gather [hbm4b:s12+s3], $0x4000, $0x38;
	[tilespmem:$0xC180] =	vst v63  }
0x6f: {  	_ =	swait.ge [sflag:s22], $0x4000  }
0x70: {  	[sflag:s22] =	ssyncset.done $0x0  }
0x71: {  	[sflag:s22] =	ssyncadd.s32 $0xFFFFC000  }
0x72: {  	[hbm4b:s5+s28] =	stream.indirect.scatter [tilespmem:s26], [sflag:$0x2], $0x80, s25, s28, $0xb8;
	[tilespmem:$0xC180] =	vst v63  }
0x73: {  	_ =	swait.ge [sflag:s22], $0x4000  }
0x74: {  	[sflag:s22] =	ssyncset.done $0x0  }
0x75: {  	[sflag:s22] =	ssyncadd.s32 $0xFFFFC000  }
0x76: {  	[tilespmem:s25], [sflag:$0x2] =	stream.linear.gather [hbm4b:s13+s3], $0x80, $0x38;
	[tilespmem:$0xC180] =	vst v63  }
0x77: {  	_ =	swait.ge [sflag:s22], $0x80  }
0x78: {  	[sflag:s22] =	ssyncset.done $0x0  }
0x79: {  	[sflag:s22] =	ssyncadd.s32 $0xFFFFFF80  }
0x7a: {  	[tilespmem:s26], [sflag:$0x2] =	stream.linear.gather [hbm4b:s14+s3], $0x4000, $0x38;
	[tilespmem:$0xC180] =	vst v63  }
0x7b: {  	_ =	swait.ge [sflag:s22], $0x4000  }
0x7c: {  	[sflag:s22] =	ssyncset.done $0x0  }
0x7d: {  	[sflag:s22] =	ssyncadd.s32 $0xFFFFC000  }
0x7e: {  	[hbm4b:s5+s28] =	stream.indirect.scatter [tilespmem:s26], [sflag:$0x2], $0x80, s25, s28, $0xb8;
	[tilespmem:$0xC180] =	vst v63  }
0x7f: {  	_ =	swait.ge [sflag:s22], $0x4000  }
0x80: {  	[sflag:s22] =	ssyncset.done $0x0  }
0x81: {  	[sflag:s22] =	ssyncadd.s32 $0xFFFFC000  }
0x82: {  	[tilespmem:s25], [sflag:$0x2] =	stream.linear.gather [hbm4b:s15+s3], $0x80, $0x38;
	[tilespmem:$0xC180] =	vst v63  }
0x83: {  	_ =	swait.ge [sflag:s22], $0x80  }
0x84: {  	[sflag:s22] =	ssyncset.done $0x0  }
0x85: {  	[sflag:s22] =	ssyncadd.s32 $0xFFFFFF80  }
0x86: {  	[tilespmem:s26], [sflag:$0x2] =	stream.linear.gather [hbm4b:s16+s3], $0x4000, $0x38;
	[tilespmem:$0xC180] =	vst v63  }
0x87: {  	_ =	swait.ge [sflag:s22], $0x4000  }
0x88: {  	[sflag:s22] =	ssyncset.done $0x0  }
.Ltmp4:
0x89: {  	[sflag:s22] =	ssyncadd.s32 $0xFFFFC000;
	(pc) =	sbr.rel .LBB2_8-.Ltmp4, $4  }
0x8a: {  	[hbm4b:s5+s28] =	stream.indirect.scatter [tilespmem:s26], [sflag:$0x2], $0x80, s25, s28, $0xb8;
	[tilespmem:$0xC180] =	vst v63  }
0x8b: {  	_ =	swait.ge [sflag:s22], $0x4000  }
0x8c: {  	[sflag:s22] =	ssyncset.done $0x0  }
0x8d: {  	[sflag:s22] =	ssyncadd.s32 $0xFFFFC000  }
.LBB2_5:
0x8e: {  	s0 =	sadd.s32 $0x0, s18  }
0x8f: {  	[tilespmem:s21], [sflag:$0x2] =	stream.linear.gather [hbm4b:s0+s3], $0x100, $0x38;
	[tilespmem:$0xC180] =	vst v63  }
0x90: {  	_ =	swait.ge [sflag:s22], $0x100  }
0x91: {  	[sflag:s22] =	ssyncset.done $0x0  }
0x92: {  	[sflag:s22] =	ssyncadd.s32 $0xFFFFFF00  }
0x93: {  	[tilespmem:s3], [sflag:$0x1] =	stream.indirect.gather [hbm4b:s4+s23], $0x80, s21, s23, $0xb8;
	[tilespmem:$0xC180] =	vst v63  }
0x94: {  	_ =	swait.ge [sflag:s24], $0x8000  }
0x95: {  	[sflag:s24] =	ssyncset.done $0x0  }
0x96: {  	[sflag:s24] =	ssyncadd.s32 $0xFFFF8000  }
0x97: {  	[hbm4b:s17+s3] =	stream.linear.scatter [tilespmem:s3], [sflag:$0x2], $0x8000, $0x38;
	[tilespmem:$0xC180] =	vst v63  }
0x98: {  	s31 =	simm.s32 $0x20;
	_ =	swait.ge [sflag:s22], $0x8000  }
0x99: {  	s30 =	sadd.s32 $0x1000, s17;
	s0 =	simm.s32 $0x40;
	[sflag:s22] =	ssyncset.done $0x0  }
.LBB2_6:
0x9a: {  	s2 =	sadd.s32 s31, s18  }
0x9b: {  	[sflag:s22] =	ssyncadd.s32 $0xFFFF8000;
	s31 =	smov.u32 s0;
	s7 =	sadd.s32 $0x20, s0  }
0x9c: {  	[tilespmem:s21], [sflag:$0x2] =	stream.linear.gather [hbm4b:s2+s3], $0x100, $0x38;
	[tilespmem:$0xC180] =	vst v63  }
0x9d: {  	p1 =	sne.s32 s0, $0x560;
	_ =	swait.ge [sflag:s22], $0x100  }
0x9e: {  	[sflag:s22] =	ssyncset.done $0x0  }
0x9f: {  	[sflag:s22] =	ssyncadd.s32 $0xFFFFFF00  }
0xa0: {  	[tilespmem:s3], [sflag:$0x1] =	stream.indirect.gather [hbm4b:s4+s23], $0x80, s21, s23, $0xb8;
	[tilespmem:$0xC180] =	vst v63  }
0xa1: {  	_ =	swait.ge [sflag:s24], $0x8000  }
.Ltmp5:
0xa2: {  	[sflag:s24] =	ssyncset.done $0x0;
	(pc) =	sbr.rel @p1 .LBB2_6-.Ltmp5, $4  }
0xa3: {  	[sflag:s24] =	ssyncadd.s32 $0xFFFF8000  }
0xa4: {  	[hbm4b:s30+s3] =	stream.linear.scatter [tilespmem:s3], [sflag:$0x2], $0x8000, $0x38;
	[tilespmem:$0xC180] =	vst v63  }
0xa5: {  	_ =	swait.ge [sflag:s22], $0x8000  }
0xa6: {  	s0 =	smov.u32 s7;
	s30 =	sadd.s32 $0x1000, s30;
	[sflag:s22] =	ssyncset.done $0x0  }
.Ltmp6:
0xa7: {  	_ = 	snop;
	(pc) =	sbr.rel .LBB2_7-.Ltmp6, $1  }
0xa8: {  	_ =	sdelay $0x3  }
.LBB2_9:
0xa9: {  	_ =	sfence.sel $0x180000  }
0xaa: {  	[bflag:$0x0] =	sbarrier.arrive $0xFFFF  }
0xab: {  	_ =	strace $0x90000050  }
0xac: {  	s0 =	stileid.u32;
	[bflag:$0x2] =	sbarrier.arrive $0xFFFF  }
0xad: {  	p0 =	sne.s32 s0, $0x0;
	s0 =	rddreg [dreg:$0x2]  }
0xae: {  	s0 =	sadd.s32 @!p0 $0x100000, s0  }
0xaf: {  	[sflag:s0] =	ssyncadd.tile.s32 @!p0 $0x1;
	_ =	shalt  }
.Lfunc_end2:
_tile_overlayer_lowered:
.L_overlay_start_2:
0xb0: {  	(tag) =	ssettag $0x2  }
0xb1: {  	s0 =	rddreg [dreg:$0x0];
	s2 =	stileid.u32  }
0xb2: {  	s1 =	rddreg [dreg:$0x1];
	p0 =	sne.s32 s2, $0x0  }
0xb3: {  	s3 =	rddreg [dreg:$0x2];
	[bflag:$0x3] =	sbarrier.arrive $0xFFFF;
	s2 =	simm.s32 @!p0 $0x1C02  }
0xb4: {  	[timem:s3], [sflag:s2] =	dma.local @!p0 [hbm:s0], s1  }
0xb5: {  	s0 =	simm.s32 @!p0 $0x2  }
0xb6: {  	_ =	swait.ge @!p0 [sflag:s0], s1  }
0xb7: {  	s1 =	ssub.s32 @!p0 $0x0, s1;
	[sflag:s0] =	ssyncset.done @!p0 $0x0  }
0xb8: {  	[sflag:s0] =	ssyncadd.s32 @!p0 s1  }
0xb9: {  	[bflag:$0x3] =	sbarrier.arrive $0xFFFF  }
0xba: {  	_ =	shalt  }

</sc_bundles>
